<compile_context>
chip_gen: v7x
topology: tpu7x:2x2x1
jax: 0.10.2.dev20260603
libtpu: 0.0.44.dev20260713+nightly
codegen_flags: <defaults>
</compile_context>

<pallas_src>
import functools

import jax
import jax.numpy as jnp
from jax import lax
from jax.experimental import pallas as pl
from jax.experimental.pallas import tpu as pltpu
from jax.experimental.pallas import tpu_sc as plsc

NUM_NODES = 1000000
NUM_HIGH = 100000
NUM_LOW = NUM_NODES - NUM_HIGH
D_HIGH = 128
D_LOW = 32
D_COMMON = 64
B = 16384

LOW_PER_BLK = D_HIGH // D_LOW
NUM_LOW_BLK = NUM_LOW // LOW_PER_BLK

NC = 2
NS = 16
NW = NC * NS
B_PER_W = B // NW
IDX_CHUNK = 128
N_CHUNKS = B_PER_W // IDX_CHUNK
L = 16
IDX_CHUNK_L = IDX_CHUNK // L
HALF = B_PER_W // 2
RP_C = 8192
RP_V = RP_C // 4
RP_C_LOG = 13
RP_V_LOG = 11


def _sc_gather(node_ids, emb_high, emb_low_blk):
    mesh = plsc.VectorSubcoreMesh(
        core_axis_name="c", subcore_axis_name="s", num_cores=NC, num_subcores=NS
    )

    @functools.partial(
        pl.kernel,
        out_type=(
            jax.ShapeDtypeStruct((B, D_HIGH), jnp.float32),
            jax.ShapeDtypeStruct((B, D_HIGH), jnp.float32),
            jax.ShapeDtypeStruct((B, L), jnp.float32),
        ),
        mesh=mesh,
        compiler_params=pltpu.CompilerParams(needs_layout_passes=False),
        scratch_types=[
            pltpu.VMEM((B_PER_W,), jnp.int32),
            pltpu.VMEM((N_CHUNKS, IDX_CHUNK), jnp.int32),
            pltpu.VMEM((N_CHUNKS, IDX_CHUNK), jnp.int32),
            pltpu.VMEM((HALF, D_HIGH), jnp.float32),
            pltpu.VMEM((IDX_CHUNK, D_HIGH), jnp.float32),
            pltpu.VMEM((B_PER_W, L), jnp.float32),
            pltpu.SemaphoreType.DMA,
            pltpu.SemaphoreType.DMA,
        ],
    )
    def k(ids_hbm, eh_hbm, el_hbm, gh_hbm, gl_hbm, ind_hbm,
          ids_v, hidx_v, lidx_v, hbuf, lbuf, indbuf, sem_h, sem_l):
        wid = lax.axis_index("s") * NC + lax.axis_index("c")
        base = wid * B_PER_W
        pltpu.sync_copy(ids_hbm.at[pl.ds(base, B_PER_W)], ids_v)
        iota = lax.iota(jnp.int32, L)
        zero = jnp.zeros((L,), jnp.float32)
        one = jnp.ones((L,), jnp.float32)
        for c in range(B_PER_W // L):
            ids = ids_v[pl.ds(c * L, L)]
            p = base + c * L + iota
            is_h = ids < NUM_HIGH
            lowraw = jnp.clip(ids - NUM_HIGH, 0, NUM_LOW - 1)
            hidx_v[c // IDX_CHUNK_L, pl.ds((c % IDX_CHUNK_L) * L, L)] = (
                jnp.where(is_h, ids, p))
            lidx = ((lowraw >> RP_C_LOG) << RP_V_LOG) | (lowraw & (RP_V - 1))
            lidx_v[c // IDX_CHUNK_L, pl.ds((c % IDX_CHUNK_L) * L, L)] = (
                jnp.where(is_h, p, lidx))
            rem = (lowraw >> RP_V_LOG) & (LOW_PER_BLK - 1)
            mh = jnp.where(is_h, one, zero)
            ml = one - mh
            rows = c * L + iota
            for r in range(LOW_PER_BLK):
                plsc.store_scatter(
                    indbuf, [rows, jnp.full((L,), r, jnp.int32)],
                    jnp.where(rem == r, ml, zero))
            plsc.store_scatter(indbuf, [rows, jnp.full((L,), 4, jnp.int32)],
                               mh)
            plsc.store_scatter(indbuf, [rows, jnp.full((L,), 5, jnp.int32)],
                               ml)

        def high_round(r):
            return [
                pltpu.async_copy(
                    eh_hbm.at[hidx_v.at[2 * r + j]],
                    hbuf.at[pl.ds(j * IDX_CHUNK, IDX_CHUNK)], sem_h)
                for j in range(2)
            ]

        def low_round(r):
            return pltpu.async_copy(el_hbm.at[lidx_v.at[r]], lbuf, sem_l)

        lc = low_round(0)
        hc = high_round(0)
        lc.wait()
        pltpu.sync_copy(lbuf, gl_hbm.at[pl.ds(base, IDX_CHUNK)])
        lc = low_round(1)
        for c0 in hc:
            c0.wait()
        pltpu.sync_copy(hbuf, gh_hbm.at[pl.ds(base, HALF)])
        hc = high_round(1)
        for r in (1, 2):
            lc.wait()
            pltpu.sync_copy(
                lbuf, gl_hbm.at[pl.ds(base + r * IDX_CHUNK, IDX_CHUNK)])
            lc = low_round(r + 1)
        for c0 in hc:
            c0.wait()
        pltpu.sync_copy(hbuf, gh_hbm.at[pl.ds(base + HALF, HALF)])
        lc.wait()
        pltpu.sync_copy(
            lbuf, gl_hbm.at[pl.ds(base + 3 * IDX_CHUNK, IDX_CHUNK)])
        pltpu.sync_copy(indbuf, ind_hbm.at[pl.ds(base, B_PER_W)])

    return k(node_ids, emb_high, emb_low_blk)



RP_GRID = -(-NUM_LOW // RP_C)





def _repack_body(x_ref, i_ref, o_ref):
    for j in range(LOW_PER_BLK):
        o_ref[:, 32 * j:32 * (j + 1)] = lax.dot_general(
            x_ref[:, j * RP_V:(j + 1) * RP_V], i_ref[...],
            (((0,), (0,)), ((), ())), preferred_element_type=jnp.float32)


def _repack_low(emb_low):
    return pl.pallas_call(
        _repack_body,
        grid=(RP_GRID,),
        in_specs=[pl.BlockSpec((D_LOW, RP_C), lambda i: (0, i)),
                  pl.BlockSpec((D_LOW, D_LOW), lambda i: (0, 0))],
        out_specs=pl.BlockSpec((RP_C // LOW_PER_BLK, D_HIGH), lambda i: (i, 0)),
        out_shape=jax.ShapeDtypeStruct((RP_GRID * RP_V, D_HIGH), jnp.float32),
    )(emb_low.T, jnp.eye(D_LOW, dtype=jnp.float32))


BLK = 4096


def _tc_body(gh_ref, gl_ref, ind_ref, wh_ref, scat_ref, bh_ref, bl_ref,
             out_ref):
    h = lax.dot_general(gh_ref[...], wh_ref[...],
                        (((1,), (1,)), ((), ())),
                        preferred_element_type=jnp.float32)
    l4 = lax.dot_general(gl_ref[...], scat_ref[...],
                         (((1,), (0,)), ((), ())),
                         preferred_element_type=jnp.float32)
    ind = ind_ref[...]
    acc = h * ind[:, 4:5]
    for r in range(LOW_PER_BLK):
        acc = acc + l4[:, r * D_COMMON:(r + 1) * D_COMMON] * ind[:, r:r + 1]
    out_ref[...] = acc + ind[:, 4:5] * bh_ref[...] + ind[:, 5:6] * bl_ref[...]


def _tc_project(gh, gl, ind, W_high, b_high, W_low, b_low):
    scat = jnp.kron(jnp.eye(LOW_PER_BLK, dtype=jnp.float32), W_low.T)
    return pl.pallas_call(
        _tc_body,
        grid=(B // BLK,),
        in_specs=[
            pl.BlockSpec((BLK, D_HIGH), lambda i: (i, 0)),
            pl.BlockSpec((BLK, D_HIGH), lambda i: (i, 0)),
            pl.BlockSpec((BLK, L), lambda i: (i, 0)),
            pl.BlockSpec((D_COMMON, D_HIGH), lambda i: (0, 0)),
            pl.BlockSpec((D_HIGH, LOW_PER_BLK * D_COMMON), lambda i: (0, 0)),
            pl.BlockSpec((1, D_COMMON), lambda i: (0, 0)),
            pl.BlockSpec((1, D_COMMON), lambda i: (0, 0)),
        ],
        out_specs=pl.BlockSpec((BLK, D_COMMON), lambda i: (i, 0)),
        out_shape=jax.ShapeDtypeStruct((B, D_COMMON), jnp.float32),
    )(gh, gl, ind, W_high, scat,
      b_high.reshape(1, D_COMMON), b_low.reshape(1, D_COMMON))


def kernel(node_ids, emb_high, emb_low, W_high, b_high, W_low, b_low):
    emb_low_blk = _repack_low(emb_low)
    gh, gl, ind = _sc_gather(node_ids, emb_high, emb_low_blk)
    return _tc_project(gh, gl, ind, W_high, b_high, W_low, b_low)

# --- scband reference (transcript-rebuilt; emitter-appended) ---
"""Pipeline reference for scband-dynamic-embedder-20641612825461 (READ-ONLY COPY).

The authoritative reference and input builder live on the scoring server;
editing this copy changes nothing except your own understanding.
"""

import jax, jax.numpy as jnp
import numpy as np

NUM_NODES = 1000000
NUM_HIGH = 100000
NUM_LOW = NUM_NODES - NUM_HIGH
D_HIGH = 128
D_LOW = 32
D_COMMON = 64
B = 16384


def _xavier(key, shape):
    fan_in, fan_out = shape[1], shape[0]
    a = float(np.sqrt(6.0 / (fan_in + fan_out)))
    return jax.random.uniform(key, shape, dtype=jnp.float32, minval=-a, maxval=a)


def setup_inputs(seed: int = 0) -> dict:
    key = jax.random.key(seed)
    k1, k2, k3, k4, k5 = jax.random.split(key, 5)
    node_ids = jax.random.randint(k1, (B,), 0, NUM_NODES, dtype=jnp.int32)
    emb_high = _xavier(k2, (NUM_HIGH, D_HIGH))
    emb_low = _xavier(k3, (NUM_LOW, D_LOW))
    W_high = _xavier(k4, (D_COMMON, D_HIGH))
    b_high = jnp.zeros((D_COMMON,), dtype=jnp.float32)
    W_low = _xavier(k5, (D_COMMON, D_LOW))
    b_low = jnp.zeros((D_COMMON,), dtype=jnp.float32)
    return {"node_ids": node_ids, "emb_high": emb_high, "emb_low": emb_low,
            "W_high": W_high, "b_high": b_high, "W_low": W_low, "b_low": b_low}


def reference(node_ids, emb_high, emb_low, W_high, b_high, W_low, b_low):
    # high nodes are global ids [0, NUM_HIGH); low nodes are [NUM_HIGH, NUM_NODES).
    # Mirrors DynamicEmbedder.forward: route each id to its table, embed, project
    # into the common dimension, and scatter back into position.
    is_high = node_ids < NUM_HIGH
    high_idx = jnp.where(is_high, node_ids, 0)
    low_raw = node_ids - NUM_HIGH
    # unknown / high ids fall back to low-lut index 0, matching id_map_low.get(gid, 0)
    low_idx = jnp.where(is_high, 0, jnp.clip(low_raw, 0, NUM_LOW - 1))
    h = jnp.take(emb_high, high_idx, axis=0) @ W_high.T + b_high
    l = jnp.take(emb_low, low_idx, axis=0) @ W_low.T + b_low
    out = jnp.where(is_high[:, None], h, l)
    return out

if __name__ == "__main__":
    import jax
    _d = setup_inputs()
    print(jax.jit(kernel)(*tuple(_d.values())))

</pallas_src>

<mosaic_0001>
#map = affine_map<(d0, d1) -> (0)>
#map1 = affine_map<(d0, d1) -> (0, 0)>
module attributes {stable_mosaic.version = 14 : i64} {
  func.func @k(%arg0: i32, %arg1: i32, %arg2: memref<16384xi32, #tpu.memory_space<hbm>>, %arg3: memref<100000x128xf32, #tpu.memory_space<hbm>>, %arg4: memref<225280x128xf32, #tpu.memory_space<hbm>>, %arg5: memref<16384x128xf32, #tpu.memory_space<hbm>>, %arg6: memref<16384x128xf32, #tpu.memory_space<hbm>>, %arg7: memref<16384x16xf32, #tpu.memory_space<hbm>>, %arg8: memref<512xi32, #tpu.memory_space<vmem>>, %arg9: memref<4x128xi32, #tpu.memory_space<vmem>>, %arg10: memref<4x128xi32, #tpu.memory_space<vmem>>, %arg11: memref<256x128xf32, #tpu.memory_space<vmem>>, %arg12: memref<128x128xf32, #tpu.memory_space<vmem>>, %arg13: memref<512x16xf32, #tpu.memory_space<vmem>>, %arg14: memref<!tpu.dma_semaphore, #tpu.memory_space<semaphore_mem>>, %arg15: memref<!tpu.dma_semaphore, #tpu.memory_space<semaphore_mem>>) attributes {dimension_semantics = [#tpu.dimension_semantics<core_parallel>, #tpu.dimension_semantics<subcore_parallel>], iteration_bounds = array<i64: 2, 16>, scalar_prefetch = 0 : i64, scratch_operands = 8 : i64, tpu.core_type = #tpu.core_type<sc_vector_subcore>, window_params = [{transform_indices = #map}, {transform_indices = #map1}, {transform_indices = #map1}, {transform_indices = #map1}, {transform_indices = #map1}, {transform_indices = #map1}]} {
    %mul3A = arith.constant 2 : i32
    %mul3A_0 = arith.muli %arg1, %mul3A : i32
    %add3A = arith.addi %mul3A_0, %arg0 : i32
    %mul3A_1 = arith.constant 512 : i32
    %mul3A_2 = arith.muli %add3A, %mul3A_1 : i32
    "tpu.region"() ({
      %run_scoped3A = tpu.sem_alloc : memref<!tpu.dma_semaphore, #tpu.memory_space<semaphore_mem>>
      %dma_start3A_2599 = tpu.memref_slice %arg2[%mul3A_2] : memref<16384xi32, #tpu.memory_space<hbm>> -> memref<512xi32, #tpu.memory_space<hbm>>
      %dma_start3A_2600 = tpu.memref_slice %arg2[%mul3A_2] : memref<16384xi32, #tpu.memory_space<hbm>> -> memref<512xi32, #tpu.memory_space<hbm>>
      tpu.enqueue_dma source(%dma_start3A_2600 : memref<512xi32, #tpu.memory_space<hbm>>) target(%arg8 : memref<512xi32, #tpu.memory_space<vmem>>) target_semaphore(%run_scoped3A : memref<!tpu.dma_semaphore, #tpu.memory_space<semaphore_mem>>)
      %dma_wait3A_2601 = tpu.memref_slice %arg2[%mul3A_2] : memref<16384xi32, #tpu.memory_space<hbm>> -> memref<512xi32, #tpu.memory_space<hbm>>
      %dma_wait3A_2602 = tpu.memref_slice %arg2[%mul3A_2] : memref<16384xi32, #tpu.memory_space<hbm>> -> memref<512xi32, #tpu.memory_space<hbm>>
      tpu.wait_dma2 semaphore(%run_scoped3A : memref<!tpu.dma_semaphore, #tpu.memory_space<semaphore_mem>>) src(%dma_wait3A_2602 : memref<512xi32, #tpu.memory_space<hbm>>) dst(%arg8 : memref<512xi32, #tpu.memory_space<vmem>>)
      tpu.yield
    }) : () -> ()
    %iota3A = tpu.iota {dimensions = array<i32: 0>} : vector<16xi32>
    %broadcast_in_dim3A = arith.constant 0.000000e+00 : f32
    %broadcast_in_dim3A_3 = vector.broadcast %broadcast_in_dim3A : f32 to vector<16xf32>
    %broadcast_in_dim3A_4 = arith.constant 1.000000e+00 : f32
    %broadcast_in_dim3A_5 = vector.broadcast %broadcast_in_dim3A_4 : f32 to vector<16xf32>
    %get3A = arith.constant 0 : index
    %get3A_6 = tpu.vector_load %arg8[%get3A] {strides = array<i32>} : memref<512xi32, #tpu.memory_space<vmem>>, vector<16xi32>,
    %add3A_7 = arith.constant 0 : i32
    %add3A_8 = arith.addi %mul3A_2, %add3A_7 : i32
    %add3A_9 = vector.broadcast %add3A_8 : i32 to vector<16xi32>
    %add3A_10 = arith.addi %add3A_9, %iota3A : vector<16xi32>
    %lt3A = arith.constant 100000 : i32
    %lt3A_11 = vector.broadcast %lt3A : i32 to vector<16xi32>
    %lt3A_12 = arith.cmpi slt, %get3A_6, %lt3A_11 : vector<16xi32>
    %sub3A = arith.constant 100000 : i32
    %sub3A_13 = vector.broadcast %sub3A : i32 to vector<16xi32>
    %sub3A_14 = arith.subi %get3A_6, %sub3A_13 : vector<16xi32>
    %jit3A = arith.constant 0 : i32
    %jit3A_15 = arith.constant 899999 : i32
    %max3A = vector.broadcast %jit3A : i32 to vector<16xi32>
    %max3A_16 = arith.maxsi %max3A, %sub3A_14 : vector<16xi32>
    %min3A = vector.broadcast %jit3A_15 : i32 to vector<16xi32>
    %min3A_17 = arith.minsi %min3A, %max3A_16 : vector<16xi32>
    %select_n3A = arith.select %lt3A_12, %get3A_6, %add3A_10 : vector<16xi1>, vector<16xi32>
    %swap3A = arith.constant 0 : i32
    %swap3A_18 = arith.index_cast %swap3A : i32 to index
    %swap3A_19 = arith.constant 0 : index
    %swap3A_20 = tpu.vector_load %arg9[%swap3A_18, %swap3A_19] {strides = array<i32>} : memref<4x128xi32, #tpu.memory_space<vmem>>, vector<16xi32>,
    tpu.vector_store %arg9[%swap3A_18, %swap3A_19], %select_n3A {strides = array<i32>} : memref<4x128xi32, #tpu.memory_space<vmem>>, vector<16xi32>,
    %shift_right_arithmetic3A = arith.constant 13 : i32
    %shift_right_arithmetic3A_21 = vector.broadcast %shift_right_arithmetic3A : i32 to vector<16xi32>
    %shift_right_arithmetic3A_22 = arith.shrsi %min3A_17, %shift_right_arithmetic3A_21 : vector<16xi32>
    %shift_left3A = arith.constant 11 : i32
    %shift_left3A_23 = vector.broadcast %shift_left3A : i32 to vector<16xi32>
    %shift_left3A_24 = arith.shli %shift_right_arithmetic3A_22, %shift_left3A_23 : vector<16xi32>
    %and3A = arith.constant 2047 : i32
    %and3A_25 = vector.broadcast %and3A : i32 to vector<16xi32>
    %and3A_26 = arith.andi %min3A_17, %and3A_25 : vector<16xi32>
    %or3A = arith.ori %shift_left3A_24, %and3A_26 : vector<16xi32>
    %select_n3A_27 = arith.select %lt3A_12, %add3A_10, %or3A : vector<16xi1>, vector<16xi32>
    %swap3A_28 = arith.constant 0 : i32
    %swap3A_29 = arith.index_cast %swap3A_28 : i32 to index
    %swap3A_30 = arith.constant 0 : index
    %swap3A_31 = tpu.vector_load %arg10[%swap3A_29, %swap3A_30] {strides = array<i32>} : memref<4x128xi32, #tpu.memory_space<vmem>>, vector<16xi32>,
    tpu.vector_store %arg10[%swap3A_29, %swap3A_30], %select_n3A_27 {strides = array<i32>} : memref<4x128xi32, #tpu.memory_space<vmem>>, vector<16xi32>,
    %shift_right_arithmetic3A_32 = arith.constant 11 : i32
    %shift_right_arithmetic3A_33 = vector.broadcast %shift_right_arithmetic3A_32 : i32 to vector<16xi32>
    %shift_right_arithmetic3A_34 = arith.shrsi %min3A_17, %shift_right_arithmetic3A_33 : vector<16xi32>
    %and3A_35 = arith.constant 3 : i32
    %and3A_36 = vector.broadcast %and3A_35 : i32 to vector<16xi32>
    %and3A_37 = arith.andi %shift_right_arithmetic3A_34, %and3A_36 : vector<16xi32>
    %select_n3A_38 = arith.select %lt3A_12, %broadcast_in_dim3A_5, %broadcast_in_dim3A_3 : vector<16xi1>, vector<16xf32>
    %sub3A_39 = arith.subf %broadcast_in_dim3A_5, %select_n3A_38 : vector<16xf32>
    %add3A_40 = arith.constant 0 : i32
    %add3A_41 = vector.broadcast %add3A_40 : i32 to vector<16xi32>
    %add3A_42 = arith.addi %add3A_41, %iota3A : vector<16xi32>
    %broadcast_in_dim3A_43 = arith.constant 0 : i32
    %broadcast_in_dim3A_44 = vector.broadcast %broadcast_in_dim3A_43 : i32 to vector<16xi32>
    %eq3A = arith.constant 0 : i32
    %eq3A_45 = vector.broadcast %eq3A : i32 to vector<16xi32>
    %eq3A_46 = arith.cmpi eq, %and3A_37, %eq3A_45 : vector<16xi32>
    %select_n3A_47 = arith.select %eq3A_46, %sub3A_39, %broadcast_in_dim3A_3 : vector<16xi1>, vector<16xf32>
    tpu.vector_store_idx %arg13[%add3A_42, %broadcast_in_dim3A_44], %select_n3A_47 : memref<512x16xf32, #tpu.memory_space<vmem>>[vector<16xi32>, vector<16xi32>], vector<16xf32>,
    %broadcast_in_dim3A_48 = arith.constant 1 : i32
    %broadcast_in_dim3A_49 = vector.broadcast %broadcast_in_dim3A_48 : i32 to vector<16xi32>
    %eq3A_50 = arith.constant 1 : i32
    %eq3A_51 = vector.broadcast %eq3A_50 : i32 to vector<16xi32>
    %eq3A_52 = arith.cmpi eq, %and3A_37, %eq3A_51 : vector<16xi32>
    %select_n3A_53 = arith.select %eq3A_52, %sub3A_39, %broadcast_in_dim3A_3 : vector<16xi1>, vector<16xf32>
    tpu.vector_store_idx %arg13[%add3A_42, %broadcast_in_dim3A_49], %select_n3A_53 : memref<512x16xf32, #tpu.memory_space<vmem>>[vector<16xi32>, vector<16xi32>], vector<16xf32>,
    %broadcast_in_dim3A_54 = arith.constant 2 : i32
    %broadcast_in_dim3A_55 = vector.broadcast %broadcast_in_dim3A_54 : i32 to vector<16xi32>
    %eq3A_56 = arith.constant 2 : i32
    %eq3A_57 = vector.broadcast %eq3A_56 : i32 to vector<16xi32>
    %eq3A_58 = arith.cmpi eq, %and3A_37, %eq3A_57 : vector<16xi32>
    %select_n3A_59 = arith.select %eq3A_58, %sub3A_39, %broadcast_in_dim3A_3 : vector<16xi1>, vector<16xf32>
    tpu.vector_store_idx %arg13[%add3A_42, %broadcast_in_dim3A_55], %select_n3A_59 : memref<512x16xf32, #tpu.memory_space<vmem>>[vector<16xi32>, vector<16xi32>], vector<16xf32>,
    %broadcast_in_dim3A_60 = arith.constant 3 : i32
    %broadcast_in_dim3A_61 = vector.broadcast %broadcast_in_dim3A_60 : i32 to vector<16xi32>
    %eq3A_62 = arith.constant 3 : i32
    %eq3A_63 = vector.broadcast %eq3A_62 : i32 to vector<16xi32>
    %eq3A_64 = arith.cmpi eq, %and3A_37, %eq3A_63 : vector<16xi32>
    %select_n3A_65 = arith.select %eq3A_64, %sub3A_39, %broadcast_in_dim3A_3 : vector<16xi1>, vector<16xf32>
    tpu.vector_store_idx %arg13[%add3A_42, %broadcast_in_dim3A_61], %select_n3A_65 : memref<512x16xf32, #tpu.memory_space<vmem>>[vector<16xi32>, vector<16xi32>], vector<16xf32>,
    %broadcast_in_dim3A_66 = arith.constant 4 : i32
    %broadcast_in_dim3A_67 = vector.broadcast %broadcast_in_dim3A_66 : i32 to vector<16xi32>
    tpu.vector_store_idx %arg13[%add3A_42, %broadcast_in_dim3A_67], %select_n3A_38 : memref<512x16xf32, #tpu.memory_space<vmem>>[vector<16xi32>, vector<16xi32>], vector<16xf32>,
    %broadcast_in_dim3A_68 = arith.constant 5 : i32
    %broadcast_in_dim3A_69 = vector.broadcast %broadcast_in_dim3A_68 : i32 to vector<16xi32>
    tpu.vector_store_idx %arg13[%add3A_42, %broadcast_in_dim3A_69], %sub3A_39 : memref<512x16xf32, #tpu.memory_space<vmem>>[vector<16xi32>, vector<16xi32>], vector<16xf32>,
    %get3A_70 = arith.constant 16 : index
    %get3A_71 = tpu.vector_load %arg8[%get3A_70] {strides = array<i32>} : memref<512xi32, #tpu.memory_space<vmem>>, vector<16xi32>,
    %add3A_72 = arith.constant 16 : i32
    %add3A_73 = arith.addi %mul3A_2, %add3A_72 : i32
    %add3A_74 = vector.broadcast %add3A_73 : i32 to vector<16xi32>
    %add3A_75 = arith.addi %add3A_74, %iota3A : vector<16xi32>
    %lt3A_76 = arith.constant 100000 : i32
    %lt3A_77 = vector.broadcast %lt3A_76 : i32 to vector<16xi32>
    %lt3A_78 = arith.cmpi slt, %get3A_71, %lt3A_77 : vector<16xi32>
    %sub3A_79 = arith.constant 100000 : i32
    %sub3A_80 = vector.broadcast %sub3A_79 : i32 to vector<16xi32>
    %sub3A_81 = arith.subi %get3A_71, %sub3A_80 : vector<16xi32>
    %jit3A_82 = arith.constant 0 : i32
    %jit3A_83 = arith.constant 899999 : i32
    %max3A_84 = vector.broadcast %jit3A_82 : i32 to vector<16xi32>
    %max3A_85 = arith.maxsi %max3A_84, %sub3A_81 : vector<16xi32>
    %min3A_86 = vector.broadcast %jit3A_83 : i32 to vector<16xi32>
    %min3A_87 = arith.minsi %min3A_86, %max3A_85 : vector<16xi32>
    %select_n3A_88 = arith.select %lt3A_78, %get3A_71, %add3A_75 : vector<16xi1>, vector<16xi32>
    %swap3A_89 = arith.constant 0 : i32
    %swap3A_90 = arith.index_cast %swap3A_89 : i32 to index
    %swap3A_91 = arith.constant 16 : index
    %swap3A_92 = tpu.vector_load %arg9[%swap3A_90, %swap3A_91] {strides = array<i32>} : memref<4x128xi32, #tpu.memory_space<vmem>>, vector<16xi32>,
    tpu.vector_store %arg9[%swap3A_90, %swap3A_91], %select_n3A_88 {strides = array<i32>} : memref<4x128xi32, #tpu.memory_space<vmem>>, vector<16xi32>,
    %shift_right_arithmetic3A_93 = arith.constant 13 : i32
    %shift_right_arithmetic3A_94 = vector.broadcast %shift_right_arithmetic3A_93 : i32 to vector<16xi32>
    %shift_right_arithmetic3A_95 = arith.shrsi %min3A_87, %shift_right_arithmetic3A_94 : vector<16xi32>
    %shift_left3A_96 = arith.constant 11 : i32
    %shift_left3A_97 = vector.broadcast %shift_left3A_96 : i32 to vector<16xi32>
    %shift_left3A_98 = arith.shli %shift_right_arithmetic3A_95, %shift_left3A_97 : vector<16xi32>
    %and3A_99 = arith.constant 2047 : i32
    %and3A_100 = vector.broadcast %and3A_99 : i32 to vector<16xi32>
    %and3A_101 = arith.andi %min3A_87, %and3A_100 : vector<16xi32>
    %or3A_102 = arith.ori %shift_left3A_98, %and3A_101 : vector<16xi32>
    %select_n3A_103 = arith.select %lt3A_78, %add3A_75, %or3A_102 : vector<16xi1>, vector<16xi32>
    %swap3A_104 = arith.constant 0 : i32
    %swap3A_105 = arith.index_cast %swap3A_104 : i32 to index
    %swap3A_106 = arith.constant 16 : index
    %swap3A_107 = tpu.vector_load %arg10[%swap3A_105, %swap3A_106] {strides = array<i32>} : memref<4x128xi32, #tpu.memory_space<vmem>>, vector<16xi32>,
    tpu.vector_store %arg10[%swap3A_105, %swap3A_106], %select_n3A_103 {strides = array<i32>} : memref<4x128xi32, #tpu.memory_space<vmem>>, vector<16xi32>,
    %shift_right_arithmetic3A_108 = arith.constant 11 : i32
    %shift_right_arithmetic3A_109 = vector.broadcast %shift_right_arithmetic3A_108 : i32 to vector<16xi32>
    %shift_right_arithmetic3A_110 = arith.shrsi %min3A_87, %shift_right_arithmetic3A_109 : vector<16xi32>
    %and3A_111 = arith.constant 3 : i32
    %and3A_112 = vector.broadcast %and3A_111 : i32 to vector<16xi32>
    %and3A_113 = arith.andi %shift_right_arithmetic3A_110, %and3A_112 : vector<16xi32>
    %select_n3A_114 = arith.select %lt3A_78, %broadcast_in_dim3A_5, %broadcast_in_dim3A_3 : vector<16xi1>, vector<16xf32>
    %sub3A_115 = arith.subf %broadcast_in_dim3A_5, %select_n3A_114 : vector<16xf32>
    %add3A_116 = arith.constant 16 : i32
    %add3A_117 = vector.broadcast %add3A_116 : i32 to vector<16xi32>
    %add3A_118 = arith.addi %add3A_117, %iota3A : vector<16xi32>
    %broadcast_in_dim3A_119 = arith.constant 0 : i32
    %broadcast_in_dim3A_120 = vector.broadcast %broadcast_in_dim3A_119 : i32 to vector<16xi32>
    %eq3A_121 = arith.constant 0 : i32
    %eq3A_122 = vector.broadcast %eq3A_121 : i32 to vector<16xi32>
    %eq3A_123 = arith.cmpi eq, %and3A_113, %eq3A_122 : vector<16xi32>
    %select_n3A_124 = arith.select %eq3A_123, %sub3A_115, %broadcast_in_dim3A_3 : vector<16xi1>, vector<16xf32>
    tpu.vector_store_idx %arg13[%add3A_118, %broadcast_in_dim3A_120], %select_n3A_124 : memref<512x16xf32, #tpu.memory_space<vmem>>[vector<16xi32>, vector<16xi32>], vector<16xf32>,
    %broadcast_in_dim3A_125 = arith.constant 1 : i32
    %broadcast_in_dim3A_126 = vector.broadcast %broadcast_in_dim3A_125 : i32 to vector<16xi32>
    %eq3A_127 = arith.constant 1 : i32
    %eq3A_128 = vector.broadcast %eq3A_127 : i32 to vector<16xi32>
    %eq3A_129 = arith.cmpi eq, %and3A_113, %eq3A_128 : vector<16xi32>
    %select_n3A_130 = arith.select %eq3A_129, %sub3A_115, %broadcast_in_dim3A_3 : vector<16xi1>, vector<16xf32>
    tpu.vector_store_idx %arg13[%add3A_118, %broadcast_in_dim3A_126], %select_n3A_130 : memref<512x16xf32, #tpu.memory_space<vmem>>[vector<16xi32>, vector<16xi32>], vector<16xf32>,
    %broadcast_in_dim3A_131 = arith.constant 2 : i32
    %broadcast_in_dim3A_132 = vector.broadcast %broadcast_in_dim3A_131 : i32 to vector<16xi32>
    %eq3A_133 = arith.constant 2 : i32
    %eq3A_134 = vector.broadcast %eq3A_133 : i32 to vector<16xi32>
    %eq3A_135 = arith.cmpi eq, %and3A_113, %eq3A_134 : vector<16xi32>
    %select_n3A_136 = arith.select %eq3A_135, %sub3A_115, %broadcast_in_dim3A_3 : vector<16xi1>, vector<16xf32>
    tpu.vector_store_idx %arg13[%add3A_118, %broadcast_in_dim3A_132], %select_n3A_136 : memref<512x16xf32, #tpu.memory_space<vmem>>[vector<16xi32>, vector<16xi32>], vector<16xf32>,
    %broadcast_in_dim3A_137 = arith.constant 3 : i32
    %broadcast_in_dim3A_138 = vector.broadcast %broadcast_in_dim3A_137 : i32 to vector<16xi32>
    %eq3A_139 = arith.constant 3 : i32
    %eq3A_140 = vector.broadcast %eq3A_139 : i32 to vector<16xi32>
    %eq3A_141 = arith.cmpi eq, %and3A_113, %eq3A_140 : vector<16xi32>
    %select_n3A_142 = arith.select %eq3A_141, %sub3A_115, %broadcast_in_dim3A_3 : vector<16xi1>, vector<16xf32>
    tpu.vector_store_idx %arg13[%add3A_118, %broadcast_in_dim3A_138], %select_n3A_142 : memref<512x16xf32, #tpu.memory_space<vmem>>[vector<16xi32>, vector<16xi32>], vector<16xf32>,
    %broadcast_in_dim3A_143 = arith.constant 4 : i32
    %broadcast_in_dim3A_144 = vector.broadcast %broadcast_in_dim3A_143 : i32 to vector<16xi32>
    tpu.vector_store_idx %arg13[%add3A_118, %broadcast_in_dim3A_144], %select_n3A_114 : memref<512x16xf32, #tpu.memory_space<vmem>>[vector<16xi32>, vector<16xi32>], vector<16xf32>,
    %broadcast_in_dim3A_145 = arith.constant 5 : i32
    %broadcast_in_dim3A_146 = vector.broadcast %broadcast_in_dim3A_145 : i32 to vector<16xi32>
    tpu.vector_store_idx %arg13[%add3A_118, %broadcast_in_dim3A_146], %sub3A_115 : memref<512x16xf32, #tpu.memory_space<vmem>>[vector<16xi32>, vector<16xi32>], vector<16xf32>,
    %get3A_147 = arith.constant 32 : index
    %get3A_148 = tpu.vector_load %arg8[%get3A_147] {strides = array<i32>} : memref<512xi32, #tpu.memory_space<vmem>>, vector<16xi32>,
    %add3A_149 = arith.constant 32 : i32
    %add3A_150 = arith.addi %mul3A_2, %add3A_149 : i32
    %add3A_151 = vector.broadcast %add3A_150 : i32 to vector<16xi32>
    %add3A_152 = arith.addi %add3A_151, %iota3A : vector<16xi32>
    %lt3A_153 = arith.constant 100000 : i32
    %lt3A_154 = vector.broadcast %lt3A_153 : i32 to vector<16xi32>
    %lt3A_155 = arith.cmpi slt, %get3A_148, %lt3A_154 : vector<16xi32>
    %sub3A_156 = arith.constant 100000 : i32
    %sub3A_157 = vector.broadcast %sub3A_156 : i32 to vector<16xi32>
    %sub3A_158 = arith.subi %get3A_148, %sub3A_157 : vector<16xi32>
    %jit3A_159 = arith.constant 0 : i32
    %jit3A_160 = arith.constant 899999 : i32
    %max3A_161 = vector.broadcast %jit3A_159 : i32 to vector<16xi32>
    %max3A_162 = arith.maxsi %max3A_161, %sub3A_158 : vector<16xi32>
    %min3A_163 = vector.broadcast %jit3A_160 : i32 to vector<16xi32>
    %min3A_164 = arith.minsi %min3A_163, %max3A_162 : vector<16xi32>
    %select_n3A_165 = arith.select %lt3A_155, %get3A_148, %add3A_152 : vector<16xi1>, vector<16xi32>
    %swap3A_166 = arith.constant 0 : i32
    %swap3A_167 = arith.index_cast %swap3A_166 : i32 to index
    %swap3A_168 = arith.constant 32 : index
    %swap3A_169 = tpu.vector_load %arg9[%swap3A_167, %swap3A_168] {strides = array<i32>} : memref<4x128xi32, #tpu.memory_space<vmem>>, vector<16xi32>,
    tpu.vector_store %arg9[%swap3A_167, %swap3A_168], %select_n3A_165 {strides = array<i32>} : memref<4x128xi32, #tpu.memory_space<vmem>>, vector<16xi32>,
    %shift_right_arithmetic3A_170 = arith.constant 13 : i32
    %shift_right_arithmetic3A_171 = vector.broadcast %shift_right_arithmetic3A_170 : i32 to vector<16xi32>
    %shift_right_arithmetic3A_172 = arith.shrsi %min3A_164, %shift_right_arithmetic3A_171 : vector<16xi32>
    %shift_left3A_173 = arith.constant 11 : i32
    %shift_left3A_174 = vector.broadcast %shift_left3A_173 : i32 to vector<16xi32>
    %shift_left3A_175 = arith.shli %shift_right_arithmetic3A_172, %shift_left3A_174 : vector<16xi32>
    %and3A_176 = arith.constant 2047 : i32
    %and3A_177 = vector.broadcast %and3A_176 : i32 to vector<16xi32>
    %and3A_178 = arith.andi %min3A_164, %and3A_177 : vector<16xi32>
    %or3A_179 = arith.ori %shift_left3A_175, %and3A_178 : vector<16xi32>
    %select_n3A_180 = arith.select %lt3A_155, %add3A_152, %or3A_179 : vector<16xi1>, vector<16xi32>
    %swap3A_181 = arith.constant 0 : i32
    %swap3A_182 = arith.index_cast %swap3A_181 : i32 to index
    %swap3A_183 = arith.constant 32 : index
    %swap3A_184 = tpu.vector_load %arg10[%swap3A_182, %swap3A_183] {strides = array<i32>} : memref<4x128xi32, #tpu.memory_space<vmem>>, vector<16xi32>,
    tpu.vector_store %arg10[%swap3A_182, %swap3A_183], %select_n3A_180 {strides = array<i32>} : memref<4x128xi32, #tpu.memory_space<vmem>>, vector<16xi32>,
    %shift_right_arithmetic3A_185 = arith.constant 11 : i32
    %shift_right_arithmetic3A_186 = vector.broadcast %shift_right_arithmetic3A_185 : i32 to vector<16xi32>
    %shift_right_arithmetic3A_187 = arith.shrsi %min3A_164, %shift_right_arithmetic3A_186 : vector<16xi32>
    %and3A_188 = arith.constant 3 : i32
    %and3A_189 = vector.broadcast %and3A_188 : i32 to vector<16xi32>
    %and3A_190 = arith.andi %shift_right_arithmetic3A_187, %and3A_189 : vector<16xi32>
    %select_n3A_191 = arith.select %lt3A_155, %broadcast_in_dim3A_5, %broadcast_in_dim3A_3 : vector<16xi1>, vector<16xf32>
    %sub3A_192 = arith.subf %broadcast_in_dim3A_5, %select_n3A_191 : vector<16xf32>
    %add3A_193 = arith.constant 32 : i32
    %add3A_194 = vector.broadcast %add3A_193 : i32 to vector<16xi32>
    %add3A_195 = arith.addi %add3A_194, %iota3A : vector<16xi32>
    %broadcast_in_dim3A_196 = arith.constant 0 : i32
    %broadcast_in_dim3A_197 = vector.broadcast %broadcast_in_dim3A_196 : i32 to vector<16xi32>
    %eq3A_198 = arith.constant 0 : i32
    %eq3A_199 = vector.broadcast %eq3A_198 : i32 to vector<16xi32>
    %eq3A_200 = arith.cmpi eq, %and3A_190, %eq3A_199 : vector<16xi32>
    %select_n3A_201 = arith.select %eq3A_200, %sub3A_192, %broadcast_in_dim3A_3 : vector<16xi1>, vector<16xf32>
    tpu.vector_store_idx %arg13[%add3A_195, %broadcast_in_dim3A_197], %select_n3A_201 : memref<512x16xf32, #tpu.memory_space<vmem>>[vector<16xi32>, vector<16xi32>], vector<16xf32>,
    %broadcast_in_dim3A_202 = arith.constant 1 : i32
    %broadcast_in_dim3A_203 = vector.broadcast %broadcast_in_dim3A_202 : i32 to vector<16xi32>
    %eq3A_204 = arith.constant 1 : i32
    %eq3A_205 = vector.broadcast %eq3A_204 : i32 to vector<16xi32>
    %eq3A_206 = arith.cmpi eq, %and3A_190, %eq3A_205 : vector<16xi32>
    %select_n3A_207 = arith.select %eq3A_206, %sub3A_192, %broadcast_in_dim3A_3 : vector<16xi1>, vector<16xf32>
    tpu.vector_store_idx %arg13[%add3A_195, %broadcast_in_dim3A_203], %select_n3A_207 : memref<512x16xf32, #tpu.memory_space<vmem>>[vector<16xi32>, vector<16xi32>], vector<16xf32>,
    %broadcast_in_dim3A_208 = arith.constant 2 : i32
    %broadcast_in_dim3A_209 = vector.broadcast %broadcast_in_dim3A_208 : i32 to vector<16xi32>
    %eq3A_210 = arith.constant 2 : i32
    %eq3A_211 = vector.broadcast %eq3A_210 : i32 to vector<16xi32>
    %eq3A_212 = arith.cmpi eq, %and3A_190, %eq3A_211 : vector<16xi32>
    %select_n3A_213 = arith.select %eq3A_212, %sub3A_192, %broadcast_in_dim3A_3 : vector<16xi1>, vector<16xf32>
    tpu.vector_store_idx %arg13[%add3A_195, %broadcast_in_dim3A_209], %select_n3A_213 : memref<512x16xf32, #tpu.memory_space<vmem>>[vector<16xi32>, vector<16xi32>], vector<16xf32>,
    %broadcast_in_dim3A_214 = arith.constant 3 : i32
    %broadcast_in_dim3A_215 = vector.broadcast %broadcast_in_dim3A_214 : i32 to vector<16xi32>
    %eq3A_216 = arith.constant 3 : i32
    %eq3A_217 = vector.broadcast %eq3A_216 : i32 to vector<16xi32>
    %eq3A_218 = arith.cmpi eq, %and3A_190, %eq3A_217 : vector<16xi32>
    %select_n3A_219 = arith.select %eq3A_218, %sub3A_192, %broadcast_in_dim3A_3 : vector<16xi1>, vector<16xf32>
    tpu.vector_store_idx %arg13[%add3A_195, %broadcast_in_dim3A_215], %select_n3A_219 : memref<512x16xf32, #tpu.memory_space<vmem>>[vector<16xi32>, vector<16xi32>], vector<16xf32>,
    %broadcast_in_dim3A_220 = arith.constant 4 : i32
    %broadcast_in_dim3A_221 = vector.broadcast %broadcast_in_dim3A_220 : i32 to vector<16xi32>
    tpu.vector_store_idx %arg13[%add3A_195, %broadcast_in_dim3A_221], %select_n3A_191 : memref<512x16xf32, #tpu.memory_space<vmem>>[vector<16xi32>, vector<16xi32>], vector<16xf32>,
    %broadcast_in_dim3A_222 = arith.constant 5 : i32
    %broadcast_in_dim3A_223 = vector.broadcast %broadcast_in_dim3A_222 : i32 to vector<16xi32>
    tpu.vector_store_idx %arg13[%add3A_195, %broadcast_in_dim3A_223], %sub3A_192 : memref<512x16xf32, #tpu.memory_space<vmem>>[vector<16xi32>, vector<16xi32>], vector<16xf32>,
    %get3A_224 = arith.constant 48 : index
    %get3A_225 = tpu.vector_load %arg8[%get3A_224] {strides = array<i32>} : memref<512xi32, #tpu.memory_space<vmem>>, vector<16xi32>,
    %add3A_226 = arith.constant 48 : i32
    %add3A_227 = arith.addi %mul3A_2, %add3A_226 : i32
    %add3A_228 = vector.broadcast %add3A_227 : i32 to vector<16xi32>
    %add3A_229 = arith.addi %add3A_228, %iota3A : vector<16xi32>
    %lt3A_230 = arith.constant 100000 : i32
    %lt3A_231 = vector.broadcast %lt3A_230 : i32 to vector<16xi32>
    %lt3A_232 = arith.cmpi slt, %get3A_225, %lt3A_231 : vector<16xi32>
    %sub3A_233 = arith.constant 100000 : i32
    %sub3A_234 = vector.broadcast %sub3A_233 : i32 to vector<16xi32>
    %sub3A_235 = arith.subi %get3A_225, %sub3A_234 : vector<16xi32>
    %jit3A_236 = arith.constant 0 : i32
    %jit3A_237 = arith.constant 899999 : i32
    %max3A_238 = vector.broadcast %jit3A_236 : i32 to vector<16xi32>
    %max3A_239 = arith.maxsi %max3A_238, %sub3A_235 : vector<16xi32>
    %min3A_240 = vector.broadcast %jit3A_237 : i32 to vector<16xi32>
    %min3A_241 = arith.minsi %min3A_240, %max3A_239 : vector<16xi32>
    %select_n3A_242 = arith.select %lt3A_232, %get3A_225, %add3A_229 : vector<16xi1>, vector<16xi32>
    %swap3A_243 = arith.constant 0 : i32
    %swap3A_244 = arith.index_cast %swap3A_243 : i32 to index
    %swap3A_245 = arith.constant 48 : index
    %swap3A_246 = tpu.vector_load %arg9[%swap3A_244, %swap3A_245] {strides = array<i32>} : memref<4x128xi32, #tpu.memory_space<vmem>>, vector<16xi32>,
    tpu.vector_store %arg9[%swap3A_244, %swap3A_245], %select_n3A_242 {strides = array<i32>} : memref<4x128xi32, #tpu.memory_space<vmem>>, vector<16xi32>,
    %shift_right_arithmetic3A_247 = arith.constant 13 : i32
    %shift_right_arithmetic3A_248 = vector.broadcast %shift_right_arithmetic3A_247 : i32 to vector<16xi32>
    %shift_right_arithmetic3A_249 = arith.shrsi %min3A_241, %shift_right_arithmetic3A_248 : vector<16xi32>
    %shift_left3A_250 = arith.constant 11 : i32
    %shift_left3A_251 = vector.broadcast %shift_left3A_250 : i32 to vector<16xi32>
    %shift_left3A_252 = arith.shli %shift_right_arithmetic3A_249, %shift_left3A_251 : vector<16xi32>
    %and3A_253 = arith.constant 2047 : i32
    %and3A_254 = vector.broadcast %and3A_253 : i32 to vector<16xi32>
    %and3A_255 = arith.andi %min3A_241, %and3A_254 : vector<16xi32>
    %or3A_256 = arith.ori %shift_left3A_252, %and3A_255 : vector<16xi32>
    %select_n3A_257 = arith.select %lt3A_232, %add3A_229, %or3A_256 : vector<16xi1>, vector<16xi32>
    %swap3A_258 = arith.constant 0 : i32
    %swap3A_259 = arith.index_cast %swap3A_258 : i32 to index
    %swap3A_260 = arith.constant 48 : index
    %swap3A_261 = tpu.vector_load %arg10[%swap3A_259, %swap3A_260] {strides = array<i32>} : memref<4x128xi32, #tpu.memory_space<vmem>>, vector<16xi32>,
    tpu.vector_store %arg10[%swap3A_259, %swap3A_260], %select_n3A_257 {strides = array<i32>} : memref<4x128xi32, #tpu.memory_space<vmem>>, vector<16xi32>,
    %shift_right_arithmetic3A_262 = arith.constant 11 : i32
    %shift_right_arithmetic3A_263 = vector.broadcast %shift_right_arithmetic3A_262 : i32 to vector<16xi32>
    %shift_right_arithmetic3A_264 = arith.shrsi %min3A_241, %shift_right_arithmetic3A_263 : vector<16xi32>
    %and3A_265 = arith.constant 3 : i32
    %and3A_266 = vector.broadcast %and3A_265 : i32 to vector<16xi32>
    %and3A_267 = arith.andi %shift_right_arithmetic3A_264, %and3A_266 : vector<16xi32>
    %select_n3A_268 = arith.select %lt3A_232, %broadcast_in_dim3A_5, %broadcast_in_dim3A_3 : vector<16xi1>, vector<16xf32>
    %sub3A_269 = arith.subf %broadcast_in_dim3A_5, %select_n3A_268 : vector<16xf32>
    %add3A_270 = arith.constant 48 : i32
    %add3A_271 = vector.broadcast %add3A_270 : i32 to vector<16xi32>
    %add3A_272 = arith.addi %add3A_271, %iota3A : vector<16xi32>
    %broadcast_in_dim3A_273 = arith.constant 0 : i32
    %broadcast_in_dim3A_274 = vector.broadcast %broadcast_in_dim3A_273 : i32 to vector<16xi32>
    %eq3A_275 = arith.constant 0 : i32
    %eq3A_276 = vector.broadcast %eq3A_275 : i32 to vector<16xi32>
    %eq3A_277 = arith.cmpi eq, %and3A_267, %eq3A_276 : vector<16xi32>
    %select_n3A_278 = arith.select %eq3A_277, %sub3A_269, %broadcast_in_dim3A_3 : vector<16xi1>, vector<16xf32>
    tpu.vector_store_idx %arg13[%add3A_272, %broadcast_in_dim3A_274], %select_n3A_278 : memref<512x16xf32, #tpu.memory_space<vmem>>[vector<16xi32>, vector<16xi32>], vector<16xf32>,
    %broadcast_in_dim3A_279 = arith.constant 1 : i32
    %broadcast_in_dim3A_280 = vector.broadcast %broadcast_in_dim3A_279 : i32 to vector<16xi32>
    %eq3A_281 = arith.constant 1 : i32
    %eq3A_282 = vector.broadcast %eq3A_281 : i32 to vector<16xi32>
    %eq3A_283 = arith.cmpi eq, %and3A_267, %eq3A_282 : vector<16xi32>
    %select_n3A_284 = arith.select %eq3A_283, %sub3A_269, %broadcast_in_dim3A_3 : vector<16xi1>, vector<16xf32>
    tpu.vector_store_idx %arg13[%add3A_272, %broadcast_in_dim3A_280], %select_n3A_284 : memref<512x16xf32, #tpu.memory_space<vmem>>[vector<16xi32>, vector<16xi32>], vector<16xf32>,
    %broadcast_in_dim3A_285 = arith.constant 2 : i32
    %broadcast_in_dim3A_286 = vector.broadcast %broadcast_in_dim3A_285 : i32 to vector<16xi32>
    %eq3A_287 = arith.constant 2 : i32
    %eq3A_288 = vector.broadcast %eq3A_287 : i32 to vector<16xi32>
    %eq3A_289 = arith.cmpi eq, %and3A_267, %eq3A_288 : vector<16xi32>
    %select_n3A_290 = arith.select %eq3A_289, %sub3A_269, %broadcast_in_dim3A_3 : vector<16xi1>, vector<16xf32>
    tpu.vector_store_idx %arg13[%add3A_272, %broadcast_in_dim3A_286], %select_n3A_290 : memref<512x16xf32, #tpu.memory_space<vmem>>[vector<16xi32>, vector<16xi32>], vector<16xf32>,
    %broadcast_in_dim3A_291 = arith.constant 3 : i32
    %broadcast_in_dim3A_292 = vector.broadcast %broadcast_in_dim3A_291 : i32 to vector<16xi32>
    %eq3A_293 = arith.constant 3 : i32
    %eq3A_294 = vector.broadcast %eq3A_293 : i32 to vector<16xi32>
    %eq3A_295 = arith.cmpi eq, %and3A_267, %eq3A_294 : vector<16xi32>
    %select_n3A_296 = arith.select %eq3A_295, %sub3A_269, %broadcast_in_dim3A_3 : vector<16xi1>, vector<16xf32>
    tpu.vector_store_idx %arg13[%add3A_272, %broadcast_in_dim3A_292], %select_n3A_296 : memref<512x16xf32, #tpu.memory_space<vmem>>[vector<16xi32>, vector<16xi32>], vector<16xf32>,
    %broadcast_in_dim3A_297 = arith.constant 4 : i32
    %broadcast_in_dim3A_298 = vector.broadcast %broadcast_in_dim3A_297 : i32 to vector<16xi32>
    tpu.vector_store_idx %arg13[%add3A_272, %broadcast_in_dim3A_298], %select_n3A_268 : memref<512x16xf32, #tpu.memory_space<vmem>>[vector<16xi32>, vector<16xi32>], vector<16xf32>,
    %broadcast_in_dim3A_299 = arith.constant 5 : i32
    %broadcast_in_dim3A_300 = vector.broadcast %broadcast_in_dim3A_299 : i32 to vector<16xi32>
    tpu.vector_store_idx %arg13[%add3A_272, %broadcast_in_dim3A_300], %sub3A_269 : memref<512x16xf32, #tpu.memory_space<vmem>>[vector<16xi32>, vector<16xi32>], vector<16xf32>,
    %get3A_301 = arith.constant 64 : index
    %get3A_302 = tpu.vector_load %arg8[%get3A_301] {strides = array<i32>} : memref<512xi32, #tpu.memory_space<vmem>>, vector<16xi32>,
    %add3A_303 = arith.constant 64 : i32
    %add3A_304 = arith.addi %mul3A_2, %add3A_303 : i32
    %add3A_305 = vector.broadcast %add3A_304 : i32 to vector<16xi32>
    %add3A_306 = arith.addi %add3A_305, %iota3A : vector<16xi32>
    %lt3A_307 = arith.constant 100000 : i32
    %lt3A_308 = vector.broadcast %lt3A_307 : i32 to vector<16xi32>
    %lt3A_309 = arith.cmpi slt, %get3A_302, %lt3A_308 : vector<16xi32>
    %sub3A_310 = arith.constant 100000 : i32
    %sub3A_311 = vector.broadcast %sub3A_310 : i32 to vector<16xi32>
    %sub3A_312 = arith.subi %get3A_302, %sub3A_311 : vector<16xi32>
    %jit3A_313 = arith.constant 0 : i32
    %jit3A_314 = arith.constant 899999 : i32
    %max3A_315 = vector.broadcast %jit3A_313 : i32 to vector<16xi32>
    %max3A_316 = arith.maxsi %max3A_315, %sub3A_312 : vector<16xi32>
    %min3A_317 = vector.broadcast %jit3A_314 : i32 to vector<16xi32>
    %min3A_318 = arith.minsi %min3A_317, %max3A_316 : vector<16xi32>
    %select_n3A_319 = arith.select %lt3A_309, %get3A_302, %add3A_306 : vector<16xi1>, vector<16xi32>
    %swap3A_320 = arith.constant 0 : i32
    %swap3A_321 = arith.index_cast %swap3A_320 : i32 to index
    %swap3A_322 = arith.constant 64 : index
    %swap3A_323 = tpu.vector_load %arg9[%swap3A_321, %swap3A_322] {strides = array<i32>} : memref<4x128xi32, #tpu.memory_space<vmem>>, vector<16xi32>,
    tpu.vector_store %arg9[%swap3A_321, %swap3A_322], %select_n3A_319 {strides = array<i32>} : memref<4x128xi32, #tpu.memory_space<vmem>>, vector<16xi32>,
    %shift_right_arithmetic3A_324 = arith.constant 13 : i32
    %shift_right_arithmetic3A_325 = vector.broadcast %shift_right_arithmetic3A_324 : i32 to vector<16xi32>
    %shift_right_arithmetic3A_326 = arith.shrsi %min3A_318, %shift_right_arithmetic3A_325 : vector<16xi32>
    %shift_left3A_327 = arith.constant 11 : i32
    %shift_left3A_328 = vector.broadcast %shift_left3A_327 : i32 to vector<16xi32>
    %shift_left3A_329 = arith.shli %shift_right_arithmetic3A_326, %shift_left3A_328 : vector<16xi32>
    %and3A_330 = arith.constant 2047 : i32
    %and3A_331 = vector.broadcast %and3A_330 : i32 to vector<16xi32>
    %and3A_332 = arith.andi %min3A_318, %and3A_331 : vector<16xi32>
    %or3A_333 = arith.ori %shift_left3A_329, %and3A_332 : vector<16xi32>
    %select_n3A_334 = arith.select %lt3A_309, %add3A_306, %or3A_333 : vector<16xi1>, vector<16xi32>
    %swap3A_335 = arith.constant 0 : i32
    %swap3A_336 = arith.index_cast %swap3A_335 : i32 to index
    %swap3A_337 = arith.constant 64 : index
    %swap3A_338 = tpu.vector_load %arg10[%swap3A_336, %swap3A_337] {strides = array<i32>} : memref<4x128xi32, #tpu.memory_space<vmem>>, vector<16xi32>,
    tpu.vector_store %arg10[%swap3A_336, %swap3A_337], %select_n3A_334 {strides = array<i32>} : memref<4x128xi32, #tpu.memory_space<vmem>>, vector<16xi32>,
    %shift_right_arithmetic3A_339 = arith.constant 11 : i32
    %shift_right_arithmetic3A_340 = vector.broadcast %shift_right_arithmetic3A_339 : i32 to vector<16xi32>
    %shift_right_arithmetic3A_341 = arith.shrsi %min3A_318, %shift_right_arithmetic3A_340 : vector<16xi32>
    %and3A_342 = arith.constant 3 : i32
    %and3A_343 = vector.broadcast %and3A_342 : i32 to vector<16xi32>
    %and3A_344 = arith.andi %shift_right_arithmetic3A_341, %and3A_343 : vector<16xi32>
    %select_n3A_345 = arith.select %lt3A_309, %broadcast_in_dim3A_5, %broadcast_in_dim3A_3 : vector<16xi1>, vector<16xf32>
    %sub3A_346 = arith.subf %broadcast_in_dim3A_5, %select_n3A_345 : vector<16xf32>
    %add3A_347 = arith.constant 64 : i32
    %add3A_348 = vector.broadcast %add3A_347 : i32 to vector<16xi32>
    %add3A_349 = arith.addi %add3A_348, %iota3A : vector<16xi32>
    %broadcast_in_dim3A_350 = arith.constant 0 : i32
    %broadcast_in_dim3A_351 = vector.broadcast %broadcast_in_dim3A_350 : i32 to vector<16xi32>
    %eq3A_352 = arith.constant 0 : i32
    %eq3A_353 = vector.broadcast %eq3A_352 : i32 to vector<16xi32>
    %eq3A_354 = arith.cmpi eq, %and3A_344, %eq3A_353 : vector<16xi32>
    %select_n3A_355 = arith.select %eq3A_354, %sub3A_346, %broadcast_in_dim3A_3 : vector<16xi1>, vector<16xf32>
    tpu.vector_store_idx %arg13[%add3A_349, %broadcast_in_dim3A_351], %select_n3A_355 : memref<512x16xf32, #tpu.memory_space<vmem>>[vector<16xi32>, vector<16xi32>], vector<16xf32>,
    %broadcast_in_dim3A_356 = arith.constant 1 : i32
    %broadcast_in_dim3A_357 = vector.broadcast %broadcast_in_dim3A_356 : i32 to vector<16xi32>
    %eq3A_358 = arith.constant 1 : i32
    %eq3A_359 = vector.broadcast %eq3A_358 : i32 to vector<16xi32>
    %eq3A_360 = arith.cmpi eq, %and3A_344, %eq3A_359 : vector<16xi32>
    %select_n3A_361 = arith.select %eq3A_360, %sub3A_346, %broadcast_in_dim3A_3 : vector<16xi1>, vector<16xf32>
    tpu.vector_store_idx %arg13[%add3A_349, %broadcast_in_dim3A_357], %select_n3A_361 : memref<512x16xf32, #tpu.memory_space<vmem>>[vector<16xi32>, vector<16xi32>], vector<16xf32>,
    %broadcast_in_dim3A_362 = arith.constant 2 : i32
    %broadcast_in_dim3A_363 = vector.broadcast %broadcast_in_dim3A_362 : i32 to vector<16xi32>
    %eq3A_364 = arith.constant 2 : i32
    %eq3A_365 = vector.broadcast %eq3A_364 : i32 to vector<16xi32>
    %eq3A_366 = arith.cmpi eq, %and3A_344, %eq3A_365 : vector<16xi32>
    %select_n3A_367 = arith.select %eq3A_366, %sub3A_346, %broadcast_in_dim3A_3 : vector<16xi1>, vector<16xf32>
    tpu.vector_store_idx %arg13[%add3A_349, %broadcast_in_dim3A_363], %select_n3A_367 : memref<512x16xf32, #tpu.memory_space<vmem>>[vector<16xi32>, vector<16xi32>], vector<16xf32>,
    %broadcast_in_dim3A_368 = arith.constant 3 : i32
    %broadcast_in_dim3A_369 = vector.broadcast %broadcast_in_dim3A_368 : i32 to vector<16xi32>
    %eq3A_370 = arith.constant 3 : i32
    %eq3A_371 = vector.broadcast %eq3A_370 : i32 to vector<16xi32>
    %eq3A_372 = arith.cmpi eq, %and3A_344, %eq3A_371 : vector<16xi32>
    %select_n3A_373 = arith.select %eq3A_372, %sub3A_346, %broadcast_in_dim3A_3 : vector<16xi1>, vector<16xf32>
    tpu.vector_store_idx %arg13[%add3A_349, %broadcast_in_dim3A_369], %select_n3A_373 : memref<512x16xf32, #tpu.memory_space<vmem>>[vector<16xi32>, vector<16xi32>], vector<16xf32>,
    %broadcast_in_dim3A_374 = arith.constant 4 : i32
    %broadcast_in_dim3A_375 = vector.broadcast %broadcast_in_dim3A_374 : i32 to vector<16xi32>
    tpu.vector_store_idx %arg13[%add3A_349, %broadcast_in_dim3A_375], %select_n3A_345 : memref<512x16xf32, #tpu.memory_space<vmem>>[vector<16xi32>, vector<16xi32>], vector<16xf32>,
    %broadcast_in_dim3A_376 = arith.constant 5 : i32
    %broadcast_in_dim3A_377 = vector.broadcast %broadcast_in_dim3A_376 : i32 to vector<16xi32>
    tpu.vector_store_idx %arg13[%add3A_349, %broadcast_in_dim3A_377], %sub3A_346 : memref<512x16xf32, #tpu.memory_space<vmem>>[vector<16xi32>, vector<16xi32>], vector<16xf32>,
    %get3A_378 = arith.constant 80 : index
    %get3A_379 = tpu.vector_load %arg8[%get3A_378] {strides = array<i32>} : memref<512xi32, #tpu.memory_space<vmem>>, vector<16xi32>,
    %add3A_380 = arith.constant 80 : i32
    %add3A_381 = arith.addi %mul3A_2, %add3A_380 : i32
    %add3A_382 = vector.broadcast %add3A_381 : i32 to vector<16xi32>
    %add3A_383 = arith.addi %add3A_382, %iota3A : vector<16xi32>
    %lt3A_384 = arith.constant 100000 : i32
    %lt3A_385 = vector.broadcast %lt3A_384 : i32 to vector<16xi32>
    %lt3A_386 = arith.cmpi slt, %get3A_379, %lt3A_385 : vector<16xi32>
    %sub3A_387 = arith.constant 100000 : i32
    %sub3A_388 = vector.broadcast %sub3A_387 : i32 to vector<16xi32>
    %sub3A_389 = arith.subi %get3A_379, %sub3A_388 : vector<16xi32>
    %jit3A_390 = arith.constant 0 : i32
    %jit3A_391 = arith.constant 899999 : i32
    %max3A_392 = vector.broadcast %jit3A_390 : i32 to vector<16xi32>
    %max3A_393 = arith.maxsi %max3A_392, %sub3A_389 : vector<16xi32>
    %min3A_394 = vector.broadcast %jit3A_391 : i32 to vector<16xi32>
    %min3A_395 = arith.minsi %min3A_394, %max3A_393 : vector<16xi32>
    %select_n3A_396 = arith.select %lt3A_386, %get3A_379, %add3A_383 : vector<16xi1>, vector<16xi32>
    %swap3A_397 = arith.constant 0 : i32
    %swap3A_398 = arith.index_cast %swap3A_397 : i32 to index
    %swap3A_399 = arith.constant 80 : index
    %swap3A_400 = tpu.vector_load %arg9[%swap3A_398, %swap3A_399] {strides = array<i32>} : memref<4x128xi32, #tpu.memory_space<vmem>>, vector<16xi32>,
    tpu.vector_store %arg9[%swap3A_398, %swap3A_399], %select_n3A_396 {strides = array<i32>} : memref<4x128xi32, #tpu.memory_space<vmem>>, vector<16xi32>,
    %shift_right_arithmetic3A_401 = arith.constant 13 : i32
    %shift_right_arithmetic3A_402 = vector.broadcast %shift_right_arithmetic3A_401 : i32 to vector<16xi32>
    %shift_right_arithmetic3A_403 = arith.shrsi %min3A_395, %shift_right_arithmetic3A_402 : vector<16xi32>
    %shift_left3A_404 = arith.constant 11 : i32
    %shift_left3A_405 = vector.broadcast %shift_left3A_404 : i32 to vector<16xi32>
    %shift_left3A_406 = arith.shli %shift_right_arithmetic3A_403, %shift_left3A_405 : vector<16xi32>
    %and3A_407 = arith.constant 2047 : i32
    %and3A_408 = vector.broadcast %and3A_407 : i32 to vector<16xi32>
    %and3A_409 = arith.andi %min3A_395, %and3A_408 : vector<16xi32>
    %or3A_410 = arith.ori %shift_left3A_406, %and3A_409 : vector<16xi32>
    %select_n3A_411 = arith.select %lt3A_386, %add3A_383, %or3A_410 : vector<16xi1>, vector<16xi32>
    %swap3A_412 = arith.constant 0 : i32
    %swap3A_413 = arith.index_cast %swap3A_412 : i32 to index
    %swap3A_414 = arith.constant 80 : index
    %swap3A_415 = tpu.vector_load %arg10[%swap3A_413, %swap3A_414] {strides = array<i32>} : memref<4x128xi32, #tpu.memory_space<vmem>>, vector<16xi32>,
    tpu.vector_store %arg10[%swap3A_413, %swap3A_414], %select_n3A_411 {strides = array<i32>} : memref<4x128xi32, #tpu.memory_space<vmem>>, vector<16xi32>,
    %shift_right_arithmetic3A_416 = arith.constant 11 : i32
    %shift_right_arithmetic3A_417 = vector.broadcast %shift_right_arithmetic3A_416 : i32 to vector<16xi32>
    %shift_right_arithmetic3A_418 = arith.shrsi %min3A_395, %shift_right_arithmetic3A_417 : vector<16xi32>
    %and3A_419 = arith.constant 3 : i32
    %and3A_420 = vector.broadcast %and3A_419 : i32 to vector<16xi32>
    %and3A_421 = arith.andi %shift_right_arithmetic3A_418, %and3A_420 : vector<16xi32>
    %select_n3A_422 = arith.select %lt3A_386, %broadcast_in_dim3A_5, %broadcast_in_dim3A_3 : vector<16xi1>, vector<16xf32>
    %sub3A_423 = arith.subf %broadcast_in_dim3A_5, %select_n3A_422 : vector<16xf32>
    %add3A_424 = arith.constant 80 : i32
    %add3A_425 = vector.broadcast %add3A_424 : i32 to vector<16xi32>
    %add3A_426 = arith.addi %add3A_425, %iota3A : vector<16xi32>
    %broadcast_in_dim3A_427 = arith.constant 0 : i32
    %broadcast_in_dim3A_428 = vector.broadcast %broadcast_in_dim3A_427 : i32 to vector<16xi32>
    %eq3A_429 = arith.constant 0 : i32
    %eq3A_430 = vector.broadcast %eq3A_429 : i32 to vector<16xi32>
    %eq3A_431 = arith.cmpi eq, %and3A_421, %eq3A_430 : vector<16xi32>
    %select_n3A_432 = arith.select %eq3A_431, %sub3A_423, %broadcast_in_dim3A_3 : vector<16xi1>, vector<16xf32>
    tpu.vector_store_idx %arg13[%add3A_426, %broadcast_in_dim3A_428], %select_n3A_432 : memref<512x16xf32, #tpu.memory_space<vmem>>[vector<16xi32>, vector<16xi32>], vector<16xf32>,
    %broadcast_in_dim3A_433 = arith.constant 1 : i32
    %broadcast_in_dim3A_434 = vector.broadcast %broadcast_in_dim3A_433 : i32 to vector<16xi32>
    %eq3A_435 = arith.constant 1 : i32
    %eq3A_436 = vector.broadcast %eq3A_435 : i32 to vector<16xi32>
    %eq3A_437 = arith.cmpi eq, %and3A_421, %eq3A_436 : vector<16xi32>
    %select_n3A_438 = arith.select %eq3A_437, %sub3A_423, %broadcast_in_dim3A_3 : vector<16xi1>, vector<16xf32>
    tpu.vector_store_idx %arg13[%add3A_426, %broadcast_in_dim3A_434], %select_n3A_438 : memref<512x16xf32, #tpu.memory_space<vmem>>[vector<16xi32>, vector<16xi32>], vector<16xf32>,
    %broadcast_in_dim3A_439 = arith.constant 2 : i32
    %broadcast_in_dim3A_440 = vector.broadcast %broadcast_in_dim3A_439 : i32 to vector<16xi32>
    %eq3A_441 = arith.constant 2 : i32
    %eq3A_442 = vector.broadcast %eq3A_441 : i32 to vector<16xi32>
    %eq3A_443 = arith.cmpi eq, %and3A_421, %eq3A_442 : vector<16xi32>
    %select_n3A_444 = arith.select %eq3A_443, %sub3A_423, %broadcast_in_dim3A_3 : vector<16xi1>, vector<16xf32>
    tpu.vector_store_idx %arg13[%add3A_426, %broadcast_in_dim3A_440], %select_n3A_444 : memref<512x16xf32, #tpu.memory_space<vmem>>[vector<16xi32>, vector<16xi32>], vector<16xf32>,
    %broadcast_in_dim3A_445 = arith.constant 3 : i32
    %broadcast_in_dim3A_446 = vector.broadcast %broadcast_in_dim3A_445 : i32 to vector<16xi32>
    %eq3A_447 = arith.constant 3 : i32
    %eq3A_448 = vector.broadcast %eq3A_447 : i32 to vector<16xi32>
    %eq3A_449 = arith.cmpi eq, %and3A_421, %eq3A_448 : vector<16xi32>
    %select_n3A_450 = arith.select %eq3A_449, %sub3A_423, %broadcast_in_dim3A_3 : vector<16xi1>, vector<16xf32>
    tpu.vector_store_idx %arg13[%add3A_426, %broadcast_in_dim3A_446], %select_n3A_450 : memref<512x16xf32, #tpu.memory_space<vmem>>[vector<16xi32>, vector<16xi32>], vector<16xf32>,
    %broadcast_in_dim3A_451 = arith.constant 4 : i32
    %broadcast_in_dim3A_452 = vector.broadcast %broadcast_in_dim3A_451 : i32 to vector<16xi32>
    tpu.vector_store_idx %arg13[%add3A_426, %broadcast_in_dim3A_452], %select_n3A_422 : memref<512x16xf32, #tpu.memory_space<vmem>>[vector<16xi32>, vector<16xi32>], vector<16xf32>,
    %broadcast_in_dim3A_453 = arith.constant 5 : i32
    %broadcast_in_dim3A_454 = vector.broadcast %broadcast_in_dim3A_453 : i32 to vector<16xi32>
    tpu.vector_store_idx %arg13[%add3A_426, %broadcast_in_dim3A_454], %sub3A_423 : memref<512x16xf32, #tpu.memory_space<vmem>>[vector<16xi32>, vector<16xi32>], vector<16xf32>,
    %get3A_455 = arith.constant 96 : index
    %get3A_456 = tpu.vector_load %arg8[%get3A_455] {strides = array<i32>} : memref<512xi32, #tpu.memory_space<vmem>>, vector<16xi32>,
    %add3A_457 = arith.constant 96 : i32
    %add3A_458 = arith.addi %mul3A_2, %add3A_457 : i32
    %add3A_459 = vector.broadcast %add3A_458 : i32 to vector<16xi32>
    %add3A_460 = arith.addi %add3A_459, %iota3A : vector<16xi32>
    %lt3A_461 = arith.constant 100000 : i32
    %lt3A_462 = vector.broadcast %lt3A_461 : i32 to vector<16xi32>
    %lt3A_463 = arith.cmpi slt, %get3A_456, %lt3A_462 : vector<16xi32>
    %sub3A_464 = arith.constant 100000 : i32
    %sub3A_465 = vector.broadcast %sub3A_464 : i32 to vector<16xi32>
    %sub3A_466 = arith.subi %get3A_456, %sub3A_465 : vector<16xi32>
    %jit3A_467 = arith.constant 0 : i32
    %jit3A_468 = arith.constant 899999 : i32
    %max3A_469 = vector.broadcast %jit3A_467 : i32 to vector<16xi32>
    %max3A_470 = arith.maxsi %max3A_469, %sub3A_466 : vector<16xi32>
    %min3A_471 = vector.broadcast %jit3A_468 : i32 to vector<16xi32>
    %min3A_472 = arith.minsi %min3A_471, %max3A_470 : vector<16xi32>
    %select_n3A_473 = arith.select %lt3A_463, %get3A_456, %add3A_460 : vector<16xi1>, vector<16xi32>
    %swap3A_474 = arith.constant 0 : i32
    %swap3A_475 = arith.index_cast %swap3A_474 : i32 to index
    %swap3A_476 = arith.constant 96 : index
    %swap3A_477 = tpu.vector_load %arg9[%swap3A_475, %swap3A_476] {strides = array<i32>} : memref<4x128xi32, #tpu.memory_space<vmem>>, vector<16xi32>,
    tpu.vector_store %arg9[%swap3A_475, %swap3A_476], %select_n3A_473 {strides = array<i32>} : memref<4x128xi32, #tpu.memory_space<vmem>>, vector<16xi32>,
    %shift_right_arithmetic3A_478 = arith.constant 13 : i32
    %shift_right_arithmetic3A_479 = vector.broadcast %shift_right_arithmetic3A_478 : i32 to vector<16xi32>
    %shift_right_arithmetic3A_480 = arith.shrsi %min3A_472, %shift_right_arithmetic3A_479 : vector<16xi32>
    %shift_left3A_481 = arith.constant 11 : i32
    %shift_left3A_482 = vector.broadcast %shift_left3A_481 : i32 to vector<16xi32>
    %shift_left3A_483 = arith.shli %shift_right_arithmetic3A_480, %shift_left3A_482 : vector<16xi32>
    %and3A_484 = arith.constant 2047 : i32
    %and3A_485 = vector.broadcast %and3A_484 : i32 to vector<16xi32>
    %and3A_486 = arith.andi %min3A_472, %and3A_485 : vector<16xi32>
    %or3A_487 = arith.ori %shift_left3A_483, %and3A_486 : vector<16xi32>
    %select_n3A_488 = arith.select %lt3A_463, %add3A_460, %or3A_487 : vector<16xi1>, vector<16xi32>
    %swap3A_489 = arith.constant 0 : i32
    %swap3A_490 = arith.index_cast %swap3A_489 : i32 to index
    %swap3A_491 = arith.constant 96 : index
    %swap3A_492 = tpu.vector_load %arg10[%swap3A_490, %swap3A_491] {strides = array<i32>} : memref<4x128xi32, #tpu.memory_space<vmem>>, vector<16xi32>,
    tpu.vector_store %arg10[%swap3A_490, %swap3A_491], %select_n3A_488 {strides = array<i32>} : memref<4x128xi32, #tpu.memory_space<vmem>>, vector<16xi32>,
    %shift_right_arithmetic3A_493 = arith.constant 11 : i32
    %shift_right_arithmetic3A_494 = vector.broadcast %shift_right_arithmetic3A_493 : i32 to vector<16xi32>
    %shift_right_arithmetic3A_495 = arith.shrsi %min3A_472, %shift_right_arithmetic3A_494 : vector<16xi32>
    %and3A_496 = arith.constant 3 : i32
    %and3A_497 = vector.broadcast %and3A_496 : i32 to vector<16xi32>
    %and3A_498 = arith.andi %shift_right_arithmetic3A_495, %and3A_497 : vector<16xi32>
    %select_n3A_499 = arith.select %lt3A_463, %broadcast_in_dim3A_5, %broadcast_in_dim3A_3 : vector<16xi1>, vector<16xf32>
    %sub3A_500 = arith.subf %broadcast_in_dim3A_5, %select_n3A_499 : vector<16xf32>
    %add3A_501 = arith.constant 96 : i32
    %add3A_502 = vector.broadcast %add3A_501 : i32 to vector<16xi32>
    %add3A_503 = arith.addi %add3A_502, %iota3A : vector<16xi32>
    %broadcast_in_dim3A_504 = arith.constant 0 : i32
    %broadcast_in_dim3A_505 = vector.broadcast %broadcast_in_dim3A_504 : i32 to vector<16xi32>
    %eq3A_506 = arith.constant 0 : i32
    %eq3A_507 = vector.broadcast %eq3A_506 : i32 to vector<16xi32>
    %eq3A_508 = arith.cmpi eq, %and3A_498, %eq3A_507 : vector<16xi32>
    %select_n3A_509 = arith.select %eq3A_508, %sub3A_500, %broadcast_in_dim3A_3 : vector<16xi1>, vector<16xf32>
    tpu.vector_store_idx %arg13[%add3A_503, %broadcast_in_dim3A_505], %select_n3A_509 : memref<512x16xf32, #tpu.memory_space<vmem>>[vector<16xi32>, vector<16xi32>], vector<16xf32>,
    %broadcast_in_dim3A_510 = arith.constant 1 : i32
    %broadcast_in_dim3A_511 = vector.broadcast %broadcast_in_dim3A_510 : i32 to vector<16xi32>
    %eq3A_512 = arith.constant 1 : i32
    %eq3A_513 = vector.broadcast %eq3A_512 : i32 to vector<16xi32>
    %eq3A_514 = arith.cmpi eq, %and3A_498, %eq3A_513 : vector<16xi32>
    %select_n3A_515 = arith.select %eq3A_514, %sub3A_500, %broadcast_in_dim3A_3 : vector<16xi1>, vector<16xf32>
    tpu.vector_store_idx %arg13[%add3A_503, %broadcast_in_dim3A_511], %select_n3A_515 : memref<512x16xf32, #tpu.memory_space<vmem>>[vector<16xi32>, vector<16xi32>], vector<16xf32>,
    %broadcast_in_dim3A_516 = arith.constant 2 : i32
    %broadcast_in_dim3A_517 = vector.broadcast %broadcast_in_dim3A_516 : i32 to vector<16xi32>
    %eq3A_518 = arith.constant 2 : i32
    %eq3A_519 = vector.broadcast %eq3A_518 : i32 to vector<16xi32>
    %eq3A_520 = arith.cmpi eq, %and3A_498, %eq3A_519 : vector<16xi32>
    %select_n3A_521 = arith.select %eq3A_520, %sub3A_500, %broadcast_in_dim3A_3 : vector<16xi1>, vector<16xf32>
    tpu.vector_store_idx %arg13[%add3A_503, %broadcast_in_dim3A_517], %select_n3A_521 : memref<512x16xf32, #tpu.memory_space<vmem>>[vector<16xi32>, vector<16xi32>], vector<16xf32>,
    %broadcast_in_dim3A_522 = arith.constant 3 : i32
    %broadcast_in_dim3A_523 = vector.broadcast %broadcast_in_dim3A_522 : i32 to vector<16xi32>
    %eq3A_524 = arith.constant 3 : i32
    %eq3A_525 = vector.broadcast %eq3A_524 : i32 to vector<16xi32>
    %eq3A_526 = arith.cmpi eq, %and3A_498, %eq3A_525 : vector<16xi32>
    %select_n3A_527 = arith.select %eq3A_526, %sub3A_500, %broadcast_in_dim3A_3 : vector<16xi1>, vector<16xf32>
    tpu.vector_store_idx %arg13[%add3A_503, %broadcast_in_dim3A_523], %select_n3A_527 : memref<512x16xf32, #tpu.memory_space<vmem>>[vector<16xi32>, vector<16xi32>], vector<16xf32>,
    %broadcast_in_dim3A_528 = arith.constant 4 : i32
    %broadcast_in_dim3A_529 = vector.broadcast %broadcast_in_dim3A_528 : i32 to vector<16xi32>
    tpu.vector_store_idx %arg13[%add3A_503, %broadcast_in_dim3A_529], %select_n3A_499 : memref<512x16xf32, #tpu.memory_space<vmem>>[vector<16xi32>, vector<16xi32>], vector<16xf32>,
    %broadcast_in_dim3A_530 = arith.constant 5 : i32
    %broadcast_in_dim3A_531 = vector.broadcast %broadcast_in_dim3A_530 : i32 to vector<16xi32>
    tpu.vector_store_idx %arg13[%add3A_503, %broadcast_in_dim3A_531], %sub3A_500 : memref<512x16xf32, #tpu.memory_space<vmem>>[vector<16xi32>, vector<16xi32>], vector<16xf32>,
    %get3A_532 = arith.constant 112 : index
    %get3A_533 = tpu.vector_load %arg8[%get3A_532] {strides = array<i32>} : memref<512xi32, #tpu.memory_space<vmem>>, vector<16xi32>,
    %add3A_534 = arith.constant 112 : i32
    %add3A_535 = arith.addi %mul3A_2, %add3A_534 : i32
    %add3A_536 = vector.broadcast %add3A_535 : i32 to vector<16xi32>
    %add3A_537 = arith.addi %add3A_536, %iota3A : vector<16xi32>
    %lt3A_538 = arith.constant 100000 : i32
    %lt3A_539 = vector.broadcast %lt3A_538 : i32 to vector<16xi32>
    %lt3A_540 = arith.cmpi slt, %get3A_533, %lt3A_539 : vector<16xi32>
    %sub3A_541 = arith.constant 100000 : i32
    %sub3A_542 = vector.broadcast %sub3A_541 : i32 to vector<16xi32>
    %sub3A_543 = arith.subi %get3A_533, %sub3A_542 : vector<16xi32>
    %jit3A_544 = arith.constant 0 : i32
    %jit3A_545 = arith.constant 899999 : i32
    %max3A_546 = vector.broadcast %jit3A_544 : i32 to vector<16xi32>
    %max3A_547 = arith.maxsi %max3A_546, %sub3A_543 : vector<16xi32>
    %min3A_548 = vector.broadcast %jit3A_545 : i32 to vector<16xi32>
    %min3A_549 = arith.minsi %min3A_548, %max3A_547 : vector<16xi32>
    %select_n3A_550 = arith.select %lt3A_540, %get3A_533, %add3A_537 : vector<16xi1>, vector<16xi32>
    %swap3A_551 = arith.constant 0 : i32
    %swap3A_552 = arith.index_cast %swap3A_551 : i32 to index
    %swap3A_553 = arith.constant 112 : index
    %swap3A_554 = tpu.vector_load %arg9[%swap3A_552, %swap3A_553] {strides = array<i32>} : memref<4x128xi32, #tpu.memory_space<vmem>>, vector<16xi32>,
    tpu.vector_store %arg9[%swap3A_552, %swap3A_553], %select_n3A_550 {strides = array<i32>} : memref<4x128xi32, #tpu.memory_space<vmem>>, vector<16xi32>,
    %shift_right_arithmetic3A_555 = arith.constant 13 : i32
    %shift_right_arithmetic3A_556 = vector.broadcast %shift_right_arithmetic3A_555 : i32 to vector<16xi32>
    %shift_right_arithmetic3A_557 = arith.shrsi %min3A_549, %shift_right_arithmetic3A_556 : vector<16xi32>
    %shift_left3A_558 = arith.constant 11 : i32
    %shift_left3A_559 = vector.broadcast %shift_left3A_558 : i32 to vector<16xi32>
    %shift_left3A_560 = arith.shli %shift_right_arithmetic3A_557, %shift_left3A_559 : vector<16xi32>
    %and3A_561 = arith.constant 2047 : i32
    %and3A_562 = vector.broadcast %and3A_561 : i32 to vector<16xi32>
    %and3A_563 = arith.andi %min3A_549, %and3A_562 : vector<16xi32>
    %or3A_564 = arith.ori %shift_left3A_560, %and3A_563 : vector<16xi32>
    %select_n3A_565 = arith.select %lt3A_540, %add3A_537, %or3A_564 : vector<16xi1>, vector<16xi32>
    %swap3A_566 = arith.constant 0 : i32
    %swap3A_567 = arith.index_cast %swap3A_566 : i32 to index
    %swap3A_568 = arith.constant 112 : index
    %swap3A_569 = tpu.vector_load %arg10[%swap3A_567, %swap3A_568] {strides = array<i32>} : memref<4x128xi32, #tpu.memory_space<vmem>>, vector<16xi32>,
    tpu.vector_store %arg10[%swap3A_567, %swap3A_568], %select_n3A_565 {strides = array<i32>} : memref<4x128xi32, #tpu.memory_space<vmem>>, vector<16xi32>,
    %shift_right_arithmetic3A_570 = arith.constant 11 : i32
    %shift_right_arithmetic3A_571 = vector.broadcast %shift_right_arithmetic3A_570 : i32 to vector<16xi32>
    %shift_right_arithmetic3A_572 = arith.shrsi %min3A_549, %shift_right_arithmetic3A_571 : vector<16xi32>
    %and3A_573 = arith.constant 3 : i32
    %and3A_574 = vector.broadcast %and3A_573 : i32 to vector<16xi32>
    %and3A_575 = arith.andi %shift_right_arithmetic3A_572, %and3A_574 : vector<16xi32>
    %select_n3A_576 = arith.select %lt3A_540, %broadcast_in_dim3A_5, %broadcast_in_dim3A_3 : vector<16xi1>, vector<16xf32>
    %sub3A_577 = arith.subf %broadcast_in_dim3A_5, %select_n3A_576 : vector<16xf32>
    %add3A_578 = arith.constant 112 : i32
    %add3A_579 = vector.broadcast %add3A_578 : i32 to vector<16xi32>
    %add3A_580 = arith.addi %add3A_579, %iota3A : vector<16xi32>
    %broadcast_in_dim3A_581 = arith.constant 0 : i32
    %broadcast_in_dim3A_582 = vector.broadcast %broadcast_in_dim3A_581 : i32 to vector<16xi32>
    %eq3A_583 = arith.constant 0 : i32
    %eq3A_584 = vector.broadcast %eq3A_583 : i32 to vector<16xi32>
    %eq3A_585 = arith.cmpi eq, %and3A_575, %eq3A_584 : vector<16xi32>
    %select_n3A_586 = arith.select %eq3A_585, %sub3A_577, %broadcast_in_dim3A_3 : vector<16xi1>, vector<16xf32>
    tpu.vector_store_idx %arg13[%add3A_580, %broadcast_in_dim3A_582], %select_n3A_586 : memref<512x16xf32, #tpu.memory_space<vmem>>[vector<16xi32>, vector<16xi32>], vector<16xf32>,
    %broadcast_in_dim3A_587 = arith.constant 1 : i32
    %broadcast_in_dim3A_588 = vector.broadcast %broadcast_in_dim3A_587 : i32 to vector<16xi32>
    %eq3A_589 = arith.constant 1 : i32
    %eq3A_590 = vector.broadcast %eq3A_589 : i32 to vector<16xi32>
    %eq3A_591 = arith.cmpi eq, %and3A_575, %eq3A_590 : vector<16xi32>
    %select_n3A_592 = arith.select %eq3A_591, %sub3A_577, %broadcast_in_dim3A_3 : vector<16xi1>, vector<16xf32>
    tpu.vector_store_idx %arg13[%add3A_580, %broadcast_in_dim3A_588], %select_n3A_592 : memref<512x16xf32, #tpu.memory_space<vmem>>[vector<16xi32>, vector<16xi32>], vector<16xf32>,
    %broadcast_in_dim3A_593 = arith.constant 2 : i32
    %broadcast_in_dim3A_594 = vector.broadcast %broadcast_in_dim3A_593 : i32 to vector<16xi32>
    %eq3A_595 = arith.constant 2 : i32
    %eq3A_596 = vector.broadcast %eq3A_595 : i32 to vector<16xi32>
    %eq3A_597 = arith.cmpi eq, %and3A_575, %eq3A_596 : vector<16xi32>
    %select_n3A_598 = arith.select %eq3A_597, %sub3A_577, %broadcast_in_dim3A_3 : vector<16xi1>, vector<16xf32>
    tpu.vector_store_idx %arg13[%add3A_580, %broadcast_in_dim3A_594], %select_n3A_598 : memref<512x16xf32, #tpu.memory_space<vmem>>[vector<16xi32>, vector<16xi32>], vector<16xf32>,
    %broadcast_in_dim3A_599 = arith.constant 3 : i32
    %broadcast_in_dim3A_600 = vector.broadcast %broadcast_in_dim3A_599 : i32 to vector<16xi32>
    %eq3A_601 = arith.constant 3 : i32
    %eq3A_602 = vector.broadcast %eq3A_601 : i32 to vector<16xi32>
    %eq3A_603 = arith.cmpi eq, %and3A_575, %eq3A_602 : vector<16xi32>
    %select_n3A_604 = arith.select %eq3A_603, %sub3A_577, %broadcast_in_dim3A_3 : vector<16xi1>, vector<16xf32>
    tpu.vector_store_idx %arg13[%add3A_580, %broadcast_in_dim3A_600], %select_n3A_604 : memref<512x16xf32, #tpu.memory_space<vmem>>[vector<16xi32>, vector<16xi32>], vector<16xf32>,
    %broadcast_in_dim3A_605 = arith.constant 4 : i32
    %broadcast_in_dim3A_606 = vector.broadcast %broadcast_in_dim3A_605 : i32 to vector<16xi32>
    tpu.vector_store_idx %arg13[%add3A_580, %broadcast_in_dim3A_606], %select_n3A_576 : memref<512x16xf32, #tpu.memory_space<vmem>>[vector<16xi32>, vector<16xi32>], vector<16xf32>,
    %broadcast_in_dim3A_607 = arith.constant 5 : i32
    %broadcast_in_dim3A_608 = vector.broadcast %broadcast_in_dim3A_607 : i32 to vector<16xi32>
    tpu.vector_store_idx %arg13[%add3A_580, %broadcast_in_dim3A_608], %sub3A_577 : memref<512x16xf32, #tpu.memory_space<vmem>>[vector<16xi32>, vector<16xi32>], vector<16xf32>,
    %get3A_609 = arith.constant 128 : index
    %get3A_610 = tpu.vector_load %arg8[%get3A_609] {strides = array<i32>} : memref<512xi32, #tpu.memory_space<vmem>>, vector<16xi32>,
    %add3A_611 = arith.constant 128 : i32
    %add3A_612 = arith.addi %mul3A_2, %add3A_611 : i32
    %add3A_613 = vector.broadcast %add3A_612 : i32 to vector<16xi32>
    %add3A_614 = arith.addi %add3A_613, %iota3A : vector<16xi32>
    %lt3A_615 = arith.constant 100000 : i32
    %lt3A_616 = vector.broadcast %lt3A_615 : i32 to vector<16xi32>
    %lt3A_617 = arith.cmpi slt, %get3A_610, %lt3A_616 : vector<16xi32>
    %sub3A_618 = arith.constant 100000 : i32
    %sub3A_619 = vector.broadcast %sub3A_618 : i32 to vector<16xi32>
    %sub3A_620 = arith.subi %get3A_610, %sub3A_619 : vector<16xi32>
    %jit3A_621 = arith.constant 0 : i32
    %jit3A_622 = arith.constant 899999 : i32
    %max3A_623 = vector.broadcast %jit3A_621 : i32 to vector<16xi32>
    %max3A_624 = arith.maxsi %max3A_623, %sub3A_620 : vector<16xi32>
    %min3A_625 = vector.broadcast %jit3A_622 : i32 to vector<16xi32>
    %min3A_626 = arith.minsi %min3A_625, %max3A_624 : vector<16xi32>
    %select_n3A_627 = arith.select %lt3A_617, %get3A_610, %add3A_614 : vector<16xi1>, vector<16xi32>
    %swap3A_628 = arith.constant 1 : i32
    %swap3A_629 = arith.index_cast %swap3A_628 : i32 to index
    %swap3A_630 = arith.constant 0 : index
    %swap3A_631 = tpu.vector_load %arg9[%swap3A_629, %swap3A_630] {strides = array<i32>} : memref<4x128xi32, #tpu.memory_space<vmem>>, vector<16xi32>,
    tpu.vector_store %arg9[%swap3A_629, %swap3A_630], %select_n3A_627 {strides = array<i32>} : memref<4x128xi32, #tpu.memory_space<vmem>>, vector<16xi32>,
    %shift_right_arithmetic3A_632 = arith.constant 13 : i32
    %shift_right_arithmetic3A_633 = vector.broadcast %shift_right_arithmetic3A_632 : i32 to vector<16xi32>
    %shift_right_arithmetic3A_634 = arith.shrsi %min3A_626, %shift_right_arithmetic3A_633 : vector<16xi32>
    %shift_left3A_635 = arith.constant 11 : i32
    %shift_left3A_636 = vector.broadcast %shift_left3A_635 : i32 to vector<16xi32>
    %shift_left3A_637 = arith.shli %shift_right_arithmetic3A_634, %shift_left3A_636 : vector<16xi32>
    %and3A_638 = arith.constant 2047 : i32
    %and3A_639 = vector.broadcast %and3A_638 : i32 to vector<16xi32>
    %and3A_640 = arith.andi %min3A_626, %and3A_639 : vector<16xi32>
    %or3A_641 = arith.ori %shift_left3A_637, %and3A_640 : vector<16xi32>
    %select_n3A_642 = arith.select %lt3A_617, %add3A_614, %or3A_641 : vector<16xi1>, vector<16xi32>
    %swap3A_643 = arith.constant 1 : i32
    %swap3A_644 = arith.index_cast %swap3A_643 : i32 to index
    %swap3A_645 = arith.constant 0 : index
    %swap3A_646 = tpu.vector_load %arg10[%swap3A_644, %swap3A_645] {strides = array<i32>} : memref<4x128xi32, #tpu.memory_space<vmem>>, vector<16xi32>,
    tpu.vector_store %arg10[%swap3A_644, %swap3A_645], %select_n3A_642 {strides = array<i32>} : memref<4x128xi32, #tpu.memory_space<vmem>>, vector<16xi32>,
    %shift_right_arithmetic3A_647 = arith.constant 11 : i32
    %shift_right_arithmetic3A_648 = vector.broadcast %shift_right_arithmetic3A_647 : i32 to vector<16xi32>
    %shift_right_arithmetic3A_649 = arith.shrsi %min3A_626, %shift_right_arithmetic3A_648 : vector<16xi32>
    %and3A_650 = arith.constant 3 : i32
    %and3A_651 = vector.broadcast %and3A_650 : i32 to vector<16xi32>
    %and3A_652 = arith.andi %shift_right_arithmetic3A_649, %and3A_651 : vector<16xi32>
    %select_n3A_653 = arith.select %lt3A_617, %broadcast_in_dim3A_5, %broadcast_in_dim3A_3 : vector<16xi1>, vector<16xf32>
    %sub3A_654 = arith.subf %broadcast_in_dim3A_5, %select_n3A_653 : vector<16xf32>
    %add3A_655 = arith.constant 128 : i32
    %add3A_656 = vector.broadcast %add3A_655 : i32 to vector<16xi32>
    %add3A_657 = arith.addi %add3A_656, %iota3A : vector<16xi32>
    %broadcast_in_dim3A_658 = arith.constant 0 : i32
    %broadcast_in_dim3A_659 = vector.broadcast %broadcast_in_dim3A_658 : i32 to vector<16xi32>
    %eq3A_660 = arith.constant 0 : i32
    %eq3A_661 = vector.broadcast %eq3A_660 : i32 to vector<16xi32>
    %eq3A_662 = arith.cmpi eq, %and3A_652, %eq3A_661 : vector<16xi32>
    %select_n3A_663 = arith.select %eq3A_662, %sub3A_654, %broadcast_in_dim3A_3 : vector<16xi1>, vector<16xf32>
    tpu.vector_store_idx %arg13[%add3A_657, %broadcast_in_dim3A_659], %select_n3A_663 : memref<512x16xf32, #tpu.memory_space<vmem>>[vector<16xi32>, vector<16xi32>], vector<16xf32>,
    %broadcast_in_dim3A_664 = arith.constant 1 : i32
    %broadcast_in_dim3A_665 = vector.broadcast %broadcast_in_dim3A_664 : i32 to vector<16xi32>
    %eq3A_666 = arith.constant 1 : i32
    %eq3A_667 = vector.broadcast %eq3A_666 : i32 to vector<16xi32>
    %eq3A_668 = arith.cmpi eq, %and3A_652, %eq3A_667 : vector<16xi32>
    %select_n3A_669 = arith.select %eq3A_668, %sub3A_654, %broadcast_in_dim3A_3 : vector<16xi1>, vector<16xf32>
    tpu.vector_store_idx %arg13[%add3A_657, %broadcast_in_dim3A_665], %select_n3A_669 : memref<512x16xf32, #tpu.memory_space<vmem>>[vector<16xi32>, vector<16xi32>], vector<16xf32>,
    %broadcast_in_dim3A_670 = arith.constant 2 : i32
    %broadcast_in_dim3A_671 = vector.broadcast %broadcast_in_dim3A_670 : i32 to vector<16xi32>
    %eq3A_672 = arith.constant 2 : i32
    %eq3A_673 = vector.broadcast %eq3A_672 : i32 to vector<16xi32>
    %eq3A_674 = arith.cmpi eq, %and3A_652, %eq3A_673 : vector<16xi32>
    %select_n3A_675 = arith.select %eq3A_674, %sub3A_654, %broadcast_in_dim3A_3 : vector<16xi1>, vector<16xf32>
    tpu.vector_store_idx %arg13[%add3A_657, %broadcast_in_dim3A_671], %select_n3A_675 : memref<512x16xf32, #tpu.memory_space<vmem>>[vector<16xi32>, vector<16xi32>], vector<16xf32>,
    %broadcast_in_dim3A_676 = arith.constant 3 : i32
    %broadcast_in_dim3A_677 = vector.broadcast %broadcast_in_dim3A_676 : i32 to vector<16xi32>
    %eq3A_678 = arith.constant 3 : i32
    %eq3A_679 = vector.broadcast %eq3A_678 : i32 to vector<16xi32>
    %eq3A_680 = arith.cmpi eq, %and3A_652, %eq3A_679 : vector<16xi32>
    %select_n3A_681 = arith.select %eq3A_680, %sub3A_654, %broadcast_in_dim3A_3 : vector<16xi1>, vector<16xf32>
    tpu.vector_store_idx %arg13[%add3A_657, %broadcast_in_dim3A_677], %select_n3A_681 : memref<512x16xf32, #tpu.memory_space<vmem>>[vector<16xi32>, vector<16xi32>], vector<16xf32>,
    %broadcast_in_dim3A_682 = arith.constant 4 : i32
    %broadcast_in_dim3A_683 = vector.broadcast %broadcast_in_dim3A_682 : i32 to vector<16xi32>
    tpu.vector_store_idx %arg13[%add3A_657, %broadcast_in_dim3A_683], %select_n3A_653 : memref<512x16xf32, #tpu.memory_space<vmem>>[vector<16xi32>, vector<16xi32>], vector<16xf32>,
    %broadcast_in_dim3A_684 = arith.constant 5 : i32
    %broadcast_in_dim3A_685 = vector.broadcast %broadcast_in_dim3A_684 : i32 to vector<16xi32>
    tpu.vector_store_idx %arg13[%add3A_657, %broadcast_in_dim3A_685], %sub3A_654 : memref<512x16xf32, #tpu.memory_space<vmem>>[vector<16xi32>, vector<16xi32>], vector<16xf32>,
    %get3A_686 = arith.constant 144 : index
    %get3A_687 = tpu.vector_load %arg8[%get3A_686] {strides = array<i32>} : memref<512xi32, #tpu.memory_space<vmem>>, vector<16xi32>,
    %add3A_688 = arith.constant 144 : i32
    %add3A_689 = arith.addi %mul3A_2, %add3A_688 : i32
    %add3A_690 = vector.broadcast %add3A_689 : i32 to vector<16xi32>
    %add3A_691 = arith.addi %add3A_690, %iota3A : vector<16xi32>
    %lt3A_692 = arith.constant 100000 : i32
    %lt3A_693 = vector.broadcast %lt3A_692 : i32 to vector<16xi32>
    %lt3A_694 = arith.cmpi slt, %get3A_687, %lt3A_693 : vector<16xi32>
    %sub3A_695 = arith.constant 100000 : i32
    %sub3A_696 = vector.broadcast %sub3A_695 : i32 to vector<16xi32>
    %sub3A_697 = arith.subi %get3A_687, %sub3A_696 : vector<16xi32>
    %jit3A_698 = arith.constant 0 : i32
    %jit3A_699 = arith.constant 899999 : i32
    %max3A_700 = vector.broadcast %jit3A_698 : i32 to vector<16xi32>
    %max3A_701 = arith.maxsi %max3A_700, %sub3A_697 : vector<16xi32>
    %min3A_702 = vector.broadcast %jit3A_699 : i32 to vector<16xi32>
    %min3A_703 = arith.minsi %min3A_702, %max3A_701 : vector<16xi32>
    %select_n3A_704 = arith.select %lt3A_694, %get3A_687, %add3A_691 : vector<16xi1>, vector<16xi32>
    %swap3A_705 = arith.constant 1 : i32
    %swap3A_706 = arith.index_cast %swap3A_705 : i32 to index
    %swap3A_707 = arith.constant 16 : index
    %swap3A_708 = tpu.vector_load %arg9[%swap3A_706, %swap3A_707] {strides = array<i32>} : memref<4x128xi32, #tpu.memory_space<vmem>>, vector<16xi32>,
    tpu.vector_store %arg9[%swap3A_706, %swap3A_707], %select_n3A_704 {strides = array<i32>} : memref<4x128xi32, #tpu.memory_space<vmem>>, vector<16xi32>,
    %shift_right_arithmetic3A_709 = arith.constant 13 : i32
    %shift_right_arithmetic3A_710 = vector.broadcast %shift_right_arithmetic3A_709 : i32 to vector<16xi32>
    %shift_right_arithmetic3A_711 = arith.shrsi %min3A_703, %shift_right_arithmetic3A_710 : vector<16xi32>
    %shift_left3A_712 = arith.constant 11 : i32
    %shift_left3A_713 = vector.broadcast %shift_left3A_712 : i32 to vector<16xi32>
    %shift_left3A_714 = arith.shli %shift_right_arithmetic3A_711, %shift_left3A_713 : vector<16xi32>
    %and3A_715 = arith.constant 2047 : i32
    %and3A_716 = vector.broadcast %and3A_715 : i32 to vector<16xi32>
    %and3A_717 = arith.andi %min3A_703, %and3A_716 : vector<16xi32>
    %or3A_718 = arith.ori %shift_left3A_714, %and3A_717 : vector<16xi32>
    %select_n3A_719 = arith.select %lt3A_694, %add3A_691, %or3A_718 : vector<16xi1>, vector<16xi32>
    %swap3A_720 = arith.constant 1 : i32
    %swap3A_721 = arith.index_cast %swap3A_720 : i32 to index
    %swap3A_722 = arith.constant 16 : index
    %swap3A_723 = tpu.vector_load %arg10[%swap3A_721, %swap3A_722] {strides = array<i32>} : memref<4x128xi32, #tpu.memory_space<vmem>>, vector<16xi32>,
    tpu.vector_store %arg10[%swap3A_721, %swap3A_722], %select_n3A_719 {strides = array<i32>} : memref<4x128xi32, #tpu.memory_space<vmem>>, vector<16xi32>,
    %shift_right_arithmetic3A_724 = arith.constant 11 : i32
    %shift_right_arithmetic3A_725 = vector.broadcast %shift_right_arithmetic3A_724 : i32 to vector<16xi32>
    %shift_right_arithmetic3A_726 = arith.shrsi %min3A_703, %shift_right_arithmetic3A_725 : vector<16xi32>
    %and3A_727 = arith.constant 3 : i32
    %and3A_728 = vector.broadcast %and3A_727 : i32 to vector<16xi32>
    %and3A_729 = arith.andi %shift_right_arithmetic3A_726, %and3A_728 : vector<16xi32>
    %select_n3A_730 = arith.select %lt3A_694, %broadcast_in_dim3A_5, %broadcast_in_dim3A_3 : vector<16xi1>, vector<16xf32>
    %sub3A_731 = arith.subf %broadcast_in_dim3A_5, %select_n3A_730 : vector<16xf32>
    %add3A_732 = arith.constant 144 : i32
    %add3A_733 = vector.broadcast %add3A_732 : i32 to vector<16xi32>
    %add3A_734 = arith.addi %add3A_733, %iota3A : vector<16xi32>
    %broadcast_in_dim3A_735 = arith.constant 0 : i32
    %broadcast_in_dim3A_736 = vector.broadcast %broadcast_in_dim3A_735 : i32 to vector<16xi32>
    %eq3A_737 = arith.constant 0 : i32
    %eq3A_738 = vector.broadcast %eq3A_737 : i32 to vector<16xi32>
    %eq3A_739 = arith.cmpi eq, %and3A_729, %eq3A_738 : vector<16xi32>
    %select_n3A_740 = arith.select %eq3A_739, %sub3A_731, %broadcast_in_dim3A_3 : vector<16xi1>, vector<16xf32>
    tpu.vector_store_idx %arg13[%add3A_734, %broadcast_in_dim3A_736], %select_n3A_740 : memref<512x16xf32, #tpu.memory_space<vmem>>[vector<16xi32>, vector<16xi32>], vector<16xf32>,
    %broadcast_in_dim3A_741 = arith.constant 1 : i32
    %broadcast_in_dim3A_742 = vector.broadcast %broadcast_in_dim3A_741 : i32 to vector<16xi32>
    %eq3A_743 = arith.constant 1 : i32
    %eq3A_744 = vector.broadcast %eq3A_743 : i32 to vector<16xi32>
    %eq3A_745 = arith.cmpi eq, %and3A_729, %eq3A_744 : vector<16xi32>
    %select_n3A_746 = arith.select %eq3A_745, %sub3A_731, %broadcast_in_dim3A_3 : vector<16xi1>, vector<16xf32>
    tpu.vector_store_idx %arg13[%add3A_734, %broadcast_in_dim3A_742], %select_n3A_746 : memref<512x16xf32, #tpu.memory_space<vmem>>[vector<16xi32>, vector<16xi32>], vector<16xf32>,
    %broadcast_in_dim3A_747 = arith.constant 2 : i32
    %broadcast_in_dim3A_748 = vector.broadcast %broadcast_in_dim3A_747 : i32 to vector<16xi32>
    %eq3A_749 = arith.constant 2 : i32
    %eq3A_750 = vector.broadcast %eq3A_749 : i32 to vector<16xi32>
    %eq3A_751 = arith.cmpi eq, %and3A_729, %eq3A_750 : vector<16xi32>
    %select_n3A_752 = arith.select %eq3A_751, %sub3A_731, %broadcast_in_dim3A_3 : vector<16xi1>, vector<16xf32>
    tpu.vector_store_idx %arg13[%add3A_734, %broadcast_in_dim3A_748], %select_n3A_752 : memref<512x16xf32, #tpu.memory_space<vmem>>[vector<16xi32>, vector<16xi32>], vector<16xf32>,
    %broadcast_in_dim3A_753 = arith.constant 3 : i32
    %broadcast_in_dim3A_754 = vector.broadcast %broadcast_in_dim3A_753 : i32 to vector<16xi32>
    %eq3A_755 = arith.constant 3 : i32
    %eq3A_756 = vector.broadcast %eq3A_755 : i32 to vector<16xi32>
    %eq3A_757 = arith.cmpi eq, %and3A_729, %eq3A_756 : vector<16xi32>
    %select_n3A_758 = arith.select %eq3A_757, %sub3A_731, %broadcast_in_dim3A_3 : vector<16xi1>, vector<16xf32>
    tpu.vector_store_idx %arg13[%add3A_734, %broadcast_in_dim3A_754], %select_n3A_758 : memref<512x16xf32, #tpu.memory_space<vmem>>[vector<16xi32>, vector<16xi32>], vector<16xf32>,
    %broadcast_in_dim3A_759 = arith.constant 4 : i32
    %broadcast_in_dim3A_760 = vector.broadcast %broadcast_in_dim3A_759 : i32 to vector<16xi32>
    tpu.vector_store_idx %arg13[%add3A_734, %broadcast_in_dim3A_760], %select_n3A_730 : memref<512x16xf32, #tpu.memory_space<vmem>>[vector<16xi32>, vector<16xi32>], vector<16xf32>,
    %broadcast_in_dim3A_761 = arith.constant 5 : i32
    %broadcast_in_dim3A_762 = vector.broadcast %broadcast_in_dim3A_761 : i32 to vector<16xi32>
    tpu.vector_store_idx %arg13[%add3A_734, %broadcast_in_dim3A_762], %sub3A_731 : memref<512x16xf32, #tpu.memory_space<vmem>>[vector<16xi32>, vector<16xi32>], vector<16xf32>,
    %get3A_763 = arith.constant 160 : index
    %get3A_764 = tpu.vector_load %arg8[%get3A_763] {strides = array<i32>} : memref<512xi32, #tpu.memory_space<vmem>>, vector<16xi32>,
    %add3A_765 = arith.constant 160 : i32
    %add3A_766 = arith.addi %mul3A_2, %add3A_765 : i32
    %add3A_767 = vector.broadcast %add3A_766 : i32 to vector<16xi32>
    %add3A_768 = arith.addi %add3A_767, %iota3A : vector<16xi32>
    %lt3A_769 = arith.constant 100000 : i32
    %lt3A_770 = vector.broadcast %lt3A_769 : i32 to vector<16xi32>
    %lt3A_771 = arith.cmpi slt, %get3A_764, %lt3A_770 : vector<16xi32>
    %sub3A_772 = arith.constant 100000 : i32
    %sub3A_773 = vector.broadcast %sub3A_772 : i32 to vector<16xi32>
    %sub3A_774 = arith.subi %get3A_764, %sub3A_773 : vector<16xi32>
    %jit3A_775 = arith.constant 0 : i32
    %jit3A_776 = arith.constant 899999 : i32
    %max3A_777 = vector.broadcast %jit3A_775 : i32 to vector<16xi32>
    %max3A_778 = arith.maxsi %max3A_777, %sub3A_774 : vector<16xi32>
    %min3A_779 = vector.broadcast %jit3A_776 : i32 to vector<16xi32>
    %min3A_780 = arith.minsi %min3A_779, %max3A_778 : vector<16xi32>
    %select_n3A_781 = arith.select %lt3A_771, %get3A_764, %add3A_768 : vector<16xi1>, vector<16xi32>
    %swap3A_782 = arith.constant 1 : i32
    %swap3A_783 = arith.index_cast %swap3A_782 : i32 to index
    %swap3A_784 = arith.constant 32 : index
    %swap3A_785 = tpu.vector_load %arg9[%swap3A_783, %swap3A_784] {strides = array<i32>} : memref<4x128xi32, #tpu.memory_space<vmem>>, vector<16xi32>,
    tpu.vector_store %arg9[%swap3A_783, %swap3A_784], %select_n3A_781 {strides = array<i32>} : memref<4x128xi32, #tpu.memory_space<vmem>>, vector<16xi32>,
    %shift_right_arithmetic3A_786 = arith.constant 13 : i32
    %shift_right_arithmetic3A_787 = vector.broadcast %shift_right_arithmetic3A_786 : i32 to vector<16xi32>
    %shift_right_arithmetic3A_788 = arith.shrsi %min3A_780, %shift_right_arithmetic3A_787 : vector<16xi32>
    %shift_left3A_789 = arith.constant 11 : i32
    %shift_left3A_790 = vector.broadcast %shift_left3A_789 : i32 to vector<16xi32>
    %shift_left3A_791 = arith.shli %shift_right_arithmetic3A_788, %shift_left3A_790 : vector<16xi32>
    %and3A_792 = arith.constant 2047 : i32
    %and3A_793 = vector.broadcast %and3A_792 : i32 to vector<16xi32>
    %and3A_794 = arith.andi %min3A_780, %and3A_793 : vector<16xi32>
    %or3A_795 = arith.ori %shift_left3A_791, %and3A_794 : vector<16xi32>
    %select_n3A_796 = arith.select %lt3A_771, %add3A_768, %or3A_795 : vector<16xi1>, vector<16xi32>
    %swap3A_797 = arith.constant 1 : i32
    %swap3A_798 = arith.index_cast %swap3A_797 : i32 to index
    %swap3A_799 = arith.constant 32 : index
    %swap3A_800 = tpu.vector_load %arg10[%swap3A_798, %swap3A_799] {strides = array<i32>} : memref<4x128xi32, #tpu.memory_space<vmem>>, vector<16xi32>,
    tpu.vector_store %arg10[%swap3A_798, %swap3A_799], %select_n3A_796 {strides = array<i32>} : memref<4x128xi32, #tpu.memory_space<vmem>>, vector<16xi32>,
    %shift_right_arithmetic3A_801 = arith.constant 11 : i32
    %shift_right_arithmetic3A_802 = vector.broadcast %shift_right_arithmetic3A_801 : i32 to vector<16xi32>
    %shift_right_arithmetic3A_803 = arith.shrsi %min3A_780, %shift_right_arithmetic3A_802 : vector<16xi32>
    %and3A_804 = arith.constant 3 : i32
    %and3A_805 = vector.broadcast %and3A_804 : i32 to vector<16xi32>
    %and3A_806 = arith.andi %shift_right_arithmetic3A_803, %and3A_805 : vector<16xi32>
    %select_n3A_807 = arith.select %lt3A_771, %broadcast_in_dim3A_5, %broadcast_in_dim3A_3 : vector<16xi1>, vector<16xf32>
    %sub3A_808 = arith.subf %broadcast_in_dim3A_5, %select_n3A_807 : vector<16xf32>
    %add3A_809 = arith.constant 160 : i32
    %add3A_810 = vector.broadcast %add3A_809 : i32 to vector<16xi32>
    %add3A_811 = arith.addi %add3A_810, %iota3A : vector<16xi32>
    %broadcast_in_dim3A_812 = arith.constant 0 : i32
    %broadcast_in_dim3A_813 = vector.broadcast %broadcast_in_dim3A_812 : i32 to vector<16xi32>
    %eq3A_814 = arith.constant 0 : i32
    %eq3A_815 = vector.broadcast %eq3A_814 : i32 to vector<16xi32>
    %eq3A_816 = arith.cmpi eq, %and3A_806, %eq3A_815 : vector<16xi32>
    %select_n3A_817 = arith.select %eq3A_816, %sub3A_808, %broadcast_in_dim3A_3 : vector<16xi1>, vector<16xf32>
    tpu.vector_store_idx %arg13[%add3A_811, %broadcast_in_dim3A_813], %select_n3A_817 : memref<512x16xf32, #tpu.memory_space<vmem>>[vector<16xi32>, vector<16xi32>], vector<16xf32>,
    %broadcast_in_dim3A_818 = arith.constant 1 : i32
    %broadcast_in_dim3A_819 = vector.broadcast %broadcast_in_dim3A_818 : i32 to vector<16xi32>
    %eq3A_820 = arith.constant 1 : i32
    %eq3A_821 = vector.broadcast %eq3A_820 : i32 to vector<16xi32>
    %eq3A_822 = arith.cmpi eq, %and3A_806, %eq3A_821 : vector<16xi32>
    %select_n3A_823 = arith.select %eq3A_822, %sub3A_808, %broadcast_in_dim3A_3 : vector<16xi1>, vector<16xf32>
    tpu.vector_store_idx %arg13[%add3A_811, %broadcast_in_dim3A_819], %select_n3A_823 : memref<512x16xf32, #tpu.memory_space<vmem>>[vector<16xi32>, vector<16xi32>], vector<16xf32>,
    %broadcast_in_dim3A_824 = arith.constant 2 : i32
    %broadcast_in_dim3A_825 = vector.broadcast %broadcast_in_dim3A_824 : i32 to vector<16xi32>
    %eq3A_826 = arith.constant 2 : i32
    %eq3A_827 = vector.broadcast %eq3A_826 : i32 to vector<16xi32>
    %eq3A_828 = arith.cmpi eq, %and3A_806, %eq3A_827 : vector<16xi32>
    %select_n3A_829 = arith.select %eq3A_828, %sub3A_808, %broadcast_in_dim3A_3 : vector<16xi1>, vector<16xf32>
    tpu.vector_store_idx %arg13[%add3A_811, %broadcast_in_dim3A_825], %select_n3A_829 : memref<512x16xf32, #tpu.memory_space<vmem>>[vector<16xi32>, vector<16xi32>], vector<16xf32>,
    %broadcast_in_dim3A_830 = arith.constant 3 : i32
    %broadcast_in_dim3A_831 = vector.broadcast %broadcast_in_dim3A_830 : i32 to vector<16xi32>
    %eq3A_832 = arith.constant 3 : i32
    %eq3A_833 = vector.broadcast %eq3A_832 : i32 to vector<16xi32>
    %eq3A_834 = arith.cmpi eq, %and3A_806, %eq3A_833 : vector<16xi32>
    %select_n3A_835 = arith.select %eq3A_834, %sub3A_808, %broadcast_in_dim3A_3 : vector<16xi1>, vector<16xf32>
    tpu.vector_store_idx %arg13[%add3A_811, %broadcast_in_dim3A_831], %select_n3A_835 : memref<512x16xf32, #tpu.memory_space<vmem>>[vector<16xi32>, vector<16xi32>], vector<16xf32>,
    %broadcast_in_dim3A_836 = arith.constant 4 : i32
    %broadcast_in_dim3A_837 = vector.broadcast %broadcast_in_dim3A_836 : i32 to vector<16xi32>
    tpu.vector_store_idx %arg13[%add3A_811, %broadcast_in_dim3A_837], %select_n3A_807 : memref<512x16xf32, #tpu.memory_space<vmem>>[vector<16xi32>, vector<16xi32>], vector<16xf32>,
    %broadcast_in_dim3A_838 = arith.constant 5 : i32
    %broadcast_in_dim3A_839 = vector.broadcast %broadcast_in_dim3A_838 : i32 to vector<16xi32>
    tpu.vector_store_idx %arg13[%add3A_811, %broadcast_in_dim3A_839], %sub3A_808 : memref<512x16xf32, #tpu.memory_space<vmem>>[vector<16xi32>, vector<16xi32>], vector<16xf32>,
    %get3A_840 = arith.constant 176 : index
    %get3A_841 = tpu.vector_load %arg8[%get3A_840] {strides = array<i32>} : memref<512xi32, #tpu.memory_space<vmem>>, vector<16xi32>,
    %add3A_842 = arith.constant 176 : i32
    %add3A_843 = arith.addi %mul3A_2, %add3A_842 : i32
    %add3A_844 = vector.broadcast %add3A_843 : i32 to vector<16xi32>
    %add3A_845 = arith.addi %add3A_844, %iota3A : vector<16xi32>
    %lt3A_846 = arith.constant 100000 : i32
    %lt3A_847 = vector.broadcast %lt3A_846 : i32 to vector<16xi32>
    %lt3A_848 = arith.cmpi slt, %get3A_841, %lt3A_847 : vector<16xi32>
    %sub3A_849 = arith.constant 100000 : i32
    %sub3A_850 = vector.broadcast %sub3A_849 : i32 to vector<16xi32>
    %sub3A_851 = arith.subi %get3A_841, %sub3A_850 : vector<16xi32>
    %jit3A_852 = arith.constant 0 : i32
    %jit3A_853 = arith.constant 899999 : i32
    %max3A_854 = vector.broadcast %jit3A_852 : i32 to vector<16xi32>
    %max3A_855 = arith.maxsi %max3A_854, %sub3A_851 : vector<16xi32>
    %min3A_856 = vector.broadcast %jit3A_853 : i32 to vector<16xi32>
    %min3A_857 = arith.minsi %min3A_856, %max3A_855 : vector<16xi32>
    %select_n3A_858 = arith.select %lt3A_848, %get3A_841, %add3A_845 : vector<16xi1>, vector<16xi32>
    %swap3A_859 = arith.constant 1 : i32
    %swap3A_860 = arith.index_cast %swap3A_859 : i32 to index
    %swap3A_861 = arith.constant 48 : index
    %swap3A_862 = tpu.vector_load %arg9[%swap3A_860, %swap3A_861] {strides = array<i32>} : memref<4x128xi32, #tpu.memory_space<vmem>>, vector<16xi32>,
    tpu.vector_store %arg9[%swap3A_860, %swap3A_861], %select_n3A_858 {strides = array<i32>} : memref<4x128xi32, #tpu.memory_space<vmem>>, vector<16xi32>,
    %shift_right_arithmetic3A_863 = arith.constant 13 : i32
    %shift_right_arithmetic3A_864 = vector.broadcast %shift_right_arithmetic3A_863 : i32 to vector<16xi32>
    %shift_right_arithmetic3A_865 = arith.shrsi %min3A_857, %shift_right_arithmetic3A_864 : vector<16xi32>
    %shift_left3A_866 = arith.constant 11 : i32
    %shift_left3A_867 = vector.broadcast %shift_left3A_866 : i32 to vector<16xi32>
    %shift_left3A_868 = arith.shli %shift_right_arithmetic3A_865, %shift_left3A_867 : vector<16xi32>
    %and3A_869 = arith.constant 2047 : i32
    %and3A_870 = vector.broadcast %and3A_869 : i32 to vector<16xi32>
    %and3A_871 = arith.andi %min3A_857, %and3A_870 : vector<16xi32>
    %or3A_872 = arith.ori %shift_left3A_868, %and3A_871 : vector<16xi32>
    %select_n3A_873 = arith.select %lt3A_848, %add3A_845, %or3A_872 : vector<16xi1>, vector<16xi32>
    %swap3A_874 = arith.constant 1 : i32
    %swap3A_875 = arith.index_cast %swap3A_874 : i32 to index
    %swap3A_876 = arith.constant 48 : index
    %swap3A_877 = tpu.vector_load %arg10[%swap3A_875, %swap3A_876] {strides = array<i32>} : memref<4x128xi32, #tpu.memory_space<vmem>>, vector<16xi32>,
    tpu.vector_store %arg10[%swap3A_875, %swap3A_876], %select_n3A_873 {strides = array<i32>} : memref<4x128xi32, #tpu.memory_space<vmem>>, vector<16xi32>,
    %shift_right_arithmetic3A_878 = arith.constant 11 : i32
    %shift_right_arithmetic3A_879 = vector.broadcast %shift_right_arithmetic3A_878 : i32 to vector<16xi32>
    %shift_right_arithmetic3A_880 = arith.shrsi %min3A_857, %shift_right_arithmetic3A_879 : vector<16xi32>
    %and3A_881 = arith.constant 3 : i32
    %and3A_882 = vector.broadcast %and3A_881 : i32 to vector<16xi32>
    %and3A_883 = arith.andi %shift_right_arithmetic3A_880, %and3A_882 : vector<16xi32>
    %select_n3A_884 = arith.select %lt3A_848, %broadcast_in_dim3A_5, %broadcast_in_dim3A_3 : vector<16xi1>, vector<16xf32>
    %sub3A_885 = arith.subf %broadcast_in_dim3A_5, %select_n3A_884 : vector<16xf32>
    %add3A_886 = arith.constant 176 : i32
    %add3A_887 = vector.broadcast %add3A_886 : i32 to vector<16xi32>
    %add3A_888 = arith.addi %add3A_887, %iota3A : vector<16xi32>
    %broadcast_in_dim3A_889 = arith.constant 0 : i32
    %broadcast_in_dim3A_890 = vector.broadcast %broadcast_in_dim3A_889 : i32 to vector<16xi32>
    %eq3A_891 = arith.constant 0 : i32
    %eq3A_892 = vector.broadcast %eq3A_891 : i32 to vector<16xi32>
    %eq3A_893 = arith.cmpi eq, %and3A_883, %eq3A_892 : vector<16xi32>
    %select_n3A_894 = arith.select %eq3A_893, %sub3A_885, %broadcast_in_dim3A_3 : vector<16xi1>, vector<16xf32>
    tpu.vector_store_idx %arg13[%add3A_888, %broadcast_in_dim3A_890], %select_n3A_894 : memref<512x16xf32, #tpu.memory_space<vmem>>[vector<16xi32>, vector<16xi32>], vector<16xf32>,
    %broadcast_in_dim3A_895 = arith.constant 1 : i32
    %broadcast_in_dim3A_896 = vector.broadcast %broadcast_in_dim3A_895 : i32 to vector<16xi32>
    %eq3A_897 = arith.constant 1 : i32
    %eq3A_898 = vector.broadcast %eq3A_897 : i32 to vector<16xi32>
    %eq3A_899 = arith.cmpi eq, %and3A_883, %eq3A_898 : vector<16xi32>
    %select_n3A_900 = arith.select %eq3A_899, %sub3A_885, %broadcast_in_dim3A_3 : vector<16xi1>, vector<16xf32>
    tpu.vector_store_idx %arg13[%add3A_888, %broadcast_in_dim3A_896], %select_n3A_900 : memref<512x16xf32, #tpu.memory_space<vmem>>[vector<16xi32>, vector<16xi32>], vector<16xf32>,
    %broadcast_in_dim3A_901 = arith.constant 2 : i32
    %broadcast_in_dim3A_902 = vector.broadcast %broadcast_in_dim3A_901 : i32 to vector<16xi32>
    %eq3A_903 = arith.constant 2 : i32
    %eq3A_904 = vector.broadcast %eq3A_903 : i32 to vector<16xi32>
    %eq3A_905 = arith.cmpi eq, %and3A_883, %eq3A_904 : vector<16xi32>
    %select_n3A_906 = arith.select %eq3A_905, %sub3A_885, %broadcast_in_dim3A_3 : vector<16xi1>, vector<16xf32>
    tpu.vector_store_idx %arg13[%add3A_888, %broadcast_in_dim3A_902], %select_n3A_906 : memref<512x16xf32, #tpu.memory_space<vmem>>[vector<16xi32>, vector<16xi32>], vector<16xf32>,
    %broadcast_in_dim3A_907 = arith.constant 3 : i32
    %broadcast_in_dim3A_908 = vector.broadcast %broadcast_in_dim3A_907 : i32 to vector<16xi32>
    %eq3A_909 = arith.constant 3 : i32
    %eq3A_910 = vector.broadcast %eq3A_909 : i32 to vector<16xi32>
    %eq3A_911 = arith.cmpi eq, %and3A_883, %eq3A_910 : vector<16xi32>
    %select_n3A_912 = arith.select %eq3A_911, %sub3A_885, %broadcast_in_dim3A_3 : vector<16xi1>, vector<16xf32>
    tpu.vector_store_idx %arg13[%add3A_888, %broadcast_in_dim3A_908], %select_n3A_912 : memref<512x16xf32, #tpu.memory_space<vmem>>[vector<16xi32>, vector<16xi32>], vector<16xf32>,
    %broadcast_in_dim3A_913 = arith.constant 4 : i32
    %broadcast_in_dim3A_914 = vector.broadcast %broadcast_in_dim3A_913 : i32 to vector<16xi32>
    tpu.vector_store_idx %arg13[%add3A_888, %broadcast_in_dim3A_914], %select_n3A_884 : memref<512x16xf32, #tpu.memory_space<vmem>>[vector<16xi32>, vector<16xi32>], vector<16xf32>,
    %broadcast_in_dim3A_915 = arith.constant 5 : i32
    %broadcast_in_dim3A_916 = vector.broadcast %broadcast_in_dim3A_915 : i32 to vector<16xi32>
    tpu.vector_store_idx %arg13[%add3A_888, %broadcast_in_dim3A_916], %sub3A_885 : memref<512x16xf32, #tpu.memory_space<vmem>>[vector<16xi32>, vector<16xi32>], vector<16xf32>,
    %get3A_917 = arith.constant 192 : index
    %get3A_918 = tpu.vector_load %arg8[%get3A_917] {strides = array<i32>} : memref<512xi32, #tpu.memory_space<vmem>>, vector<16xi32>,
    %add3A_919 = arith.constant 192 : i32
    %add3A_920 = arith.addi %mul3A_2, %add3A_919 : i32
    %add3A_921 = vector.broadcast %add3A_920 : i32 to vector<16xi32>
    %add3A_922 = arith.addi %add3A_921, %iota3A : vector<16xi32>
    %lt3A_923 = arith.constant 100000 : i32
    %lt3A_924 = vector.broadcast %lt3A_923 : i32 to vector<16xi32>
    %lt3A_925 = arith.cmpi slt, %get3A_918, %lt3A_924 : vector<16xi32>
    %sub3A_926 = arith.constant 100000 : i32
    %sub3A_927 = vector.broadcast %sub3A_926 : i32 to vector<16xi32>
    %sub3A_928 = arith.subi %get3A_918, %sub3A_927 : vector<16xi32>
    %jit3A_929 = arith.constant 0 : i32
    %jit3A_930 = arith.constant 899999 : i32
    %max3A_931 = vector.broadcast %jit3A_929 : i32 to vector<16xi32>
    %max3A_932 = arith.maxsi %max3A_931, %sub3A_928 : vector<16xi32>
    %min3A_933 = vector.broadcast %jit3A_930 : i32 to vector<16xi32>
    %min3A_934 = arith.minsi %min3A_933, %max3A_932 : vector<16xi32>
    %select_n3A_935 = arith.select %lt3A_925, %get3A_918, %add3A_922 : vector<16xi1>, vector<16xi32>
    %swap3A_936 = arith.constant 1 : i32
    %swap3A_937 = arith.index_cast %swap3A_936 : i32 to index
    %swap3A_938 = arith.constant 64 : index
    %swap3A_939 = tpu.vector_load %arg9[%swap3A_937, %swap3A_938] {strides = array<i32>} : memref<4x128xi32, #tpu.memory_space<vmem>>, vector<16xi32>,
    tpu.vector_store %arg9[%swap3A_937, %swap3A_938], %select_n3A_935 {strides = array<i32>} : memref<4x128xi32, #tpu.memory_space<vmem>>, vector<16xi32>,
    %shift_right_arithmetic3A_940 = arith.constant 13 : i32
    %shift_right_arithmetic3A_941 = vector.broadcast %shift_right_arithmetic3A_940 : i32 to vector<16xi32>
    %shift_right_arithmetic3A_942 = arith.shrsi %min3A_934, %shift_right_arithmetic3A_941 : vector<16xi32>
    %shift_left3A_943 = arith.constant 11 : i32
    %shift_left3A_944 = vector.broadcast %shift_left3A_943 : i32 to vector<16xi32>
    %shift_left3A_945 = arith.shli %shift_right_arithmetic3A_942, %shift_left3A_944 : vector<16xi32>
    %and3A_946 = arith.constant 2047 : i32
    %and3A_947 = vector.broadcast %and3A_946 : i32 to vector<16xi32>
    %and3A_948 = arith.andi %min3A_934, %and3A_947 : vector<16xi32>
    %or3A_949 = arith.ori %shift_left3A_945, %and3A_948 : vector<16xi32>
    %select_n3A_950 = arith.select %lt3A_925, %add3A_922, %or3A_949 : vector<16xi1>, vector<16xi32>
    %swap3A_951 = arith.constant 1 : i32
    %swap3A_952 = arith.index_cast %swap3A_951 : i32 to index
    %swap3A_953 = arith.constant 64 : index
    %swap3A_954 = tpu.vector_load %arg10[%swap3A_952, %swap3A_953] {strides = array<i32>} : memref<4x128xi32, #tpu.memory_space<vmem>>, vector<16xi32>,
    tpu.vector_store %arg10[%swap3A_952, %swap3A_953], %select_n3A_950 {strides = array<i32>} : memref<4x128xi32, #tpu.memory_space<vmem>>, vector<16xi32>,
    %shift_right_arithmetic3A_955 = arith.constant 11 : i32
    %shift_right_arithmetic3A_956 = vector.broadcast %shift_right_arithmetic3A_955 : i32 to vector<16xi32>
    %shift_right_arithmetic3A_957 = arith.shrsi %min3A_934, %shift_right_arithmetic3A_956 : vector<16xi32>
    %and3A_958 = arith.constant 3 : i32
    %and3A_959 = vector.broadcast %and3A_958 : i32 to vector<16xi32>
    %and3A_960 = arith.andi %shift_right_arithmetic3A_957, %and3A_959 : vector<16xi32>
    %select_n3A_961 = arith.select %lt3A_925, %broadcast_in_dim3A_5, %broadcast_in_dim3A_3 : vector<16xi1>, vector<16xf32>
    %sub3A_962 = arith.subf %broadcast_in_dim3A_5, %select_n3A_961 : vector<16xf32>
    %add3A_963 = arith.constant 192 : i32
    %add3A_964 = vector.broadcast %add3A_963 : i32 to vector<16xi32>
    %add3A_965 = arith.addi %add3A_964, %iota3A : vector<16xi32>
    %broadcast_in_dim3A_966 = arith.constant 0 : i32
    %broadcast_in_dim3A_967 = vector.broadcast %broadcast_in_dim3A_966 : i32 to vector<16xi32>
    %eq3A_968 = arith.constant 0 : i32
    %eq3A_969 = vector.broadcast %eq3A_968 : i32 to vector<16xi32>
    %eq3A_970 = arith.cmpi eq, %and3A_960, %eq3A_969 : vector<16xi32>
    %select_n3A_971 = arith.select %eq3A_970, %sub3A_962, %broadcast_in_dim3A_3 : vector<16xi1>, vector<16xf32>
    tpu.vector_store_idx %arg13[%add3A_965, %broadcast_in_dim3A_967], %select_n3A_971 : memref<512x16xf32, #tpu.memory_space<vmem>>[vector<16xi32>, vector<16xi32>], vector<16xf32>,
    %broadcast_in_dim3A_972 = arith.constant 1 : i32
    %broadcast_in_dim3A_973 = vector.broadcast %broadcast_in_dim3A_972 : i32 to vector<16xi32>
    %eq3A_974 = arith.constant 1 : i32
    %eq3A_975 = vector.broadcast %eq3A_974 : i32 to vector<16xi32>
    %eq3A_976 = arith.cmpi eq, %and3A_960, %eq3A_975 : vector<16xi32>
    %select_n3A_977 = arith.select %eq3A_976, %sub3A_962, %broadcast_in_dim3A_3 : vector<16xi1>, vector<16xf32>
    tpu.vector_store_idx %arg13[%add3A_965, %broadcast_in_dim3A_973], %select_n3A_977 : memref<512x16xf32, #tpu.memory_space<vmem>>[vector<16xi32>, vector<16xi32>], vector<16xf32>,
    %broadcast_in_dim3A_978 = arith.constant 2 : i32
    %broadcast_in_dim3A_979 = vector.broadcast %broadcast_in_dim3A_978 : i32 to vector<16xi32>
    %eq3A_980 = arith.constant 2 : i32
    %eq3A_981 = vector.broadcast %eq3A_980 : i32 to vector<16xi32>
    %eq3A_982 = arith.cmpi eq, %and3A_960, %eq3A_981 : vector<16xi32>
    %select_n3A_983 = arith.select %eq3A_982, %sub3A_962, %broadcast_in_dim3A_3 : vector<16xi1>, vector<16xf32>
    tpu.vector_store_idx %arg13[%add3A_965, %broadcast_in_dim3A_979], %select_n3A_983 : memref<512x16xf32, #tpu.memory_space<vmem>>[vector<16xi32>, vector<16xi32>], vector<16xf32>,
    %broadcast_in_dim3A_984 = arith.constant 3 : i32
    %broadcast_in_dim3A_985 = vector.broadcast %broadcast_in_dim3A_984 : i32 to vector<16xi32>
    %eq3A_986 = arith.constant 3 : i32
    %eq3A_987 = vector.broadcast %eq3A_986 : i32 to vector<16xi32>
    %eq3A_988 = arith.cmpi eq, %and3A_960, %eq3A_987 : vector<16xi32>
    %select_n3A_989 = arith.select %eq3A_988, %sub3A_962, %broadcast_in_dim3A_3 : vector<16xi1>, vector<16xf32>
    tpu.vector_store_idx %arg13[%add3A_965, %broadcast_in_dim3A_985], %select_n3A_989 : memref<512x16xf32, #tpu.memory_space<vmem>>[vector<16xi32>, vector<16xi32>], vector<16xf32>,
    %broadcast_in_dim3A_990 = arith.constant 4 : i32
    %broadcast_in_dim3A_991 = vector.broadcast %broadcast_in_dim3A_990 : i32 to vector<16xi32>
    tpu.vector_store_idx %arg13[%add3A_965, %broadcast_in_dim3A_991], %select_n3A_961 : memref<512x16xf32, #tpu.memory_space<vmem>>[vector<16xi32>, vector<16xi32>], vector<16xf32>,
    %broadcast_in_dim3A_992 = arith.constant 5 : i32
    %broadcast_in_dim3A_993 = vector.broadcast %broadcast_in_dim3A_992 : i32 to vector<16xi32>
    tpu.vector_store_idx %arg13[%add3A_965, %broadcast_in_dim3A_993], %sub3A_962 : memref<512x16xf32, #tpu.memory_space<vmem>>[vector<16xi32>, vector<16xi32>], vector<16xf32>,
    %get3A_994 = arith.constant 208 : index
    %get3A_995 = tpu.vector_load %arg8[%get3A_994] {strides = array<i32>} : memref<512xi32, #tpu.memory_space<vmem>>, vector<16xi32>,
    %add3A_996 = arith.constant 208 : i32
    %add3A_997 = arith.addi %mul3A_2, %add3A_996 : i32
    %add3A_998 = vector.broadcast %add3A_997 : i32 to vector<16xi32>
    %add3A_999 = arith.addi %add3A_998, %iota3A : vector<16xi32>
    %lt3A_1000 = arith.constant 100000 : i32
    %lt3A_1001 = vector.broadcast %lt3A_1000 : i32 to vector<16xi32>
    %lt3A_1002 = arith.cmpi slt, %get3A_995, %lt3A_1001 : vector<16xi32>
    %sub3A_1003 = arith.constant 100000 : i32
    %sub3A_1004 = vector.broadcast %sub3A_1003 : i32 to vector<16xi32>
    %sub3A_1005 = arith.subi %get3A_995, %sub3A_1004 : vector<16xi32>
    %jit3A_1006 = arith.constant 0 : i32
    %jit3A_1007 = arith.constant 899999 : i32
    %max3A_1008 = vector.broadcast %jit3A_1006 : i32 to vector<16xi32>
    %max3A_1009 = arith.maxsi %max3A_1008, %sub3A_1005 : vector<16xi32>
    %min3A_1010 = vector.broadcast %jit3A_1007 : i32 to vector<16xi32>
    %min3A_1011 = arith.minsi %min3A_1010, %max3A_1009 : vector<16xi32>
    %select_n3A_1012 = arith.select %lt3A_1002, %get3A_995, %add3A_999 : vector<16xi1>, vector<16xi32>
    %swap3A_1013 = arith.constant 1 : i32
    %swap3A_1014 = arith.index_cast %swap3A_1013 : i32 to index
    %swap3A_1015 = arith.constant 80 : index
    %swap3A_1016 = tpu.vector_load %arg9[%swap3A_1014, %swap3A_1015] {strides = array<i32>} : memref<4x128xi32, #tpu.memory_space<vmem>>, vector<16xi32>,
    tpu.vector_store %arg9[%swap3A_1014, %swap3A_1015], %select_n3A_1012 {strides = array<i32>} : memref<4x128xi32, #tpu.memory_space<vmem>>, vector<16xi32>,
    %shift_right_arithmetic3A_1017 = arith.constant 13 : i32
    %shift_right_arithmetic3A_1018 = vector.broadcast %shift_right_arithmetic3A_1017 : i32 to vector<16xi32>
    %shift_right_arithmetic3A_1019 = arith.shrsi %min3A_1011, %shift_right_arithmetic3A_1018 : vector<16xi32>
    %shift_left3A_1020 = arith.constant 11 : i32
    %shift_left3A_1021 = vector.broadcast %shift_left3A_1020 : i32 to vector<16xi32>
    %shift_left3A_1022 = arith.shli %shift_right_arithmetic3A_1019, %shift_left3A_1021 : vector<16xi32>
    %and3A_1023 = arith.constant 2047 : i32
    %and3A_1024 = vector.broadcast %and3A_1023 : i32 to vector<16xi32>
    %and3A_1025 = arith.andi %min3A_1011, %and3A_1024 : vector<16xi32>
    %or3A_1026 = arith.ori %shift_left3A_1022, %and3A_1025 : vector<16xi32>
    %select_n3A_1027 = arith.select %lt3A_1002, %add3A_999, %or3A_1026 : vector<16xi1>, vector<16xi32>
    %swap3A_1028 = arith.constant 1 : i32
    %swap3A_1029 = arith.index_cast %swap3A_1028 : i32 to index
    %swap3A_1030 = arith.constant 80 : index
    %swap3A_1031 = tpu.vector_load %arg10[%swap3A_1029, %swap3A_1030] {strides = array<i32>} : memref<4x128xi32, #tpu.memory_space<vmem>>, vector<16xi32>,
    tpu.vector_store %arg10[%swap3A_1029, %swap3A_1030], %select_n3A_1027 {strides = array<i32>} : memref<4x128xi32, #tpu.memory_space<vmem>>, vector<16xi32>,
    %shift_right_arithmetic3A_1032 = arith.constant 11 : i32
    %shift_right_arithmetic3A_1033 = vector.broadcast %shift_right_arithmetic3A_1032 : i32 to vector<16xi32>
    %shift_right_arithmetic3A_1034 = arith.shrsi %min3A_1011, %shift_right_arithmetic3A_1033 : vector<16xi32>
    %and3A_1035 = arith.constant 3 : i32
    %and3A_1036 = vector.broadcast %and3A_1035 : i32 to vector<16xi32>
    %and3A_1037 = arith.andi %shift_right_arithmetic3A_1034, %and3A_1036 : vector<16xi32>
    %select_n3A_1038 = arith.select %lt3A_1002, %broadcast_in_dim3A_5, %broadcast_in_dim3A_3 : vector<16xi1>, vector<16xf32>
    %sub3A_1039 = arith.subf %broadcast_in_dim3A_5, %select_n3A_1038 : vector<16xf32>
    %add3A_1040 = arith.constant 208 : i32
    %add3A_1041 = vector.broadcast %add3A_1040 : i32 to vector<16xi32>
    %add3A_1042 = arith.addi %add3A_1041, %iota3A : vector<16xi32>
    %broadcast_in_dim3A_1043 = arith.constant 0 : i32
    %broadcast_in_dim3A_1044 = vector.broadcast %broadcast_in_dim3A_1043 : i32 to vector<16xi32>
    %eq3A_1045 = arith.constant 0 : i32
    %eq3A_1046 = vector.broadcast %eq3A_1045 : i32 to vector<16xi32>
    %eq3A_1047 = arith.cmpi eq, %and3A_1037, %eq3A_1046 : vector<16xi32>
    %select_n3A_1048 = arith.select %eq3A_1047, %sub3A_1039, %broadcast_in_dim3A_3 : vector<16xi1>, vector<16xf32>
    tpu.vector_store_idx %arg13[%add3A_1042, %broadcast_in_dim3A_1044], %select_n3A_1048 : memref<512x16xf32, #tpu.memory_space<vmem>>[vector<16xi32>, vector<16xi32>], vector<16xf32>,
    %broadcast_in_dim3A_1049 = arith.constant 1 : i32
    %broadcast_in_dim3A_1050 = vector.broadcast %broadcast_in_dim3A_1049 : i32 to vector<16xi32>
    %eq3A_1051 = arith.constant 1 : i32
    %eq3A_1052 = vector.broadcast %eq3A_1051 : i32 to vector<16xi32>
    %eq3A_1053 = arith.cmpi eq, %and3A_1037, %eq3A_1052 : vector<16xi32>
    %select_n3A_1054 = arith.select %eq3A_1053, %sub3A_1039, %broadcast_in_dim3A_3 : vector<16xi1>, vector<16xf32>
    tpu.vector_store_idx %arg13[%add3A_1042, %broadcast_in_dim3A_1050], %select_n3A_1054 : memref<512x16xf32, #tpu.memory_space<vmem>>[vector<16xi32>, vector<16xi32>], vector<16xf32>,
    %broadcast_in_dim3A_1055 = arith.constant 2 : i32
    %broadcast_in_dim3A_1056 = vector.broadcast %broadcast_in_dim3A_1055 : i32 to vector<16xi32>
    %eq3A_1057 = arith.constant 2 : i32
    %eq3A_1058 = vector.broadcast %eq3A_1057 : i32 to vector<16xi32>
    %eq3A_1059 = arith.cmpi eq, %and3A_1037, %eq3A_1058 : vector<16xi32>
    %select_n3A_1060 = arith.select %eq3A_1059, %sub3A_1039, %broadcast_in_dim3A_3 : vector<16xi1>, vector<16xf32>
    tpu.vector_store_idx %arg13[%add3A_1042, %broadcast_in_dim3A_1056], %select_n3A_1060 : memref<512x16xf32, #tpu.memory_space<vmem>>[vector<16xi32>, vector<16xi32>], vector<16xf32>,
    %broadcast_in_dim3A_1061 = arith.constant 3 : i32
    %broadcast_in_dim3A_1062 = vector.broadcast %broadcast_in_dim3A_1061 : i32 to vector<16xi32>
    %eq3A_1063 = arith.constant 3 : i32
    %eq3A_1064 = vector.broadcast %eq3A_1063 : i32 to vector<16xi32>
    %eq3A_1065 = arith.cmpi eq, %and3A_1037, %eq3A_1064 : vector<16xi32>
    %select_n3A_1066 = arith.select %eq3A_1065, %sub3A_1039, %broadcast_in_dim3A_3 : vector<16xi1>, vector<16xf32>
    tpu.vector_store_idx %arg13[%add3A_1042, %broadcast_in_dim3A_1062], %select_n3A_1066 : memref<512x16xf32, #tpu.memory_space<vmem>>[vector<16xi32>, vector<16xi32>], vector<16xf32>,
    %broadcast_in_dim3A_1067 = arith.constant 4 : i32
    %broadcast_in_dim3A_1068 = vector.broadcast %broadcast_in_dim3A_1067 : i32 to vector<16xi32>
    tpu.vector_store_idx %arg13[%add3A_1042, %broadcast_in_dim3A_1068], %select_n3A_1038 : memref<512x16xf32, #tpu.memory_space<vmem>>[vector<16xi32>, vector<16xi32>], vector<16xf32>,
    %broadcast_in_dim3A_1069 = arith.constant 5 : i32
    %broadcast_in_dim3A_1070 = vector.broadcast %broadcast_in_dim3A_1069 : i32 to vector<16xi32>
    tpu.vector_store_idx %arg13[%add3A_1042, %broadcast_in_dim3A_1070], %sub3A_1039 : memref<512x16xf32, #tpu.memory_space<vmem>>[vector<16xi32>, vector<16xi32>], vector<16xf32>,
    %get3A_1071 = arith.constant 224 : index
    %get3A_1072 = tpu.vector_load %arg8[%get3A_1071] {strides = array<i32>} : memref<512xi32, #tpu.memory_space<vmem>>, vector<16xi32>,
    %add3A_1073 = arith.constant 224 : i32
    %add3A_1074 = arith.addi %mul3A_2, %add3A_1073 : i32
    %add3A_1075 = vector.broadcast %add3A_1074 : i32 to vector<16xi32>
    %add3A_1076 = arith.addi %add3A_1075, %iota3A : vector<16xi32>
    %lt3A_1077 = arith.constant 100000 : i32
    %lt3A_1078 = vector.broadcast %lt3A_1077 : i32 to vector<16xi32>
    %lt3A_1079 = arith.cmpi slt, %get3A_1072, %lt3A_1078 : vector<16xi32>
    %sub3A_1080 = arith.constant 100000 : i32
    %sub3A_1081 = vector.broadcast %sub3A_1080 : i32 to vector<16xi32>
    %sub3A_1082 = arith.subi %get3A_1072, %sub3A_1081 : vector<16xi32>
    %jit3A_1083 = arith.constant 0 : i32
    %jit3A_1084 = arith.constant 899999 : i32
    %max3A_1085 = vector.broadcast %jit3A_1083 : i32 to vector<16xi32>
    %max3A_1086 = arith.maxsi %max3A_1085, %sub3A_1082 : vector<16xi32>
    %min3A_1087 = vector.broadcast %jit3A_1084 : i32 to vector<16xi32>
    %min3A_1088 = arith.minsi %min3A_1087, %max3A_1086 : vector<16xi32>
    %select_n3A_1089 = arith.select %lt3A_1079, %get3A_1072, %add3A_1076 : vector<16xi1>, vector<16xi32>
    %swap3A_1090 = arith.constant 1 : i32
    %swap3A_1091 = arith.index_cast %swap3A_1090 : i32 to index
    %swap3A_1092 = arith.constant 96 : index
    %swap3A_1093 = tpu.vector_load %arg9[%swap3A_1091, %swap3A_1092] {strides = array<i32>} : memref<4x128xi32, #tpu.memory_space<vmem>>, vector<16xi32>,
    tpu.vector_store %arg9[%swap3A_1091, %swap3A_1092], %select_n3A_1089 {strides = array<i32>} : memref<4x128xi32, #tpu.memory_space<vmem>>, vector<16xi32>,
    %shift_right_arithmetic3A_1094 = arith.constant 13 : i32
    %shift_right_arithmetic3A_1095 = vector.broadcast %shift_right_arithmetic3A_1094 : i32 to vector<16xi32>
    %shift_right_arithmetic3A_1096 = arith.shrsi %min3A_1088, %shift_right_arithmetic3A_1095 : vector<16xi32>
    %shift_left3A_1097 = arith.constant 11 : i32
    %shift_left3A_1098 = vector.broadcast %shift_left3A_1097 : i32 to vector<16xi32>
    %shift_left3A_1099 = arith.shli %shift_right_arithmetic3A_1096, %shift_left3A_1098 : vector<16xi32>
    %and3A_1100 = arith.constant 2047 : i32
    %and3A_1101 = vector.broadcast %and3A_1100 : i32 to vector<16xi32>
    %and3A_1102 = arith.andi %min3A_1088, %and3A_1101 : vector<16xi32>
    %or3A_1103 = arith.ori %shift_left3A_1099, %and3A_1102 : vector<16xi32>
    %select_n3A_1104 = arith.select %lt3A_1079, %add3A_1076, %or3A_1103 : vector<16xi1>, vector<16xi32>
    %swap3A_1105 = arith.constant 1 : i32
    %swap3A_1106 = arith.index_cast %swap3A_1105 : i32 to index
    %swap3A_1107 = arith.constant 96 : index
    %swap3A_1108 = tpu.vector_load %arg10[%swap3A_1106, %swap3A_1107] {strides = array<i32>} : memref<4x128xi32, #tpu.memory_space<vmem>>, vector<16xi32>,
    tpu.vector_store %arg10[%swap3A_1106, %swap3A_1107], %select_n3A_1104 {strides = array<i32>} : memref<4x128xi32, #tpu.memory_space<vmem>>, vector<16xi32>,
    %shift_right_arithmetic3A_1109 = arith.constant 11 : i32
    %shift_right_arithmetic3A_1110 = vector.broadcast %shift_right_arithmetic3A_1109 : i32 to vector<16xi32>
    %shift_right_arithmetic3A_1111 = arith.shrsi %min3A_1088, %shift_right_arithmetic3A_1110 : vector<16xi32>
    %and3A_1112 = arith.constant 3 : i32
    %and3A_1113 = vector.broadcast %and3A_1112 : i32 to vector<16xi32>
    %and3A_1114 = arith.andi %shift_right_arithmetic3A_1111, %and3A_1113 : vector<16xi32>
    %select_n3A_1115 = arith.select %lt3A_1079, %broadcast_in_dim3A_5, %broadcast_in_dim3A_3 : vector<16xi1>, vector<16xf32>
    %sub3A_1116 = arith.subf %broadcast_in_dim3A_5, %select_n3A_1115 : vector<16xf32>
    %add3A_1117 = arith.constant 224 : i32
    %add3A_1118 = vector.broadcast %add3A_1117 : i32 to vector<16xi32>
    %add3A_1119 = arith.addi %add3A_1118, %iota3A : vector<16xi32>
    %broadcast_in_dim3A_1120 = arith.constant 0 : i32
    %broadcast_in_dim3A_1121 = vector.broadcast %broadcast_in_dim3A_1120 : i32 to vector<16xi32>
    %eq3A_1122 = arith.constant 0 : i32
    %eq3A_1123 = vector.broadcast %eq3A_1122 : i32 to vector<16xi32>
    %eq3A_1124 = arith.cmpi eq, %and3A_1114, %eq3A_1123 : vector<16xi32>
    %select_n3A_1125 = arith.select %eq3A_1124, %sub3A_1116, %broadcast_in_dim3A_3 : vector<16xi1>, vector<16xf32>
    tpu.vector_store_idx %arg13[%add3A_1119, %broadcast_in_dim3A_1121], %select_n3A_1125 : memref<512x16xf32, #tpu.memory_space<vmem>>[vector<16xi32>, vector<16xi32>], vector<16xf32>,
    %broadcast_in_dim3A_1126 = arith.constant 1 : i32
    %broadcast_in_dim3A_1127 = vector.broadcast %broadcast_in_dim3A_1126 : i32 to vector<16xi32>
    %eq3A_1128 = arith.constant 1 : i32
    %eq3A_1129 = vector.broadcast %eq3A_1128 : i32 to vector<16xi32>
    %eq3A_1130 = arith.cmpi eq, %and3A_1114, %eq3A_1129 : vector<16xi32>
    %select_n3A_1131 = arith.select %eq3A_1130, %sub3A_1116, %broadcast_in_dim3A_3 : vector<16xi1>, vector<16xf32>
    tpu.vector_store_idx %arg13[%add3A_1119, %broadcast_in_dim3A_1127], %select_n3A_1131 : memref<512x16xf32, #tpu.memory_space<vmem>>[vector<16xi32>, vector<16xi32>], vector<16xf32>,
    %broadcast_in_dim3A_1132 = arith.constant 2 : i32
    %broadcast_in_dim3A_1133 = vector.broadcast %broadcast_in_dim3A_1132 : i32 to vector<16xi32>
    %eq3A_1134 = arith.constant 2 : i32
    %eq3A_1135 = vector.broadcast %eq3A_1134 : i32 to vector<16xi32>
    %eq3A_1136 = arith.cmpi eq, %and3A_1114, %eq3A_1135 : vector<16xi32>
    %select_n3A_1137 = arith.select %eq3A_1136, %sub3A_1116, %broadcast_in_dim3A_3 : vector<16xi1>, vector<16xf32>
    tpu.vector_store_idx %arg13[%add3A_1119, %broadcast_in_dim3A_1133], %select_n3A_1137 : memref<512x16xf32, #tpu.memory_space<vmem>>[vector<16xi32>, vector<16xi32>], vector<16xf32>,
    %broadcast_in_dim3A_1138 = arith.constant 3 : i32
    %broadcast_in_dim3A_1139 = vector.broadcast %broadcast_in_dim3A_1138 : i32 to vector<16xi32>
    %eq3A_1140 = arith.constant 3 : i32
    %eq3A_1141 = vector.broadcast %eq3A_1140 : i32 to vector<16xi32>
    %eq3A_1142 = arith.cmpi eq, %and3A_1114, %eq3A_1141 : vector<16xi32>
    %select_n3A_1143 = arith.select %eq3A_1142, %sub3A_1116, %broadcast_in_dim3A_3 : vector<16xi1>, vector<16xf32>
    tpu.vector_store_idx %arg13[%add3A_1119, %broadcast_in_dim3A_1139], %select_n3A_1143 : memref<512x16xf32, #tpu.memory_space<vmem>>[vector<16xi32>, vector<16xi32>], vector<16xf32>,
    %broadcast_in_dim3A_1144 = arith.constant 4 : i32
    %broadcast_in_dim3A_1145 = vector.broadcast %broadcast_in_dim3A_1144 : i32 to vector<16xi32>
    tpu.vector_store_idx %arg13[%add3A_1119, %broadcast_in_dim3A_1145], %select_n3A_1115 : memref<512x16xf32, #tpu.memory_space<vmem>>[vector<16xi32>, vector<16xi32>], vector<16xf32>,
    %broadcast_in_dim3A_1146 = arith.constant 5 : i32
    %broadcast_in_dim3A_1147 = vector.broadcast %broadcast_in_dim3A_1146 : i32 to vector<16xi32>
    tpu.vector_store_idx %arg13[%add3A_1119, %broadcast_in_dim3A_1147], %sub3A_1116 : memref<512x16xf32, #tpu.memory_space<vmem>>[vector<16xi32>, vector<16xi32>], vector<16xf32>,
    %get3A_1148 = arith.constant 240 : index
    %get3A_1149 = tpu.vector_load %arg8[%get3A_1148] {strides = array<i32>} : memref<512xi32, #tpu.memory_space<vmem>>, vector<16xi32>,
    %add3A_1150 = arith.constant 240 : i32
    %add3A_1151 = arith.addi %mul3A_2, %add3A_1150 : i32
    %add3A_1152 = vector.broadcast %add3A_1151 : i32 to vector<16xi32>
    %add3A_1153 = arith.addi %add3A_1152, %iota3A : vector<16xi32>
    %lt3A_1154 = arith.constant 100000 : i32
    %lt3A_1155 = vector.broadcast %lt3A_1154 : i32 to vector<16xi32>
    %lt3A_1156 = arith.cmpi slt, %get3A_1149, %lt3A_1155 : vector<16xi32>
    %sub3A_1157 = arith.constant 100000 : i32
    %sub3A_1158 = vector.broadcast %sub3A_1157 : i32 to vector<16xi32>
    %sub3A_1159 = arith.subi %get3A_1149, %sub3A_1158 : vector<16xi32>
    %jit3A_1160 = arith.constant 0 : i32
    %jit3A_1161 = arith.constant 899999 : i32
    %max3A_1162 = vector.broadcast %jit3A_1160 : i32 to vector<16xi32>
    %max3A_1163 = arith.maxsi %max3A_1162, %sub3A_1159 : vector<16xi32>
    %min3A_1164 = vector.broadcast %jit3A_1161 : i32 to vector<16xi32>
    %min3A_1165 = arith.minsi %min3A_1164, %max3A_1163 : vector<16xi32>
    %select_n3A_1166 = arith.select %lt3A_1156, %get3A_1149, %add3A_1153 : vector<16xi1>, vector<16xi32>
    %swap3A_1167 = arith.constant 1 : i32
    %swap3A_1168 = arith.index_cast %swap3A_1167 : i32 to index
    %swap3A_1169 = arith.constant 112 : index
    %swap3A_1170 = tpu.vector_load %arg9[%swap3A_1168, %swap3A_1169] {strides = array<i32>} : memref<4x128xi32, #tpu.memory_space<vmem>>, vector<16xi32>,
    tpu.vector_store %arg9[%swap3A_1168, %swap3A_1169], %select_n3A_1166 {strides = array<i32>} : memref<4x128xi32, #tpu.memory_space<vmem>>, vector<16xi32>,
    %shift_right_arithmetic3A_1171 = arith.constant 13 : i32
    %shift_right_arithmetic3A_1172 = vector.broadcast %shift_right_arithmetic3A_1171 : i32 to vector<16xi32>
    %shift_right_arithmetic3A_1173 = arith.shrsi %min3A_1165, %shift_right_arithmetic3A_1172 : vector<16xi32>
    %shift_left3A_1174 = arith.constant 11 : i32
    %shift_left3A_1175 = vector.broadcast %shift_left3A_1174 : i32 to vector<16xi32>
    %shift_left3A_1176 = arith.shli %shift_right_arithmetic3A_1173, %shift_left3A_1175 : vector<16xi32>
    %and3A_1177 = arith.constant 2047 : i32
    %and3A_1178 = vector.broadcast %and3A_1177 : i32 to vector<16xi32>
    %and3A_1179 = arith.andi %min3A_1165, %and3A_1178 : vector<16xi32>
    %or3A_1180 = arith.ori %shift_left3A_1176, %and3A_1179 : vector<16xi32>
    %select_n3A_1181 = arith.select %lt3A_1156, %add3A_1153, %or3A_1180 : vector<16xi1>, vector<16xi32>
    %swap3A_1182 = arith.constant 1 : i32
    %swap3A_1183 = arith.index_cast %swap3A_1182 : i32 to index
    %swap3A_1184 = arith.constant 112 : index
    %swap3A_1185 = tpu.vector_load %arg10[%swap3A_1183, %swap3A_1184] {strides = array<i32>} : memref<4x128xi32, #tpu.memory_space<vmem>>, vector<16xi32>,
    tpu.vector_store %arg10[%swap3A_1183, %swap3A_1184], %select_n3A_1181 {strides = array<i32>} : memref<4x128xi32, #tpu.memory_space<vmem>>, vector<16xi32>,
    %shift_right_arithmetic3A_1186 = arith.constant 11 : i32
    %shift_right_arithmetic3A_1187 = vector.broadcast %shift_right_arithmetic3A_1186 : i32 to vector<16xi32>
    %shift_right_arithmetic3A_1188 = arith.shrsi %min3A_1165, %shift_right_arithmetic3A_1187 : vector<16xi32>
    %and3A_1189 = arith.constant 3 : i32
    %and3A_1190 = vector.broadcast %and3A_1189 : i32 to vector<16xi32>
    %and3A_1191 = arith.andi %shift_right_arithmetic3A_1188, %and3A_1190 : vector<16xi32>
    %select_n3A_1192 = arith.select %lt3A_1156, %broadcast_in_dim3A_5, %broadcast_in_dim3A_3 : vector<16xi1>, vector<16xf32>
    %sub3A_1193 = arith.subf %broadcast_in_dim3A_5, %select_n3A_1192 : vector<16xf32>
    %add3A_1194 = arith.constant 240 : i32
    %add3A_1195 = vector.broadcast %add3A_1194 : i32 to vector<16xi32>
    %add3A_1196 = arith.addi %add3A_1195, %iota3A : vector<16xi32>
    %broadcast_in_dim3A_1197 = arith.constant 0 : i32
    %broadcast_in_dim3A_1198 = vector.broadcast %broadcast_in_dim3A_1197 : i32 to vector<16xi32>
    %eq3A_1199 = arith.constant 0 : i32
    %eq3A_1200 = vector.broadcast %eq3A_1199 : i32 to vector<16xi32>
    %eq3A_1201 = arith.cmpi eq, %and3A_1191, %eq3A_1200 : vector<16xi32>
    %select_n3A_1202 = arith.select %eq3A_1201, %sub3A_1193, %broadcast_in_dim3A_3 : vector<16xi1>, vector<16xf32>
    tpu.vector_store_idx %arg13[%add3A_1196, %broadcast_in_dim3A_1198], %select_n3A_1202 : memref<512x16xf32, #tpu.memory_space<vmem>>[vector<16xi32>, vector<16xi32>], vector<16xf32>,
    %broadcast_in_dim3A_1203 = arith.constant 1 : i32
    %broadcast_in_dim3A_1204 = vector.broadcast %broadcast_in_dim3A_1203 : i32 to vector<16xi32>
    %eq3A_1205 = arith.constant 1 : i32
    %eq3A_1206 = vector.broadcast %eq3A_1205 : i32 to vector<16xi32>
    %eq3A_1207 = arith.cmpi eq, %and3A_1191, %eq3A_1206 : vector<16xi32>
    %select_n3A_1208 = arith.select %eq3A_1207, %sub3A_1193, %broadcast_in_dim3A_3 : vector<16xi1>, vector<16xf32>
    tpu.vector_store_idx %arg13[%add3A_1196, %broadcast_in_dim3A_1204], %select_n3A_1208 : memref<512x16xf32, #tpu.memory_space<vmem>>[vector<16xi32>, vector<16xi32>], vector<16xf32>,
    %broadcast_in_dim3A_1209 = arith.constant 2 : i32
    %broadcast_in_dim3A_1210 = vector.broadcast %broadcast_in_dim3A_1209 : i32 to vector<16xi32>
    %eq3A_1211 = arith.constant 2 : i32
    %eq3A_1212 = vector.broadcast %eq3A_1211 : i32 to vector<16xi32>
    %eq3A_1213 = arith.cmpi eq, %and3A_1191, %eq3A_1212 : vector<16xi32>
    %select_n3A_1214 = arith.select %eq3A_1213, %sub3A_1193, %broadcast_in_dim3A_3 : vector<16xi1>, vector<16xf32>
    tpu.vector_store_idx %arg13[%add3A_1196, %broadcast_in_dim3A_1210], %select_n3A_1214 : memref<512x16xf32, #tpu.memory_space<vmem>>[vector<16xi32>, vector<16xi32>], vector<16xf32>,
    %broadcast_in_dim3A_1215 = arith.constant 3 : i32
    %broadcast_in_dim3A_1216 = vector.broadcast %broadcast_in_dim3A_1215 : i32 to vector<16xi32>
    %eq3A_1217 = arith.constant 3 : i32
    %eq3A_1218 = vector.broadcast %eq3A_1217 : i32 to vector<16xi32>
    %eq3A_1219 = arith.cmpi eq, %and3A_1191, %eq3A_1218 : vector<16xi32>
    %select_n3A_1220 = arith.select %eq3A_1219, %sub3A_1193, %broadcast_in_dim3A_3 : vector<16xi1>, vector<16xf32>
    tpu.vector_store_idx %arg13[%add3A_1196, %broadcast_in_dim3A_1216], %select_n3A_1220 : memref<512x16xf32, #tpu.memory_space<vmem>>[vector<16xi32>, vector<16xi32>], vector<16xf32>,
    %broadcast_in_dim3A_1221 = arith.constant 4 : i32
    %broadcast_in_dim3A_1222 = vector.broadcast %broadcast_in_dim3A_1221 : i32 to vector<16xi32>
    tpu.vector_store_idx %arg13[%add3A_1196, %broadcast_in_dim3A_1222], %select_n3A_1192 : memref<512x16xf32, #tpu.memory_space<vmem>>[vector<16xi32>, vector<16xi32>], vector<16xf32>,
    %broadcast_in_dim3A_1223 = arith.constant 5 : i32
    %broadcast_in_dim3A_1224 = vector.broadcast %broadcast_in_dim3A_1223 : i32 to vector<16xi32>
    tpu.vector_store_idx %arg13[%add3A_1196, %broadcast_in_dim3A_1224], %sub3A_1193 : memref<512x16xf32, #tpu.memory_space<vmem>>[vector<16xi32>, vector<16xi32>], vector<16xf32>,
    %get3A_1225 = arith.constant 256 : index
    %get3A_1226 = tpu.vector_load %arg8[%get3A_1225] {strides = array<i32>} : memref<512xi32, #tpu.memory_space<vmem>>, vector<16xi32>,
    %add3A_1227 = arith.constant 256 : i32
    %add3A_1228 = arith.addi %mul3A_2, %add3A_1227 : i32
    %add3A_1229 = vector.broadcast %add3A_1228 : i32 to vector<16xi32>
    %add3A_1230 = arith.addi %add3A_1229, %iota3A : vector<16xi32>
    %lt3A_1231 = arith.constant 100000 : i32
    %lt3A_1232 = vector.broadcast %lt3A_1231 : i32 to vector<16xi32>
    %lt3A_1233 = arith.cmpi slt, %get3A_1226, %lt3A_1232 : vector<16xi32>
    %sub3A_1234 = arith.constant 100000 : i32
    %sub3A_1235 = vector.broadcast %sub3A_1234 : i32 to vector<16xi32>
    %sub3A_1236 = arith.subi %get3A_1226, %sub3A_1235 : vector<16xi32>
    %jit3A_1237 = arith.constant 0 : i32
    %jit3A_1238 = arith.constant 899999 : i32
    %max3A_1239 = vector.broadcast %jit3A_1237 : i32 to vector<16xi32>
    %max3A_1240 = arith.maxsi %max3A_1239, %sub3A_1236 : vector<16xi32>
    %min3A_1241 = vector.broadcast %jit3A_1238 : i32 to vector<16xi32>
    %min3A_1242 = arith.minsi %min3A_1241, %max3A_1240 : vector<16xi32>
    %select_n3A_1243 = arith.select %lt3A_1233, %get3A_1226, %add3A_1230 : vector<16xi1>, vector<16xi32>
    %swap3A_1244 = arith.constant 2 : i32
    %swap3A_1245 = arith.index_cast %swap3A_1244 : i32 to index
    %swap3A_1246 = arith.constant 0 : index
    %swap3A_1247 = tpu.vector_load %arg9[%swap3A_1245, %swap3A_1246] {strides = array<i32>} : memref<4x128xi32, #tpu.memory_space<vmem>>, vector<16xi32>,
    tpu.vector_store %arg9[%swap3A_1245, %swap3A_1246], %select_n3A_1243 {strides = array<i32>} : memref<4x128xi32, #tpu.memory_space<vmem>>, vector<16xi32>,
    %shift_right_arithmetic3A_1248 = arith.constant 13 : i32
    %shift_right_arithmetic3A_1249 = vector.broadcast %shift_right_arithmetic3A_1248 : i32 to vector<16xi32>
    %shift_right_arithmetic3A_1250 = arith.shrsi %min3A_1242, %shift_right_arithmetic3A_1249 : vector<16xi32>
    %shift_left3A_1251 = arith.constant 11 : i32
    %shift_left3A_1252 = vector.broadcast %shift_left3A_1251 : i32 to vector<16xi32>
    %shift_left3A_1253 = arith.shli %shift_right_arithmetic3A_1250, %shift_left3A_1252 : vector<16xi32>
    %and3A_1254 = arith.constant 2047 : i32
    %and3A_1255 = vector.broadcast %and3A_1254 : i32 to vector<16xi32>
    %and3A_1256 = arith.andi %min3A_1242, %and3A_1255 : vector<16xi32>
    %or3A_1257 = arith.ori %shift_left3A_1253, %and3A_1256 : vector<16xi32>
    %select_n3A_1258 = arith.select %lt3A_1233, %add3A_1230, %or3A_1257 : vector<16xi1>, vector<16xi32>
    %swap3A_1259 = arith.constant 2 : i32
    %swap3A_1260 = arith.index_cast %swap3A_1259 : i32 to index
    %swap3A_1261 = arith.constant 0 : index
    %swap3A_1262 = tpu.vector_load %arg10[%swap3A_1260, %swap3A_1261] {strides = array<i32>} : memref<4x128xi32, #tpu.memory_space<vmem>>, vector<16xi32>,
    tpu.vector_store %arg10[%swap3A_1260, %swap3A_1261], %select_n3A_1258 {strides = array<i32>} : memref<4x128xi32, #tpu.memory_space<vmem>>, vector<16xi32>,
    %shift_right_arithmetic3A_1263 = arith.constant 11 : i32
    %shift_right_arithmetic3A_1264 = vector.broadcast %shift_right_arithmetic3A_1263 : i32 to vector<16xi32>
    %shift_right_arithmetic3A_1265 = arith.shrsi %min3A_1242, %shift_right_arithmetic3A_1264 : vector<16xi32>
    %and3A_1266 = arith.constant 3 : i32
    %and3A_1267 = vector.broadcast %and3A_1266 : i32 to vector<16xi32>
    %and3A_1268 = arith.andi %shift_right_arithmetic3A_1265, %and3A_1267 : vector<16xi32>
    %select_n3A_1269 = arith.select %lt3A_1233, %broadcast_in_dim3A_5, %broadcast_in_dim3A_3 : vector<16xi1>, vector<16xf32>
    %sub3A_1270 = arith.subf %broadcast_in_dim3A_5, %select_n3A_1269 : vector<16xf32>
    %add3A_1271 = arith.constant 256 : i32
    %add3A_1272 = vector.broadcast %add3A_1271 : i32 to vector<16xi32>
    %add3A_1273 = arith.addi %add3A_1272, %iota3A : vector<16xi32>
    %broadcast_in_dim3A_1274 = arith.constant 0 : i32
    %broadcast_in_dim3A_1275 = vector.broadcast %broadcast_in_dim3A_1274 : i32 to vector<16xi32>
    %eq3A_1276 = arith.constant 0 : i32
    %eq3A_1277 = vector.broadcast %eq3A_1276 : i32 to vector<16xi32>
    %eq3A_1278 = arith.cmpi eq, %and3A_1268, %eq3A_1277 : vector<16xi32>
    %select_n3A_1279 = arith.select %eq3A_1278, %sub3A_1270, %broadcast_in_dim3A_3 : vector<16xi1>, vector<16xf32>
    tpu.vector_store_idx %arg13[%add3A_1273, %broadcast_in_dim3A_1275], %select_n3A_1279 : memref<512x16xf32, #tpu.memory_space<vmem>>[vector<16xi32>, vector<16xi32>], vector<16xf32>,
    %broadcast_in_dim3A_1280 = arith.constant 1 : i32
    %broadcast_in_dim3A_1281 = vector.broadcast %broadcast_in_dim3A_1280 : i32 to vector<16xi32>
    %eq3A_1282 = arith.constant 1 : i32
    %eq3A_1283 = vector.broadcast %eq3A_1282 : i32 to vector<16xi32>
    %eq3A_1284 = arith.cmpi eq, %and3A_1268, %eq3A_1283 : vector<16xi32>
    %select_n3A_1285 = arith.select %eq3A_1284, %sub3A_1270, %broadcast_in_dim3A_3 : vector<16xi1>, vector<16xf32>
    tpu.vector_store_idx %arg13[%add3A_1273, %broadcast_in_dim3A_1281], %select_n3A_1285 : memref<512x16xf32, #tpu.memory_space<vmem>>[vector<16xi32>, vector<16xi32>], vector<16xf32>,
    %broadcast_in_dim3A_1286 = arith.constant 2 : i32
    %broadcast_in_dim3A_1287 = vector.broadcast %broadcast_in_dim3A_1286 : i32 to vector<16xi32>
    %eq3A_1288 = arith.constant 2 : i32
    %eq3A_1289 = vector.broadcast %eq3A_1288 : i32 to vector<16xi32>
    %eq3A_1290 = arith.cmpi eq, %and3A_1268, %eq3A_1289 : vector<16xi32>
    %select_n3A_1291 = arith.select %eq3A_1290, %sub3A_1270, %broadcast_in_dim3A_3 : vector<16xi1>, vector<16xf32>
    tpu.vector_store_idx %arg13[%add3A_1273, %broadcast_in_dim3A_1287], %select_n3A_1291 : memref<512x16xf32, #tpu.memory_space<vmem>>[vector<16xi32>, vector<16xi32>], vector<16xf32>,
    %broadcast_in_dim3A_1292 = arith.constant 3 : i32
    %broadcast_in_dim3A_1293 = vector.broadcast %broadcast_in_dim3A_1292 : i32 to vector<16xi32>
    %eq3A_1294 = arith.constant 3 : i32
    %eq3A_1295 = vector.broadcast %eq3A_1294 : i32 to vector<16xi32>
    %eq3A_1296 = arith.cmpi eq, %and3A_1268, %eq3A_1295 : vector<16xi32>
    %select_n3A_1297 = arith.select %eq3A_1296, %sub3A_1270, %broadcast_in_dim3A_3 : vector<16xi1>, vector<16xf32>
    tpu.vector_store_idx %arg13[%add3A_1273, %broadcast_in_dim3A_1293], %select_n3A_1297 : memref<512x16xf32, #tpu.memory_space<vmem>>[vector<16xi32>, vector<16xi32>], vector<16xf32>,
    %broadcast_in_dim3A_1298 = arith.constant 4 : i32
    %broadcast_in_dim3A_1299 = vector.broadcast %broadcast_in_dim3A_1298 : i32 to vector<16xi32>
    tpu.vector_store_idx %arg13[%add3A_1273, %broadcast_in_dim3A_1299], %select_n3A_1269 : memref<512x16xf32, #tpu.memory_space<vmem>>[vector<16xi32>, vector<16xi32>], vector<16xf32>,
    %broadcast_in_dim3A_1300 = arith.constant 5 : i32
    %broadcast_in_dim3A_1301 = vector.broadcast %broadcast_in_dim3A_1300 : i32 to vector<16xi32>
    tpu.vector_store_idx %arg13[%add3A_1273, %broadcast_in_dim3A_1301], %sub3A_1270 : memref<512x16xf32, #tpu.memory_space<vmem>>[vector<16xi32>, vector<16xi32>], vector<16xf32>,
    %get3A_1302 = arith.constant 272 : index
    %get3A_1303 = tpu.vector_load %arg8[%get3A_1302] {strides = array<i32>} : memref<512xi32, #tpu.memory_space<vmem>>, vector<16xi32>,
    %add3A_1304 = arith.constant 272 : i32
    %add3A_1305 = arith.addi %mul3A_2, %add3A_1304 : i32
    %add3A_1306 = vector.broadcast %add3A_1305 : i32 to vector<16xi32>
    %add3A_1307 = arith.addi %add3A_1306, %iota3A : vector<16xi32>
    %lt3A_1308 = arith.constant 100000 : i32
    %lt3A_1309 = vector.broadcast %lt3A_1308 : i32 to vector<16xi32>
    %lt3A_1310 = arith.cmpi slt, %get3A_1303, %lt3A_1309 : vector<16xi32>
    %sub3A_1311 = arith.constant 100000 : i32
    %sub3A_1312 = vector.broadcast %sub3A_1311 : i32 to vector<16xi32>
    %sub3A_1313 = arith.subi %get3A_1303, %sub3A_1312 : vector<16xi32>
    %jit3A_1314 = arith.constant 0 : i32
    %jit3A_1315 = arith.constant 899999 : i32
    %max3A_1316 = vector.broadcast %jit3A_1314 : i32 to vector<16xi32>
    %max3A_1317 = arith.maxsi %max3A_1316, %sub3A_1313 : vector<16xi32>
    %min3A_1318 = vector.broadcast %jit3A_1315 : i32 to vector<16xi32>
    %min3A_1319 = arith.minsi %min3A_1318, %max3A_1317 : vector<16xi32>
    %select_n3A_1320 = arith.select %lt3A_1310, %get3A_1303, %add3A_1307 : vector<16xi1>, vector<16xi32>
    %swap3A_1321 = arith.constant 2 : i32
    %swap3A_1322 = arith.index_cast %swap3A_1321 : i32 to index
    %swap3A_1323 = arith.constant 16 : index
    %swap3A_1324 = tpu.vector_load %arg9[%swap3A_1322, %swap3A_1323] {strides = array<i32>} : memref<4x128xi32, #tpu.memory_space<vmem>>, vector<16xi32>,
    tpu.vector_store %arg9[%swap3A_1322, %swap3A_1323], %select_n3A_1320 {strides = array<i32>} : memref<4x128xi32, #tpu.memory_space<vmem>>, vector<16xi32>,
    %shift_right_arithmetic3A_1325 = arith.constant 13 : i32
    %shift_right_arithmetic3A_1326 = vector.broadcast %shift_right_arithmetic3A_1325 : i32 to vector<16xi32>
    %shift_right_arithmetic3A_1327 = arith.shrsi %min3A_1319, %shift_right_arithmetic3A_1326 : vector<16xi32>
    %shift_left3A_1328 = arith.constant 11 : i32
    %shift_left3A_1329 = vector.broadcast %shift_left3A_1328 : i32 to vector<16xi32>
    %shift_left3A_1330 = arith.shli %shift_right_arithmetic3A_1327, %shift_left3A_1329 : vector<16xi32>
    %and3A_1331 = arith.constant 2047 : i32
    %and3A_1332 = vector.broadcast %and3A_1331 : i32 to vector<16xi32>
    %and3A_1333 = arith.andi %min3A_1319, %and3A_1332 : vector<16xi32>
    %or3A_1334 = arith.ori %shift_left3A_1330, %and3A_1333 : vector<16xi32>
    %select_n3A_1335 = arith.select %lt3A_1310, %add3A_1307, %or3A_1334 : vector<16xi1>, vector<16xi32>
    %swap3A_1336 = arith.constant 2 : i32
    %swap3A_1337 = arith.index_cast %swap3A_1336 : i32 to index
    %swap3A_1338 = arith.constant 16 : index
    %swap3A_1339 = tpu.vector_load %arg10[%swap3A_1337, %swap3A_1338] {strides = array<i32>} : memref<4x128xi32, #tpu.memory_space<vmem>>, vector<16xi32>,
    tpu.vector_store %arg10[%swap3A_1337, %swap3A_1338], %select_n3A_1335 {strides = array<i32>} : memref<4x128xi32, #tpu.memory_space<vmem>>, vector<16xi32>,
    %shift_right_arithmetic3A_1340 = arith.constant 11 : i32
    %shift_right_arithmetic3A_1341 = vector.broadcast %shift_right_arithmetic3A_1340 : i32 to vector<16xi32>
    %shift_right_arithmetic3A_1342 = arith.shrsi %min3A_1319, %shift_right_arithmetic3A_1341 : vector<16xi32>
    %and3A_1343 = arith.constant 3 : i32
    %and3A_1344 = vector.broadcast %and3A_1343 : i32 to vector<16xi32>
    %and3A_1345 = arith.andi %shift_right_arithmetic3A_1342, %and3A_1344 : vector<16xi32>
    %select_n3A_1346 = arith.select %lt3A_1310, %broadcast_in_dim3A_5, %broadcast_in_dim3A_3 : vector<16xi1>, vector<16xf32>
    %sub3A_1347 = arith.subf %broadcast_in_dim3A_5, %select_n3A_1346 : vector<16xf32>
    %add3A_1348 = arith.constant 272 : i32
    %add3A_1349 = vector.broadcast %add3A_1348 : i32 to vector<16xi32>
    %add3A_1350 = arith.addi %add3A_1349, %iota3A : vector<16xi32>
    %broadcast_in_dim3A_1351 = arith.constant 0 : i32
    %broadcast_in_dim3A_1352 = vector.broadcast %broadcast_in_dim3A_1351 : i32 to vector<16xi32>
    %eq3A_1353 = arith.constant 0 : i32
    %eq3A_1354 = vector.broadcast %eq3A_1353 : i32 to vector<16xi32>
    %eq3A_1355 = arith.cmpi eq, %and3A_1345, %eq3A_1354 : vector<16xi32>
    %select_n3A_1356 = arith.select %eq3A_1355, %sub3A_1347, %broadcast_in_dim3A_3 : vector<16xi1>, vector<16xf32>
    tpu.vector_store_idx %arg13[%add3A_1350, %broadcast_in_dim3A_1352], %select_n3A_1356 : memref<512x16xf32, #tpu.memory_space<vmem>>[vector<16xi32>, vector<16xi32>], vector<16xf32>,
    %broadcast_in_dim3A_1357 = arith.constant 1 : i32
    %broadcast_in_dim3A_1358 = vector.broadcast %broadcast_in_dim3A_1357 : i32 to vector<16xi32>
    %eq3A_1359 = arith.constant 1 : i32
    %eq3A_1360 = vector.broadcast %eq3A_1359 : i32 to vector<16xi32>
    %eq3A_1361 = arith.cmpi eq, %and3A_1345, %eq3A_1360 : vector<16xi32>
    %select_n3A_1362 = arith.select %eq3A_1361, %sub3A_1347, %broadcast_in_dim3A_3 : vector<16xi1>, vector<16xf32>
    tpu.vector_store_idx %arg13[%add3A_1350, %broadcast_in_dim3A_1358], %select_n3A_1362 : memref<512x16xf32, #tpu.memory_space<vmem>>[vector<16xi32>, vector<16xi32>], vector<16xf32>,
    %broadcast_in_dim3A_1363 = arith.constant 2 : i32
    %broadcast_in_dim3A_1364 = vector.broadcast %broadcast_in_dim3A_1363 : i32 to vector<16xi32>
    %eq3A_1365 = arith.constant 2 : i32
    %eq3A_1366 = vector.broadcast %eq3A_1365 : i32 to vector<16xi32>
    %eq3A_1367 = arith.cmpi eq, %and3A_1345, %eq3A_1366 : vector<16xi32>
    %select_n3A_1368 = arith.select %eq3A_1367, %sub3A_1347, %broadcast_in_dim3A_3 : vector<16xi1>, vector<16xf32>
    tpu.vector_store_idx %arg13[%add3A_1350, %broadcast_in_dim3A_1364], %select_n3A_1368 : memref<512x16xf32, #tpu.memory_space<vmem>>[vector<16xi32>, vector<16xi32>], vector<16xf32>,
    %broadcast_in_dim3A_1369 = arith.constant 3 : i32
    %broadcast_in_dim3A_1370 = vector.broadcast %broadcast_in_dim3A_1369 : i32 to vector<16xi32>
    %eq3A_1371 = arith.constant 3 : i32
    %eq3A_1372 = vector.broadcast %eq3A_1371 : i32 to vector<16xi32>
    %eq3A_1373 = arith.cmpi eq, %and3A_1345, %eq3A_1372 : vector<16xi32>
    %select_n3A_1374 = arith.select %eq3A_1373, %sub3A_1347, %broadcast_in_dim3A_3 : vector<16xi1>, vector<16xf32>
    tpu.vector_store_idx %arg13[%add3A_1350, %broadcast_in_dim3A_1370], %select_n3A_1374 : memref<512x16xf32, #tpu.memory_space<vmem>>[vector<16xi32>, vector<16xi32>], vector<16xf32>,
    %broadcast_in_dim3A_1375 = arith.constant 4 : i32
    %broadcast_in_dim3A_1376 = vector.broadcast %broadcast_in_dim3A_1375 : i32 to vector<16xi32>
    tpu.vector_store_idx %arg13[%add3A_1350, %broadcast_in_dim3A_1376], %select_n3A_1346 : memref<512x16xf32, #tpu.memory_space<vmem>>[vector<16xi32>, vector<16xi32>], vector<16xf32>,
    %broadcast_in_dim3A_1377 = arith.constant 5 : i32
    %broadcast_in_dim3A_1378 = vector.broadcast %broadcast_in_dim3A_1377 : i32 to vector<16xi32>
    tpu.vector_store_idx %arg13[%add3A_1350, %broadcast_in_dim3A_1378], %sub3A_1347 : memref<512x16xf32, #tpu.memory_space<vmem>>[vector<16xi32>, vector<16xi32>], vector<16xf32>,
    %get3A_1379 = arith.constant 288 : index
    %get3A_1380 = tpu.vector_load %arg8[%get3A_1379] {strides = array<i32>} : memref<512xi32, #tpu.memory_space<vmem>>, vector<16xi32>,
    %add3A_1381 = arith.constant 288 : i32
    %add3A_1382 = arith.addi %mul3A_2, %add3A_1381 : i32
    %add3A_1383 = vector.broadcast %add3A_1382 : i32 to vector<16xi32>
    %add3A_1384 = arith.addi %add3A_1383, %iota3A : vector<16xi32>
    %lt3A_1385 = arith.constant 100000 : i32
    %lt3A_1386 = vector.broadcast %lt3A_1385 : i32 to vector<16xi32>
    %lt3A_1387 = arith.cmpi slt, %get3A_1380, %lt3A_1386 : vector<16xi32>
    %sub3A_1388 = arith.constant 100000 : i32
    %sub3A_1389 = vector.broadcast %sub3A_1388 : i32 to vector<16xi32>
    %sub3A_1390 = arith.subi %get3A_1380, %sub3A_1389 : vector<16xi32>
    %jit3A_1391 = arith.constant 0 : i32
    %jit3A_1392 = arith.constant 899999 : i32
    %max3A_1393 = vector.broadcast %jit3A_1391 : i32 to vector<16xi32>
    %max3A_1394 = arith.maxsi %max3A_1393, %sub3A_1390 : vector<16xi32>
    %min3A_1395 = vector.broadcast %jit3A_1392 : i32 to vector<16xi32>
    %min3A_1396 = arith.minsi %min3A_1395, %max3A_1394 : vector<16xi32>
    %select_n3A_1397 = arith.select %lt3A_1387, %get3A_1380, %add3A_1384 : vector<16xi1>, vector<16xi32>
    %swap3A_1398 = arith.constant 2 : i32
    %swap3A_1399 = arith.index_cast %swap3A_1398 : i32 to index
    %swap3A_1400 = arith.constant 32 : index
    %swap3A_1401 = tpu.vector_load %arg9[%swap3A_1399, %swap3A_1400] {strides = array<i32>} : memref<4x128xi32, #tpu.memory_space<vmem>>, vector<16xi32>,
    tpu.vector_store %arg9[%swap3A_1399, %swap3A_1400], %select_n3A_1397 {strides = array<i32>} : memref<4x128xi32, #tpu.memory_space<vmem>>, vector<16xi32>,
    %shift_right_arithmetic3A_1402 = arith.constant 13 : i32
    %shift_right_arithmetic3A_1403 = vector.broadcast %shift_right_arithmetic3A_1402 : i32 to vector<16xi32>
    %shift_right_arithmetic3A_1404 = arith.shrsi %min3A_1396, %shift_right_arithmetic3A_1403 : vector<16xi32>
    %shift_left3A_1405 = arith.constant 11 : i32
    %shift_left3A_1406 = vector.broadcast %shift_left3A_1405 : i32 to vector<16xi32>
    %shift_left3A_1407 = arith.shli %shift_right_arithmetic3A_1404, %shift_left3A_1406 : vector<16xi32>
    %and3A_1408 = arith.constant 2047 : i32
    %and3A_1409 = vector.broadcast %and3A_1408 : i32 to vector<16xi32>
    %and3A_1410 = arith.andi %min3A_1396, %and3A_1409 : vector<16xi32>
    %or3A_1411 = arith.ori %shift_left3A_1407, %and3A_1410 : vector<16xi32>
    %select_n3A_1412 = arith.select %lt3A_1387, %add3A_1384, %or3A_1411 : vector<16xi1>, vector<16xi32>
    %swap3A_1413 = arith.constant 2 : i32
    %swap3A_1414 = arith.index_cast %swap3A_1413 : i32 to index
    %swap3A_1415 = arith.constant 32 : index
    %swap3A_1416 = tpu.vector_load %arg10[%swap3A_1414, %swap3A_1415] {strides = array<i32>} : memref<4x128xi32, #tpu.memory_space<vmem>>, vector<16xi32>,
    tpu.vector_store %arg10[%swap3A_1414, %swap3A_1415], %select_n3A_1412 {strides = array<i32>} : memref<4x128xi32, #tpu.memory_space<vmem>>, vector<16xi32>,
    %shift_right_arithmetic3A_1417 = arith.constant 11 : i32
    %shift_right_arithmetic3A_1418 = vector.broadcast %shift_right_arithmetic3A_1417 : i32 to vector<16xi32>
    %shift_right_arithmetic3A_1419 = arith.shrsi %min3A_1396, %shift_right_arithmetic3A_1418 : vector<16xi32>
    %and3A_1420 = arith.constant 3 : i32
    %and3A_1421 = vector.broadcast %and3A_1420 : i32 to vector<16xi32>
    %and3A_1422 = arith.andi %shift_right_arithmetic3A_1419, %and3A_1421 : vector<16xi32>
    %select_n3A_1423 = arith.select %lt3A_1387, %broadcast_in_dim3A_5, %broadcast_in_dim3A_3 : vector<16xi1>, vector<16xf32>
    %sub3A_1424 = arith.subf %broadcast_in_dim3A_5, %select_n3A_1423 : vector<16xf32>
    %add3A_1425 = arith.constant 288 : i32
    %add3A_1426 = vector.broadcast %add3A_1425 : i32 to vector<16xi32>
    %add3A_1427 = arith.addi %add3A_1426, %iota3A : vector<16xi32>
    %broadcast_in_dim3A_1428 = arith.constant 0 : i32
    %broadcast_in_dim3A_1429 = vector.broadcast %broadcast_in_dim3A_1428 : i32 to vector<16xi32>
    %eq3A_1430 = arith.constant 0 : i32
    %eq3A_1431 = vector.broadcast %eq3A_1430 : i32 to vector<16xi32>
    %eq3A_1432 = arith.cmpi eq, %and3A_1422, %eq3A_1431 : vector<16xi32>
    %select_n3A_1433 = arith.select %eq3A_1432, %sub3A_1424, %broadcast_in_dim3A_3 : vector<16xi1>, vector<16xf32>
    tpu.vector_store_idx %arg13[%add3A_1427, %broadcast_in_dim3A_1429], %select_n3A_1433 : memref<512x16xf32, #tpu.memory_space<vmem>>[vector<16xi32>, vector<16xi32>], vector<16xf32>,
    %broadcast_in_dim3A_1434 = arith.constant 1 : i32
    %broadcast_in_dim3A_1435 = vector.broadcast %broadcast_in_dim3A_1434 : i32 to vector<16xi32>
    %eq3A_1436 = arith.constant 1 : i32
    %eq3A_1437 = vector.broadcast %eq3A_1436 : i32 to vector<16xi32>
    %eq3A_1438 = arith.cmpi eq, %and3A_1422, %eq3A_1437 : vector<16xi32>
    %select_n3A_1439 = arith.select %eq3A_1438, %sub3A_1424, %broadcast_in_dim3A_3 : vector<16xi1>, vector<16xf32>
    tpu.vector_store_idx %arg13[%add3A_1427, %broadcast_in_dim3A_1435], %select_n3A_1439 : memref<512x16xf32, #tpu.memory_space<vmem>>[vector<16xi32>, vector<16xi32>], vector<16xf32>,
    %broadcast_in_dim3A_1440 = arith.constant 2 : i32
    %broadcast_in_dim3A_1441 = vector.broadcast %broadcast_in_dim3A_1440 : i32 to vector<16xi32>
    %eq3A_1442 = arith.constant 2 : i32
    %eq3A_1443 = vector.broadcast %eq3A_1442 : i32 to vector<16xi32>
    %eq3A_1444 = arith.cmpi eq, %and3A_1422, %eq3A_1443 : vector<16xi32>
    %select_n3A_1445 = arith.select %eq3A_1444, %sub3A_1424, %broadcast_in_dim3A_3 : vector<16xi1>, vector<16xf32>
    tpu.vector_store_idx %arg13[%add3A_1427, %broadcast_in_dim3A_1441], %select_n3A_1445 : memref<512x16xf32, #tpu.memory_space<vmem>>[vector<16xi32>, vector<16xi32>], vector<16xf32>,
    %broadcast_in_dim3A_1446 = arith.constant 3 : i32
    %broadcast_in_dim3A_1447 = vector.broadcast %broadcast_in_dim3A_1446 : i32 to vector<16xi32>
    %eq3A_1448 = arith.constant 3 : i32
    %eq3A_1449 = vector.broadcast %eq3A_1448 : i32 to vector<16xi32>
    %eq3A_1450 = arith.cmpi eq, %and3A_1422, %eq3A_1449 : vector<16xi32>
    %select_n3A_1451 = arith.select %eq3A_1450, %sub3A_1424, %broadcast_in_dim3A_3 : vector<16xi1>, vector<16xf32>
    tpu.vector_store_idx %arg13[%add3A_1427, %broadcast_in_dim3A_1447], %select_n3A_1451 : memref<512x16xf32, #tpu.memory_space<vmem>>[vector<16xi32>, vector<16xi32>], vector<16xf32>,
    %broadcast_in_dim3A_1452 = arith.constant 4 : i32
    %broadcast_in_dim3A_1453 = vector.broadcast %broadcast_in_dim3A_1452 : i32 to vector<16xi32>
    tpu.vector_store_idx %arg13[%add3A_1427, %broadcast_in_dim3A_1453], %select_n3A_1423 : memref<512x16xf32, #tpu.memory_space<vmem>>[vector<16xi32>, vector<16xi32>], vector<16xf32>,
    %broadcast_in_dim3A_1454 = arith.constant 5 : i32
    %broadcast_in_dim3A_1455 = vector.broadcast %broadcast_in_dim3A_1454 : i32 to vector<16xi32>
    tpu.vector_store_idx %arg13[%add3A_1427, %broadcast_in_dim3A_1455], %sub3A_1424 : memref<512x16xf32, #tpu.memory_space<vmem>>[vector<16xi32>, vector<16xi32>], vector<16xf32>,
    %get3A_1456 = arith.constant 304 : index
    %get3A_1457 = tpu.vector_load %arg8[%get3A_1456] {strides = array<i32>} : memref<512xi32, #tpu.memory_space<vmem>>, vector<16xi32>,
    %add3A_1458 = arith.constant 304 : i32
    %add3A_1459 = arith.addi %mul3A_2, %add3A_1458 : i32
    %add3A_1460 = vector.broadcast %add3A_1459 : i32 to vector<16xi32>
    %add3A_1461 = arith.addi %add3A_1460, %iota3A : vector<16xi32>
    %lt3A_1462 = arith.constant 100000 : i32
    %lt3A_1463 = vector.broadcast %lt3A_1462 : i32 to vector<16xi32>
    %lt3A_1464 = arith.cmpi slt, %get3A_1457, %lt3A_1463 : vector<16xi32>
    %sub3A_1465 = arith.constant 100000 : i32
    %sub3A_1466 = vector.broadcast %sub3A_1465 : i32 to vector<16xi32>
    %sub3A_1467 = arith.subi %get3A_1457, %sub3A_1466 : vector<16xi32>
    %jit3A_1468 = arith.constant 0 : i32
    %jit3A_1469 = arith.constant 899999 : i32
    %max3A_1470 = vector.broadcast %jit3A_1468 : i32 to vector<16xi32>
    %max3A_1471 = arith.maxsi %max3A_1470, %sub3A_1467 : vector<16xi32>
    %min3A_1472 = vector.broadcast %jit3A_1469 : i32 to vector<16xi32>
    %min3A_1473 = arith.minsi %min3A_1472, %max3A_1471 : vector<16xi32>
    %select_n3A_1474 = arith.select %lt3A_1464, %get3A_1457, %add3A_1461 : vector<16xi1>, vector<16xi32>
    %swap3A_1475 = arith.constant 2 : i32
    %swap3A_1476 = arith.index_cast %swap3A_1475 : i32 to index
    %swap3A_1477 = arith.constant 48 : index
    %swap3A_1478 = tpu.vector_load %arg9[%swap3A_1476, %swap3A_1477] {strides = array<i32>} : memref<4x128xi32, #tpu.memory_space<vmem>>, vector<16xi32>,
    tpu.vector_store %arg9[%swap3A_1476, %swap3A_1477], %select_n3A_1474 {strides = array<i32>} : memref<4x128xi32, #tpu.memory_space<vmem>>, vector<16xi32>,
    %shift_right_arithmetic3A_1479 = arith.constant 13 : i32
    %shift_right_arithmetic3A_1480 = vector.broadcast %shift_right_arithmetic3A_1479 : i32 to vector<16xi32>
    %shift_right_arithmetic3A_1481 = arith.shrsi %min3A_1473, %shift_right_arithmetic3A_1480 : vector<16xi32>
    %shift_left3A_1482 = arith.constant 11 : i32
    %shift_left3A_1483 = vector.broadcast %shift_left3A_1482 : i32 to vector<16xi32>
    %shift_left3A_1484 = arith.shli %shift_right_arithmetic3A_1481, %shift_left3A_1483 : vector<16xi32>
    %and3A_1485 = arith.constant 2047 : i32
    %and3A_1486 = vector.broadcast %and3A_1485 : i32 to vector<16xi32>
    %and3A_1487 = arith.andi %min3A_1473, %and3A_1486 : vector<16xi32>
    %or3A_1488 = arith.ori %shift_left3A_1484, %and3A_1487 : vector<16xi32>
    %select_n3A_1489 = arith.select %lt3A_1464, %add3A_1461, %or3A_1488 : vector<16xi1>, vector<16xi32>
    %swap3A_1490 = arith.constant 2 : i32
    %swap3A_1491 = arith.index_cast %swap3A_1490 : i32 to index
    %swap3A_1492 = arith.constant 48 : index
    %swap3A_1493 = tpu.vector_load %arg10[%swap3A_1491, %swap3A_1492] {strides = array<i32>} : memref<4x128xi32, #tpu.memory_space<vmem>>, vector<16xi32>,
    tpu.vector_store %arg10[%swap3A_1491, %swap3A_1492], %select_n3A_1489 {strides = array<i32>} : memref<4x128xi32, #tpu.memory_space<vmem>>, vector<16xi32>,
    %shift_right_arithmetic3A_1494 = arith.constant 11 : i32
    %shift_right_arithmetic3A_1495 = vector.broadcast %shift_right_arithmetic3A_1494 : i32 to vector<16xi32>
    %shift_right_arithmetic3A_1496 = arith.shrsi %min3A_1473, %shift_right_arithmetic3A_1495 : vector<16xi32>
    %and3A_1497 = arith.constant 3 : i32
    %and3A_1498 = vector.broadcast %and3A_1497 : i32 to vector<16xi32>
    %and3A_1499 = arith.andi %shift_right_arithmetic3A_1496, %and3A_1498 : vector<16xi32>
    %select_n3A_1500 = arith.select %lt3A_1464, %broadcast_in_dim3A_5, %broadcast_in_dim3A_3 : vector<16xi1>, vector<16xf32>
    %sub3A_1501 = arith.subf %broadcast_in_dim3A_5, %select_n3A_1500 : vector<16xf32>
    %add3A_1502 = arith.constant 304 : i32
    %add3A_1503 = vector.broadcast %add3A_1502 : i32 to vector<16xi32>
    %add3A_1504 = arith.addi %add3A_1503, %iota3A : vector<16xi32>
    %broadcast_in_dim3A_1505 = arith.constant 0 : i32
    %broadcast_in_dim3A_1506 = vector.broadcast %broadcast_in_dim3A_1505 : i32 to vector<16xi32>
    %eq3A_1507 = arith.constant 0 : i32
    %eq3A_1508 = vector.broadcast %eq3A_1507 : i32 to vector<16xi32>
    %eq3A_1509 = arith.cmpi eq, %and3A_1499, %eq3A_1508 : vector<16xi32>
    %select_n3A_1510 = arith.select %eq3A_1509, %sub3A_1501, %broadcast_in_dim3A_3 : vector<16xi1>, vector<16xf32>
    tpu.vector_store_idx %arg13[%add3A_1504, %broadcast_in_dim3A_1506], %select_n3A_1510 : memref<512x16xf32, #tpu.memory_space<vmem>>[vector<16xi32>, vector<16xi32>], vector<16xf32>,
    %broadcast_in_dim3A_1511 = arith.constant 1 : i32
    %broadcast_in_dim3A_1512 = vector.broadcast %broadcast_in_dim3A_1511 : i32 to vector<16xi32>
    %eq3A_1513 = arith.constant 1 : i32
    %eq3A_1514 = vector.broadcast %eq3A_1513 : i32 to vector<16xi32>
    %eq3A_1515 = arith.cmpi eq, %and3A_1499, %eq3A_1514 : vector<16xi32>
    %select_n3A_1516 = arith.select %eq3A_1515, %sub3A_1501, %broadcast_in_dim3A_3 : vector<16xi1>, vector<16xf32>
    tpu.vector_store_idx %arg13[%add3A_1504, %broadcast_in_dim3A_1512], %select_n3A_1516 : memref<512x16xf32, #tpu.memory_space<vmem>>[vector<16xi32>, vector<16xi32>], vector<16xf32>,
    %broadcast_in_dim3A_1517 = arith.constant 2 : i32
    %broadcast_in_dim3A_1518 = vector.broadcast %broadcast_in_dim3A_1517 : i32 to vector<16xi32>
    %eq3A_1519 = arith.constant 2 : i32
    %eq3A_1520 = vector.broadcast %eq3A_1519 : i32 to vector<16xi32>
    %eq3A_1521 = arith.cmpi eq, %and3A_1499, %eq3A_1520 : vector<16xi32>
    %select_n3A_1522 = arith.select %eq3A_1521, %sub3A_1501, %broadcast_in_dim3A_3 : vector<16xi1>, vector<16xf32>
    tpu.vector_store_idx %arg13[%add3A_1504, %broadcast_in_dim3A_1518], %select_n3A_1522 : memref<512x16xf32, #tpu.memory_space<vmem>>[vector<16xi32>, vector<16xi32>], vector<16xf32>,
    %broadcast_in_dim3A_1523 = arith.constant 3 : i32
    %broadcast_in_dim3A_1524 = vector.broadcast %broadcast_in_dim3A_1523 : i32 to vector<16xi32>
    %eq3A_1525 = arith.constant 3 : i32
    %eq3A_1526 = vector.broadcast %eq3A_1525 : i32 to vector<16xi32>
    %eq3A_1527 = arith.cmpi eq, %and3A_1499, %eq3A_1526 : vector<16xi32>
    %select_n3A_1528 = arith.select %eq3A_1527, %sub3A_1501, %broadcast_in_dim3A_3 : vector<16xi1>, vector<16xf32>
    tpu.vector_store_idx %arg13[%add3A_1504, %broadcast_in_dim3A_1524], %select_n3A_1528 : memref<512x16xf32, #tpu.memory_space<vmem>>[vector<16xi32>, vector<16xi32>], vector<16xf32>,
    %broadcast_in_dim3A_1529 = arith.constant 4 : i32
    %broadcast_in_dim3A_1530 = vector.broadcast %broadcast_in_dim3A_1529 : i32 to vector<16xi32>
    tpu.vector_store_idx %arg13[%add3A_1504, %broadcast_in_dim3A_1530], %select_n3A_1500 : memref<512x16xf32, #tpu.memory_space<vmem>>[vector<16xi32>, vector<16xi32>], vector<16xf32>,
    %broadcast_in_dim3A_1531 = arith.constant 5 : i32
    %broadcast_in_dim3A_1532 = vector.broadcast %broadcast_in_dim3A_1531 : i32 to vector<16xi32>
    tpu.vector_store_idx %arg13[%add3A_1504, %broadcast_in_dim3A_1532], %sub3A_1501 : memref<512x16xf32, #tpu.memory_space<vmem>>[vector<16xi32>, vector<16xi32>], vector<16xf32>,
    %get3A_1533 = arith.constant 320 : index
    %get3A_1534 = tpu.vector_load %arg8[%get3A_1533] {strides = array<i32>} : memref<512xi32, #tpu.memory_space<vmem>>, vector<16xi32>,
    %add3A_1535 = arith.constant 320 : i32
    %add3A_1536 = arith.addi %mul3A_2, %add3A_1535 : i32
    %add3A_1537 = vector.broadcast %add3A_1536 : i32 to vector<16xi32>
    %add3A_1538 = arith.addi %add3A_1537, %iota3A : vector<16xi32>
    %lt3A_1539 = arith.constant 100000 : i32
    %lt3A_1540 = vector.broadcast %lt3A_1539 : i32 to vector<16xi32>
    %lt3A_1541 = arith.cmpi slt, %get3A_1534, %lt3A_1540 : vector<16xi32>
    %sub3A_1542 = arith.constant 100000 : i32
    %sub3A_1543 = vector.broadcast %sub3A_1542 : i32 to vector<16xi32>
    %sub3A_1544 = arith.subi %get3A_1534, %sub3A_1543 : vector<16xi32>
    %jit3A_1545 = arith.constant 0 : i32
    %jit3A_1546 = arith.constant 899999 : i32
    %max3A_1547 = vector.broadcast %jit3A_1545 : i32 to vector<16xi32>
    %max3A_1548 = arith.maxsi %max3A_1547, %sub3A_1544 : vector<16xi32>
    %min3A_1549 = vector.broadcast %jit3A_1546 : i32 to vector<16xi32>
    %min3A_1550 = arith.minsi %min3A_1549, %max3A_1548 : vector<16xi32>
    %select_n3A_1551 = arith.select %lt3A_1541, %get3A_1534, %add3A_1538 : vector<16xi1>, vector<16xi32>
    %swap3A_1552 = arith.constant 2 : i32
    %swap3A_1553 = arith.index_cast %swap3A_1552 : i32 to index
    %swap3A_1554 = arith.constant 64 : index
    %swap3A_1555 = tpu.vector_load %arg9[%swap3A_1553, %swap3A_1554] {strides = array<i32>} : memref<4x128xi32, #tpu.memory_space<vmem>>, vector<16xi32>,
    tpu.vector_store %arg9[%swap3A_1553, %swap3A_1554], %select_n3A_1551 {strides = array<i32>} : memref<4x128xi32, #tpu.memory_space<vmem>>, vector<16xi32>,
    %shift_right_arithmetic3A_1556 = arith.constant 13 : i32
    %shift_right_arithmetic3A_1557 = vector.broadcast %shift_right_arithmetic3A_1556 : i32 to vector<16xi32>
    %shift_right_arithmetic3A_1558 = arith.shrsi %min3A_1550, %shift_right_arithmetic3A_1557 : vector<16xi32>
    %shift_left3A_1559 = arith.constant 11 : i32
    %shift_left3A_1560 = vector.broadcast %shift_left3A_1559 : i32 to vector<16xi32>
    %shift_left3A_1561 = arith.shli %shift_right_arithmetic3A_1558, %shift_left3A_1560 : vector<16xi32>
    %and3A_1562 = arith.constant 2047 : i32
    %and3A_1563 = vector.broadcast %and3A_1562 : i32 to vector<16xi32>
    %and3A_1564 = arith.andi %min3A_1550, %and3A_1563 : vector<16xi32>
    %or3A_1565 = arith.ori %shift_left3A_1561, %and3A_1564 : vector<16xi32>
    %select_n3A_1566 = arith.select %lt3A_1541, %add3A_1538, %or3A_1565 : vector<16xi1>, vector<16xi32>
    %swap3A_1567 = arith.constant 2 : i32
    %swap3A_1568 = arith.index_cast %swap3A_1567 : i32 to index
    %swap3A_1569 = arith.constant 64 : index
    %swap3A_1570 = tpu.vector_load %arg10[%swap3A_1568, %swap3A_1569] {strides = array<i32>} : memref<4x128xi32, #tpu.memory_space<vmem>>, vector<16xi32>,
    tpu.vector_store %arg10[%swap3A_1568, %swap3A_1569], %select_n3A_1566 {strides = array<i32>} : memref<4x128xi32, #tpu.memory_space<vmem>>, vector<16xi32>,
    %shift_right_arithmetic3A_1571 = arith.constant 11 : i32
    %shift_right_arithmetic3A_1572 = vector.broadcast %shift_right_arithmetic3A_1571 : i32 to vector<16xi32>
    %shift_right_arithmetic3A_1573 = arith.shrsi %min3A_1550, %shift_right_arithmetic3A_1572 : vector<16xi32>
    %and3A_1574 = arith.constant 3 : i32
    %and3A_1575 = vector.broadcast %and3A_1574 : i32 to vector<16xi32>
    %and3A_1576 = arith.andi %shift_right_arithmetic3A_1573, %and3A_1575 : vector<16xi32>
    %select_n3A_1577 = arith.select %lt3A_1541, %broadcast_in_dim3A_5, %broadcast_in_dim3A_3 : vector<16xi1>, vector<16xf32>
    %sub3A_1578 = arith.subf %broadcast_in_dim3A_5, %select_n3A_1577 : vector<16xf32>
    %add3A_1579 = arith.constant 320 : i32
    %add3A_1580 = vector.broadcast %add3A_1579 : i32 to vector<16xi32>
    %add3A_1581 = arith.addi %add3A_1580, %iota3A : vector<16xi32>
    %broadcast_in_dim3A_1582 = arith.constant 0 : i32
    %broadcast_in_dim3A_1583 = vector.broadcast %broadcast_in_dim3A_1582 : i32 to vector<16xi32>
    %eq3A_1584 = arith.constant 0 : i32
    %eq3A_1585 = vector.broadcast %eq3A_1584 : i32 to vector<16xi32>
    %eq3A_1586 = arith.cmpi eq, %and3A_1576, %eq3A_1585 : vector<16xi32>
    %select_n3A_1587 = arith.select %eq3A_1586, %sub3A_1578, %broadcast_in_dim3A_3 : vector<16xi1>, vector<16xf32>
    tpu.vector_store_idx %arg13[%add3A_1581, %broadcast_in_dim3A_1583], %select_n3A_1587 : memref<512x16xf32, #tpu.memory_space<vmem>>[vector<16xi32>, vector<16xi32>], vector<16xf32>,
    %broadcast_in_dim3A_1588 = arith.constant 1 : i32
    %broadcast_in_dim3A_1589 = vector.broadcast %broadcast_in_dim3A_1588 : i32 to vector<16xi32>
    %eq3A_1590 = arith.constant 1 : i32
    %eq3A_1591 = vector.broadcast %eq3A_1590 : i32 to vector<16xi32>
    %eq3A_1592 = arith.cmpi eq, %and3A_1576, %eq3A_1591 : vector<16xi32>
    %select_n3A_1593 = arith.select %eq3A_1592, %sub3A_1578, %broadcast_in_dim3A_3 : vector<16xi1>, vector<16xf32>
    tpu.vector_store_idx %arg13[%add3A_1581, %broadcast_in_dim3A_1589], %select_n3A_1593 : memref<512x16xf32, #tpu.memory_space<vmem>>[vector<16xi32>, vector<16xi32>], vector<16xf32>,
    %broadcast_in_dim3A_1594 = arith.constant 2 : i32
    %broadcast_in_dim3A_1595 = vector.broadcast %broadcast_in_dim3A_1594 : i32 to vector<16xi32>
    %eq3A_1596 = arith.constant 2 : i32
    %eq3A_1597 = vector.broadcast %eq3A_1596 : i32 to vector<16xi32>
    %eq3A_1598 = arith.cmpi eq, %and3A_1576, %eq3A_1597 : vector<16xi32>
    %select_n3A_1599 = arith.select %eq3A_1598, %sub3A_1578, %broadcast_in_dim3A_3 : vector<16xi1>, vector<16xf32>
    tpu.vector_store_idx %arg13[%add3A_1581, %broadcast_in_dim3A_1595], %select_n3A_1599 : memref<512x16xf32, #tpu.memory_space<vmem>>[vector<16xi32>, vector<16xi32>], vector<16xf32>,
    %broadcast_in_dim3A_1600 = arith.constant 3 : i32
    %broadcast_in_dim3A_1601 = vector.broadcast %broadcast_in_dim3A_1600 : i32 to vector<16xi32>
    %eq3A_1602 = arith.constant 3 : i32
    %eq3A_1603 = vector.broadcast %eq3A_1602 : i32 to vector<16xi32>
    %eq3A_1604 = arith.cmpi eq, %and3A_1576, %eq3A_1603 : vector<16xi32>
    %select_n3A_1605 = arith.select %eq3A_1604, %sub3A_1578, %broadcast_in_dim3A_3 : vector<16xi1>, vector<16xf32>
    tpu.vector_store_idx %arg13[%add3A_1581, %broadcast_in_dim3A_1601], %select_n3A_1605 : memref<512x16xf32, #tpu.memory_space<vmem>>[vector<16xi32>, vector<16xi32>], vector<16xf32>,
    %broadcast_in_dim3A_1606 = arith.constant 4 : i32
    %broadcast_in_dim3A_1607 = vector.broadcast %broadcast_in_dim3A_1606 : i32 to vector<16xi32>
    tpu.vector_store_idx %arg13[%add3A_1581, %broadcast_in_dim3A_1607], %select_n3A_1577 : memref<512x16xf32, #tpu.memory_space<vmem>>[vector<16xi32>, vector<16xi32>], vector<16xf32>,
    %broadcast_in_dim3A_1608 = arith.constant 5 : i32
    %broadcast_in_dim3A_1609 = vector.broadcast %broadcast_in_dim3A_1608 : i32 to vector<16xi32>
    tpu.vector_store_idx %arg13[%add3A_1581, %broadcast_in_dim3A_1609], %sub3A_1578 : memref<512x16xf32, #tpu.memory_space<vmem>>[vector<16xi32>, vector<16xi32>], vector<16xf32>,
    %get3A_1610 = arith.constant 336 : index
    %get3A_1611 = tpu.vector_load %arg8[%get3A_1610] {strides = array<i32>} : memref<512xi32, #tpu.memory_space<vmem>>, vector<16xi32>,
    %add3A_1612 = arith.constant 336 : i32
    %add3A_1613 = arith.addi %mul3A_2, %add3A_1612 : i32
    %add3A_1614 = vector.broadcast %add3A_1613 : i32 to vector<16xi32>
    %add3A_1615 = arith.addi %add3A_1614, %iota3A : vector<16xi32>
    %lt3A_1616 = arith.constant 100000 : i32
    %lt3A_1617 = vector.broadcast %lt3A_1616 : i32 to vector<16xi32>
    %lt3A_1618 = arith.cmpi slt, %get3A_1611, %lt3A_1617 : vector<16xi32>
    %sub3A_1619 = arith.constant 100000 : i32
    %sub3A_1620 = vector.broadcast %sub3A_1619 : i32 to vector<16xi32>
    %sub3A_1621 = arith.subi %get3A_1611, %sub3A_1620 : vector<16xi32>
    %jit3A_1622 = arith.constant 0 : i32
    %jit3A_1623 = arith.constant 899999 : i32
    %max3A_1624 = vector.broadcast %jit3A_1622 : i32 to vector<16xi32>
    %max3A_1625 = arith.maxsi %max3A_1624, %sub3A_1621 : vector<16xi32>
    %min3A_1626 = vector.broadcast %jit3A_1623 : i32 to vector<16xi32>
    %min3A_1627 = arith.minsi %min3A_1626, %max3A_1625 : vector<16xi32>
    %select_n3A_1628 = arith.select %lt3A_1618, %get3A_1611, %add3A_1615 : vector<16xi1>, vector<16xi32>
    %swap3A_1629 = arith.constant 2 : i32
    %swap3A_1630 = arith.index_cast %swap3A_1629 : i32 to index
    %swap3A_1631 = arith.constant 80 : index
    %swap3A_1632 = tpu.vector_load %arg9[%swap3A_1630, %swap3A_1631] {strides = array<i32>} : memref<4x128xi32, #tpu.memory_space<vmem>>, vector<16xi32>,
    tpu.vector_store %arg9[%swap3A_1630, %swap3A_1631], %select_n3A_1628 {strides = array<i32>} : memref<4x128xi32, #tpu.memory_space<vmem>>, vector<16xi32>,
    %shift_right_arithmetic3A_1633 = arith.constant 13 : i32
    %shift_right_arithmetic3A_1634 = vector.broadcast %shift_right_arithmetic3A_1633 : i32 to vector<16xi32>
    %shift_right_arithmetic3A_1635 = arith.shrsi %min3A_1627, %shift_right_arithmetic3A_1634 : vector<16xi32>
    %shift_left3A_1636 = arith.constant 11 : i32
    %shift_left3A_1637 = vector.broadcast %shift_left3A_1636 : i32 to vector<16xi32>
    %shift_left3A_1638 = arith.shli %shift_right_arithmetic3A_1635, %shift_left3A_1637 : vector<16xi32>
    %and3A_1639 = arith.constant 2047 : i32
    %and3A_1640 = vector.broadcast %and3A_1639 : i32 to vector<16xi32>
    %and3A_1641 = arith.andi %min3A_1627, %and3A_1640 : vector<16xi32>
    %or3A_1642 = arith.ori %shift_left3A_1638, %and3A_1641 : vector<16xi32>
    %select_n3A_1643 = arith.select %lt3A_1618, %add3A_1615, %or3A_1642 : vector<16xi1>, vector<16xi32>
    %swap3A_1644 = arith.constant 2 : i32
    %swap3A_1645 = arith.index_cast %swap3A_1644 : i32 to index
    %swap3A_1646 = arith.constant 80 : index
    %swap3A_1647 = tpu.vector_load %arg10[%swap3A_1645, %swap3A_1646] {strides = array<i32>} : memref<4x128xi32, #tpu.memory_space<vmem>>, vector<16xi32>,
    tpu.vector_store %arg10[%swap3A_1645, %swap3A_1646], %select_n3A_1643 {strides = array<i32>} : memref<4x128xi32, #tpu.memory_space<vmem>>, vector<16xi32>,
    %shift_right_arithmetic3A_1648 = arith.constant 11 : i32
    %shift_right_arithmetic3A_1649 = vector.broadcast %shift_right_arithmetic3A_1648 : i32 to vector<16xi32>
    %shift_right_arithmetic3A_1650 = arith.shrsi %min3A_1627, %shift_right_arithmetic3A_1649 : vector<16xi32>
    %and3A_1651 = arith.constant 3 : i32
    %and3A_1652 = vector.broadcast %and3A_1651 : i32 to vector<16xi32>
    %and3A_1653 = arith.andi %shift_right_arithmetic3A_1650, %and3A_1652 : vector<16xi32>
    %select_n3A_1654 = arith.select %lt3A_1618, %broadcast_in_dim3A_5, %broadcast_in_dim3A_3 : vector<16xi1>, vector<16xf32>
    %sub3A_1655 = arith.subf %broadcast_in_dim3A_5, %select_n3A_1654 : vector<16xf32>
    %add3A_1656 = arith.constant 336 : i32
    %add3A_1657 = vector.broadcast %add3A_1656 : i32 to vector<16xi32>
    %add3A_1658 = arith.addi %add3A_1657, %iota3A : vector<16xi32>
    %broadcast_in_dim3A_1659 = arith.constant 0 : i32
    %broadcast_in_dim3A_1660 = vector.broadcast %broadcast_in_dim3A_1659 : i32 to vector<16xi32>
    %eq3A_1661 = arith.constant 0 : i32
    %eq3A_1662 = vector.broadcast %eq3A_1661 : i32 to vector<16xi32>
    %eq3A_1663 = arith.cmpi eq, %and3A_1653, %eq3A_1662 : vector<16xi32>
    %select_n3A_1664 = arith.select %eq3A_1663, %sub3A_1655, %broadcast_in_dim3A_3 : vector<16xi1>, vector<16xf32>
    tpu.vector_store_idx %arg13[%add3A_1658, %broadcast_in_dim3A_1660], %select_n3A_1664 : memref<512x16xf32, #tpu.memory_space<vmem>>[vector<16xi32>, vector<16xi32>], vector<16xf32>,
    %broadcast_in_dim3A_1665 = arith.constant 1 : i32
    %broadcast_in_dim3A_1666 = vector.broadcast %broadcast_in_dim3A_1665 : i32 to vector<16xi32>
    %eq3A_1667 = arith.constant 1 : i32
    %eq3A_1668 = vector.broadcast %eq3A_1667 : i32 to vector<16xi32>
    %eq3A_1669 = arith.cmpi eq, %and3A_1653, %eq3A_1668 : vector<16xi32>
    %select_n3A_1670 = arith.select %eq3A_1669, %sub3A_1655, %broadcast_in_dim3A_3 : vector<16xi1>, vector<16xf32>
    tpu.vector_store_idx %arg13[%add3A_1658, %broadcast_in_dim3A_1666], %select_n3A_1670 : memref<512x16xf32, #tpu.memory_space<vmem>>[vector<16xi32>, vector<16xi32>], vector<16xf32>,
    %broadcast_in_dim3A_1671 = arith.constant 2 : i32
    %broadcast_in_dim3A_1672 = vector.broadcast %broadcast_in_dim3A_1671 : i32 to vector<16xi32>
    %eq3A_1673 = arith.constant 2 : i32
    %eq3A_1674 = vector.broadcast %eq3A_1673 : i32 to vector<16xi32>
    %eq3A_1675 = arith.cmpi eq, %and3A_1653, %eq3A_1674 : vector<16xi32>
    %select_n3A_1676 = arith.select %eq3A_1675, %sub3A_1655, %broadcast_in_dim3A_3 : vector<16xi1>, vector<16xf32>
    tpu.vector_store_idx %arg13[%add3A_1658, %broadcast_in_dim3A_1672], %select_n3A_1676 : memref<512x16xf32, #tpu.memory_space<vmem>>[vector<16xi32>, vector<16xi32>], vector<16xf32>,
    %broadcast_in_dim3A_1677 = arith.constant 3 : i32
    %broadcast_in_dim3A_1678 = vector.broadcast %broadcast_in_dim3A_1677 : i32 to vector<16xi32>
    %eq3A_1679 = arith.constant 3 : i32
    %eq3A_1680 = vector.broadcast %eq3A_1679 : i32 to vector<16xi32>
    %eq3A_1681 = arith.cmpi eq, %and3A_1653, %eq3A_1680 : vector<16xi32>
    %select_n3A_1682 = arith.select %eq3A_1681, %sub3A_1655, %broadcast_in_dim3A_3 : vector<16xi1>, vector<16xf32>
    tpu.vector_store_idx %arg13[%add3A_1658, %broadcast_in_dim3A_1678], %select_n3A_1682 : memref<512x16xf32, #tpu.memory_space<vmem>>[vector<16xi32>, vector<16xi32>], vector<16xf32>,
    %broadcast_in_dim3A_1683 = arith.constant 4 : i32
    %broadcast_in_dim3A_1684 = vector.broadcast %broadcast_in_dim3A_1683 : i32 to vector<16xi32>
    tpu.vector_store_idx %arg13[%add3A_1658, %broadcast_in_dim3A_1684], %select_n3A_1654 : memref<512x16xf32, #tpu.memory_space<vmem>>[vector<16xi32>, vector<16xi32>], vector<16xf32>,
    %broadcast_in_dim3A_1685 = arith.constant 5 : i32
    %broadcast_in_dim3A_1686 = vector.broadcast %broadcast_in_dim3A_1685 : i32 to vector<16xi32>
    tpu.vector_store_idx %arg13[%add3A_1658, %broadcast_in_dim3A_1686], %sub3A_1655 : memref<512x16xf32, #tpu.memory_space<vmem>>[vector<16xi32>, vector<16xi32>], vector<16xf32>,
    %get3A_1687 = arith.constant 352 : index
    %get3A_1688 = tpu.vector_load %arg8[%get3A_1687] {strides = array<i32>} : memref<512xi32, #tpu.memory_space<vmem>>, vector<16xi32>,
    %add3A_1689 = arith.constant 352 : i32
    %add3A_1690 = arith.addi %mul3A_2, %add3A_1689 : i32
    %add3A_1691 = vector.broadcast %add3A_1690 : i32 to vector<16xi32>
    %add3A_1692 = arith.addi %add3A_1691, %iota3A : vector<16xi32>
    %lt3A_1693 = arith.constant 100000 : i32
    %lt3A_1694 = vector.broadcast %lt3A_1693 : i32 to vector<16xi32>
    %lt3A_1695 = arith.cmpi slt, %get3A_1688, %lt3A_1694 : vector<16xi32>
    %sub3A_1696 = arith.constant 100000 : i32
    %sub3A_1697 = vector.broadcast %sub3A_1696 : i32 to vector<16xi32>
    %sub3A_1698 = arith.subi %get3A_1688, %sub3A_1697 : vector<16xi32>
    %jit3A_1699 = arith.constant 0 : i32
    %jit3A_1700 = arith.constant 899999 : i32
    %max3A_1701 = vector.broadcast %jit3A_1699 : i32 to vector<16xi32>
    %max3A_1702 = arith.maxsi %max3A_1701, %sub3A_1698 : vector<16xi32>
    %min3A_1703 = vector.broadcast %jit3A_1700 : i32 to vector<16xi32>
    %min3A_1704 = arith.minsi %min3A_1703, %max3A_1702 : vector<16xi32>
    %select_n3A_1705 = arith.select %lt3A_1695, %get3A_1688, %add3A_1692 : vector<16xi1>, vector<16xi32>
    %swap3A_1706 = arith.constant 2 : i32
    %swap3A_1707 = arith.index_cast %swap3A_1706 : i32 to index
    %swap3A_1708 = arith.constant 96 : index
    %swap3A_1709 = tpu.vector_load %arg9[%swap3A_1707, %swap3A_1708] {strides = array<i32>} : memref<4x128xi32, #tpu.memory_space<vmem>>, vector<16xi32>,
    tpu.vector_store %arg9[%swap3A_1707, %swap3A_1708], %select_n3A_1705 {strides = array<i32>} : memref<4x128xi32, #tpu.memory_space<vmem>>, vector<16xi32>,
    %shift_right_arithmetic3A_1710 = arith.constant 13 : i32
    %shift_right_arithmetic3A_1711 = vector.broadcast %shift_right_arithmetic3A_1710 : i32 to vector<16xi32>
    %shift_right_arithmetic3A_1712 = arith.shrsi %min3A_1704, %shift_right_arithmetic3A_1711 : vector<16xi32>
    %shift_left3A_1713 = arith.constant 11 : i32
    %shift_left3A_1714 = vector.broadcast %shift_left3A_1713 : i32 to vector<16xi32>
    %shift_left3A_1715 = arith.shli %shift_right_arithmetic3A_1712, %shift_left3A_1714 : vector<16xi32>
    %and3A_1716 = arith.constant 2047 : i32
    %and3A_1717 = vector.broadcast %and3A_1716 : i32 to vector<16xi32>
    %and3A_1718 = arith.andi %min3A_1704, %and3A_1717 : vector<16xi32>
    %or3A_1719 = arith.ori %shift_left3A_1715, %and3A_1718 : vector<16xi32>
    %select_n3A_1720 = arith.select %lt3A_1695, %add3A_1692, %or3A_1719 : vector<16xi1>, vector<16xi32>
    %swap3A_1721 = arith.constant 2 : i32
    %swap3A_1722 = arith.index_cast %swap3A_1721 : i32 to index
    %swap3A_1723 = arith.constant 96 : index
    %swap3A_1724 = tpu.vector_load %arg10[%swap3A_1722, %swap3A_1723] {strides = array<i32>} : memref<4x128xi32, #tpu.memory_space<vmem>>, vector<16xi32>,
    tpu.vector_store %arg10[%swap3A_1722, %swap3A_1723], %select_n3A_1720 {strides = array<i32>} : memref<4x128xi32, #tpu.memory_space<vmem>>, vector<16xi32>,
    %shift_right_arithmetic3A_1725 = arith.constant 11 : i32
    %shift_right_arithmetic3A_1726 = vector.broadcast %shift_right_arithmetic3A_1725 : i32 to vector<16xi32>
    %shift_right_arithmetic3A_1727 = arith.shrsi %min3A_1704, %shift_right_arithmetic3A_1726 : vector<16xi32>
    %and3A_1728 = arith.constant 3 : i32
    %and3A_1729 = vector.broadcast %and3A_1728 : i32 to vector<16xi32>
    %and3A_1730 = arith.andi %shift_right_arithmetic3A_1727, %and3A_1729 : vector<16xi32>
    %select_n3A_1731 = arith.select %lt3A_1695, %broadcast_in_dim3A_5, %broadcast_in_dim3A_3 : vector<16xi1>, vector<16xf32>
    %sub3A_1732 = arith.subf %broadcast_in_dim3A_5, %select_n3A_1731 : vector<16xf32>
    %add3A_1733 = arith.constant 352 : i32
    %add3A_1734 = vector.broadcast %add3A_1733 : i32 to vector<16xi32>
    %add3A_1735 = arith.addi %add3A_1734, %iota3A : vector<16xi32>
    %broadcast_in_dim3A_1736 = arith.constant 0 : i32
    %broadcast_in_dim3A_1737 = vector.broadcast %broadcast_in_dim3A_1736 : i32 to vector<16xi32>
    %eq3A_1738 = arith.constant 0 : i32
    %eq3A_1739 = vector.broadcast %eq3A_1738 : i32 to vector<16xi32>
    %eq3A_1740 = arith.cmpi eq, %and3A_1730, %eq3A_1739 : vector<16xi32>
    %select_n3A_1741 = arith.select %eq3A_1740, %sub3A_1732, %broadcast_in_dim3A_3 : vector<16xi1>, vector<16xf32>
    tpu.vector_store_idx %arg13[%add3A_1735, %broadcast_in_dim3A_1737], %select_n3A_1741 : memref<512x16xf32, #tpu.memory_space<vmem>>[vector<16xi32>, vector<16xi32>], vector<16xf32>,
    %broadcast_in_dim3A_1742 = arith.constant 1 : i32
    %broadcast_in_dim3A_1743 = vector.broadcast %broadcast_in_dim3A_1742 : i32 to vector<16xi32>
    %eq3A_1744 = arith.constant 1 : i32
    %eq3A_1745 = vector.broadcast %eq3A_1744 : i32 to vector<16xi32>
    %eq3A_1746 = arith.cmpi eq, %and3A_1730, %eq3A_1745 : vector<16xi32>
    %select_n3A_1747 = arith.select %eq3A_1746, %sub3A_1732, %broadcast_in_dim3A_3 : vector<16xi1>, vector<16xf32>
    tpu.vector_store_idx %arg13[%add3A_1735, %broadcast_in_dim3A_1743], %select_n3A_1747 : memref<512x16xf32, #tpu.memory_space<vmem>>[vector<16xi32>, vector<16xi32>], vector<16xf32>,
    %broadcast_in_dim3A_1748 = arith.constant 2 : i32
    %broadcast_in_dim3A_1749 = vector.broadcast %broadcast_in_dim3A_1748 : i32 to vector<16xi32>
    %eq3A_1750 = arith.constant 2 : i32
    %eq3A_1751 = vector.broadcast %eq3A_1750 : i32 to vector<16xi32>
    %eq3A_1752 = arith.cmpi eq, %and3A_1730, %eq3A_1751 : vector<16xi32>
    %select_n3A_1753 = arith.select %eq3A_1752, %sub3A_1732, %broadcast_in_dim3A_3 : vector<16xi1>, vector<16xf32>
    tpu.vector_store_idx %arg13[%add3A_1735, %broadcast_in_dim3A_1749], %select_n3A_1753 : memref<512x16xf32, #tpu.memory_space<vmem>>[vector<16xi32>, vector<16xi32>], vector<16xf32>,
    %broadcast_in_dim3A_1754 = arith.constant 3 : i32
    %broadcast_in_dim3A_1755 = vector.broadcast %broadcast_in_dim3A_1754 : i32 to vector<16xi32>
    %eq3A_1756 = arith.constant 3 : i32
    %eq3A_1757 = vector.broadcast %eq3A_1756 : i32 to vector<16xi32>
    %eq3A_1758 = arith.cmpi eq, %and3A_1730, %eq3A_1757 : vector<16xi32>
    %select_n3A_1759 = arith.select %eq3A_1758, %sub3A_1732, %broadcast_in_dim3A_3 : vector<16xi1>, vector<16xf32>
    tpu.vector_store_idx %arg13[%add3A_1735, %broadcast_in_dim3A_1755], %select_n3A_1759 : memref<512x16xf32, #tpu.memory_space<vmem>>[vector<16xi32>, vector<16xi32>], vector<16xf32>,
    %broadcast_in_dim3A_1760 = arith.constant 4 : i32
    %broadcast_in_dim3A_1761 = vector.broadcast %broadcast_in_dim3A_1760 : i32 to vector<16xi32>
    tpu.vector_store_idx %arg13[%add3A_1735, %broadcast_in_dim3A_1761], %select_n3A_1731 : memref<512x16xf32, #tpu.memory_space<vmem>>[vector<16xi32>, vector<16xi32>], vector<16xf32>,
    %broadcast_in_dim3A_1762 = arith.constant 5 : i32
    %broadcast_in_dim3A_1763 = vector.broadcast %broadcast_in_dim3A_1762 : i32 to vector<16xi32>
    tpu.vector_store_idx %arg13[%add3A_1735, %broadcast_in_dim3A_1763], %sub3A_1732 : memref<512x16xf32, #tpu.memory_space<vmem>>[vector<16xi32>, vector<16xi32>], vector<16xf32>,
    %get3A_1764 = arith.constant 368 : index
    %get3A_1765 = tpu.vector_load %arg8[%get3A_1764] {strides = array<i32>} : memref<512xi32, #tpu.memory_space<vmem>>, vector<16xi32>,
    %add3A_1766 = arith.constant 368 : i32
    %add3A_1767 = arith.addi %mul3A_2, %add3A_1766 : i32
    %add3A_1768 = vector.broadcast %add3A_1767 : i32 to vector<16xi32>
    %add3A_1769 = arith.addi %add3A_1768, %iota3A : vector<16xi32>
    %lt3A_1770 = arith.constant 100000 : i32
    %lt3A_1771 = vector.broadcast %lt3A_1770 : i32 to vector<16xi32>
    %lt3A_1772 = arith.cmpi slt, %get3A_1765, %lt3A_1771 : vector<16xi32>
    %sub3A_1773 = arith.constant 100000 : i32
    %sub3A_1774 = vector.broadcast %sub3A_1773 : i32 to vector<16xi32>
    %sub3A_1775 = arith.subi %get3A_1765, %sub3A_1774 : vector<16xi32>
    %jit3A_1776 = arith.constant 0 : i32
    %jit3A_1777 = arith.constant 899999 : i32
    %max3A_1778 = vector.broadcast %jit3A_1776 : i32 to vector<16xi32>
    %max3A_1779 = arith.maxsi %max3A_1778, %sub3A_1775 : vector<16xi32>
    %min3A_1780 = vector.broadcast %jit3A_1777 : i32 to vector<16xi32>
    %min3A_1781 = arith.minsi %min3A_1780, %max3A_1779 : vector<16xi32>
    %select_n3A_1782 = arith.select %lt3A_1772, %get3A_1765, %add3A_1769 : vector<16xi1>, vector<16xi32>
    %swap3A_1783 = arith.constant 2 : i32
    %swap3A_1784 = arith.index_cast %swap3A_1783 : i32 to index
    %swap3A_1785 = arith.constant 112 : index
    %swap3A_1786 = tpu.vector_load %arg9[%swap3A_1784, %swap3A_1785] {strides = array<i32>} : memref<4x128xi32, #tpu.memory_space<vmem>>, vector<16xi32>,
    tpu.vector_store %arg9[%swap3A_1784, %swap3A_1785], %select_n3A_1782 {strides = array<i32>} : memref<4x128xi32, #tpu.memory_space<vmem>>, vector<16xi32>,
    %shift_right_arithmetic3A_1787 = arith.constant 13 : i32
    %shift_right_arithmetic3A_1788 = vector.broadcast %shift_right_arithmetic3A_1787 : i32 to vector<16xi32>
    %shift_right_arithmetic3A_1789 = arith.shrsi %min3A_1781, %shift_right_arithmetic3A_1788 : vector<16xi32>
    %shift_left3A_1790 = arith.constant 11 : i32
    %shift_left3A_1791 = vector.broadcast %shift_left3A_1790 : i32 to vector<16xi32>
    %shift_left3A_1792 = arith.shli %shift_right_arithmetic3A_1789, %shift_left3A_1791 : vector<16xi32>
    %and3A_1793 = arith.constant 2047 : i32
    %and3A_1794 = vector.broadcast %and3A_1793 : i32 to vector<16xi32>
    %and3A_1795 = arith.andi %min3A_1781, %and3A_1794 : vector<16xi32>
    %or3A_1796 = arith.ori %shift_left3A_1792, %and3A_1795 : vector<16xi32>
    %select_n3A_1797 = arith.select %lt3A_1772, %add3A_1769, %or3A_1796 : vector<16xi1>, vector<16xi32>
    %swap3A_1798 = arith.constant 2 : i32
    %swap3A_1799 = arith.index_cast %swap3A_1798 : i32 to index
    %swap3A_1800 = arith.constant 112 : index
    %swap3A_1801 = tpu.vector_load %arg10[%swap3A_1799, %swap3A_1800] {strides = array<i32>} : memref<4x128xi32, #tpu.memory_space<vmem>>, vector<16xi32>,
    tpu.vector_store %arg10[%swap3A_1799, %swap3A_1800], %select_n3A_1797 {strides = array<i32>} : memref<4x128xi32, #tpu.memory_space<vmem>>, vector<16xi32>,
    %shift_right_arithmetic3A_1802 = arith.constant 11 : i32
    %shift_right_arithmetic3A_1803 = vector.broadcast %shift_right_arithmetic3A_1802 : i32 to vector<16xi32>
    %shift_right_arithmetic3A_1804 = arith.shrsi %min3A_1781, %shift_right_arithmetic3A_1803 : vector<16xi32>
    %and3A_1805 = arith.constant 3 : i32
    %and3A_1806 = vector.broadcast %and3A_1805 : i32 to vector<16xi32>
    %and3A_1807 = arith.andi %shift_right_arithmetic3A_1804, %and3A_1806 : vector<16xi32>
    %select_n3A_1808 = arith.select %lt3A_1772, %broadcast_in_dim3A_5, %broadcast_in_dim3A_3 : vector<16xi1>, vector<16xf32>
    %sub3A_1809 = arith.subf %broadcast_in_dim3A_5, %select_n3A_1808 : vector<16xf32>
    %add3A_1810 = arith.constant 368 : i32
    %add3A_1811 = vector.broadcast %add3A_1810 : i32 to vector<16xi32>
    %add3A_1812 = arith.addi %add3A_1811, %iota3A : vector<16xi32>
    %broadcast_in_dim3A_1813 = arith.constant 0 : i32
    %broadcast_in_dim3A_1814 = vector.broadcast %broadcast_in_dim3A_1813 : i32 to vector<16xi32>
    %eq3A_1815 = arith.constant 0 : i32
    %eq3A_1816 = vector.broadcast %eq3A_1815 : i32 to vector<16xi32>
    %eq3A_1817 = arith.cmpi eq, %and3A_1807, %eq3A_1816 : vector<16xi32>
    %select_n3A_1818 = arith.select %eq3A_1817, %sub3A_1809, %broadcast_in_dim3A_3 : vector<16xi1>, vector<16xf32>
    tpu.vector_store_idx %arg13[%add3A_1812, %broadcast_in_dim3A_1814], %select_n3A_1818 : memref<512x16xf32, #tpu.memory_space<vmem>>[vector<16xi32>, vector<16xi32>], vector<16xf32>,
    %broadcast_in_dim3A_1819 = arith.constant 1 : i32
    %broadcast_in_dim3A_1820 = vector.broadcast %broadcast_in_dim3A_1819 : i32 to vector<16xi32>
    %eq3A_1821 = arith.constant 1 : i32
    %eq3A_1822 = vector.broadcast %eq3A_1821 : i32 to vector<16xi32>
    %eq3A_1823 = arith.cmpi eq, %and3A_1807, %eq3A_1822 : vector<16xi32>
    %select_n3A_1824 = arith.select %eq3A_1823, %sub3A_1809, %broadcast_in_dim3A_3 : vector<16xi1>, vector<16xf32>
    tpu.vector_store_idx %arg13[%add3A_1812, %broadcast_in_dim3A_1820], %select_n3A_1824 : memref<512x16xf32, #tpu.memory_space<vmem>>[vector<16xi32>, vector<16xi32>], vector<16xf32>,
    %broadcast_in_dim3A_1825 = arith.constant 2 : i32
    %broadcast_in_dim3A_1826 = vector.broadcast %broadcast_in_dim3A_1825 : i32 to vector<16xi32>
    %eq3A_1827 = arith.constant 2 : i32
    %eq3A_1828 = vector.broadcast %eq3A_1827 : i32 to vector<16xi32>
    %eq3A_1829 = arith.cmpi eq, %and3A_1807, %eq3A_1828 : vector<16xi32>
    %select_n3A_1830 = arith.select %eq3A_1829, %sub3A_1809, %broadcast_in_dim3A_3 : vector<16xi1>, vector<16xf32>
    tpu.vector_store_idx %arg13[%add3A_1812, %broadcast_in_dim3A_1826], %select_n3A_1830 : memref<512x16xf32, #tpu.memory_space<vmem>>[vector<16xi32>, vector<16xi32>], vector<16xf32>,
    %broadcast_in_dim3A_1831 = arith.constant 3 : i32
    %broadcast_in_dim3A_1832 = vector.broadcast %broadcast_in_dim3A_1831 : i32 to vector<16xi32>
    %eq3A_1833 = arith.constant 3 : i32
    %eq3A_1834 = vector.broadcast %eq3A_1833 : i32 to vector<16xi32>
    %eq3A_1835 = arith.cmpi eq, %and3A_1807, %eq3A_1834 : vector<16xi32>
    %select_n3A_1836 = arith.select %eq3A_1835, %sub3A_1809, %broadcast_in_dim3A_3 : vector<16xi1>, vector<16xf32>
    tpu.vector_store_idx %arg13[%add3A_1812, %broadcast_in_dim3A_1832], %select_n3A_1836 : memref<512x16xf32, #tpu.memory_space<vmem>>[vector<16xi32>, vector<16xi32>], vector<16xf32>,
    %broadcast_in_dim3A_1837 = arith.constant 4 : i32
    %broadcast_in_dim3A_1838 = vector.broadcast %broadcast_in_dim3A_1837 : i32 to vector<16xi32>
    tpu.vector_store_idx %arg13[%add3A_1812, %broadcast_in_dim3A_1838], %select_n3A_1808 : memref<512x16xf32, #tpu.memory_space<vmem>>[vector<16xi32>, vector<16xi32>], vector<16xf32>,
    %broadcast_in_dim3A_1839 = arith.constant 5 : i32
    %broadcast_in_dim3A_1840 = vector.broadcast %broadcast_in_dim3A_1839 : i32 to vector<16xi32>
    tpu.vector_store_idx %arg13[%add3A_1812, %broadcast_in_dim3A_1840], %sub3A_1809 : memref<512x16xf32, #tpu.memory_space<vmem>>[vector<16xi32>, vector<16xi32>], vector<16xf32>,
    %get3A_1841 = arith.constant 384 : index
    %get3A_1842 = tpu.vector_load %arg8[%get3A_1841] {strides = array<i32>} : memref<512xi32, #tpu.memory_space<vmem>>, vector<16xi32>,
    %add3A_1843 = arith.constant 384 : i32
    %add3A_1844 = arith.addi %mul3A_2, %add3A_1843 : i32
    %add3A_1845 = vector.broadcast %add3A_1844 : i32 to vector<16xi32>
    %add3A_1846 = arith.addi %add3A_1845, %iota3A : vector<16xi32>
    %lt3A_1847 = arith.constant 100000 : i32
    %lt3A_1848 = vector.broadcast %lt3A_1847 : i32 to vector<16xi32>
    %lt3A_1849 = arith.cmpi slt, %get3A_1842, %lt3A_1848 : vector<16xi32>
    %sub3A_1850 = arith.constant 100000 : i32
    %sub3A_1851 = vector.broadcast %sub3A_1850 : i32 to vector<16xi32>
    %sub3A_1852 = arith.subi %get3A_1842, %sub3A_1851 : vector<16xi32>
    %jit3A_1853 = arith.constant 0 : i32
    %jit3A_1854 = arith.constant 899999 : i32
    %max3A_1855 = vector.broadcast %jit3A_1853 : i32 to vector<16xi32>
    %max3A_1856 = arith.maxsi %max3A_1855, %sub3A_1852 : vector<16xi32>
    %min3A_1857 = vector.broadcast %jit3A_1854 : i32 to vector<16xi32>
    %min3A_1858 = arith.minsi %min3A_1857, %max3A_1856 : vector<16xi32>
    %select_n3A_1859 = arith.select %lt3A_1849, %get3A_1842, %add3A_1846 : vector<16xi1>, vector<16xi32>
    %swap3A_1860 = arith.constant 3 : i32
    %swap3A_1861 = arith.index_cast %swap3A_1860 : i32 to index
    %swap3A_1862 = arith.constant 0 : index
    %swap3A_1863 = tpu.vector_load %arg9[%swap3A_1861, %swap3A_1862] {strides = array<i32>} : memref<4x128xi32, #tpu.memory_space<vmem>>, vector<16xi32>,
    tpu.vector_store %arg9[%swap3A_1861, %swap3A_1862], %select_n3A_1859 {strides = array<i32>} : memref<4x128xi32, #tpu.memory_space<vmem>>, vector<16xi32>,
    %shift_right_arithmetic3A_1864 = arith.constant 13 : i32
    %shift_right_arithmetic3A_1865 = vector.broadcast %shift_right_arithmetic3A_1864 : i32 to vector<16xi32>
    %shift_right_arithmetic3A_1866 = arith.shrsi %min3A_1858, %shift_right_arithmetic3A_1865 : vector<16xi32>
    %shift_left3A_1867 = arith.constant 11 : i32
    %shift_left3A_1868 = vector.broadcast %shift_left3A_1867 : i32 to vector<16xi32>
    %shift_left3A_1869 = arith.shli %shift_right_arithmetic3A_1866, %shift_left3A_1868 : vector<16xi32>
    %and3A_1870 = arith.constant 2047 : i32
    %and3A_1871 = vector.broadcast %and3A_1870 : i32 to vector<16xi32>
    %and3A_1872 = arith.andi %min3A_1858, %and3A_1871 : vector<16xi32>
    %or3A_1873 = arith.ori %shift_left3A_1869, %and3A_1872 : vector<16xi32>
    %select_n3A_1874 = arith.select %lt3A_1849, %add3A_1846, %or3A_1873 : vector<16xi1>, vector<16xi32>
    %swap3A_1875 = arith.constant 3 : i32
    %swap3A_1876 = arith.index_cast %swap3A_1875 : i32 to index
    %swap3A_1877 = arith.constant 0 : index
    %swap3A_1878 = tpu.vector_load %arg10[%swap3A_1876, %swap3A_1877] {strides = array<i32>} : memref<4x128xi32, #tpu.memory_space<vmem>>, vector<16xi32>,
    tpu.vector_store %arg10[%swap3A_1876, %swap3A_1877], %select_n3A_1874 {strides = array<i32>} : memref<4x128xi32, #tpu.memory_space<vmem>>, vector<16xi32>,
    %shift_right_arithmetic3A_1879 = arith.constant 11 : i32
    %shift_right_arithmetic3A_1880 = vector.broadcast %shift_right_arithmetic3A_1879 : i32 to vector<16xi32>
    %shift_right_arithmetic3A_1881 = arith.shrsi %min3A_1858, %shift_right_arithmetic3A_1880 : vector<16xi32>
    %and3A_1882 = arith.constant 3 : i32
    %and3A_1883 = vector.broadcast %and3A_1882 : i32 to vector<16xi32>
    %and3A_1884 = arith.andi %shift_right_arithmetic3A_1881, %and3A_1883 : vector<16xi32>
    %select_n3A_1885 = arith.select %lt3A_1849, %broadcast_in_dim3A_5, %broadcast_in_dim3A_3 : vector<16xi1>, vector<16xf32>
    %sub3A_1886 = arith.subf %broadcast_in_dim3A_5, %select_n3A_1885 : vector<16xf32>
    %add3A_1887 = arith.constant 384 : i32
    %add3A_1888 = vector.broadcast %add3A_1887 : i32 to vector<16xi32>
    %add3A_1889 = arith.addi %add3A_1888, %iota3A : vector<16xi32>
    %broadcast_in_dim3A_1890 = arith.constant 0 : i32
    %broadcast_in_dim3A_1891 = vector.broadcast %broadcast_in_dim3A_1890 : i32 to vector<16xi32>
    %eq3A_1892 = arith.constant 0 : i32
    %eq3A_1893 = vector.broadcast %eq3A_1892 : i32 to vector<16xi32>
    %eq3A_1894 = arith.cmpi eq, %and3A_1884, %eq3A_1893 : vector<16xi32>
    %select_n3A_1895 = arith.select %eq3A_1894, %sub3A_1886, %broadcast_in_dim3A_3 : vector<16xi1>, vector<16xf32>
    tpu.vector_store_idx %arg13[%add3A_1889, %broadcast_in_dim3A_1891], %select_n3A_1895 : memref<512x16xf32, #tpu.memory_space<vmem>>[vector<16xi32>, vector<16xi32>], vector<16xf32>,
    %broadcast_in_dim3A_1896 = arith.constant 1 : i32
    %broadcast_in_dim3A_1897 = vector.broadcast %broadcast_in_dim3A_1896 : i32 to vector<16xi32>
    %eq3A_1898 = arith.constant 1 : i32
    %eq3A_1899 = vector.broadcast %eq3A_1898 : i32 to vector<16xi32>
    %eq3A_1900 = arith.cmpi eq, %and3A_1884, %eq3A_1899 : vector<16xi32>
    %select_n3A_1901 = arith.select %eq3A_1900, %sub3A_1886, %broadcast_in_dim3A_3 : vector<16xi1>, vector<16xf32>
    tpu.vector_store_idx %arg13[%add3A_1889, %broadcast_in_dim3A_1897], %select_n3A_1901 : memref<512x16xf32, #tpu.memory_space<vmem>>[vector<16xi32>, vector<16xi32>], vector<16xf32>,
    %broadcast_in_dim3A_1902 = arith.constant 2 : i32
    %broadcast_in_dim3A_1903 = vector.broadcast %broadcast_in_dim3A_1902 : i32 to vector<16xi32>
    %eq3A_1904 = arith.constant 2 : i32
    %eq3A_1905 = vector.broadcast %eq3A_1904 : i32 to vector<16xi32>
    %eq3A_1906 = arith.cmpi eq, %and3A_1884, %eq3A_1905 : vector<16xi32>
    %select_n3A_1907 = arith.select %eq3A_1906, %sub3A_1886, %broadcast_in_dim3A_3 : vector<16xi1>, vector<16xf32>
    tpu.vector_store_idx %arg13[%add3A_1889, %broadcast_in_dim3A_1903], %select_n3A_1907 : memref<512x16xf32, #tpu.memory_space<vmem>>[vector<16xi32>, vector<16xi32>], vector<16xf32>,
    %broadcast_in_dim3A_1908 = arith.constant 3 : i32
    %broadcast_in_dim3A_1909 = vector.broadcast %broadcast_in_dim3A_1908 : i32 to vector<16xi32>
    %eq3A_1910 = arith.constant 3 : i32
    %eq3A_1911 = vector.broadcast %eq3A_1910 : i32 to vector<16xi32>
    %eq3A_1912 = arith.cmpi eq, %and3A_1884, %eq3A_1911 : vector<16xi32>
    %select_n3A_1913 = arith.select %eq3A_1912, %sub3A_1886, %broadcast_in_dim3A_3 : vector<16xi1>, vector<16xf32>
    tpu.vector_store_idx %arg13[%add3A_1889, %broadcast_in_dim3A_1909], %select_n3A_1913 : memref<512x16xf32, #tpu.memory_space<vmem>>[vector<16xi32>, vector<16xi32>], vector<16xf32>,
    %broadcast_in_dim3A_1914 = arith.constant 4 : i32
    %broadcast_in_dim3A_1915 = vector.broadcast %broadcast_in_dim3A_1914 : i32 to vector<16xi32>
    tpu.vector_store_idx %arg13[%add3A_1889, %broadcast_in_dim3A_1915], %select_n3A_1885 : memref<512x16xf32, #tpu.memory_space<vmem>>[vector<16xi32>, vector<16xi32>], vector<16xf32>,
    %broadcast_in_dim3A_1916 = arith.constant 5 : i32
    %broadcast_in_dim3A_1917 = vector.broadcast %broadcast_in_dim3A_1916 : i32 to vector<16xi32>
    tpu.vector_store_idx %arg13[%add3A_1889, %broadcast_in_dim3A_1917], %sub3A_1886 : memref<512x16xf32, #tpu.memory_space<vmem>>[vector<16xi32>, vector<16xi32>], vector<16xf32>,
    %get3A_1918 = arith.constant 400 : index
    %get3A_1919 = tpu.vector_load %arg8[%get3A_1918] {strides = array<i32>} : memref<512xi32, #tpu.memory_space<vmem>>, vector<16xi32>,
    %add3A_1920 = arith.constant 400 : i32
    %add3A_1921 = arith.addi %mul3A_2, %add3A_1920 : i32
    %add3A_1922 = vector.broadcast %add3A_1921 : i32 to vector<16xi32>
    %add3A_1923 = arith.addi %add3A_1922, %iota3A : vector<16xi32>
    %lt3A_1924 = arith.constant 100000 : i32
    %lt3A_1925 = vector.broadcast %lt3A_1924 : i32 to vector<16xi32>
    %lt3A_1926 = arith.cmpi slt, %get3A_1919, %lt3A_1925 : vector<16xi32>
    %sub3A_1927 = arith.constant 100000 : i32
    %sub3A_1928 = vector.broadcast %sub3A_1927 : i32 to vector<16xi32>
    %sub3A_1929 = arith.subi %get3A_1919, %sub3A_1928 : vector<16xi32>
    %jit3A_1930 = arith.constant 0 : i32
    %jit3A_1931 = arith.constant 899999 : i32
    %max3A_1932 = vector.broadcast %jit3A_1930 : i32 to vector<16xi32>
    %max3A_1933 = arith.maxsi %max3A_1932, %sub3A_1929 : vector<16xi32>
    %min3A_1934 = vector.broadcast %jit3A_1931 : i32 to vector<16xi32>
    %min3A_1935 = arith.minsi %min3A_1934, %max3A_1933 : vector<16xi32>
    %select_n3A_1936 = arith.select %lt3A_1926, %get3A_1919, %add3A_1923 : vector<16xi1>, vector<16xi32>
    %swap3A_1937 = arith.constant 3 : i32
    %swap3A_1938 = arith.index_cast %swap3A_1937 : i32 to index
    %swap3A_1939 = arith.constant 16 : index
    %swap3A_1940 = tpu.vector_load %arg9[%swap3A_1938, %swap3A_1939] {strides = array<i32>} : memref<4x128xi32, #tpu.memory_space<vmem>>, vector<16xi32>,
    tpu.vector_store %arg9[%swap3A_1938, %swap3A_1939], %select_n3A_1936 {strides = array<i32>} : memref<4x128xi32, #tpu.memory_space<vmem>>, vector<16xi32>,
    %shift_right_arithmetic3A_1941 = arith.constant 13 : i32
    %shift_right_arithmetic3A_1942 = vector.broadcast %shift_right_arithmetic3A_1941 : i32 to vector<16xi32>
    %shift_right_arithmetic3A_1943 = arith.shrsi %min3A_1935, %shift_right_arithmetic3A_1942 : vector<16xi32>
    %shift_left3A_1944 = arith.constant 11 : i32
    %shift_left3A_1945 = vector.broadcast %shift_left3A_1944 : i32 to vector<16xi32>
    %shift_left3A_1946 = arith.shli %shift_right_arithmetic3A_1943, %shift_left3A_1945 : vector<16xi32>
    %and3A_1947 = arith.constant 2047 : i32
    %and3A_1948 = vector.broadcast %and3A_1947 : i32 to vector<16xi32>
    %and3A_1949 = arith.andi %min3A_1935, %and3A_1948 : vector<16xi32>
    %or3A_1950 = arith.ori %shift_left3A_1946, %and3A_1949 : vector<16xi32>
    %select_n3A_1951 = arith.select %lt3A_1926, %add3A_1923, %or3A_1950 : vector<16xi1>, vector<16xi32>
    %swap3A_1952 = arith.constant 3 : i32
    %swap3A_1953 = arith.index_cast %swap3A_1952 : i32 to index
    %swap3A_1954 = arith.constant 16 : index
    %swap3A_1955 = tpu.vector_load %arg10[%swap3A_1953, %swap3A_1954] {strides = array<i32>} : memref<4x128xi32, #tpu.memory_space<vmem>>, vector<16xi32>,
    tpu.vector_store %arg10[%swap3A_1953, %swap3A_1954], %select_n3A_1951 {strides = array<i32>} : memref<4x128xi32, #tpu.memory_space<vmem>>, vector<16xi32>,
    %shift_right_arithmetic3A_1956 = arith.constant 11 : i32
    %shift_right_arithmetic3A_1957 = vector.broadcast %shift_right_arithmetic3A_1956 : i32 to vector<16xi32>
    %shift_right_arithmetic3A_1958 = arith.shrsi %min3A_1935, %shift_right_arithmetic3A_1957 : vector<16xi32>
    %and3A_1959 = arith.constant 3 : i32
    %and3A_1960 = vector.broadcast %and3A_1959 : i32 to vector<16xi32>
    %and3A_1961 = arith.andi %shift_right_arithmetic3A_1958, %and3A_1960 : vector<16xi32>
    %select_n3A_1962 = arith.select %lt3A_1926, %broadcast_in_dim3A_5, %broadcast_in_dim3A_3 : vector<16xi1>, vector<16xf32>
    %sub3A_1963 = arith.subf %broadcast_in_dim3A_5, %select_n3A_1962 : vector<16xf32>
    %add3A_1964 = arith.constant 400 : i32
    %add3A_1965 = vector.broadcast %add3A_1964 : i32 to vector<16xi32>
    %add3A_1966 = arith.addi %add3A_1965, %iota3A : vector<16xi32>
    %broadcast_in_dim3A_1967 = arith.constant 0 : i32
    %broadcast_in_dim3A_1968 = vector.broadcast %broadcast_in_dim3A_1967 : i32 to vector<16xi32>
    %eq3A_1969 = arith.constant 0 : i32
    %eq3A_1970 = vector.broadcast %eq3A_1969 : i32 to vector<16xi32>
    %eq3A_1971 = arith.cmpi eq, %and3A_1961, %eq3A_1970 : vector<16xi32>
    %select_n3A_1972 = arith.select %eq3A_1971, %sub3A_1963, %broadcast_in_dim3A_3 : vector<16xi1>, vector<16xf32>
    tpu.vector_store_idx %arg13[%add3A_1966, %broadcast_in_dim3A_1968], %select_n3A_1972 : memref<512x16xf32, #tpu.memory_space<vmem>>[vector<16xi32>, vector<16xi32>], vector<16xf32>,
    %broadcast_in_dim3A_1973 = arith.constant 1 : i32
    %broadcast_in_dim3A_1974 = vector.broadcast %broadcast_in_dim3A_1973 : i32 to vector<16xi32>
    %eq3A_1975 = arith.constant 1 : i32
    %eq3A_1976 = vector.broadcast %eq3A_1975 : i32 to vector<16xi32>
    %eq3A_1977 = arith.cmpi eq, %and3A_1961, %eq3A_1976 : vector<16xi32>
    %select_n3A_1978 = arith.select %eq3A_1977, %sub3A_1963, %broadcast_in_dim3A_3 : vector<16xi1>, vector<16xf32>
    tpu.vector_store_idx %arg13[%add3A_1966, %broadcast_in_dim3A_1974], %select_n3A_1978 : memref<512x16xf32, #tpu.memory_space<vmem>>[vector<16xi32>, vector<16xi32>], vector<16xf32>,
    %broadcast_in_dim3A_1979 = arith.constant 2 : i32
    %broadcast_in_dim3A_1980 = vector.broadcast %broadcast_in_dim3A_1979 : i32 to vector<16xi32>
    %eq3A_1981 = arith.constant 2 : i32
    %eq3A_1982 = vector.broadcast %eq3A_1981 : i32 to vector<16xi32>
    %eq3A_1983 = arith.cmpi eq, %and3A_1961, %eq3A_1982 : vector<16xi32>
    %select_n3A_1984 = arith.select %eq3A_1983, %sub3A_1963, %broadcast_in_dim3A_3 : vector<16xi1>, vector<16xf32>
    tpu.vector_store_idx %arg13[%add3A_1966, %broadcast_in_dim3A_1980], %select_n3A_1984 : memref<512x16xf32, #tpu.memory_space<vmem>>[vector<16xi32>, vector<16xi32>], vector<16xf32>,
    %broadcast_in_dim3A_1985 = arith.constant 3 : i32
    %broadcast_in_dim3A_1986 = vector.broadcast %broadcast_in_dim3A_1985 : i32 to vector<16xi32>
    %eq3A_1987 = arith.constant 3 : i32
    %eq3A_1988 = vector.broadcast %eq3A_1987 : i32 to vector<16xi32>
    %eq3A_1989 = arith.cmpi eq, %and3A_1961, %eq3A_1988 : vector<16xi32>
    %select_n3A_1990 = arith.select %eq3A_1989, %sub3A_1963, %broadcast_in_dim3A_3 : vector<16xi1>, vector<16xf32>
    tpu.vector_store_idx %arg13[%add3A_1966, %broadcast_in_dim3A_1986], %select_n3A_1990 : memref<512x16xf32, #tpu.memory_space<vmem>>[vector<16xi32>, vector<16xi32>], vector<16xf32>,
    %broadcast_in_dim3A_1991 = arith.constant 4 : i32
    %broadcast_in_dim3A_1992 = vector.broadcast %broadcast_in_dim3A_1991 : i32 to vector<16xi32>
    tpu.vector_store_idx %arg13[%add3A_1966, %broadcast_in_dim3A_1992], %select_n3A_1962 : memref<512x16xf32, #tpu.memory_space<vmem>>[vector<16xi32>, vector<16xi32>], vector<16xf32>,
    %broadcast_in_dim3A_1993 = arith.constant 5 : i32
    %broadcast_in_dim3A_1994 = vector.broadcast %broadcast_in_dim3A_1993 : i32 to vector<16xi32>
    tpu.vector_store_idx %arg13[%add3A_1966, %broadcast_in_dim3A_1994], %sub3A_1963 : memref<512x16xf32, #tpu.memory_space<vmem>>[vector<16xi32>, vector<16xi32>], vector<16xf32>,
    %get3A_1995 = arith.constant 416 : index
    %get3A_1996 = tpu.vector_load %arg8[%get3A_1995] {strides = array<i32>} : memref<512xi32, #tpu.memory_space<vmem>>, vector<16xi32>,
    %add3A_1997 = arith.constant 416 : i32
    %add3A_1998 = arith.addi %mul3A_2, %add3A_1997 : i32
    %add3A_1999 = vector.broadcast %add3A_1998 : i32 to vector<16xi32>
    %add3A_2000 = arith.addi %add3A_1999, %iota3A : vector<16xi32>
    %lt3A_2001 = arith.constant 100000 : i32
    %lt3A_2002 = vector.broadcast %lt3A_2001 : i32 to vector<16xi32>
    %lt3A_2003 = arith.cmpi slt, %get3A_1996, %lt3A_2002 : vector<16xi32>
    %sub3A_2004 = arith.constant 100000 : i32
    %sub3A_2005 = vector.broadcast %sub3A_2004 : i32 to vector<16xi32>
    %sub3A_2006 = arith.subi %get3A_1996, %sub3A_2005 : vector<16xi32>
    %jit3A_2007 = arith.constant 0 : i32
    %jit3A_2008 = arith.constant 899999 : i32
    %max3A_2009 = vector.broadcast %jit3A_2007 : i32 to vector<16xi32>
    %max3A_2010 = arith.maxsi %max3A_2009, %sub3A_2006 : vector<16xi32>
    %min3A_2011 = vector.broadcast %jit3A_2008 : i32 to vector<16xi32>
    %min3A_2012 = arith.minsi %min3A_2011, %max3A_2010 : vector<16xi32>
    %select_n3A_2013 = arith.select %lt3A_2003, %get3A_1996, %add3A_2000 : vector<16xi1>, vector<16xi32>
    %swap3A_2014 = arith.constant 3 : i32
    %swap3A_2015 = arith.index_cast %swap3A_2014 : i32 to index
    %swap3A_2016 = arith.constant 32 : index
    %swap3A_2017 = tpu.vector_load %arg9[%swap3A_2015, %swap3A_2016] {strides = array<i32>} : memref<4x128xi32, #tpu.memory_space<vmem>>, vector<16xi32>,
    tpu.vector_store %arg9[%swap3A_2015, %swap3A_2016], %select_n3A_2013 {strides = array<i32>} : memref<4x128xi32, #tpu.memory_space<vmem>>, vector<16xi32>,
    %shift_right_arithmetic3A_2018 = arith.constant 13 : i32
    %shift_right_arithmetic3A_2019 = vector.broadcast %shift_right_arithmetic3A_2018 : i32 to vector<16xi32>
    %shift_right_arithmetic3A_2020 = arith.shrsi %min3A_2012, %shift_right_arithmetic3A_2019 : vector<16xi32>
    %shift_left3A_2021 = arith.constant 11 : i32
    %shift_left3A_2022 = vector.broadcast %shift_left3A_2021 : i32 to vector<16xi32>
    %shift_left3A_2023 = arith.shli %shift_right_arithmetic3A_2020, %shift_left3A_2022 : vector<16xi32>
    %and3A_2024 = arith.constant 2047 : i32
    %and3A_2025 = vector.broadcast %and3A_2024 : i32 to vector<16xi32>
    %and3A_2026 = arith.andi %min3A_2012, %and3A_2025 : vector<16xi32>
    %or3A_2027 = arith.ori %shift_left3A_2023, %and3A_2026 : vector<16xi32>
    %select_n3A_2028 = arith.select %lt3A_2003, %add3A_2000, %or3A_2027 : vector<16xi1>, vector<16xi32>
    %swap3A_2029 = arith.constant 3 : i32
    %swap3A_2030 = arith.index_cast %swap3A_2029 : i32 to index
    %swap3A_2031 = arith.constant 32 : index
    %swap3A_2032 = tpu.vector_load %arg10[%swap3A_2030, %swap3A_2031] {strides = array<i32>} : memref<4x128xi32, #tpu.memory_space<vmem>>, vector<16xi32>,
    tpu.vector_store %arg10[%swap3A_2030, %swap3A_2031], %select_n3A_2028 {strides = array<i32>} : memref<4x128xi32, #tpu.memory_space<vmem>>, vector<16xi32>,
    %shift_right_arithmetic3A_2033 = arith.constant 11 : i32
    %shift_right_arithmetic3A_2034 = vector.broadcast %shift_right_arithmetic3A_2033 : i32 to vector<16xi32>
    %shift_right_arithmetic3A_2035 = arith.shrsi %min3A_2012, %shift_right_arithmetic3A_2034 : vector<16xi32>
    %and3A_2036 = arith.constant 3 : i32
    %and3A_2037 = vector.broadcast %and3A_2036 : i32 to vector<16xi32>
    %and3A_2038 = arith.andi %shift_right_arithmetic3A_2035, %and3A_2037 : vector<16xi32>
    %select_n3A_2039 = arith.select %lt3A_2003, %broadcast_in_dim3A_5, %broadcast_in_dim3A_3 : vector<16xi1>, vector<16xf32>
    %sub3A_2040 = arith.subf %broadcast_in_dim3A_5, %select_n3A_2039 : vector<16xf32>
    %add3A_2041 = arith.constant 416 : i32
    %add3A_2042 = vector.broadcast %add3A_2041 : i32 to vector<16xi32>
    %add3A_2043 = arith.addi %add3A_2042, %iota3A : vector<16xi32>
    %broadcast_in_dim3A_2044 = arith.constant 0 : i32
    %broadcast_in_dim3A_2045 = vector.broadcast %broadcast_in_dim3A_2044 : i32 to vector<16xi32>
    %eq3A_2046 = arith.constant 0 : i32
    %eq3A_2047 = vector.broadcast %eq3A_2046 : i32 to vector<16xi32>
    %eq3A_2048 = arith.cmpi eq, %and3A_2038, %eq3A_2047 : vector<16xi32>
    %select_n3A_2049 = arith.select %eq3A_2048, %sub3A_2040, %broadcast_in_dim3A_3 : vector<16xi1>, vector<16xf32>
    tpu.vector_store_idx %arg13[%add3A_2043, %broadcast_in_dim3A_2045], %select_n3A_2049 : memref<512x16xf32, #tpu.memory_space<vmem>>[vector<16xi32>, vector<16xi32>], vector<16xf32>,
    %broadcast_in_dim3A_2050 = arith.constant 1 : i32
    %broadcast_in_dim3A_2051 = vector.broadcast %broadcast_in_dim3A_2050 : i32 to vector<16xi32>
    %eq3A_2052 = arith.constant 1 : i32
    %eq3A_2053 = vector.broadcast %eq3A_2052 : i32 to vector<16xi32>
    %eq3A_2054 = arith.cmpi eq, %and3A_2038, %eq3A_2053 : vector<16xi32>
    %select_n3A_2055 = arith.select %eq3A_2054, %sub3A_2040, %broadcast_in_dim3A_3 : vector<16xi1>, vector<16xf32>
    tpu.vector_store_idx %arg13[%add3A_2043, %broadcast_in_dim3A_2051], %select_n3A_2055 : memref<512x16xf32, #tpu.memory_space<vmem>>[vector<16xi32>, vector<16xi32>], vector<16xf32>,
    %broadcast_in_dim3A_2056 = arith.constant 2 : i32
    %broadcast_in_dim3A_2057 = vector.broadcast %broadcast_in_dim3A_2056 : i32 to vector<16xi32>
    %eq3A_2058 = arith.constant 2 : i32
    %eq3A_2059 = vector.broadcast %eq3A_2058 : i32 to vector<16xi32>
    %eq3A_2060 = arith.cmpi eq, %and3A_2038, %eq3A_2059 : vector<16xi32>
    %select_n3A_2061 = arith.select %eq3A_2060, %sub3A_2040, %broadcast_in_dim3A_3 : vector<16xi1>, vector<16xf32>
    tpu.vector_store_idx %arg13[%add3A_2043, %broadcast_in_dim3A_2057], %select_n3A_2061 : memref<512x16xf32, #tpu.memory_space<vmem>>[vector<16xi32>, vector<16xi32>], vector<16xf32>,
    %broadcast_in_dim3A_2062 = arith.constant 3 : i32
    %broadcast_in_dim3A_2063 = vector.broadcast %broadcast_in_dim3A_2062 : i32 to vector<16xi32>
    %eq3A_2064 = arith.constant 3 : i32
    %eq3A_2065 = vector.broadcast %eq3A_2064 : i32 to vector<16xi32>
    %eq3A_2066 = arith.cmpi eq, %and3A_2038, %eq3A_2065 : vector<16xi32>
    %select_n3A_2067 = arith.select %eq3A_2066, %sub3A_2040, %broadcast_in_dim3A_3 : vector<16xi1>, vector<16xf32>
    tpu.vector_store_idx %arg13[%add3A_2043, %broadcast_in_dim3A_2063], %select_n3A_2067 : memref<512x16xf32, #tpu.memory_space<vmem>>[vector<16xi32>, vector<16xi32>], vector<16xf32>,
    %broadcast_in_dim3A_2068 = arith.constant 4 : i32
    %broadcast_in_dim3A_2069 = vector.broadcast %broadcast_in_dim3A_2068 : i32 to vector<16xi32>
    tpu.vector_store_idx %arg13[%add3A_2043, %broadcast_in_dim3A_2069], %select_n3A_2039 : memref<512x16xf32, #tpu.memory_space<vmem>>[vector<16xi32>, vector<16xi32>], vector<16xf32>,
    %broadcast_in_dim3A_2070 = arith.constant 5 : i32
    %broadcast_in_dim3A_2071 = vector.broadcast %broadcast_in_dim3A_2070 : i32 to vector<16xi32>
    tpu.vector_store_idx %arg13[%add3A_2043, %broadcast_in_dim3A_2071], %sub3A_2040 : memref<512x16xf32, #tpu.memory_space<vmem>>[vector<16xi32>, vector<16xi32>], vector<16xf32>,
    %get3A_2072 = arith.constant 432 : index
    %get3A_2073 = tpu.vector_load %arg8[%get3A_2072] {strides = array<i32>} : memref<512xi32, #tpu.memory_space<vmem>>, vector<16xi32>,
    %add3A_2074 = arith.constant 432 : i32
    %add3A_2075 = arith.addi %mul3A_2, %add3A_2074 : i32
    %add3A_2076 = vector.broadcast %add3A_2075 : i32 to vector<16xi32>
    %add3A_2077 = arith.addi %add3A_2076, %iota3A : vector<16xi32>
    %lt3A_2078 = arith.constant 100000 : i32
    %lt3A_2079 = vector.broadcast %lt3A_2078 : i32 to vector<16xi32>
    %lt3A_2080 = arith.cmpi slt, %get3A_2073, %lt3A_2079 : vector<16xi32>
    %sub3A_2081 = arith.constant 100000 : i32
    %sub3A_2082 = vector.broadcast %sub3A_2081 : i32 to vector<16xi32>
    %sub3A_2083 = arith.subi %get3A_2073, %sub3A_2082 : vector<16xi32>
    %jit3A_2084 = arith.constant 0 : i32
    %jit3A_2085 = arith.constant 899999 : i32
    %max3A_2086 = vector.broadcast %jit3A_2084 : i32 to vector<16xi32>
    %max3A_2087 = arith.maxsi %max3A_2086, %sub3A_2083 : vector<16xi32>
    %min3A_2088 = vector.broadcast %jit3A_2085 : i32 to vector<16xi32>
    %min3A_2089 = arith.minsi %min3A_2088, %max3A_2087 : vector<16xi32>
    %select_n3A_2090 = arith.select %lt3A_2080, %get3A_2073, %add3A_2077 : vector<16xi1>, vector<16xi32>
    %swap3A_2091 = arith.constant 3 : i32
    %swap3A_2092 = arith.index_cast %swap3A_2091 : i32 to index
    %swap3A_2093 = arith.constant 48 : index
    %swap3A_2094 = tpu.vector_load %arg9[%swap3A_2092, %swap3A_2093] {strides = array<i32>} : memref<4x128xi32, #tpu.memory_space<vmem>>, vector<16xi32>,
    tpu.vector_store %arg9[%swap3A_2092, %swap3A_2093], %select_n3A_2090 {strides = array<i32>} : memref<4x128xi32, #tpu.memory_space<vmem>>, vector<16xi32>,
    %shift_right_arithmetic3A_2095 = arith.constant 13 : i32
    %shift_right_arithmetic3A_2096 = vector.broadcast %shift_right_arithmetic3A_2095 : i32 to vector<16xi32>
    %shift_right_arithmetic3A_2097 = arith.shrsi %min3A_2089, %shift_right_arithmetic3A_2096 : vector<16xi32>
    %shift_left3A_2098 = arith.constant 11 : i32
    %shift_left3A_2099 = vector.broadcast %shift_left3A_2098 : i32 to vector<16xi32>
    %shift_left3A_2100 = arith.shli %shift_right_arithmetic3A_2097, %shift_left3A_2099 : vector<16xi32>
    %and3A_2101 = arith.constant 2047 : i32
    %and3A_2102 = vector.broadcast %and3A_2101 : i32 to vector<16xi32>
    %and3A_2103 = arith.andi %min3A_2089, %and3A_2102 : vector<16xi32>
    %or3A_2104 = arith.ori %shift_left3A_2100, %and3A_2103 : vector<16xi32>
    %select_n3A_2105 = arith.select %lt3A_2080, %add3A_2077, %or3A_2104 : vector<16xi1>, vector<16xi32>
    %swap3A_2106 = arith.constant 3 : i32
    %swap3A_2107 = arith.index_cast %swap3A_2106 : i32 to index
    %swap3A_2108 = arith.constant 48 : index
    %swap3A_2109 = tpu.vector_load %arg10[%swap3A_2107, %swap3A_2108] {strides = array<i32>} : memref<4x128xi32, #tpu.memory_space<vmem>>, vector<16xi32>,
    tpu.vector_store %arg10[%swap3A_2107, %swap3A_2108], %select_n3A_2105 {strides = array<i32>} : memref<4x128xi32, #tpu.memory_space<vmem>>, vector<16xi32>,
    %shift_right_arithmetic3A_2110 = arith.constant 11 : i32
    %shift_right_arithmetic3A_2111 = vector.broadcast %shift_right_arithmetic3A_2110 : i32 to vector<16xi32>
    %shift_right_arithmetic3A_2112 = arith.shrsi %min3A_2089, %shift_right_arithmetic3A_2111 : vector<16xi32>
    %and3A_2113 = arith.constant 3 : i32
    %and3A_2114 = vector.broadcast %and3A_2113 : i32 to vector<16xi32>
    %and3A_2115 = arith.andi %shift_right_arithmetic3A_2112, %and3A_2114 : vector<16xi32>
    %select_n3A_2116 = arith.select %lt3A_2080, %broadcast_in_dim3A_5, %broadcast_in_dim3A_3 : vector<16xi1>, vector<16xf32>
    %sub3A_2117 = arith.subf %broadcast_in_dim3A_5, %select_n3A_2116 : vector<16xf32>
    %add3A_2118 = arith.constant 432 : i32
    %add3A_2119 = vector.broadcast %add3A_2118 : i32 to vector<16xi32>
    %add3A_2120 = arith.addi %add3A_2119, %iota3A : vector<16xi32>
    %broadcast_in_dim3A_2121 = arith.constant 0 : i32
    %broadcast_in_dim3A_2122 = vector.broadcast %broadcast_in_dim3A_2121 : i32 to vector<16xi32>
    %eq3A_2123 = arith.constant 0 : i32
    %eq3A_2124 = vector.broadcast %eq3A_2123 : i32 to vector<16xi32>
    %eq3A_2125 = arith.cmpi eq, %and3A_2115, %eq3A_2124 : vector<16xi32>
    %select_n3A_2126 = arith.select %eq3A_2125, %sub3A_2117, %broadcast_in_dim3A_3 : vector<16xi1>, vector<16xf32>
    tpu.vector_store_idx %arg13[%add3A_2120, %broadcast_in_dim3A_2122], %select_n3A_2126 : memref<512x16xf32, #tpu.memory_space<vmem>>[vector<16xi32>, vector<16xi32>], vector<16xf32>,
    %broadcast_in_dim3A_2127 = arith.constant 1 : i32
    %broadcast_in_dim3A_2128 = vector.broadcast %broadcast_in_dim3A_2127 : i32 to vector<16xi32>
    %eq3A_2129 = arith.constant 1 : i32
    %eq3A_2130 = vector.broadcast %eq3A_2129 : i32 to vector<16xi32>
    %eq3A_2131 = arith.cmpi eq, %and3A_2115, %eq3A_2130 : vector<16xi32>
    %select_n3A_2132 = arith.select %eq3A_2131, %sub3A_2117, %broadcast_in_dim3A_3 : vector<16xi1>, vector<16xf32>
    tpu.vector_store_idx %arg13[%add3A_2120, %broadcast_in_dim3A_2128], %select_n3A_2132 : memref<512x16xf32, #tpu.memory_space<vmem>>[vector<16xi32>, vector<16xi32>], vector<16xf32>,
    %broadcast_in_dim3A_2133 = arith.constant 2 : i32
    %broadcast_in_dim3A_2134 = vector.broadcast %broadcast_in_dim3A_2133 : i32 to vector<16xi32>
    %eq3A_2135 = arith.constant 2 : i32
    %eq3A_2136 = vector.broadcast %eq3A_2135 : i32 to vector<16xi32>
    %eq3A_2137 = arith.cmpi eq, %and3A_2115, %eq3A_2136 : vector<16xi32>
    %select_n3A_2138 = arith.select %eq3A_2137, %sub3A_2117, %broadcast_in_dim3A_3 : vector<16xi1>, vector<16xf32>
    tpu.vector_store_idx %arg13[%add3A_2120, %broadcast_in_dim3A_2134], %select_n3A_2138 : memref<512x16xf32, #tpu.memory_space<vmem>>[vector<16xi32>, vector<16xi32>], vector<16xf32>,
    %broadcast_in_dim3A_2139 = arith.constant 3 : i32
    %broadcast_in_dim3A_2140 = vector.broadcast %broadcast_in_dim3A_2139 : i32 to vector<16xi32>
    %eq3A_2141 = arith.constant 3 : i32
    %eq3A_2142 = vector.broadcast %eq3A_2141 : i32 to vector<16xi32>
    %eq3A_2143 = arith.cmpi eq, %and3A_2115, %eq3A_2142 : vector<16xi32>
    %select_n3A_2144 = arith.select %eq3A_2143, %sub3A_2117, %broadcast_in_dim3A_3 : vector<16xi1>, vector<16xf32>
    tpu.vector_store_idx %arg13[%add3A_2120, %broadcast_in_dim3A_2140], %select_n3A_2144 : memref<512x16xf32, #tpu.memory_space<vmem>>[vector<16xi32>, vector<16xi32>], vector<16xf32>,
    %broadcast_in_dim3A_2145 = arith.constant 4 : i32
    %broadcast_in_dim3A_2146 = vector.broadcast %broadcast_in_dim3A_2145 : i32 to vector<16xi32>
    tpu.vector_store_idx %arg13[%add3A_2120, %broadcast_in_dim3A_2146], %select_n3A_2116 : memref<512x16xf32, #tpu.memory_space<vmem>>[vector<16xi32>, vector<16xi32>], vector<16xf32>,
    %broadcast_in_dim3A_2147 = arith.constant 5 : i32
    %broadcast_in_dim3A_2148 = vector.broadcast %broadcast_in_dim3A_2147 : i32 to vector<16xi32>
    tpu.vector_store_idx %arg13[%add3A_2120, %broadcast_in_dim3A_2148], %sub3A_2117 : memref<512x16xf32, #tpu.memory_space<vmem>>[vector<16xi32>, vector<16xi32>], vector<16xf32>,
    %get3A_2149 = arith.constant 448 : index
    %get3A_2150 = tpu.vector_load %arg8[%get3A_2149] {strides = array<i32>} : memref<512xi32, #tpu.memory_space<vmem>>, vector<16xi32>,
    %add3A_2151 = arith.constant 448 : i32
    %add3A_2152 = arith.addi %mul3A_2, %add3A_2151 : i32
    %add3A_2153 = vector.broadcast %add3A_2152 : i32 to vector<16xi32>
    %add3A_2154 = arith.addi %add3A_2153, %iota3A : vector<16xi32>
    %lt3A_2155 = arith.constant 100000 : i32
    %lt3A_2156 = vector.broadcast %lt3A_2155 : i32 to vector<16xi32>
    %lt3A_2157 = arith.cmpi slt, %get3A_2150, %lt3A_2156 : vector<16xi32>
    %sub3A_2158 = arith.constant 100000 : i32
    %sub3A_2159 = vector.broadcast %sub3A_2158 : i32 to vector<16xi32>
    %sub3A_2160 = arith.subi %get3A_2150, %sub3A_2159 : vector<16xi32>
    %jit3A_2161 = arith.constant 0 : i32
    %jit3A_2162 = arith.constant 899999 : i32
    %max3A_2163 = vector.broadcast %jit3A_2161 : i32 to vector<16xi32>
    %max3A_2164 = arith.maxsi %max3A_2163, %sub3A_2160 : vector<16xi32>
    %min3A_2165 = vector.broadcast %jit3A_2162 : i32 to vector<16xi32>
    %min3A_2166 = arith.minsi %min3A_2165, %max3A_2164 : vector<16xi32>
    %select_n3A_2167 = arith.select %lt3A_2157, %get3A_2150, %add3A_2154 : vector<16xi1>, vector<16xi32>
    %swap3A_2168 = arith.constant 3 : i32
    %swap3A_2169 = arith.index_cast %swap3A_2168 : i32 to index
    %swap3A_2170 = arith.constant 64 : index
    %swap3A_2171 = tpu.vector_load %arg9[%swap3A_2169, %swap3A_2170] {strides = array<i32>} : memref<4x128xi32, #tpu.memory_space<vmem>>, vector<16xi32>,
    tpu.vector_store %arg9[%swap3A_2169, %swap3A_2170], %select_n3A_2167 {strides = array<i32>} : memref<4x128xi32, #tpu.memory_space<vmem>>, vector<16xi32>,
    %shift_right_arithmetic3A_2172 = arith.constant 13 : i32
    %shift_right_arithmetic3A_2173 = vector.broadcast %shift_right_arithmetic3A_2172 : i32 to vector<16xi32>
    %shift_right_arithmetic3A_2174 = arith.shrsi %min3A_2166, %shift_right_arithmetic3A_2173 : vector<16xi32>
    %shift_left3A_2175 = arith.constant 11 : i32
    %shift_left3A_2176 = vector.broadcast %shift_left3A_2175 : i32 to vector<16xi32>
    %shift_left3A_2177 = arith.shli %shift_right_arithmetic3A_2174, %shift_left3A_2176 : vector<16xi32>
    %and3A_2178 = arith.constant 2047 : i32
    %and3A_2179 = vector.broadcast %and3A_2178 : i32 to vector<16xi32>
    %and3A_2180 = arith.andi %min3A_2166, %and3A_2179 : vector<16xi32>
    %or3A_2181 = arith.ori %shift_left3A_2177, %and3A_2180 : vector<16xi32>
    %select_n3A_2182 = arith.select %lt3A_2157, %add3A_2154, %or3A_2181 : vector<16xi1>, vector<16xi32>
    %swap3A_2183 = arith.constant 3 : i32
    %swap3A_2184 = arith.index_cast %swap3A_2183 : i32 to index
    %swap3A_2185 = arith.constant 64 : index
    %swap3A_2186 = tpu.vector_load %arg10[%swap3A_2184, %swap3A_2185] {strides = array<i32>} : memref<4x128xi32, #tpu.memory_space<vmem>>, vector<16xi32>,
    tpu.vector_store %arg10[%swap3A_2184, %swap3A_2185], %select_n3A_2182 {strides = array<i32>} : memref<4x128xi32, #tpu.memory_space<vmem>>, vector<16xi32>,
    %shift_right_arithmetic3A_2187 = arith.constant 11 : i32
    %shift_right_arithmetic3A_2188 = vector.broadcast %shift_right_arithmetic3A_2187 : i32 to vector<16xi32>
    %shift_right_arithmetic3A_2189 = arith.shrsi %min3A_2166, %shift_right_arithmetic3A_2188 : vector<16xi32>
    %and3A_2190 = arith.constant 3 : i32
    %and3A_2191 = vector.broadcast %and3A_2190 : i32 to vector<16xi32>
    %and3A_2192 = arith.andi %shift_right_arithmetic3A_2189, %and3A_2191 : vector<16xi32>
    %select_n3A_2193 = arith.select %lt3A_2157, %broadcast_in_dim3A_5, %broadcast_in_dim3A_3 : vector<16xi1>, vector<16xf32>
    %sub3A_2194 = arith.subf %broadcast_in_dim3A_5, %select_n3A_2193 : vector<16xf32>
    %add3A_2195 = arith.constant 448 : i32
    %add3A_2196 = vector.broadcast %add3A_2195 : i32 to vector<16xi32>
    %add3A_2197 = arith.addi %add3A_2196, %iota3A : vector<16xi32>
    %broadcast_in_dim3A_2198 = arith.constant 0 : i32
    %broadcast_in_dim3A_2199 = vector.broadcast %broadcast_in_dim3A_2198 : i32 to vector<16xi32>
    %eq3A_2200 = arith.constant 0 : i32
    %eq3A_2201 = vector.broadcast %eq3A_2200 : i32 to vector<16xi32>
    %eq3A_2202 = arith.cmpi eq, %and3A_2192, %eq3A_2201 : vector<16xi32>
    %select_n3A_2203 = arith.select %eq3A_2202, %sub3A_2194, %broadcast_in_dim3A_3 : vector<16xi1>, vector<16xf32>
    tpu.vector_store_idx %arg13[%add3A_2197, %broadcast_in_dim3A_2199], %select_n3A_2203 : memref<512x16xf32, #tpu.memory_space<vmem>>[vector<16xi32>, vector<16xi32>], vector<16xf32>,
    %broadcast_in_dim3A_2204 = arith.constant 1 : i32
    %broadcast_in_dim3A_2205 = vector.broadcast %broadcast_in_dim3A_2204 : i32 to vector<16xi32>
    %eq3A_2206 = arith.constant 1 : i32
    %eq3A_2207 = vector.broadcast %eq3A_2206 : i32 to vector<16xi32>
    %eq3A_2208 = arith.cmpi eq, %and3A_2192, %eq3A_2207 : vector<16xi32>
    %select_n3A_2209 = arith.select %eq3A_2208, %sub3A_2194, %broadcast_in_dim3A_3 : vector<16xi1>, vector<16xf32>
    tpu.vector_store_idx %arg13[%add3A_2197, %broadcast_in_dim3A_2205], %select_n3A_2209 : memref<512x16xf32, #tpu.memory_space<vmem>>[vector<16xi32>, vector<16xi32>], vector<16xf32>,
    %broadcast_in_dim3A_2210 = arith.constant 2 : i32
    %broadcast_in_dim3A_2211 = vector.broadcast %broadcast_in_dim3A_2210 : i32 to vector<16xi32>
    %eq3A_2212 = arith.constant 2 : i32
    %eq3A_2213 = vector.broadcast %eq3A_2212 : i32 to vector<16xi32>
    %eq3A_2214 = arith.cmpi eq, %and3A_2192, %eq3A_2213 : vector<16xi32>
    %select_n3A_2215 = arith.select %eq3A_2214, %sub3A_2194, %broadcast_in_dim3A_3 : vector<16xi1>, vector<16xf32>
    tpu.vector_store_idx %arg13[%add3A_2197, %broadcast_in_dim3A_2211], %select_n3A_2215 : memref<512x16xf32, #tpu.memory_space<vmem>>[vector<16xi32>, vector<16xi32>], vector<16xf32>,
    %broadcast_in_dim3A_2216 = arith.constant 3 : i32
    %broadcast_in_dim3A_2217 = vector.broadcast %broadcast_in_dim3A_2216 : i32 to vector<16xi32>
    %eq3A_2218 = arith.constant 3 : i32
    %eq3A_2219 = vector.broadcast %eq3A_2218 : i32 to vector<16xi32>
    %eq3A_2220 = arith.cmpi eq, %and3A_2192, %eq3A_2219 : vector<16xi32>
    %select_n3A_2221 = arith.select %eq3A_2220, %sub3A_2194, %broadcast_in_dim3A_3 : vector<16xi1>, vector<16xf32>
    tpu.vector_store_idx %arg13[%add3A_2197, %broadcast_in_dim3A_2217], %select_n3A_2221 : memref<512x16xf32, #tpu.memory_space<vmem>>[vector<16xi32>, vector<16xi32>], vector<16xf32>,
    %broadcast_in_dim3A_2222 = arith.constant 4 : i32
    %broadcast_in_dim3A_2223 = vector.broadcast %broadcast_in_dim3A_2222 : i32 to vector<16xi32>
    tpu.vector_store_idx %arg13[%add3A_2197, %broadcast_in_dim3A_2223], %select_n3A_2193 : memref<512x16xf32, #tpu.memory_space<vmem>>[vector<16xi32>, vector<16xi32>], vector<16xf32>,
    %broadcast_in_dim3A_2224 = arith.constant 5 : i32
    %broadcast_in_dim3A_2225 = vector.broadcast %broadcast_in_dim3A_2224 : i32 to vector<16xi32>
    tpu.vector_store_idx %arg13[%add3A_2197, %broadcast_in_dim3A_2225], %sub3A_2194 : memref<512x16xf32, #tpu.memory_space<vmem>>[vector<16xi32>, vector<16xi32>], vector<16xf32>,
    %get3A_2226 = arith.constant 464 : index
    %get3A_2227 = tpu.vector_load %arg8[%get3A_2226] {strides = array<i32>} : memref<512xi32, #tpu.memory_space<vmem>>, vector<16xi32>,
    %add3A_2228 = arith.constant 464 : i32
    %add3A_2229 = arith.addi %mul3A_2, %add3A_2228 : i32
    %add3A_2230 = vector.broadcast %add3A_2229 : i32 to vector<16xi32>
    %add3A_2231 = arith.addi %add3A_2230, %iota3A : vector<16xi32>
    %lt3A_2232 = arith.constant 100000 : i32
    %lt3A_2233 = vector.broadcast %lt3A_2232 : i32 to vector<16xi32>
    %lt3A_2234 = arith.cmpi slt, %get3A_2227, %lt3A_2233 : vector<16xi32>
    %sub3A_2235 = arith.constant 100000 : i32
    %sub3A_2236 = vector.broadcast %sub3A_2235 : i32 to vector<16xi32>
    %sub3A_2237 = arith.subi %get3A_2227, %sub3A_2236 : vector<16xi32>
    %jit3A_2238 = arith.constant 0 : i32
    %jit3A_2239 = arith.constant 899999 : i32
    %max3A_2240 = vector.broadcast %jit3A_2238 : i32 to vector<16xi32>
    %max3A_2241 = arith.maxsi %max3A_2240, %sub3A_2237 : vector<16xi32>
    %min3A_2242 = vector.broadcast %jit3A_2239 : i32 to vector<16xi32>
    %min3A_2243 = arith.minsi %min3A_2242, %max3A_2241 : vector<16xi32>
    %select_n3A_2244 = arith.select %lt3A_2234, %get3A_2227, %add3A_2231 : vector<16xi1>, vector<16xi32>
    %swap3A_2245 = arith.constant 3 : i32
    %swap3A_2246 = arith.index_cast %swap3A_2245 : i32 to index
    %swap3A_2247 = arith.constant 80 : index
    %swap3A_2248 = tpu.vector_load %arg9[%swap3A_2246, %swap3A_2247] {strides = array<i32>} : memref<4x128xi32, #tpu.memory_space<vmem>>, vector<16xi32>,
    tpu.vector_store %arg9[%swap3A_2246, %swap3A_2247], %select_n3A_2244 {strides = array<i32>} : memref<4x128xi32, #tpu.memory_space<vmem>>, vector<16xi32>,
    %shift_right_arithmetic3A_2249 = arith.constant 13 : i32
    %shift_right_arithmetic3A_2250 = vector.broadcast %shift_right_arithmetic3A_2249 : i32 to vector<16xi32>
    %shift_right_arithmetic3A_2251 = arith.shrsi %min3A_2243, %shift_right_arithmetic3A_2250 : vector<16xi32>
    %shift_left3A_2252 = arith.constant 11 : i32
    %shift_left3A_2253 = vector.broadcast %shift_left3A_2252 : i32 to vector<16xi32>
    %shift_left3A_2254 = arith.shli %shift_right_arithmetic3A_2251, %shift_left3A_2253 : vector<16xi32>
    %and3A_2255 = arith.constant 2047 : i32
    %and3A_2256 = vector.broadcast %and3A_2255 : i32 to vector<16xi32>
    %and3A_2257 = arith.andi %min3A_2243, %and3A_2256 : vector<16xi32>
    %or3A_2258 = arith.ori %shift_left3A_2254, %and3A_2257 : vector<16xi32>
    %select_n3A_2259 = arith.select %lt3A_2234, %add3A_2231, %or3A_2258 : vector<16xi1>, vector<16xi32>
    %swap3A_2260 = arith.constant 3 : i32
    %swap3A_2261 = arith.index_cast %swap3A_2260 : i32 to index
    %swap3A_2262 = arith.constant 80 : index
    %swap3A_2263 = tpu.vector_load %arg10[%swap3A_2261, %swap3A_2262] {strides = array<i32>} : memref<4x128xi32, #tpu.memory_space<vmem>>, vector<16xi32>,
    tpu.vector_store %arg10[%swap3A_2261, %swap3A_2262], %select_n3A_2259 {strides = array<i32>} : memref<4x128xi32, #tpu.memory_space<vmem>>, vector<16xi32>,
    %shift_right_arithmetic3A_2264 = arith.constant 11 : i32
    %shift_right_arithmetic3A_2265 = vector.broadcast %shift_right_arithmetic3A_2264 : i32 to vector<16xi32>
    %shift_right_arithmetic3A_2266 = arith.shrsi %min3A_2243, %shift_right_arithmetic3A_2265 : vector<16xi32>
    %and3A_2267 = arith.constant 3 : i32
    %and3A_2268 = vector.broadcast %and3A_2267 : i32 to vector<16xi32>
    %and3A_2269 = arith.andi %shift_right_arithmetic3A_2266, %and3A_2268 : vector<16xi32>
    %select_n3A_2270 = arith.select %lt3A_2234, %broadcast_in_dim3A_5, %broadcast_in_dim3A_3 : vector<16xi1>, vector<16xf32>
    %sub3A_2271 = arith.subf %broadcast_in_dim3A_5, %select_n3A_2270 : vector<16xf32>
    %add3A_2272 = arith.constant 464 : i32
    %add3A_2273 = vector.broadcast %add3A_2272 : i32 to vector<16xi32>
    %add3A_2274 = arith.addi %add3A_2273, %iota3A : vector<16xi32>
    %broadcast_in_dim3A_2275 = arith.constant 0 : i32
    %broadcast_in_dim3A_2276 = vector.broadcast %broadcast_in_dim3A_2275 : i32 to vector<16xi32>
    %eq3A_2277 = arith.constant 0 : i32
    %eq3A_2278 = vector.broadcast %eq3A_2277 : i32 to vector<16xi32>
    %eq3A_2279 = arith.cmpi eq, %and3A_2269, %eq3A_2278 : vector<16xi32>
    %select_n3A_2280 = arith.select %eq3A_2279, %sub3A_2271, %broadcast_in_dim3A_3 : vector<16xi1>, vector<16xf32>
    tpu.vector_store_idx %arg13[%add3A_2274, %broadcast_in_dim3A_2276], %select_n3A_2280 : memref<512x16xf32, #tpu.memory_space<vmem>>[vector<16xi32>, vector<16xi32>], vector<16xf32>,
    %broadcast_in_dim3A_2281 = arith.constant 1 : i32
    %broadcast_in_dim3A_2282 = vector.broadcast %broadcast_in_dim3A_2281 : i32 to vector<16xi32>
    %eq3A_2283 = arith.constant 1 : i32
    %eq3A_2284 = vector.broadcast %eq3A_2283 : i32 to vector<16xi32>
    %eq3A_2285 = arith.cmpi eq, %and3A_2269, %eq3A_2284 : vector<16xi32>
    %select_n3A_2286 = arith.select %eq3A_2285, %sub3A_2271, %broadcast_in_dim3A_3 : vector<16xi1>, vector<16xf32>
    tpu.vector_store_idx %arg13[%add3A_2274, %broadcast_in_dim3A_2282], %select_n3A_2286 : memref<512x16xf32, #tpu.memory_space<vmem>>[vector<16xi32>, vector<16xi32>], vector<16xf32>,
    %broadcast_in_dim3A_2287 = arith.constant 2 : i32
    %broadcast_in_dim3A_2288 = vector.broadcast %broadcast_in_dim3A_2287 : i32 to vector<16xi32>
    %eq3A_2289 = arith.constant 2 : i32
    %eq3A_2290 = vector.broadcast %eq3A_2289 : i32 to vector<16xi32>
    %eq3A_2291 = arith.cmpi eq, %and3A_2269, %eq3A_2290 : vector<16xi32>
    %select_n3A_2292 = arith.select %eq3A_2291, %sub3A_2271, %broadcast_in_dim3A_3 : vector<16xi1>, vector<16xf32>
    tpu.vector_store_idx %arg13[%add3A_2274, %broadcast_in_dim3A_2288], %select_n3A_2292 : memref<512x16xf32, #tpu.memory_space<vmem>>[vector<16xi32>, vector<16xi32>], vector<16xf32>,
    %broadcast_in_dim3A_2293 = arith.constant 3 : i32
    %broadcast_in_dim3A_2294 = vector.broadcast %broadcast_in_dim3A_2293 : i32 to vector<16xi32>
    %eq3A_2295 = arith.constant 3 : i32
    %eq3A_2296 = vector.broadcast %eq3A_2295 : i32 to vector<16xi32>
    %eq3A_2297 = arith.cmpi eq, %and3A_2269, %eq3A_2296 : vector<16xi32>
    %select_n3A_2298 = arith.select %eq3A_2297, %sub3A_2271, %broadcast_in_dim3A_3 : vector<16xi1>, vector<16xf32>
    tpu.vector_store_idx %arg13[%add3A_2274, %broadcast_in_dim3A_2294], %select_n3A_2298 : memref<512x16xf32, #tpu.memory_space<vmem>>[vector<16xi32>, vector<16xi32>], vector<16xf32>,
    %broadcast_in_dim3A_2299 = arith.constant 4 : i32
    %broadcast_in_dim3A_2300 = vector.broadcast %broadcast_in_dim3A_2299 : i32 to vector<16xi32>
    tpu.vector_store_idx %arg13[%add3A_2274, %broadcast_in_dim3A_2300], %select_n3A_2270 : memref<512x16xf32, #tpu.memory_space<vmem>>[vector<16xi32>, vector<16xi32>], vector<16xf32>,
    %broadcast_in_dim3A_2301 = arith.constant 5 : i32
    %broadcast_in_dim3A_2302 = vector.broadcast %broadcast_in_dim3A_2301 : i32 to vector<16xi32>
    tpu.vector_store_idx %arg13[%add3A_2274, %broadcast_in_dim3A_2302], %sub3A_2271 : memref<512x16xf32, #tpu.memory_space<vmem>>[vector<16xi32>, vector<16xi32>], vector<16xf32>,
    %get3A_2303 = arith.constant 480 : index
    %get3A_2304 = tpu.vector_load %arg8[%get3A_2303] {strides = array<i32>} : memref<512xi32, #tpu.memory_space<vmem>>, vector<16xi32>,
    %add3A_2305 = arith.constant 480 : i32
    %add3A_2306 = arith.addi %mul3A_2, %add3A_2305 : i32
    %add3A_2307 = vector.broadcast %add3A_2306 : i32 to vector<16xi32>
    %add3A_2308 = arith.addi %add3A_2307, %iota3A : vector<16xi32>
    %lt3A_2309 = arith.constant 100000 : i32
    %lt3A_2310 = vector.broadcast %lt3A_2309 : i32 to vector<16xi32>
    %lt3A_2311 = arith.cmpi slt, %get3A_2304, %lt3A_2310 : vector<16xi32>
    %sub3A_2312 = arith.constant 100000 : i32
    %sub3A_2313 = vector.broadcast %sub3A_2312 : i32 to vector<16xi32>
    %sub3A_2314 = arith.subi %get3A_2304, %sub3A_2313 : vector<16xi32>
    %jit3A_2315 = arith.constant 0 : i32
    %jit3A_2316 = arith.constant 899999 : i32
    %max3A_2317 = vector.broadcast %jit3A_2315 : i32 to vector<16xi32>
    %max3A_2318 = arith.maxsi %max3A_2317, %sub3A_2314 : vector<16xi32>
    %min3A_2319 = vector.broadcast %jit3A_2316 : i32 to vector<16xi32>
    %min3A_2320 = arith.minsi %min3A_2319, %max3A_2318 : vector<16xi32>
    %select_n3A_2321 = arith.select %lt3A_2311, %get3A_2304, %add3A_2308 : vector<16xi1>, vector<16xi32>
    %swap3A_2322 = arith.constant 3 : i32
    %swap3A_2323 = arith.index_cast %swap3A_2322 : i32 to index
    %swap3A_2324 = arith.constant 96 : index
    %swap3A_2325 = tpu.vector_load %arg9[%swap3A_2323, %swap3A_2324] {strides = array<i32>} : memref<4x128xi32, #tpu.memory_space<vmem>>, vector<16xi32>,
    tpu.vector_store %arg9[%swap3A_2323, %swap3A_2324], %select_n3A_2321 {strides = array<i32>} : memref<4x128xi32, #tpu.memory_space<vmem>>, vector<16xi32>,
    %shift_right_arithmetic3A_2326 = arith.constant 13 : i32
    %shift_right_arithmetic3A_2327 = vector.broadcast %shift_right_arithmetic3A_2326 : i32 to vector<16xi32>
    %shift_right_arithmetic3A_2328 = arith.shrsi %min3A_2320, %shift_right_arithmetic3A_2327 : vector<16xi32>
    %shift_left3A_2329 = arith.constant 11 : i32
    %shift_left3A_2330 = vector.broadcast %shift_left3A_2329 : i32 to vector<16xi32>
    %shift_left3A_2331 = arith.shli %shift_right_arithmetic3A_2328, %shift_left3A_2330 : vector<16xi32>
    %and3A_2332 = arith.constant 2047 : i32
    %and3A_2333 = vector.broadcast %and3A_2332 : i32 to vector<16xi32>
    %and3A_2334 = arith.andi %min3A_2320, %and3A_2333 : vector<16xi32>
    %or3A_2335 = arith.ori %shift_left3A_2331, %and3A_2334 : vector<16xi32>
    %select_n3A_2336 = arith.select %lt3A_2311, %add3A_2308, %or3A_2335 : vector<16xi1>, vector<16xi32>
    %swap3A_2337 = arith.constant 3 : i32
    %swap3A_2338 = arith.index_cast %swap3A_2337 : i32 to index
    %swap3A_2339 = arith.constant 96 : index
    %swap3A_2340 = tpu.vector_load %arg10[%swap3A_2338, %swap3A_2339] {strides = array<i32>} : memref<4x128xi32, #tpu.memory_space<vmem>>, vector<16xi32>,
    tpu.vector_store %arg10[%swap3A_2338, %swap3A_2339], %select_n3A_2336 {strides = array<i32>} : memref<4x128xi32, #tpu.memory_space<vmem>>, vector<16xi32>,
    %shift_right_arithmetic3A_2341 = arith.constant 11 : i32
    %shift_right_arithmetic3A_2342 = vector.broadcast %shift_right_arithmetic3A_2341 : i32 to vector<16xi32>
    %shift_right_arithmetic3A_2343 = arith.shrsi %min3A_2320, %shift_right_arithmetic3A_2342 : vector<16xi32>
    %and3A_2344 = arith.constant 3 : i32
    %and3A_2345 = vector.broadcast %and3A_2344 : i32 to vector<16xi32>
    %and3A_2346 = arith.andi %shift_right_arithmetic3A_2343, %and3A_2345 : vector<16xi32>
    %select_n3A_2347 = arith.select %lt3A_2311, %broadcast_in_dim3A_5, %broadcast_in_dim3A_3 : vector<16xi1>, vector<16xf32>
    %sub3A_2348 = arith.subf %broadcast_in_dim3A_5, %select_n3A_2347 : vector<16xf32>
    %add3A_2349 = arith.constant 480 : i32
    %add3A_2350 = vector.broadcast %add3A_2349 : i32 to vector<16xi32>
    %add3A_2351 = arith.addi %add3A_2350, %iota3A : vector<16xi32>
    %broadcast_in_dim3A_2352 = arith.constant 0 : i32
    %broadcast_in_dim3A_2353 = vector.broadcast %broadcast_in_dim3A_2352 : i32 to vector<16xi32>
    %eq3A_2354 = arith.constant 0 : i32
    %eq3A_2355 = vector.broadcast %eq3A_2354 : i32 to vector<16xi32>
    %eq3A_2356 = arith.cmpi eq, %and3A_2346, %eq3A_2355 : vector<16xi32>
    %select_n3A_2357 = arith.select %eq3A_2356, %sub3A_2348, %broadcast_in_dim3A_3 : vector<16xi1>, vector<16xf32>
    tpu.vector_store_idx %arg13[%add3A_2351, %broadcast_in_dim3A_2353], %select_n3A_2357 : memref<512x16xf32, #tpu.memory_space<vmem>>[vector<16xi32>, vector<16xi32>], vector<16xf32>,
    %broadcast_in_dim3A_2358 = arith.constant 1 : i32
    %broadcast_in_dim3A_2359 = vector.broadcast %broadcast_in_dim3A_2358 : i32 to vector<16xi32>
    %eq3A_2360 = arith.constant 1 : i32
    %eq3A_2361 = vector.broadcast %eq3A_2360 : i32 to vector<16xi32>
    %eq3A_2362 = arith.cmpi eq, %and3A_2346, %eq3A_2361 : vector<16xi32>
    %select_n3A_2363 = arith.select %eq3A_2362, %sub3A_2348, %broadcast_in_dim3A_3 : vector<16xi1>, vector<16xf32>
    tpu.vector_store_idx %arg13[%add3A_2351, %broadcast_in_dim3A_2359], %select_n3A_2363 : memref<512x16xf32, #tpu.memory_space<vmem>>[vector<16xi32>, vector<16xi32>], vector<16xf32>,
    %broadcast_in_dim3A_2364 = arith.constant 2 : i32
    %broadcast_in_dim3A_2365 = vector.broadcast %broadcast_in_dim3A_2364 : i32 to vector<16xi32>
    %eq3A_2366 = arith.constant 2 : i32
    %eq3A_2367 = vector.broadcast %eq3A_2366 : i32 to vector<16xi32>
    %eq3A_2368 = arith.cmpi eq, %and3A_2346, %eq3A_2367 : vector<16xi32>
    %select_n3A_2369 = arith.select %eq3A_2368, %sub3A_2348, %broadcast_in_dim3A_3 : vector<16xi1>, vector<16xf32>
    tpu.vector_store_idx %arg13[%add3A_2351, %broadcast_in_dim3A_2365], %select_n3A_2369 : memref<512x16xf32, #tpu.memory_space<vmem>>[vector<16xi32>, vector<16xi32>], vector<16xf32>,
    %broadcast_in_dim3A_2370 = arith.constant 3 : i32
    %broadcast_in_dim3A_2371 = vector.broadcast %broadcast_in_dim3A_2370 : i32 to vector<16xi32>
    %eq3A_2372 = arith.constant 3 : i32
    %eq3A_2373 = vector.broadcast %eq3A_2372 : i32 to vector<16xi32>
    %eq3A_2374 = arith.cmpi eq, %and3A_2346, %eq3A_2373 : vector<16xi32>
    %select_n3A_2375 = arith.select %eq3A_2374, %sub3A_2348, %broadcast_in_dim3A_3 : vector<16xi1>, vector<16xf32>
    tpu.vector_store_idx %arg13[%add3A_2351, %broadcast_in_dim3A_2371], %select_n3A_2375 : memref<512x16xf32, #tpu.memory_space<vmem>>[vector<16xi32>, vector<16xi32>], vector<16xf32>,
    %broadcast_in_dim3A_2376 = arith.constant 4 : i32
    %broadcast_in_dim3A_2377 = vector.broadcast %broadcast_in_dim3A_2376 : i32 to vector<16xi32>
    tpu.vector_store_idx %arg13[%add3A_2351, %broadcast_in_dim3A_2377], %select_n3A_2347 : memref<512x16xf32, #tpu.memory_space<vmem>>[vector<16xi32>, vector<16xi32>], vector<16xf32>,
    %broadcast_in_dim3A_2378 = arith.constant 5 : i32
    %broadcast_in_dim3A_2379 = vector.broadcast %broadcast_in_dim3A_2378 : i32 to vector<16xi32>
    tpu.vector_store_idx %arg13[%add3A_2351, %broadcast_in_dim3A_2379], %sub3A_2348 : memref<512x16xf32, #tpu.memory_space<vmem>>[vector<16xi32>, vector<16xi32>], vector<16xf32>,
    %get3A_2380 = arith.constant 496 : index
    %get3A_2381 = tpu.vector_load %arg8[%get3A_2380] {strides = array<i32>} : memref<512xi32, #tpu.memory_space<vmem>>, vector<16xi32>,
    %add3A_2382 = arith.constant 496 : i32
    %add3A_2383 = arith.addi %mul3A_2, %add3A_2382 : i32
    %add3A_2384 = vector.broadcast %add3A_2383 : i32 to vector<16xi32>
    %add3A_2385 = arith.addi %add3A_2384, %iota3A : vector<16xi32>
    %lt3A_2386 = arith.constant 100000 : i32
    %lt3A_2387 = vector.broadcast %lt3A_2386 : i32 to vector<16xi32>
    %lt3A_2388 = arith.cmpi slt, %get3A_2381, %lt3A_2387 : vector<16xi32>
    %sub3A_2389 = arith.constant 100000 : i32
    %sub3A_2390 = vector.broadcast %sub3A_2389 : i32 to vector<16xi32>
    %sub3A_2391 = arith.subi %get3A_2381, %sub3A_2390 : vector<16xi32>
    %jit3A_2392 = arith.constant 0 : i32
    %jit3A_2393 = arith.constant 899999 : i32
    %max3A_2394 = vector.broadcast %jit3A_2392 : i32 to vector<16xi32>
    %max3A_2395 = arith.maxsi %max3A_2394, %sub3A_2391 : vector<16xi32>
    %min3A_2396 = vector.broadcast %jit3A_2393 : i32 to vector<16xi32>
    %min3A_2397 = arith.minsi %min3A_2396, %max3A_2395 : vector<16xi32>
    %select_n3A_2398 = arith.select %lt3A_2388, %get3A_2381, %add3A_2385 : vector<16xi1>, vector<16xi32>
    %swap3A_2399 = arith.constant 3 : i32
    %swap3A_2400 = arith.index_cast %swap3A_2399 : i32 to index
    %swap3A_2401 = arith.constant 112 : index
    %swap3A_2402 = tpu.vector_load %arg9[%swap3A_2400, %swap3A_2401] {strides = array<i32>} : memref<4x128xi32, #tpu.memory_space<vmem>>, vector<16xi32>,
    tpu.vector_store %arg9[%swap3A_2400, %swap3A_2401], %select_n3A_2398 {strides = array<i32>} : memref<4x128xi32, #tpu.memory_space<vmem>>, vector<16xi32>,
    %shift_right_arithmetic3A_2403 = arith.constant 13 : i32
    %shift_right_arithmetic3A_2404 = vector.broadcast %shift_right_arithmetic3A_2403 : i32 to vector<16xi32>
    %shift_right_arithmetic3A_2405 = arith.shrsi %min3A_2397, %shift_right_arithmetic3A_2404 : vector<16xi32>
    %shift_left3A_2406 = arith.constant 11 : i32
    %shift_left3A_2407 = vector.broadcast %shift_left3A_2406 : i32 to vector<16xi32>
    %shift_left3A_2408 = arith.shli %shift_right_arithmetic3A_2405, %shift_left3A_2407 : vector<16xi32>
    %and3A_2409 = arith.constant 2047 : i32
    %and3A_2410 = vector.broadcast %and3A_2409 : i32 to vector<16xi32>
    %and3A_2411 = arith.andi %min3A_2397, %and3A_2410 : vector<16xi32>
    %or3A_2412 = arith.ori %shift_left3A_2408, %and3A_2411 : vector<16xi32>
    %select_n3A_2413 = arith.select %lt3A_2388, %add3A_2385, %or3A_2412 : vector<16xi1>, vector<16xi32>
    %swap3A_2414 = arith.constant 3 : i32
    %swap3A_2415 = arith.index_cast %swap3A_2414 : i32 to index
    %swap3A_2416 = arith.constant 112 : index
    %swap3A_2417 = tpu.vector_load %arg10[%swap3A_2415, %swap3A_2416] {strides = array<i32>} : memref<4x128xi32, #tpu.memory_space<vmem>>, vector<16xi32>,
    tpu.vector_store %arg10[%swap3A_2415, %swap3A_2416], %select_n3A_2413 {strides = array<i32>} : memref<4x128xi32, #tpu.memory_space<vmem>>, vector<16xi32>,
    %shift_right_arithmetic3A_2418 = arith.constant 11 : i32
    %shift_right_arithmetic3A_2419 = vector.broadcast %shift_right_arithmetic3A_2418 : i32 to vector<16xi32>
    %shift_right_arithmetic3A_2420 = arith.shrsi %min3A_2397, %shift_right_arithmetic3A_2419 : vector<16xi32>
    %and3A_2421 = arith.constant 3 : i32
    %and3A_2422 = vector.broadcast %and3A_2421 : i32 to vector<16xi32>
    %and3A_2423 = arith.andi %shift_right_arithmetic3A_2420, %and3A_2422 : vector<16xi32>
    %select_n3A_2424 = arith.select %lt3A_2388, %broadcast_in_dim3A_5, %broadcast_in_dim3A_3 : vector<16xi1>, vector<16xf32>
    %sub3A_2425 = arith.subf %broadcast_in_dim3A_5, %select_n3A_2424 : vector<16xf32>
    %add3A_2426 = arith.constant 496 : i32
    %add3A_2427 = vector.broadcast %add3A_2426 : i32 to vector<16xi32>
    %add3A_2428 = arith.addi %add3A_2427, %iota3A : vector<16xi32>
    %broadcast_in_dim3A_2429 = arith.constant 0 : i32
    %broadcast_in_dim3A_2430 = vector.broadcast %broadcast_in_dim3A_2429 : i32 to vector<16xi32>
    %eq3A_2431 = arith.constant 0 : i32
    %eq3A_2432 = vector.broadcast %eq3A_2431 : i32 to vector<16xi32>
    %eq3A_2433 = arith.cmpi eq, %and3A_2423, %eq3A_2432 : vector<16xi32>
    %select_n3A_2434 = arith.select %eq3A_2433, %sub3A_2425, %broadcast_in_dim3A_3 : vector<16xi1>, vector<16xf32>
    tpu.vector_store_idx %arg13[%add3A_2428, %broadcast_in_dim3A_2430], %select_n3A_2434 : memref<512x16xf32, #tpu.memory_space<vmem>>[vector<16xi32>, vector<16xi32>], vector<16xf32>,
    %broadcast_in_dim3A_2435 = arith.constant 1 : i32
    %broadcast_in_dim3A_2436 = vector.broadcast %broadcast_in_dim3A_2435 : i32 to vector<16xi32>
    %eq3A_2437 = arith.constant 1 : i32
    %eq3A_2438 = vector.broadcast %eq3A_2437 : i32 to vector<16xi32>
    %eq3A_2439 = arith.cmpi eq, %and3A_2423, %eq3A_2438 : vector<16xi32>
    %select_n3A_2440 = arith.select %eq3A_2439, %sub3A_2425, %broadcast_in_dim3A_3 : vector<16xi1>, vector<16xf32>
    tpu.vector_store_idx %arg13[%add3A_2428, %broadcast_in_dim3A_2436], %select_n3A_2440 : memref<512x16xf32, #tpu.memory_space<vmem>>[vector<16xi32>, vector<16xi32>], vector<16xf32>,
    %broadcast_in_dim3A_2441 = arith.constant 2 : i32
    %broadcast_in_dim3A_2442 = vector.broadcast %broadcast_in_dim3A_2441 : i32 to vector<16xi32>
    %eq3A_2443 = arith.constant 2 : i32
    %eq3A_2444 = vector.broadcast %eq3A_2443 : i32 to vector<16xi32>
    %eq3A_2445 = arith.cmpi eq, %and3A_2423, %eq3A_2444 : vector<16xi32>
    %select_n3A_2446 = arith.select %eq3A_2445, %sub3A_2425, %broadcast_in_dim3A_3 : vector<16xi1>, vector<16xf32>
    tpu.vector_store_idx %arg13[%add3A_2428, %broadcast_in_dim3A_2442], %select_n3A_2446 : memref<512x16xf32, #tpu.memory_space<vmem>>[vector<16xi32>, vector<16xi32>], vector<16xf32>,
    %broadcast_in_dim3A_2447 = arith.constant 3 : i32
    %broadcast_in_dim3A_2448 = vector.broadcast %broadcast_in_dim3A_2447 : i32 to vector<16xi32>
    %eq3A_2449 = arith.constant 3 : i32
    %eq3A_2450 = vector.broadcast %eq3A_2449 : i32 to vector<16xi32>
    %eq3A_2451 = arith.cmpi eq, %and3A_2423, %eq3A_2450 : vector<16xi32>
    %select_n3A_2452 = arith.select %eq3A_2451, %sub3A_2425, %broadcast_in_dim3A_3 : vector<16xi1>, vector<16xf32>
    tpu.vector_store_idx %arg13[%add3A_2428, %broadcast_in_dim3A_2448], %select_n3A_2452 : memref<512x16xf32, #tpu.memory_space<vmem>>[vector<16xi32>, vector<16xi32>], vector<16xf32>,
    %broadcast_in_dim3A_2453 = arith.constant 4 : i32
    %broadcast_in_dim3A_2454 = vector.broadcast %broadcast_in_dim3A_2453 : i32 to vector<16xi32>
    tpu.vector_store_idx %arg13[%add3A_2428, %broadcast_in_dim3A_2454], %select_n3A_2424 : memref<512x16xf32, #tpu.memory_space<vmem>>[vector<16xi32>, vector<16xi32>], vector<16xf32>,
    %broadcast_in_dim3A_2455 = arith.constant 5 : i32
    %broadcast_in_dim3A_2456 = vector.broadcast %broadcast_in_dim3A_2455 : i32 to vector<16xi32>
    tpu.vector_store_idx %arg13[%add3A_2428, %broadcast_in_dim3A_2456], %sub3A_2425 : memref<512x16xf32, #tpu.memory_space<vmem>>[vector<16xi32>, vector<16xi32>], vector<16xf32>,
    %dma_start3A = arith.constant 0 : i32
    %dma_start3A_2457 = arith.constant 0 : i32
    %dma_start3A_2458 = tpu.memref_slice %arg10[%dma_start3A, %dma_start3A_2457] : memref<4x128xi32, #tpu.memory_space<vmem>> -> memref<1x128xi32, #tpu.memory_space<vmem>>
    %dma_start3A_2459 = tpu.memref_squeeze %dma_start3A_2458 : memref<1x128xi32, #tpu.memory_space<vmem>> -> memref<128xi32, #tpu.memory_space<vmem>>
    %dma_start3A_2460 = arith.constant 0 : i32
    %dma_start3A_2461 = arith.constant 0 : i32
    %dma_start3A_2462 = tpu.memref_slice %arg4[%dma_start3A_2460, %dma_start3A_2461] : memref<225280x128xf32, #tpu.memory_space<hbm>> -> memref<225280x128xf32, #tpu.memory_space<hbm>>
    tpu.enqueue_indirect_dma source(%dma_start3A_2462 : memref<225280x128xf32, #tpu.memory_space<hbm>>) target(%arg12 : memref<128x128xf32, #tpu.memory_space<vmem>>) offsets(%dma_start3A_2459 : memref<128xi32, #tpu.memory_space<vmem>>) semaphore(%arg15 : memref<!tpu.dma_semaphore, #tpu.memory_space<semaphore_mem>>)
    %dma_start3A_2463 = arith.constant 0 : i32
    %dma_start3A_2464 = arith.constant 0 : i32
    %dma_start3A_2465 = arith.constant 0 : i32
    %dma_start3A_2466 = tpu.memref_slice %arg11[%dma_start3A_2464, %dma_start3A_2465] : memref<256x128xf32, #tpu.memory_space<vmem>> -> memref<128x128xf32, #tpu.memory_space<vmem>>
    %dma_start3A_2467 = arith.constant 0 : i32
    %dma_start3A_2468 = tpu.memref_slice %arg9[%dma_start3A_2463, %dma_start3A_2467] : memref<4x128xi32, #tpu.memory_space<vmem>> -> memref<1x128xi32, #tpu.memory_space<vmem>>
    %dma_start3A_2469 = tpu.memref_squeeze %dma_start3A_2468 : memref<1x128xi32, #tpu.memory_space<vmem>> -> memref<128xi32, #tpu.memory_space<vmem>>
    %dma_start3A_2470 = arith.constant 0 : i32
    %dma_start3A_2471 = arith.constant 0 : i32
    %dma_start3A_2472 = tpu.memref_slice %arg3[%dma_start3A_2470, %dma_start3A_2471] : memref<100000x128xf32, #tpu.memory_space<hbm>> -> memref<100000x128xf32, #tpu.memory_space<hbm>>
    tpu.enqueue_indirect_dma source(%dma_start3A_2472 : memref<100000x128xf32, #tpu.memory_space<hbm>>) target(%dma_start3A_2466 : memref<128x128xf32, #tpu.memory_space<vmem>>) offsets(%dma_start3A_2469 : memref<128xi32, #tpu.memory_space<vmem>>) semaphore(%arg14 : memref<!tpu.dma_semaphore, #tpu.memory_space<semaphore_mem>>)
    %dma_start3A_2473 = arith.constant 1 : i32
    %dma_start3A_2474 = arith.constant 128 : i32
    %dma_start3A_2475 = arith.constant 0 : i32
    %dma_start3A_2476 = tpu.memref_slice %arg11[%dma_start3A_2474, %dma_start3A_2475] : memref<256x128xf32, #tpu.memory_space<vmem>> -> memref<128x128xf32, #tpu.memory_space<vmem>>
    %dma_start3A_2477 = arith.constant 0 : i32
    %dma_start3A_2478 = tpu.memref_slice %arg9[%dma_start3A_2473, %dma_start3A_2477] : memref<4x128xi32, #tpu.memory_space<vmem>> -> memref<1x128xi32, #tpu.memory_space<vmem>>
    %dma_start3A_2479 = tpu.memref_squeeze %dma_start3A_2478 : memref<1x128xi32, #tpu.memory_space<vmem>> -> memref<128xi32, #tpu.memory_space<vmem>>
    %dma_start3A_2480 = arith.constant 0 : i32
    %dma_start3A_2481 = arith.constant 0 : i32
    %dma_start3A_2482 = tpu.memref_slice %arg3[%dma_start3A_2480, %dma_start3A_2481] : memref<100000x128xf32, #tpu.memory_space<hbm>> -> memref<100000x128xf32, #tpu.memory_space<hbm>>
    tpu.enqueue_indirect_dma source(%dma_start3A_2482 : memref<100000x128xf32, #tpu.memory_space<hbm>>) target(%dma_start3A_2476 : memref<128x128xf32, #tpu.memory_space<vmem>>) offsets(%dma_start3A_2479 : memref<128xi32, #tpu.memory_space<vmem>>) semaphore(%arg14 : memref<!tpu.dma_semaphore, #tpu.memory_space<semaphore_mem>>)
    %dma_wait3A = arith.constant 0 : i32
    %dma_wait3A_2483 = arith.constant 0 : i32
    %dma_wait3A_2484 = tpu.memref_slice %arg10[%dma_wait3A, %dma_wait3A_2483] : memref<4x128xi32, #tpu.memory_space<vmem>> -> memref<1x128xi32, #tpu.memory_space<vmem>>
    %dma_wait3A_2485 = tpu.memref_squeeze %dma_wait3A_2484 : memref<1x128xi32, #tpu.memory_space<vmem>> -> memref<128xi32, #tpu.memory_space<vmem>>
    %dma_wait3A_2486 = arith.constant 0 : i32
    %dma_wait3A_2487 = arith.constant 0 : i32
    %dma_wait3A_2488 = tpu.memref_slice %arg4[%dma_wait3A_2486, %dma_wait3A_2487] : memref<225280x128xf32, #tpu.memory_space<hbm>> -> memref<225280x128xf32, #tpu.memory_space<hbm>>
    tpu.wait_indirect_dma semaphore(%arg15 : memref<!tpu.dma_semaphore, #tpu.memory_space<semaphore_mem>>) src(%dma_wait3A_2488 : memref<225280x128xf32, #tpu.memory_space<hbm>>) dst(%arg12 : memref<128x128xf32, #tpu.memory_space<vmem>>)
    "tpu.region"() ({
      %run_scoped3A = tpu.sem_alloc : memref<!tpu.dma_semaphore, #tpu.memory_space<semaphore_mem>>
      %dma_start3A_2599 = arith.constant 0 : i32
      %dma_start3A_2600 = tpu.memref_slice %arg6[%mul3A_2, %dma_start3A_2599] : memref<16384x128xf32, #tpu.memory_space<hbm>> -> memref<128x128xf32, #tpu.memory_space<hbm>>
      %dma_start3A_2601 = arith.constant 0 : i32
      %dma_start3A_2602 = tpu.memref_slice %arg6[%mul3A_2, %dma_start3A_2601] : memref<16384x128xf32, #tpu.memory_space<hbm>> -> memref<128x128xf32, #tpu.memory_space<hbm>>
      tpu.enqueue_dma source(%arg12 : memref<128x128xf32, #tpu.memory_space<vmem>>) target(%dma_start3A_2602 : memref<128x128xf32, #tpu.memory_space<hbm>>) target_semaphore(%run_scoped3A : memref<!tpu.dma_semaphore, #tpu.memory_space<semaphore_mem>>)
      %dma_wait3A_2603 = arith.constant 0 : i32
      %dma_wait3A_2604 = tpu.memref_slice %arg6[%mul3A_2, %dma_wait3A_2603] : memref<16384x128xf32, #tpu.memory_space<hbm>> -> memref<128x128xf32, #tpu.memory_space<hbm>>
      %dma_wait3A_2605 = arith.constant 0 : i32
      %dma_wait3A_2606 = tpu.memref_slice %arg6[%mul3A_2, %dma_wait3A_2605] : memref<16384x128xf32, #tpu.memory_space<hbm>> -> memref<128x128xf32, #tpu.memory_space<hbm>>
      tpu.wait_dma2 semaphore(%run_scoped3A : memref<!tpu.dma_semaphore, #tpu.memory_space<semaphore_mem>>) src(%arg12 : memref<128x128xf32, #tpu.memory_space<vmem>>) dst(%dma_wait3A_2606 : memref<128x128xf32, #tpu.memory_space<hbm>>)
      tpu.yield
    }) : () -> ()
    %dma_start3A_2489 = arith.constant 1 : i32
    %dma_start3A_2490 = arith.constant 0 : i32
    %dma_start3A_2491 = tpu.memref_slice %arg10[%dma_start3A_2489, %dma_start3A_2490] : memref<4x128xi32, #tpu.memory_space<vmem>> -> memref<1x128xi32, #tpu.memory_space<vmem>>
    %dma_start3A_2492 = tpu.memref_squeeze %dma_start3A_2491 : memref<1x128xi32, #tpu.memory_space<vmem>> -> memref<128xi32, #tpu.memory_space<vmem>>
    %dma_start3A_2493 = arith.constant 0 : i32
    %dma_start3A_2494 = arith.constant 0 : i32
    %dma_start3A_2495 = tpu.memref_slice %arg4[%dma_start3A_2493, %dma_start3A_2494] : memref<225280x128xf32, #tpu.memory_space<hbm>> -> memref<225280x128xf32, #tpu.memory_space<hbm>>
    tpu.enqueue_indirect_dma source(%dma_start3A_2495 : memref<225280x128xf32, #tpu.memory_space<hbm>>) target(%arg12 : memref<128x128xf32, #tpu.memory_space<vmem>>) offsets(%dma_start3A_2492 : memref<128xi32, #tpu.memory_space<vmem>>) semaphore(%arg15 : memref<!tpu.dma_semaphore, #tpu.memory_space<semaphore_mem>>)
    %dma_wait3A_2496 = arith.constant 0 : i32
    %dma_wait3A_2497 = arith.constant 0 : i32
    %dma_wait3A_2498 = arith.constant 0 : i32
    %dma_wait3A_2499 = tpu.memref_slice %arg11[%dma_wait3A_2497, %dma_wait3A_2498] : memref<256x128xf32, #tpu.memory_space<vmem>> -> memref<128x128xf32, #tpu.memory_space<vmem>>
    %dma_wait3A_2500 = arith.constant 0 : i32
    %dma_wait3A_2501 = tpu.memref_slice %arg9[%dma_wait3A_2496, %dma_wait3A_2500] : memref<4x128xi32, #tpu.memory_space<vmem>> -> memref<1x128xi32, #tpu.memory_space<vmem>>
    %dma_wait3A_2502 = tpu.memref_squeeze %dma_wait3A_2501 : memref<1x128xi32, #tpu.memory_space<vmem>> -> memref<128xi32, #tpu.memory_space<vmem>>
    %dma_wait3A_2503 = arith.constant 0 : i32
    %dma_wait3A_2504 = arith.constant 0 : i32
    %dma_wait3A_2505 = tpu.memref_slice %arg3[%dma_wait3A_2503, %dma_wait3A_2504] : memref<100000x128xf32, #tpu.memory_space<hbm>> -> memref<100000x128xf32, #tpu.memory_space<hbm>>
    tpu.wait_indirect_dma semaphore(%arg14 : memref<!tpu.dma_semaphore, #tpu.memory_space<semaphore_mem>>) src(%dma_wait3A_2505 : memref<100000x128xf32, #tpu.memory_space<hbm>>) dst(%dma_wait3A_2499 : memref<128x128xf32, #tpu.memory_space<vmem>>)
    %dma_wait3A_2506 = arith.constant 1 : i32
    %dma_wait3A_2507 = arith.constant 128 : i32
    %dma_wait3A_2508 = arith.constant 0 : i32
    %dma_wait3A_2509 = tpu.memref_slice %arg11[%dma_wait3A_2507, %dma_wait3A_2508] : memref<256x128xf32, #tpu.memory_space<vmem>> -> memref<128x128xf32, #tpu.memory_space<vmem>>
    %dma_wait3A_2510 = arith.constant 0 : i32
    %dma_wait3A_2511 = tpu.memref_slice %arg9[%dma_wait3A_2506, %dma_wait3A_2510] : memref<4x128xi32, #tpu.memory_space<vmem>> -> memref<1x128xi32, #tpu.memory_space<vmem>>
    %dma_wait3A_2512 = tpu.memref_squeeze %dma_wait3A_2511 : memref<1x128xi32, #tpu.memory_space<vmem>> -> memref<128xi32, #tpu.memory_space<vmem>>
    %dma_wait3A_2513 = arith.constant 0 : i32
    %dma_wait3A_2514 = arith.constant 0 : i32
    %dma_wait3A_2515 = tpu.memref_slice %arg3[%dma_wait3A_2513, %dma_wait3A_2514] : memref<100000x128xf32, #tpu.memory_space<hbm>> -> memref<100000x128xf32, #tpu.memory_space<hbm>>
    tpu.wait_indirect_dma semaphore(%arg14 : memref<!tpu.dma_semaphore, #tpu.memory_space<semaphore_mem>>) src(%dma_wait3A_2515 : memref<100000x128xf32, #tpu.memory_space<hbm>>) dst(%dma_wait3A_2509 : memref<128x128xf32, #tpu.memory_space<vmem>>)
    "tpu.region"() ({
      %run_scoped3A = tpu.sem_alloc : memref<!tpu.dma_semaphore, #tpu.memory_space<semaphore_mem>>
      %dma_start3A_2599 = arith.constant 0 : i32
      %dma_start3A_2600 = tpu.memref_slice %arg5[%mul3A_2, %dma_start3A_2599] : memref<16384x128xf32, #tpu.memory_space<hbm>> -> memref<256x128xf32, #tpu.memory_space<hbm>>
      %dma_start3A_2601 = arith.constant 0 : i32
      %dma_start3A_2602 = tpu.memref_slice %arg5[%mul3A_2, %dma_start3A_2601] : memref<16384x128xf32, #tpu.memory_space<hbm>> -> memref<256x128xf32, #tpu.memory_space<hbm>>
      tpu.enqueue_dma source(%arg11 : memref<256x128xf32, #tpu.memory_space<vmem>>) target(%dma_start3A_2602 : memref<256x128xf32, #tpu.memory_space<hbm>>) target_semaphore(%run_scoped3A : memref<!tpu.dma_semaphore, #tpu.memory_space<semaphore_mem>>)
      %dma_wait3A_2603 = arith.constant 0 : i32
      %dma_wait3A_2604 = tpu.memref_slice %arg5[%mul3A_2, %dma_wait3A_2603] : memref<16384x128xf32, #tpu.memory_space<hbm>> -> memref<256x128xf32, #tpu.memory_space<hbm>>
      %dma_wait3A_2605 = arith.constant 0 : i32
      %dma_wait3A_2606 = tpu.memref_slice %arg5[%mul3A_2, %dma_wait3A_2605] : memref<16384x128xf32, #tpu.memory_space<hbm>> -> memref<256x128xf32, #tpu.memory_space<hbm>>
      tpu.wait_dma2 semaphore(%run_scoped3A : memref<!tpu.dma_semaphore, #tpu.memory_space<semaphore_mem>>) src(%arg11 : memref<256x128xf32, #tpu.memory_space<vmem>>) dst(%dma_wait3A_2606 : memref<256x128xf32, #tpu.memory_space<hbm>>)
      tpu.yield
    }) : () -> ()
    %dma_start3A_2516 = arith.constant 2 : i32
    %dma_start3A_2517 = arith.constant 0 : i32
    %dma_start3A_2518 = arith.constant 0 : i32
    %dma_start3A_2519 = tpu.memref_slice %arg11[%dma_start3A_2517, %dma_start3A_2518] : memref<256x128xf32, #tpu.memory_space<vmem>> -> memref<128x128xf32, #tpu.memory_space<vmem>>
    %dma_start3A_2520 = arith.constant 0 : i32
    %dma_start3A_2521 = tpu.memref_slice %arg9[%dma_start3A_2516, %dma_start3A_2520] : memref<4x128xi32, #tpu.memory_space<vmem>> -> memref<1x128xi32, #tpu.memory_space<vmem>>
    %dma_start3A_2522 = tpu.memref_squeeze %dma_start3A_2521 : memref<1x128xi32, #tpu.memory_space<vmem>> -> memref<128xi32, #tpu.memory_space<vmem>>
    %dma_start3A_2523 = arith.constant 0 : i32
    %dma_start3A_2524 = arith.constant 0 : i32
    %dma_start3A_2525 = tpu.memref_slice %arg3[%dma_start3A_2523, %dma_start3A_2524] : memref<100000x128xf32, #tpu.memory_space<hbm>> -> memref<100000x128xf32, #tpu.memory_space<hbm>>
    tpu.enqueue_indirect_dma source(%dma_start3A_2525 : memref<100000x128xf32, #tpu.memory_space<hbm>>) target(%dma_start3A_2519 : memref<128x128xf32, #tpu.memory_space<vmem>>) offsets(%dma_start3A_2522 : memref<128xi32, #tpu.memory_space<vmem>>) semaphore(%arg14 : memref<!tpu.dma_semaphore, #tpu.memory_space<semaphore_mem>>)
    %dma_start3A_2526 = arith.constant 3 : i32
    %dma_start3A_2527 = arith.constant 128 : i32
    %dma_start3A_2528 = arith.constant 0 : i32
    %dma_start3A_2529 = tpu.memref_slice %arg11[%dma_start3A_2527, %dma_start3A_2528] : memref<256x128xf32, #tpu.memory_space<vmem>> -> memref<128x128xf32, #tpu.memory_space<vmem>>
    %dma_start3A_2530 = arith.constant 0 : i32
    %dma_start3A_2531 = tpu.memref_slice %arg9[%dma_start3A_2526, %dma_start3A_2530] : memref<4x128xi32, #tpu.memory_space<vmem>> -> memref<1x128xi32, #tpu.memory_space<vmem>>
    %dma_start3A_2532 = tpu.memref_squeeze %dma_start3A_2531 : memref<1x128xi32, #tpu.memory_space<vmem>> -> memref<128xi32, #tpu.memory_space<vmem>>
    %dma_start3A_2533 = arith.constant 0 : i32
    %dma_start3A_2534 = arith.constant 0 : i32
    %dma_start3A_2535 = tpu.memref_slice %arg3[%dma_start3A_2533, %dma_start3A_2534] : memref<100000x128xf32, #tpu.memory_space<hbm>> -> memref<100000x128xf32, #tpu.memory_space<hbm>>
    tpu.enqueue_indirect_dma source(%dma_start3A_2535 : memref<100000x128xf32, #tpu.memory_space<hbm>>) target(%dma_start3A_2529 : memref<128x128xf32, #tpu.memory_space<vmem>>) offsets(%dma_start3A_2532 : memref<128xi32, #tpu.memory_space<vmem>>) semaphore(%arg14 : memref<!tpu.dma_semaphore, #tpu.memory_space<semaphore_mem>>)
    %dma_wait3A_2536 = arith.constant 1 : i32
    %dma_wait3A_2537 = arith.constant 0 : i32
    %dma_wait3A_2538 = tpu.memref_slice %arg10[%dma_wait3A_2536, %dma_wait3A_2537] : memref<4x128xi32, #tpu.memory_space<vmem>> -> memref<1x128xi32, #tpu.memory_space<vmem>>
    %dma_wait3A_2539 = tpu.memref_squeeze %dma_wait3A_2538 : memref<1x128xi32, #tpu.memory_space<vmem>> -> memref<128xi32, #tpu.memory_space<vmem>>
    %dma_wait3A_2540 = arith.constant 0 : i32
    %dma_wait3A_2541 = arith.constant 0 : i32
    %dma_wait3A_2542 = tpu.memref_slice %arg4[%dma_wait3A_2540, %dma_wait3A_2541] : memref<225280x128xf32, #tpu.memory_space<hbm>> -> memref<225280x128xf32, #tpu.memory_space<hbm>>
    tpu.wait_indirect_dma semaphore(%arg15 : memref<!tpu.dma_semaphore, #tpu.memory_space<semaphore_mem>>) src(%dma_wait3A_2542 : memref<225280x128xf32, #tpu.memory_space<hbm>>) dst(%arg12 : memref<128x128xf32, #tpu.memory_space<vmem>>)
    %add3A_2543 = arith.constant 128 : i32
    %add3A_2544 = arith.addi %mul3A_2, %add3A_2543 : i32
    "tpu.region"() ({
      %run_scoped3A = tpu.sem_alloc : memref<!tpu.dma_semaphore, #tpu.memory_space<semaphore_mem>>
      %dma_start3A_2599 = arith.constant 0 : i32
      %dma_start3A_2600 = tpu.memref_slice %arg6[%add3A_2544, %dma_start3A_2599] : memref<16384x128xf32, #tpu.memory_space<hbm>> -> memref<128x128xf32, #tpu.memory_space<hbm>>
      %dma_start3A_2601 = arith.constant 0 : i32
      %dma_start3A_2602 = tpu.memref_slice %arg6[%add3A_2544, %dma_start3A_2601] : memref<16384x128xf32, #tpu.memory_space<hbm>> -> memref<128x128xf32, #tpu.memory_space<hbm>>
      tpu.enqueue_dma source(%arg12 : memref<128x128xf32, #tpu.memory_space<vmem>>) target(%dma_start3A_2602 : memref<128x128xf32, #tpu.memory_space<hbm>>) target_semaphore(%run_scoped3A : memref<!tpu.dma_semaphore, #tpu.memory_space<semaphore_mem>>)
      %dma_wait3A_2603 = arith.constant 0 : i32
      %dma_wait3A_2604 = tpu.memref_slice %arg6[%add3A_2544, %dma_wait3A_2603] : memref<16384x128xf32, #tpu.memory_space<hbm>> -> memref<128x128xf32, #tpu.memory_space<hbm>>
      %dma_wait3A_2605 = arith.constant 0 : i32
      %dma_wait3A_2606 = tpu.memref_slice %arg6[%add3A_2544, %dma_wait3A_2605] : memref<16384x128xf32, #tpu.memory_space<hbm>> -> memref<128x128xf32, #tpu.memory_space<hbm>>
      tpu.wait_dma2 semaphore(%run_scoped3A : memref<!tpu.dma_semaphore, #tpu.memory_space<semaphore_mem>>) src(%arg12 : memref<128x128xf32, #tpu.memory_space<vmem>>) dst(%dma_wait3A_2606 : memref<128x128xf32, #tpu.memory_space<hbm>>)
      tpu.yield
    }) : () -> ()
    %dma_start3A_2545 = arith.constant 2 : i32
    %dma_start3A_2546 = arith.constant 0 : i32
    %dma_start3A_2547 = tpu.memref_slice %arg10[%dma_start3A_2545, %dma_start3A_2546] : memref<4x128xi32, #tpu.memory_space<vmem>> -> memref<1x128xi32, #tpu.memory_space<vmem>>
    %dma_start3A_2548 = tpu.memref_squeeze %dma_start3A_2547 : memref<1x128xi32, #tpu.memory_space<vmem>> -> memref<128xi32, #tpu.memory_space<vmem>>
    %dma_start3A_2549 = arith.constant 0 : i32
    %dma_start3A_2550 = arith.constant 0 : i32
    %dma_start3A_2551 = tpu.memref_slice %arg4[%dma_start3A_2549, %dma_start3A_2550] : memref<225280x128xf32, #tpu.memory_space<hbm>> -> memref<225280x128xf32, #tpu.memory_space<hbm>>
    tpu.enqueue_indirect_dma source(%dma_start3A_2551 : memref<225280x128xf32, #tpu.memory_space<hbm>>) target(%arg12 : memref<128x128xf32, #tpu.memory_space<vmem>>) offsets(%dma_start3A_2548 : memref<128xi32, #tpu.memory_space<vmem>>) semaphore(%arg15 : memref<!tpu.dma_semaphore, #tpu.memory_space<semaphore_mem>>)
    %dma_wait3A_2552 = arith.constant 2 : i32
    %dma_wait3A_2553 = arith.constant 0 : i32
    %dma_wait3A_2554 = tpu.memref_slice %arg10[%dma_wait3A_2552, %dma_wait3A_2553] : memref<4x128xi32, #tpu.memory_space<vmem>> -> memref<1x128xi32, #tpu.memory_space<vmem>>
    %dma_wait3A_2555 = tpu.memref_squeeze %dma_wait3A_2554 : memref<1x128xi32, #tpu.memory_space<vmem>> -> memref<128xi32, #tpu.memory_space<vmem>>
    %dma_wait3A_2556 = arith.constant 0 : i32
    %dma_wait3A_2557 = arith.constant 0 : i32
    %dma_wait3A_2558 = tpu.memref_slice %arg4[%dma_wait3A_2556, %dma_wait3A_2557] : memref<225280x128xf32, #tpu.memory_space<hbm>> -> memref<225280x128xf32, #tpu.memory_space<hbm>>
    tpu.wait_indirect_dma semaphore(%arg15 : memref<!tpu.dma_semaphore, #tpu.memory_space<semaphore_mem>>) src(%dma_wait3A_2558 : memref<225280x128xf32, #tpu.memory_space<hbm>>) dst(%arg12 : memref<128x128xf32, #tpu.memory_space<vmem>>)
    %add3A_2559 = arith.constant 256 : i32
    %add3A_2560 = arith.addi %mul3A_2, %add3A_2559 : i32
    "tpu.region"() ({
      %run_scoped3A = tpu.sem_alloc : memref<!tpu.dma_semaphore, #tpu.memory_space<semaphore_mem>>
      %dma_start3A_2599 = arith.constant 0 : i32
      %dma_start3A_2600 = tpu.memref_slice %arg6[%add3A_2560, %dma_start3A_2599] : memref<16384x128xf32, #tpu.memory_space<hbm>> -> memref<128x128xf32, #tpu.memory_space<hbm>>
      %dma_start3A_2601 = arith.constant 0 : i32
      %dma_start3A_2602 = tpu.memref_slice %arg6[%add3A_2560, %dma_start3A_2601] : memref<16384x128xf32, #tpu.memory_space<hbm>> -> memref<128x128xf32, #tpu.memory_space<hbm>>
      tpu.enqueue_dma source(%arg12 : memref<128x128xf32, #tpu.memory_space<vmem>>) target(%dma_start3A_2602 : memref<128x128xf32, #tpu.memory_space<hbm>>) target_semaphore(%run_scoped3A : memref<!tpu.dma_semaphore, #tpu.memory_space<semaphore_mem>>)
      %dma_wait3A_2603 = arith.constant 0 : i32
      %dma_wait3A_2604 = tpu.memref_slice %arg6[%add3A_2560, %dma_wait3A_2603] : memref<16384x128xf32, #tpu.memory_space<hbm>> -> memref<128x128xf32, #tpu.memory_space<hbm>>
      %dma_wait3A_2605 = arith.constant 0 : i32
      %dma_wait3A_2606 = tpu.memref_slice %arg6[%add3A_2560, %dma_wait3A_2605] : memref<16384x128xf32, #tpu.memory_space<hbm>> -> memref<128x128xf32, #tpu.memory_space<hbm>>
      tpu.wait_dma2 semaphore(%run_scoped3A : memref<!tpu.dma_semaphore, #tpu.memory_space<semaphore_mem>>) src(%arg12 : memref<128x128xf32, #tpu.memory_space<vmem>>) dst(%dma_wait3A_2606 : memref<128x128xf32, #tpu.memory_space<hbm>>)
      tpu.yield
    }) : () -> ()
    %dma_start3A_2561 = arith.constant 3 : i32
    %dma_start3A_2562 = arith.constant 0 : i32
    %dma_start3A_2563 = tpu.memref_slice %arg10[%dma_start3A_2561, %dma_start3A_2562] : memref<4x128xi32, #tpu.memory_space<vmem>> -> memref<1x128xi32, #tpu.memory_space<vmem>>
    %dma_start3A_2564 = tpu.memref_squeeze %dma_start3A_2563 : memref<1x128xi32, #tpu.memory_space<vmem>> -> memref<128xi32, #tpu.memory_space<vmem>>
    %dma_start3A_2565 = arith.constant 0 : i32
    %dma_start3A_2566 = arith.constant 0 : i32
    %dma_start3A_2567 = tpu.memref_slice %arg4[%dma_start3A_2565, %dma_start3A_2566] : memref<225280x128xf32, #tpu.memory_space<hbm>> -> memref<225280x128xf32, #tpu.memory_space<hbm>>
    tpu.enqueue_indirect_dma source(%dma_start3A_2567 : memref<225280x128xf32, #tpu.memory_space<hbm>>) target(%arg12 : memref<128x128xf32, #tpu.memory_space<vmem>>) offsets(%dma_start3A_2564 : memref<128xi32, #tpu.memory_space<vmem>>) semaphore(%arg15 : memref<!tpu.dma_semaphore, #tpu.memory_space<semaphore_mem>>)
    %dma_wait3A_2568 = arith.constant 2 : i32
    %dma_wait3A_2569 = arith.constant 0 : i32
    %dma_wait3A_2570 = arith.constant 0 : i32
    %dma_wait3A_2571 = tpu.memref_slice %arg11[%dma_wait3A_2569, %dma_wait3A_2570] : memref<256x128xf32, #tpu.memory_space<vmem>> -> memref<128x128xf32, #tpu.memory_space<vmem>>
    %dma_wait3A_2572 = arith.constant 0 : i32
    %dma_wait3A_2573 = tpu.memref_slice %arg9[%dma_wait3A_2568, %dma_wait3A_2572] : memref<4x128xi32, #tpu.memory_space<vmem>> -> memref<1x128xi32, #tpu.memory_space<vmem>>
    %dma_wait3A_2574 = tpu.memref_squeeze %dma_wait3A_2573 : memref<1x128xi32, #tpu.memory_space<vmem>> -> memref<128xi32, #tpu.memory_space<vmem>>
    %dma_wait3A_2575 = arith.constant 0 : i32
    %dma_wait3A_2576 = arith.constant 0 : i32
    %dma_wait3A_2577 = tpu.memref_slice %arg3[%dma_wait3A_2575, %dma_wait3A_2576] : memref<100000x128xf32, #tpu.memory_space<hbm>> -> memref<100000x128xf32, #tpu.memory_space<hbm>>
    tpu.wait_indirect_dma semaphore(%arg14 : memref<!tpu.dma_semaphore, #tpu.memory_space<semaphore_mem>>) src(%dma_wait3A_2577 : memref<100000x128xf32, #tpu.memory_space<hbm>>) dst(%dma_wait3A_2571 : memref<128x128xf32, #tpu.memory_space<vmem>>)
    %dma_wait3A_2578 = arith.constant 3 : i32
    %dma_wait3A_2579 = arith.constant 128 : i32
    %dma_wait3A_2580 = arith.constant 0 : i32
    %dma_wait3A_2581 = tpu.memref_slice %arg11[%dma_wait3A_2579, %dma_wait3A_2580] : memref<256x128xf32, #tpu.memory_space<vmem>> -> memref<128x128xf32, #tpu.memory_space<vmem>>
    %dma_wait3A_2582 = arith.constant 0 : i32
    %dma_wait3A_2583 = tpu.memref_slice %arg9[%dma_wait3A_2578, %dma_wait3A_2582] : memref<4x128xi32, #tpu.memory_space<vmem>> -> memref<1x128xi32, #tpu.memory_space<vmem>>
    %dma_wait3A_2584 = tpu.memref_squeeze %dma_wait3A_2583 : memref<1x128xi32, #tpu.memory_space<vmem>> -> memref<128xi32, #tpu.memory_space<vmem>>
    %dma_wait3A_2585 = arith.constant 0 : i32
    %dma_wait3A_2586 = arith.constant 0 : i32
    %dma_wait3A_2587 = tpu.memref_slice %arg3[%dma_wait3A_2585, %dma_wait3A_2586] : memref<100000x128xf32, #tpu.memory_space<hbm>> -> memref<100000x128xf32, #tpu.memory_space<hbm>>
    tpu.wait_indirect_dma semaphore(%arg14 : memref<!tpu.dma_semaphore, #tpu.memory_space<semaphore_mem>>) src(%dma_wait3A_2587 : memref<100000x128xf32, #tpu.memory_space<hbm>>) dst(%dma_wait3A_2581 : memref<128x128xf32, #tpu.memory_space<vmem>>)
    %add3A_2588 = arith.constant 256 : i32
    %add3A_2589 = arith.addi %mul3A_2, %add3A_2588 : i32
    "tpu.region"() ({
      %run_scoped3A = tpu.sem_alloc : memref<!tpu.dma_semaphore, #tpu.memory_space<semaphore_mem>>
      %dma_start3A_2599 = arith.constant 0 : i32
      %dma_start3A_2600 = tpu.memref_slice %arg5[%add3A_2589, %dma_start3A_2599] : memref<16384x128xf32, #tpu.memory_space<hbm>> -> memref<256x128xf32, #tpu.memory_space<hbm>>
      %dma_start3A_2601 = arith.constant 0 : i32
      %dma_start3A_2602 = tpu.memref_slice %arg5[%add3A_2589, %dma_start3A_2601] : memref<16384x128xf32, #tpu.memory_space<hbm>> -> memref<256x128xf32, #tpu.memory_space<hbm>>
      tpu.enqueue_dma source(%arg11 : memref<256x128xf32, #tpu.memory_space<vmem>>) target(%dma_start3A_2602 : memref<256x128xf32, #tpu.memory_space<hbm>>) target_semaphore(%run_scoped3A : memref<!tpu.dma_semaphore, #tpu.memory_space<semaphore_mem>>)
      %dma_wait3A_2603 = arith.constant 0 : i32
      %dma_wait3A_2604 = tpu.memref_slice %arg5[%add3A_2589, %dma_wait3A_2603] : memref<16384x128xf32, #tpu.memory_space<hbm>> -> memref<256x128xf32, #tpu.memory_space<hbm>>
      %dma_wait3A_2605 = arith.constant 0 : i32
      %dma_wait3A_2606 = tpu.memref_slice %arg5[%add3A_2589, %dma_wait3A_2605] : memref<16384x128xf32, #tpu.memory_space<hbm>> -> memref<256x128xf32, #tpu.memory_space<hbm>>
      tpu.wait_dma2 semaphore(%run_scoped3A : memref<!tpu.dma_semaphore, #tpu.memory_space<semaphore_mem>>) src(%arg11 : memref<256x128xf32, #tpu.memory_space<vmem>>) dst(%dma_wait3A_2606 : memref<256x128xf32, #tpu.memory_space<hbm>>)
      tpu.yield
    }) : () -> ()
    %dma_wait3A_2590 = arith.constant 3 : i32
    %dma_wait3A_2591 = arith.constant 0 : i32
    %dma_wait3A_2592 = tpu.memref_slice %arg10[%dma_wait3A_2590, %dma_wait3A_2591] : memref<4x128xi32, #tpu.memory_space<vmem>> -> memref<1x128xi32, #tpu.memory_space<vmem>>
    %dma_wait3A_2593 = tpu.memref_squeeze %dma_wait3A_2592 : memref<1x128xi32, #tpu.memory_space<vmem>> -> memref<128xi32, #tpu.memory_space<vmem>>
    %dma_wait3A_2594 = arith.constant 0 : i32
    %dma_wait3A_2595 = arith.constant 0 : i32
    %dma_wait3A_2596 = tpu.memref_slice %arg4[%dma_wait3A_2594, %dma_wait3A_2595] : memref<225280x128xf32, #tpu.memory_space<hbm>> -> memref<225280x128xf32, #tpu.memory_space<hbm>>
    tpu.wait_indirect_dma semaphore(%arg15 : memref<!tpu.dma_semaphore, #tpu.memory_space<semaphore_mem>>) src(%dma_wait3A_2596 : memref<225280x128xf32, #tpu.memory_space<hbm>>) dst(%arg12 : memref<128x128xf32, #tpu.memory_space<vmem>>)
    %add3A_2597 = arith.constant 384 : i32
    %add3A_2598 = arith.addi %mul3A_2, %add3A_2597 : i32
    "tpu.region"() ({
      %run_scoped3A = tpu.sem_alloc : memref<!tpu.dma_semaphore, #tpu.memory_space<semaphore_mem>>
      %dma_start3A_2599 = arith.constant 0 : i32
      %dma_start3A_2600 = tpu.memref_slice %arg6[%add3A_2598, %dma_start3A_2599] : memref<16384x128xf32, #tpu.memory_space<hbm>> -> memref<128x128xf32, #tpu.memory_space<hbm>>
      %dma_start3A_2601 = arith.constant 0 : i32
      %dma_start3A_2602 = tpu.memref_slice %arg6[%add3A_2598, %dma_start3A_2601] : memref<16384x128xf32, #tpu.memory_space<hbm>> -> memref<128x128xf32, #tpu.memory_space<hbm>>
      tpu.enqueue_dma source(%arg12 : memref<128x128xf32, #tpu.memory_space<vmem>>) target(%dma_start3A_2602 : memref<128x128xf32, #tpu.memory_space<hbm>>) target_semaphore(%run_scoped3A : memref<!tpu.dma_semaphore, #tpu.memory_space<semaphore_mem>>)
      %dma_wait3A_2603 = arith.constant 0 : i32
      %dma_wait3A_2604 = tpu.memref_slice %arg6[%add3A_2598, %dma_wait3A_2603] : memref<16384x128xf32, #tpu.memory_space<hbm>> -> memref<128x128xf32, #tpu.memory_space<hbm>>
      %dma_wait3A_2605 = arith.constant 0 : i32
      %dma_wait3A_2606 = tpu.memref_slice %arg6[%add3A_2598, %dma_wait3A_2605] : memref<16384x128xf32, #tpu.memory_space<hbm>> -> memref<128x128xf32, #tpu.memory_space<hbm>>
      tpu.wait_dma2 semaphore(%run_scoped3A : memref<!tpu.dma_semaphore, #tpu.memory_space<semaphore_mem>>) src(%arg12 : memref<128x128xf32, #tpu.memory_space<vmem>>) dst(%dma_wait3A_2606 : memref<128x128xf32, #tpu.memory_space<hbm>>)
      tpu.yield
    }) : () -> ()
    "tpu.region"() ({
      %run_scoped3A = tpu.sem_alloc : memref<!tpu.dma_semaphore, #tpu.memory_space<semaphore_mem>>
      %dma_start3A_2599 = arith.constant 0 : i32
      %dma_start3A_2600 = tpu.memref_slice %arg7[%mul3A_2, %dma_start3A_2599] : memref<16384x16xf32, #tpu.memory_space<hbm>> -> memref<512x16xf32, #tpu.memory_space<hbm>>
      %dma_start3A_2601 = arith.constant 0 : i32
      %dma_start3A_2602 = tpu.memref_slice %arg7[%mul3A_2, %dma_start3A_2601] : memref<16384x16xf32, #tpu.memory_space<hbm>> -> memref<512x16xf32, #tpu.memory_space<hbm>>
      tpu.enqueue_dma source(%arg13 : memref<512x16xf32, #tpu.memory_space<vmem>>) target(%dma_start3A_2602 : memref<512x16xf32, #tpu.memory_space<hbm>>) target_semaphore(%run_scoped3A : memref<!tpu.dma_semaphore, #tpu.memory_space<semaphore_mem>>)
      %dma_wait3A_2603 = arith.constant 0 : i32
      %dma_wait3A_2604 = tpu.memref_slice %arg7[%mul3A_2, %dma_wait3A_2603] : memref<16384x16xf32, #tpu.memory_space<hbm>> -> memref<512x16xf32, #tpu.memory_space<hbm>>
      %dma_wait3A_2605 = arith.constant 0 : i32
      %dma_wait3A_2606 = tpu.memref_slice %arg7[%mul3A_2, %dma_wait3A_2605] : memref<16384x16xf32, #tpu.memory_space<hbm>> -> memref<512x16xf32, #tpu.memory_space<hbm>>
      tpu.wait_dma2 semaphore(%run_scoped3A : memref<!tpu.dma_semaphore, #tpu.memory_space<semaphore_mem>>) src(%arg13 : memref<512x16xf32, #tpu.memory_space<vmem>>) dst(%dma_wait3A_2606 : memref<512x16xf32, #tpu.memory_space<hbm>>)
      tpu.yield
    }) : () -> ()
    return
  }
}

module attributes {stable_mosaic.version = 14 : i64} {
  func.func @_repack_body(%arg0: i32, %arg1: memref<32x8192xf32, #tpu.memory_space<vmem>>, %arg2: memref<32x32xf32, #tpu.memory_space<vmem>>, %arg3: memref<2048x128xf32, #tpu.memory_space<vmem>>) attributes {dimension_semantics = [#tpu.dimension_semantics<arbitrary>], iteration_bounds = array<i64: 110>, scalar_prefetch = 0 : i64, scratch_operands = 0 : i64, tpu.core_type = #tpu.core_type<tc>, window_params = [{transform_indices = @transform_0, window_bounds = array<i64: 32, 8192>}, {pipeline_mode = #tpu.pipeline_mode<synchronous>, transform_indices = @transform_1, window_bounds = array<i64: 32, 32>}, {transform_indices = @transform_2, window_bounds = array<i64: 2048, 128>}]} {
    %get3A = arith.constant 0 : index
    %get3A_0 = arith.constant 0 : index
    %get3A_1 = vector.load %arg1[%get3A, %get3A_0] : memref<32x8192xf32, #tpu.memory_space<vmem>>, vector<32x2048xf32>
    %get3A_2 = arith.constant 0 : index
    %get3A_3 = arith.constant 0 : index
    %get3A_4 = vector.load %arg2[%get3A_2, %get3A_3] : memref<32x32xf32, #tpu.memory_space<vmem>>, vector<32x32xf32>
    %dot_general3A = arith.constant dense<0.000000e+00> : vector<2048x32xf32>
    %dot_general3A_5 = tpu.matmul %get3A_1, %get3A_4, %dot_general3A {dimension_numbers = #tpu.dot_dimension_numbers<[0], [0], [1], [1], [0, 1, 1, 1], [], []>, transpose_lhs_hint = false} : vector<32x2048xf32>, vector<32x32xf32>, vector<2048x32xf32> -> vector<2048x32xf32>
    %swap3A = arith.constant 0 : index
    %swap3A_6 = arith.constant 0 : index
    %swap3A_7 = vector.load %arg3[%swap3A, %swap3A_6] : memref<2048x128xf32, #tpu.memory_space<vmem>>, vector<2048x32xf32>
    tpu.vector_store %arg3[%swap3A, %swap3A_6], %dot_general3A_5 {strides = array<i32>} : memref<2048x128xf32, #tpu.memory_space<vmem>>, vector<2048x32xf32>,
    %get3A_8 = arith.constant 0 : index
    %get3A_9 = arith.constant 2048 : index
    %get3A_10 = vector.load %arg1[%get3A_8, %get3A_9] : memref<32x8192xf32, #tpu.memory_space<vmem>>, vector<32x2048xf32>
    %get3A_11 = arith.constant 0 : index
    %get3A_12 = arith.constant 0 : index
    %get3A_13 = vector.load %arg2[%get3A_11, %get3A_12] : memref<32x32xf32, #tpu.memory_space<vmem>>, vector<32x32xf32>
    %dot_general3A_14 = arith.constant dense<0.000000e+00> : vector<2048x32xf32>
    %dot_general3A_15 = tpu.matmul %get3A_10, %get3A_13, %dot_general3A_14 {dimension_numbers = #tpu.dot_dimension_numbers<[0], [0], [1], [1], [0, 1, 1, 1], [], []>, transpose_lhs_hint = false} : vector<32x2048xf32>, vector<32x32xf32>, vector<2048x32xf32> -> vector<2048x32xf32>
    %swap3A_16 = arith.constant 0 : index
    %swap3A_17 = arith.constant 32 : index
    %swap3A_18 = vector.load %arg3[%swap3A_16, %swap3A_17] : memref<2048x128xf32, #tpu.memory_space<vmem>>, vector<2048x32xf32>
    tpu.vector_store %arg3[%swap3A_16, %swap3A_17], %dot_general3A_15 {strides = array<i32>} : memref<2048x128xf32, #tpu.memory_space<vmem>>, vector<2048x32xf32>,
    %get3A_19 = arith.constant 0 : index
    %get3A_20 = arith.constant 4096 : index
    %get3A_21 = vector.load %arg1[%get3A_19, %get3A_20] : memref<32x8192xf32, #tpu.memory_space<vmem>>, vector<32x2048xf32>
    %get3A_22 = arith.constant 0 : index
    %get3A_23 = arith.constant 0 : index
    %get3A_24 = vector.load %arg2[%get3A_22, %get3A_23] : memref<32x32xf32, #tpu.memory_space<vmem>>, vector<32x32xf32>
    %dot_general3A_25 = arith.constant dense<0.000000e+00> : vector<2048x32xf32>
    %dot_general3A_26 = tpu.matmul %get3A_21, %get3A_24, %dot_general3A_25 {dimension_numbers = #tpu.dot_dimension_numbers<[0], [0], [1], [1], [0, 1, 1, 1], [], []>, transpose_lhs_hint = false} : vector<32x2048xf32>, vector<32x32xf32>, vector<2048x32xf32> -> vector<2048x32xf32>
    %swap3A_27 = arith.constant 0 : index
    %swap3A_28 = arith.constant 64 : index
    %swap3A_29 = vector.load %arg3[%swap3A_27, %swap3A_28] : memref<2048x128xf32, #tpu.memory_space<vmem>>, vector<2048x32xf32>
    tpu.vector_store %arg3[%swap3A_27, %swap3A_28], %dot_general3A_26 {strides = array<i32>} : memref<2048x128xf32, #tpu.memory_space<vmem>>, vector<2048x32xf32>,
    %get3A_30 = arith.constant 0 : index
    %get3A_31 = arith.constant 6144 : index
    %get3A_32 = vector.load %arg1[%get3A_30, %get3A_31] : memref<32x8192xf32, #tpu.memory_space<vmem>>, vector<32x2048xf32>
    %get3A_33 = arith.constant 0 : index
    %get3A_34 = arith.constant 0 : index
    %get3A_35 = vector.load %arg2[%get3A_33, %get3A_34] : memref<32x32xf32, #tpu.memory_space<vmem>>, vector<32x32xf32>
    %dot_general3A_36 = arith.constant dense<0.000000e+00> : vector<2048x32xf32>
    %dot_general3A_37 = tpu.matmul %get3A_32, %get3A_35, %dot_general3A_36 {dimension_numbers = #tpu.dot_dimension_numbers<[0], [0], [1], [1], [0, 1, 1, 1], [], []>, transpose_lhs_hint = false} : vector<32x2048xf32>, vector<32x32xf32>, vector<2048x32xf32> -> vector<2048x32xf32>
    %swap3A_38 = arith.constant 0 : index
    %swap3A_39 = arith.constant 96 : index
    %swap3A_40 = vector.load %arg3[%swap3A_38, %swap3A_39] : memref<2048x128xf32, #tpu.memory_space<vmem>>, vector<2048x32xf32>
    tpu.vector_store %arg3[%swap3A_38, %swap3A_39], %dot_general3A_37 {strides = array<i32>} : memref<2048x128xf32, #tpu.memory_space<vmem>>, vector<2048x32xf32>,
    return
  }
  func.func @transform_0(%arg0: i32) -> (i32, i32) {
    %c0_i32 = arith.constant 0 : i32
    %c0_i32_0 = arith.constant 0 : i32
    return %c0_i32, %arg0 : i32, i32
  }
  func.func @transform_1(%arg0: i32) -> (i32, i32) {
    %c0_i32 = arith.constant 0 : i32
    %c0_i32_0 = arith.constant 0 : i32
    %c0_i32_1 = arith.constant 0 : i32
    return %c0_i32, %c0_i32_0 : i32, i32
  }
  func.func @transform_2(%arg0: i32) -> (i32, i32) {
    %c0_i32 = arith.constant 0 : i32
    %c0_i32_0 = arith.constant 0 : i32
    return %arg0, %c0_i32 : i32, i32
  }
}

module attributes {stable_mosaic.version = 14 : i64} {
  func.func @_tc_body(%arg0: i32, %arg1: memref<4096x128xf32, #tpu.memory_space<vmem>>, %arg2: memref<4096x128xf32, #tpu.memory_space<vmem>>, %arg3: memref<4096x16xf32, #tpu.memory_space<vmem>>, %arg4: memref<64x128xf32, #tpu.memory_space<vmem>>, %arg5: memref<128x256xf32, #tpu.memory_space<vmem>>, %arg6: memref<1x64xf32, #tpu.memory_space<vmem>>, %arg7: memref<1x64xf32, #tpu.memory_space<vmem>>, %arg8: memref<4096x64xf32, #tpu.memory_space<vmem>>) attributes {dimension_semantics = [#tpu.dimension_semantics<arbitrary>], iteration_bounds = array<i64: 4>, scalar_prefetch = 0 : i64, scratch_operands = 0 : i64, tpu.core_type = #tpu.core_type<tc>, window_params = [{transform_indices = @transform_0, window_bounds = array<i64: 4096, 128>}, {transform_indices = @transform_1, window_bounds = array<i64: 4096, 128>}, {transform_indices = @transform_2, window_bounds = array<i64: 4096, 16>}, {pipeline_mode = #tpu.pipeline_mode<synchronous>, transform_indices = @transform_3, window_bounds = array<i64: 64, 128>}, {pipeline_mode = #tpu.pipeline_mode<synchronous>, transform_indices = @transform_4, window_bounds = array<i64: 128, 256>}, {pipeline_mode = #tpu.pipeline_mode<synchronous>, transform_indices = @transform_5, window_bounds = array<i64: 1, 64>}, {pipeline_mode = #tpu.pipeline_mode<synchronous>, transform_indices = @transform_6, window_bounds = array<i64: 1, 64>}, {transform_indices = @transform_7, window_bounds = array<i64: 4096, 64>}]} {
    %get3A = arith.constant 0 : index
    %get3A_0 = arith.constant 0 : index
    %get3A_1 = vector.load %arg1[%get3A, %get3A_0] : memref<4096x128xf32, #tpu.memory_space<vmem>>, vector<4096x128xf32>
    %get3A_2 = arith.constant 0 : index
    %get3A_3 = arith.constant 0 : index
    %get3A_4 = vector.load %arg4[%get3A_2, %get3A_3] : memref<64x128xf32, #tpu.memory_space<vmem>>, vector<64x128xf32>
    %dot_general3A = arith.constant dense<0.000000e+00> : vector<4096x64xf32>
    %dot_general3A_5 = tpu.matmul %get3A_1, %get3A_4, %dot_general3A {dimension_numbers = #tpu.dot_dimension_numbers<[1], [1], [0], [0], [0, 0, 1, 0], [], []>, transpose_lhs_hint = false} : vector<4096x128xf32>, vector<64x128xf32>, vector<4096x64xf32> -> vector<4096x64xf32>
    %get3A_6 = arith.constant 0 : index
    %get3A_7 = arith.constant 0 : index
    %get3A_8 = vector.load %arg2[%get3A_6, %get3A_7] : memref<4096x128xf32, #tpu.memory_space<vmem>>, vector<4096x128xf32>
    %get3A_9 = arith.constant 0 : index
    %get3A_10 = arith.constant 0 : index
    %get3A_11 = vector.load %arg5[%get3A_9, %get3A_10] : memref<128x256xf32, #tpu.memory_space<vmem>>, vector<128x256xf32>
    %dot_general3A_12 = arith.constant dense<0.000000e+00> : vector<4096x256xf32>
    %dot_general3A_13 = tpu.matmul %get3A_8, %get3A_11, %dot_general3A_12 {dimension_numbers = #tpu.dot_dimension_numbers<[1], [0], [0], [1], [0, 0, 1, 1], [], []>, transpose_lhs_hint = false} : vector<4096x128xf32>, vector<128x256xf32>, vector<4096x256xf32> -> vector<4096x256xf32>
    %get3A_14 = arith.constant 0 : index
    %get3A_15 = arith.constant 0 : index
    %get3A_16 = vector.load %arg3[%get3A_14, %get3A_15] : memref<4096x16xf32, #tpu.memory_space<vmem>>, vector<4096x16xf32>
    %slice3A = vector.extract_strided_slice %get3A_16 {offsets = [0, 4], sizes = [4096, 1], strides = [1, 1]} : vector<4096x16xf32> to vector<4096x1xf32>
    %mul3A = vector.broadcast %slice3A : vector<4096x1xf32> to vector<4096x64xf32>
    %mul3A_17 = arith.mulf %dot_general3A_5, %mul3A : vector<4096x64xf32>
    %slice3A_18 = vector.extract_strided_slice %dot_general3A_13 {offsets = [0, 0], sizes = [4096, 64], strides = [1, 1]} : vector<4096x256xf32> to vector<4096x64xf32>
    %slice3A_19 = vector.extract_strided_slice %get3A_16 {offsets = [0, 0], sizes = [4096, 1], strides = [1, 1]} : vector<4096x16xf32> to vector<4096x1xf32>
    %mul3A_20 = vector.broadcast %slice3A_19 : vector<4096x1xf32> to vector<4096x64xf32>
    %mul3A_21 = arith.mulf %slice3A_18, %mul3A_20 : vector<4096x64xf32>
    %add3A = arith.addf %mul3A_17, %mul3A_21 : vector<4096x64xf32>
    %slice3A_22 = vector.extract_strided_slice %dot_general3A_13 {offsets = [0, 64], sizes = [4096, 64], strides = [1, 1]} : vector<4096x256xf32> to vector<4096x64xf32>
    %slice3A_23 = vector.extract_strided_slice %get3A_16 {offsets = [0, 1], sizes = [4096, 1], strides = [1, 1]} : vector<4096x16xf32> to vector<4096x1xf32>
    %mul3A_24 = vector.broadcast %slice3A_23 : vector<4096x1xf32> to vector<4096x64xf32>
    %mul3A_25 = arith.mulf %slice3A_22, %mul3A_24 : vector<4096x64xf32>
    %add3A_26 = arith.addf %add3A, %mul3A_25 : vector<4096x64xf32>
    %slice3A_27 = vector.extract_strided_slice %dot_general3A_13 {offsets = [0, 128], sizes = [4096, 64], strides = [1, 1]} : vector<4096x256xf32> to vector<4096x64xf32>
    %slice3A_28 = vector.extract_strided_slice %get3A_16 {offsets = [0, 2], sizes = [4096, 1], strides = [1, 1]} : vector<4096x16xf32> to vector<4096x1xf32>
    %mul3A_29 = vector.broadcast %slice3A_28 : vector<4096x1xf32> to vector<4096x64xf32>
    %mul3A_30 = arith.mulf %slice3A_27, %mul3A_29 : vector<4096x64xf32>
    %add3A_31 = arith.addf %add3A_26, %mul3A_30 : vector<4096x64xf32>
    %slice3A_32 = vector.extract_strided_slice %dot_general3A_13 {offsets = [0, 192], sizes = [4096, 64], strides = [1, 1]} : vector<4096x256xf32> to vector<4096x64xf32>
    %slice3A_33 = vector.extract_strided_slice %get3A_16 {offsets = [0, 3], sizes = [4096, 1], strides = [1, 1]} : vector<4096x16xf32> to vector<4096x1xf32>
    %mul3A_34 = vector.broadcast %slice3A_33 : vector<4096x1xf32> to vector<4096x64xf32>
    %mul3A_35 = arith.mulf %slice3A_32, %mul3A_34 : vector<4096x64xf32>
    %add3A_36 = arith.addf %add3A_31, %mul3A_35 : vector<4096x64xf32>
    %slice3A_37 = vector.extract_strided_slice %get3A_16 {offsets = [0, 4], sizes = [4096, 1], strides = [1, 1]} : vector<4096x16xf32> to vector<4096x1xf32>
    %get3A_38 = arith.constant 0 : index
    %get3A_39 = arith.constant 0 : index
    %get3A_40 = vector.load %arg6[%get3A_38, %get3A_39] : memref<1x64xf32, #tpu.memory_space<vmem>>, vector<1x64xf32>
    %mul3A_41 = vector.broadcast %slice3A_37 : vector<4096x1xf32> to vector<4096x64xf32>
    %mul3A_42 = vector.broadcast %get3A_40 : vector<1x64xf32> to vector<4096x64xf32>
    %mul3A_43 = arith.mulf %mul3A_41, %mul3A_42 : vector<4096x64xf32>
    %add3A_44 = arith.addf %add3A_36, %mul3A_43 : vector<4096x64xf32>
    %slice3A_45 = vector.extract_strided_slice %get3A_16 {offsets = [0, 5], sizes = [4096, 1], strides = [1, 1]} : vector<4096x16xf32> to vector<4096x1xf32>
    %get3A_46 = arith.constant 0 : index
    %get3A_47 = arith.constant 0 : index
    %get3A_48 = vector.load %arg7[%get3A_46, %get3A_47] : memref<1x64xf32, #tpu.memory_space<vmem>>, vector<1x64xf32>
    %mul3A_49 = vector.broadcast %slice3A_45 : vector<4096x1xf32> to vector<4096x64xf32>
    %mul3A_50 = vector.broadcast %get3A_48 : vector<1x64xf32> to vector<4096x64xf32>
    %mul3A_51 = arith.mulf %mul3A_49, %mul3A_50 : vector<4096x64xf32>
    %add3A_52 = arith.addf %add3A_44, %mul3A_51 : vector<4096x64xf32>
    %swap3A = arith.constant 0 : index
    %swap3A_53 = arith.constant 0 : index
    %swap3A_54 = vector.load %arg8[%swap3A, %swap3A_53] : memref<4096x64xf32, #tpu.memory_space<vmem>>, vector<4096x64xf32>
    tpu.vector_store %arg8[%swap3A, %swap3A_53], %add3A_52 {strides = array<i32>} : memref<4096x64xf32, #tpu.memory_space<vmem>>, vector<4096x64xf32>,
    return
  }
  func.func @transform_0(%arg0: i32) -> (i32, i32) {
    %c0_i32 = arith.constant 0 : i32
    %c0_i32_0 = arith.constant 0 : i32
    return %arg0, %c0_i32 : i32, i32
  }
  func.func @transform_1(%arg0: i32) -> (i32, i32) {
    %c0_i32 = arith.constant 0 : i32
    %c0_i32_0 = arith.constant 0 : i32
    return %arg0, %c0_i32 : i32, i32
  }
  func.func @transform_2(%arg0: i32) -> (i32, i32) {
    %c0_i32 = arith.constant 0 : i32
    %c0_i32_0 = arith.constant 0 : i32
    return %arg0, %c0_i32 : i32, i32
  }
  func.func @transform_3(%arg0: i32) -> (i32, i32) {
    %c0_i32 = arith.constant 0 : i32
    %c0_i32_0 = arith.constant 0 : i32
    %c0_i32_1 = arith.constant 0 : i32
    return %c0_i32, %c0_i32_0 : i32, i32
  }
  func.func @transform_4(%arg0: i32) -> (i32, i32) {
    %c0_i32 = arith.constant 0 : i32
    %c0_i32_0 = arith.constant 0 : i32
    %c0_i32_1 = arith.constant 0 : i32
    return %c0_i32, %c0_i32_0 : i32, i32
  }
  func.func @transform_5(%arg0: i32) -> (i32, i32) {
    %c0_i32 = arith.constant 0 : i32
    %c0_i32_0 = arith.constant 0 : i32
    %c0_i32_1 = arith.constant 0 : i32
    return %c0_i32, %c0_i32_0 : i32, i32
  }
  func.func @transform_6(%arg0: i32) -> (i32, i32) {
    %c0_i32 = arith.constant 0 : i32
    %c0_i32_0 = arith.constant 0 : i32
    %c0_i32_1 = arith.constant 0 : i32
    return %c0_i32, %c0_i32_0 : i32, i32
  }
  func.func @transform_7(%arg0: i32) -> (i32, i32) {
    %c0_i32 = arith.constant 0 : i32
    %c0_i32_0 = arith.constant 0 : i32
    return %arg0, %c0_i32 : i32, i32
  }
}

</mosaic_0001>

<sc_bundles>
// kernel: kernel.5.cloned.1.call-start
scs
__scs_entry_jumppad:
0x0: {  	(pc) =	sbr.rel $0x88, $3  }
0x1: {  	(tag) =	ssettag $0x0;
	lr =	simm.s32 $0x1  }
0x2: {  	[smem:$0x3F9A] =	sst lr;
	_ =	strace $0xD0000000  }
0x3: {  	_ = 	snop  }
0x4: {  	_ = 	snop  }
0x5: {  	_ = 	snop  }
0x6: {  	_ = 	snop  }
0x7: {  	_ = 	snop  }
__scs_overlays_trampoline_lowered:
0x8: {  	[smem:$0x3FA9] =	sst s0  }
0x9: {  	[smem:$0x3FAA] =	sst s1  }
0xa: {  	[smem:$0x3FAB] =	sst s2  }
0xb: {  	[smem:$0x3FAC] =	sst s3  }
0xc: {  	[smem:$0x3FAD] =	sst s4  }
0xd: {  	[smem:$0x3FAE] =	sst s5  }
0xe: {  	[smem:$0x3FAF] =	sst s6  }
0xf: {  	[smem:$0x3FB0] =	sst s7  }
0x10: {  	[smem:$0x3FB1] =	sst s8  }
0x11: {  	[smem:$0x3FB2] =	sst s9;
	s0 =	simm.s32 @!p0 $0x0  }
0x12: {  	s1 =	sld [smem:$0x3F98];
	s0 =	simm.s32 @p0 $0x1  }
0x13: {  	[smem:$0x3FB3] =	sst s0;
	s0 =	simm.s32 @!p1 $0x0  }
0x14: {  	s2 =	sld [smem:$0x3F97];
	s0 =	simm.s32 @p1 $0x1  }
0x15: {  	[smem:$0x3FB4] =	sst s0;
	s0 =	simm.s32 @!p2 $0x0  }
0x16: {  	s3 =	sld [smem:$0x3FDB];
	s0 =	simm.s32 @p2 $0x1  }
0x17: {  	s4 =	simm.s32 $0x1BF5;
	[smem:$0x3FB6] =	sst s0  }
0x18: {  	s0 =	sld [smem:$0x3F99];
	_ =	swait.ge [sflag:s4], $0x0  }
0x19: {  	s7 =	sld [smem:$0x3F9A]  }
0x1a: {  	s8 =	sadd.s32 $0xFFFFE003, lr  }
0x1b: {  	s9 =	sadd.s32 $0xFFFFFEF7, lr;
	s5 =	simm.s32 $0xFFFFFFFF;
	p2 =	slt.u32 s8, $0xFFFFF086  }
0x1c: {  	p1 =	slt.u32 s9, $0xF7A;
	s5 =	simm.s32 @!p2 $0x0  }
0x1d: {  	s5 =	simm.s32 @p1 $0x1;
	p0 =	seq.s32 s7, s2  }
0x1e: {  	s7 =	smul.u32 @!p0 $0xF7A, s2;
	p2 =	seq.s32 @!p0 s5, $0x0  }
0x1f: {  	s9 =	smul.u32 $0xF7A, s1;
	s8 =	simm.s32 @!p0 $0x1BF5;
	p2 =	por !p2, p0  }
0x20: {  	[sflag:s8] =	ssyncset.s32 @!p0 $0xFFFFF086;
	s6 =	sadd.s32 @!p0 s3, s7;
	s7 =	simm.s32 @!p0 $0x108  }
0x21: {  	s3 =	sadd.s32 s3, s9;
	s6 =	sadd.s32 @!p0 $0x88, s6;
	s7 =	simm.s32 @p2 $0x1082  }
0x22: {  	[simem:s7], [sflag:s8] =	dma.local @!p0 [hbm:s6], $0xF7A  }
0x23: {  	s9 =	sor.u32 $0xD0000000, s2;
	s6 =	simm.s32 $0x108;
	_ =	swait.ge @!p0 [sflag:s8], $0x0  }
0x24: {  	s3 =	sadd.s32 $0x88, s3;
	s6 =	simm.s32 @!p1 $0x1082;
	[sflag:s4] =	ssyncset.s32 $0xFFFFF086  }
0x25: {  	[simem:s6], [sflag:s4] =	dma.local [hbm:s3], $0xF7A  }
0x26: {  	[smem:$0x3F9A] =	sst s1;
	(tag) =	ssettag s2;
	_ =	strace s9  }
0x27: {  	s1 =	sld [smem:$0x3FAA]  }
0x28: {  	s2 =	sld [smem:$0x3FAB]  }
0x29: {  	s4 =	sld [smem:$0x3FAD]  }
0x2a: {  	p0 =	seq.s32 s5, $0x0;
	s5 =	sld [smem:$0x3FAE]  }
0x2b: {  	s6 =	sld [smem:$0x3FAF]  }
0x2c: {  	s7 =	sld [smem:$0x3FB0]  }
0x2d: {  	s3 =	simm.s32 $0x108;
	s8 =	sld [smem:$0x3FB1]  }
0x2e: {  	s3 =	simm.s32 @!p0 $0x1082;
	s9 =	sld [smem:$0x3FB2]  }
0x2f: {  	lr =	sadd.s32 s0, s3;
	s0 =	sld [smem:$0x3FA9]  }
0x30: {  	s3 =	sld [smem:$0x3FAC]  }
0x31: {  	[smem:$0x3FB5] =	sst s10  }
0x32: {  	s10 =	sld [smem:$0x3FB3];
	_ =	sdelay $0x3  }
0x33: {  	p0 =	seq.s32 s10, $0x1;
	s10 =	sld [smem:$0x3FB5];
	_ =	sdelay $0x3  }
0x34: {  	[smem:$0x3FB5] =	sst s10  }
0x35: {  	s10 =	sld [smem:$0x3FB4];
	_ =	sdelay $0x3  }
0x36: {  	p1 =	seq.s32 s10, $0x1;
	s10 =	sld [smem:$0x3FB5];
	_ =	sdelay $0x3  }
0x37: {  	[smem:$0x3FB5] =	sst s10  }
0x38: {  	s10 =	sld [smem:$0x3FB6]  }
0x39: {  	_ = 	snop;
	(pc) =	sbr.ind lr, $3  }
0x3a: {  	_ = 	snop  }
0x3b: {  	_ = 	snop  }
0x3c: {  	p2 =	seq.s32 s10, $0x1;
	s10 =	sld [smem:$0x3FB5]  }
0x3d: {  	_ =	shalt  }
0x3e: {  	_ =	shalt  }
0x3f: {  	_ =	shalt  }
0x40: {  	_ =	shalt  }
0x41: {  	_ =	shalt  }
0x42: {  	_ =	shalt  }
0x43: {  	_ =	shalt  }
0x44: {  	_ =	shalt  }
0x45: {  	_ =	shalt  }
0x46: {  	_ =	shalt  }
0x47: {  	_ =	shalt  }
0x48: {  	_ =	shalt  }
0x49: {  	_ =	shalt  }
0x4a: {  	_ =	shalt  }
0x4b: {  	_ =	shalt  }
0x4c: {  	_ =	shalt  }
0x4d: {  	_ =	shalt  }
0x4e: {  	_ =	shalt  }
0x4f: {  	_ =	shalt  }
0x50: {  	_ =	shalt  }
0x51: {  	_ =	shalt  }
0x52: {  	_ =	shalt  }
0x53: {  	_ =	shalt  }
0x54: {  	_ =	shalt  }
0x55: {  	_ =	shalt  }
0x56: {  	_ =	shalt  }
0x57: {  	_ =	shalt  }
0x58: {  	_ =	shalt  }
0x59: {  	_ =	shalt  }
0x5a: {  	_ =	shalt  }
0x5b: {  	_ =	shalt  }
0x5c: {  	_ =	shalt  }
0x5d: {  	_ =	shalt  }
0x5e: {  	_ =	shalt  }
0x5f: {  	_ =	shalt  }
0x60: {  	_ =	shalt  }
0x61: {  	_ =	shalt  }
0x62: {  	_ =	shalt  }
0x63: {  	_ =	shalt  }
0x64: {  	_ =	shalt  }
0x65: {  	_ =	shalt  }
0x66: {  	_ =	shalt  }
0x67: {  	_ =	shalt  }
0x68: {  	_ =	shalt  }
0x69: {  	_ =	shalt  }
0x6a: {  	_ =	shalt  }
0x6b: {  	_ =	shalt  }
0x6c: {  	_ =	shalt  }
0x6d: {  	_ =	shalt  }
0x6e: {  	_ =	shalt  }
0x6f: {  	_ =	shalt  }
0x70: {  	_ =	shalt  }
0x71: {  	_ =	shalt  }
0x72: {  	_ =	shalt  }
0x73: {  	_ =	shalt  }
0x74: {  	_ =	shalt  }
0x75: {  	_ =	shalt  }
0x76: {  	_ =	shalt  }
0x77: {  	_ =	shalt  }
0x78: {  	_ =	shalt  }
0x79: {  	_ =	shalt  }
0x7a: {  	_ =	shalt  }
0x7b: {  	_ =	shalt  }
0x7c: {  	_ =	shalt  }
0x7d: {  	_ =	shalt  }
0x7e: {  	_ =	shalt  }
0x7f: {  	_ =	shalt  }
0x80: {  	_ =	shalt  }
0x81: {  	_ =	shalt  }
0x82: {  	_ =	shalt  }
0x83: {  	_ =	shalt  }
0x84: {  	_ =	shalt  }
0x85: {  	_ =	shalt  }
0x86: {  	_ =	shalt  }
0x87: {  	_ =	shalt  }
.Lfunc_end0:
.L_simem_size_0:
called_computation_lowered:
.L_overlay_start_0:
0x88: {  	s2 =	sld [smem:$0x3FD9]  }
0x89: {  	s3 =	sld [smem:$0x3FFE];
	_ =	sdelay $0x1  }
0x8a: {  	s1 =	srdreg.scid  }
0x8b: {  	s0 =	sand.u32 $0x1, s1  }
0x8c: {  	s17 =	sshll.u32 s0, $0xA;
	s2 =	sadd.s32 s3, s2  }
0x8d: {  	s2 =	sadd.s32 s2, s17  }
0x8e: {  	[smem:$0x3FC1] =	sst s2  }
0x8f: {  	_ = 	snop  }
0x90: {  	s2 =	sld [smem:$0x3FC9]  }
0x91: {  	s18 =	sld [smem:$0x3FC8];
	(tm) =	ssettm $0x1  }
0x92: {  	s4 =	sld [smem:$0x3FFB];
	_ =	sdelay $0x3  }
0x93: {  	_ =	strace s4  }
0x94: {  	s4 =	sld [smem:$0x3FFC];
	_ =	sdelay $0x3  }
0x95: {  	_ =	strace s4  }
0x96: {  	s4 =	sld [smem:$0x3FFD];
	_ =	sdelay $0x3  }
0x97: {  	_ =	strace s4  }
0x98: {  	_ =	strace $0x8FFFFFFF  }
0x99: {  	s19 =	sld [smem:$0x3FDB];
	_ =	sdelay $0x1  }
0x9a: {  	s5 =	simm.s32 $_scs_section_size  }
0x9b: {  	s6 =	simm.s32 $_size__tile_overlayer_lowered;
	s7 =	simm.s32 $_tile_overlayer_lowered  }
0x9c: {  	s22 =	simm.s32 $0x1BFF;
	s21 =	sshll.u32 s7, $0x1;
	s4 =	sadd.s32 s5, s19  }
0x9d: {  	s8 =	simm.s32 $0x0;
	s20 =	sshll.u32 s6, $0x1;
	s6 =	sadd.s32 s21, s4  }
0x9e: {  	[timem:s8], [sflag:s22] =	dma.local [hbm:s6], s20  }
0x9f: {  	_ =	swait.ge [sflag:s22], s20  }
0xa0: {  	s5 =	ssub.s32 $0x0, s20;
	[sflag:s22] =	ssyncset.done $0x0  }
0xa1: {  	[sflag:s22] =	ssyncadd.s32 s5;
	_ =	sdelay $0x1  }
0xa2: {  	s23 =	simm.s32 $0x1B8B  }
0xa3: {  	_ =	swait.ge [sflag:s23], $0x1  }
0xa4: {  	[sflag:s23] =	ssyncset.done $0x0  }
0xa5: {  	s25 =	simm.s32 $0x1B8E;
	s24 =	sld [smem:$0x3FFE];
	[sflag:s23] =	ssyncadd.s32 $0xFFFFFFFF  }
0xa6: {  	s26 =	simm.s32 $execute0_lowered;
	[smem:$0x3FD2] =	sst s25  }
0xa7: {  	s6 =	sshll.u32 s26, $0x1;
	_ =	strace $0x80000046;
	[dreg:$0x1] =	wrdreg $0xFFFFFFFF  }
0xa8: {  	s28 =	simm.s32 $_size_execute0_lowered;
	s4 =	sadd.s32 s4, s6;
	[dreg:$0x0] =	wrdreg $0x0  }
0xa9: {  	s6 =	sshll.u32 s28, $0x1;
	[dreg:$0x2] =	wrdreg s4  }
0xaa: {  	[dreg:$0x3] =	wrdreg s6  }
0xab: {  	[dreg:$0x4] =	wrdreg $0xC0  }
0xac: {  	_ =	task [dreg:s8], $0x5FFFF  }
0xad: {  	[dreg:$0x1] =	wrdreg $0xFFFFFFFF  }
0xae: {  	[dreg:$0x0] =	wrdreg $0x60  }
0xaf: {  	[dreg:$0x2] =	wrdreg s2  }
0xb0: {  	[dreg:$0x3] =	wrdreg s18  }
0xb1: {  	[dreg:$0x4] =	wrdreg s24  }
0xb2: {  	[dreg:$0x5] =	wrdreg $0x9  }
0xb3: {  	_ =	task.clear_ibuf [dreg:s8], $0x6FFFF;
	_ =	strace $0x90000046  }
0xb4: {  	s29 =	simm.s32 $0x9;
	_ =	strace $0x80000048  }
0xb5: {  	_ =	swait.ge [sflag:s29], $0x1  }
0xb6: {  	[sflag:s29] =	ssyncadd.s32 $0xFFFFFFFF  }
0xb7: {  	_ =	strace $0x90000048  }
0xb8: {  	_ =	sfence  }
0xb9: {  	s30 =	sld [smem:$0x0];
	_ =	sdelay $0x2  }
0xba: {  	s31 =	sshll.u32 s1, $0xD;
	s1 =	sshrl.u32 s1, $0x2  }
0xbb: {  	s3 =	sand.u32 $0x4000, s31;
	s1 =	sadd.s32 s1, s30  }
0xbc: {  	s0 =	sor.u32 s3, s0;
	s1 =	sshll.u32 s1, $0x11  }
0xbd: {  	s0 =	sor.u32 s1, s0  }
0xbe: {  	s0 =	sadd.s32 $0x8F2B, s0  }
0xbf: {  	[sflag:s0] =	ssyncadd.remote.s32 $0x1  }
0xc0: {  	_ =	sfence.sel $0xFFFF  }
0xc1: {  	[dreg:$0x0] =	wrdreg $0xFFFFFFFF;
	(pc) =	sbr.abs _section_cstart, $3  }
0xc2: {  	[dreg:$0x1] =	wrdreg $0xFFFFFFFF  }
0xc3: {  	_ =	task.clear_ibuf [dreg:s8], $0x2FFFF;
	_ =	strace $0x9FFFFFFF  }
0xc4: {  	(tm) =	ssettm $0x7FFFFFFF  }
0xc5: {  	_ =	shalt  }
tec
execute0_lowered:
.L_overlay_start_1:
0x0: {  	(tag) =	ssettag $0x1  }
0x1: {  	s5 =	rddreg [dreg:$0x0]  }
0x2: {  	s1 =	rddreg [dreg:$0x1]  }
0x3: {  	s6 =	rddreg [dreg:$0x2]  }
0x4: {  	s0 =	rddreg [dreg:$0x3];
	s3 =	simm.s32 $0x0;
	s4 =	srdreg.scid  }
0x5: {  	s2 =	stileid.u32;
	s28 =	simm.s32 $0x380;
	s29 =	simm.s32 $0x500  }
0x6: {  	v32 =	vlaneseq.u32;
	s30 =	simm.s32 $0x580;
	[smem:$0x7FF] =	sst s3;
	s9 =	sand.u32 $0x1, s4  }
0x7: {  	s7 =	sshll.u32 s2, $0xA;
	s4 =	sadd.s32 $0x1200, s6;
	v29 =	vmul.u32 $0x80, v32;
	s8 =	sshll.u32 s9, $0x9  }
0x8: {  	s10 =	sadd.s32 $0x371200, s6;
	s11 =	sadd.s32 $0x3B1200, s6;
	s7 =	sor.u32 s8, s7  }
0x9: {  	v33 =	vimm.f32 $0.0e+00;
	_ =	strace $0x80000047;
	s9 =	ssub.s32 $0x2, s9;
	v34 =	vor.u32 $0x1, v29;
	s8 =	sor.u32 $0x10, s7  }
0xa: {  	v57 =	vor.u32 $0x2, v29;
	v58 =	vor.u32 $0x3, v29;
	v59 =	vor.u32 $0x4, v29;
	s12 =	sor.u32 $0x20, s7;
	s15 =	sor.u32 $0x30, s7;
	s16 =	sor.u32 $0x40, s7  }
0xb: {  	v60 =	vor.u32 $0x5, v29;
	v61 =	vor.u32 $0x800, v29;
	v62 =	vor.u32 $0x801, v29;
	s13 =	sor.u32 $0x50, s7;
	s17 =	sor.u32 $0x60, s7;
	s18 =	sor.u32 $0x70, s7  }
0xc: {  	v63 =	vor.u32 $0x802, v29;
	v42 =	vor.u32 $0x803, v29;
	v43 =	vor.u32 $0x804, v29;
	s19 =	sor.u32 $0x90, s7;
	s20 =	sor.u32 $0xA0, s7;
	s14 =	sor.u32 $0xB0, s7  }
0xd: {  	v44 =	vor.u32 $0x805, v29;
	v45 =	vor.u32 $0x1000, v29;
	v46 =	vor.u32 $0x1001, v29;
	s21 =	sor.u32 $0xC0, s7;
	s22 =	sor.u32 $0xD0, s7;
	s23 =	sor.u32 $0xE0, s7  }
0xe: {  	v47 =	vor.u32 $0x1002, v29;
	v48 =	vor.u32 $0x1003, v29;
	v49 =	vor.u32 $0x1004, v29;
	s24 =	sor.u32 $0xF0, s7;
	s25 =	sor.u32 $0x110, s7;
	s26 =	sor.u32 $0x120, s7  }
0xf: {  	v50 =	vor.u32 $0x1005, v29;
	s31 =	sor.u32 $0x130, s7;
	v1 =	vor.u32 s8, v32;
	v5 =	vor.u32 s13, v32;
	s8 =	sor.u32 $0x80, s7;
	s13 =	sor.u32 $0x100, s7  }
0x10: {  	v3 =	vor.u32 s15, v32;
	v4 =	vor.u32 s16, v32;
	v6 =	vor.u32 s17, v32;
	s15 =	sor.u32 $0x140, s7;
	s16 =	sor.u32 $0x150, s7;
	s17 =	sor.u32 $0x160, s7  }
0x11: {  	v7 =	vor.u32 s18, v32;
	v9 =	vor.u32 s19, v32;
	v10 =	vor.u32 s20, v32;
	s18 =	sor.u32 $0x170, s7;
	s19 =	sor.u32 $0x180, s7;
	s20 =	sor.u32 $0x190, s7  }
0x12: {  	v12 =	vor.u32 s21, v32;
	v13 =	vor.u32 s22, v32;
	v14 =	vor.u32 s23, v32;
	s21 =	sor.u32 $0x1A0, s7;
	s22 =	sor.u32 $0x1B0, s7;
	s23 =	sor.u32 $0x1C0, s7  }
0x13: {  	v11 =	vor.u32 s14, v32;
	v15 =	vor.u32 s24, v32;
	v17 =	vor.u32 s25, v32;
	s24 =	sor.u32 $0x1D0, s7;
	s25 =	sor.u32 $0x1E0, s7;
	s14 =	simm.s32 $0x3  }
0x14: {  	v21 =	vor.u32 s16, v32;
	v22 =	vor.u32 s17, v32;
	v23 =	vor.u32 s18, v32;
	s16 =	sor.u32 $0x1F0, s7;
	s17 =	sshll.u32 s7, $0x4;
	s18 =	sshrl.u32 s9, $0x1  }
0x15: {  	v0 =	vor.u32 s7, v32;
	[tilespmem:$0x1FF80] =	vst v34;
	v8 =	vor.u32 s8, v32;
	v16 =	vor.u32 s13, v32;
	s7 =	sshrl.u32 s7, $0x3;
	s8 =	sshll.u32 s8, $0x4;
	s13 =	sshll.u32 s13, $0x4  }
0x16: {  	[tilespmem:$0x1FF90] =	vst v57;
	v2 =	vor.u32 s12, v32;
	v20 =	vor.u32 s15, v32;
	v24 =	vor.u32 s19, v32;
	s12 =	sshll.u32 s19, $0x4;
	s15 =	simm.s32 $0xC600;
	s19 =	simm.s32 $0x200  }
0x17: {  	[tilespmem:$0x1FFA0] =	vst v58;
	v25 =	vor.u32 s20, v32;
	v26 =	vor.u32 s21, v32;
	v27 =	vor.u32 s22, v32;
	s20 =	simm.s32 $0x600;
	s21 =	simm.s32 $0x280;
	s22 =	simm.s32 $0x4600  }
0x18: {  	[tilespmem:$0x1FFB0] =	vst v59;
	v28 =	vor.u32 s23, v32;
	v30 =	vor.u32 s24, v32;
	v31 =	vor.u32 s25, v32;
	s23 =	simm.s32 $0x2;
	s24 =	simm.s32 $0x480;
	s25 =	simm.s32 $0x1  }
0x19: {  	v51 =	vor.u32 $0x1800, v29;
	[tilespmem:$0x1FFC0] =	vst v60;
	v18 =	vor.u32 s26, v32;
	v19 =	vor.u32 s31, v32;
	s26 =	sadd.s32 s17, s6;
	s31 =	ssub.s32 s9, s18;
	s5 =	sadd.s32 s5, s7  }
0x1a: {  	v52 =	vor.u32 $0x1801, v29;
	v53 =	vor.u32 $0x1802, v29;
	v54 =	vor.u32 $0x1803, v29;
	[tilespmem:$0x1FFD0] =	vst v61;
	s6 =	sadd.s32 s11, s17;
	s7 =	sadd.s32 s10, s17;
	s8 =	sadd.s32 s11, s8  }
0x1b: {  	v55 =	vor.u32 $0x1804, v29;
	v56 =	vor.u32 $0x1805, v29;
	[tilespmem:$0x1FFE0] =	vst v62;
	v57 =	vor.u32 $0x2000, v29;
	s9 =	sadd.s32 s11, s13;
	s10 =	sadd.s32 s10, s13;
	s11 =	sadd.s32 s11, s12  }
0x1c: {  	[tilespmem:$0x1FFF0] =	vst v63;
	v58 =	vor.u32 $0x2001, v29;
	v59 =	vor.u32 $0x2002, v29;
	v32 =	vor.u32 s16, v32;
	s16 =	simm.s32 $0x80;
	s17 =	simm.s32 $0x400;
	s18 =	simm.s32 $0x8600  }
0x1d: {  	v60 =	vor.u32 $0x2003, v29;
	v61 =	vor.u32 $0x2004, v29;
	v62 =	vor.u32 $0x2005, v29;
	s12 =	sadd.s32 $0x3F1200, s26;
	s13 =	smax.u32 s31, $0x1;
	s26 =	simm.s32 $0x300  }
.LBB2_1:
0x1e: {  	[tilespmem:s3], [sflag:$0x3] =	stream.linear.gather [hbm4b:s5+s3], $0x200, $0x38;
	[tilespmem:$0x1C600] =	vst v63  }
0x1f: {  	_ =	swait.ge [sflag:s14], $0x200  }
0x20: {  	[sflag:s14] =	ssyncset.done $0x0  }
0x21: {  	[sflag:s14] =	ssyncadd.s32 $0xFFFFFE00  }
0x22: {  	v63 =	vld [tilespmem:$0x0];
	_ =	sdelay $0x4  }
0x23: {  	v34 =	vadd.s32 $0xFFFE7960, v63  }
0x24: {  	vm0 =	vgt.s32 v34, $0x0  }
0x25: {  	v38 =	vld [tilespmem:$0x1FF80];
	v34 =	vnsel vm0, $0x0, v34  }
0x26: {  	v39 =	vld [tilespmem:$0x1FF90];
	vm6 =	vlt.s32 v63, $0x186A0;
	v34 =	vmin.u32 v34, $0xDBB9F  }
0x27: {  	v63 =	vsel vm6, v63, v0;
	v37 =	vsel vm6, $0x3F800000, v33;
	v35 =	vshrl.u32 v34, $0x2  }
0x28: {  	v36 =	vand.u32 $0x7FF, v34;
	v34 =	vshrl.u32 v34, $0xB;
	v35 =	vand.u32 $0x3F800, v35  }
0x29: {  	v34 =	vand.u32 $0x3, v34;
	v35 =	vor.u32 v36, v35;
	v36 =	vsub.f32 $1.000000000e+00, v37  }
0x2a: {  	[tilespmem:$0x200] =	vst v63;
	vm7 =	veq.s32 v34, $0x0;
	v35 =	vsel vm6, v0, v35  }
0x2b: {  	vm8 =	veq.s32 v34, $0x1;
	[tilespmem:$0x400] =	vst v35;
	v41 =	vnsel vm7, $0x0, v36  }
0x2c: {  	vm9 =	veq.s32 v34, $0x2;
	v63 =	vnsel vm8, $0x0, v36;
	[tilespmem:v29+s15+$0x0] =	vst.idx.msk $0xffff, v41;
	v41 =	vld [tilespmem:$0x1FFA0]  }
0x2d: {  	[tilespmem:v38+s15+$0x0] =	vst.idx.msk $0xffff, v63;
	v38 =	vnsel vm9, $0x0, v36;
	v63 =	vld [tilespmem:$0x1FFB0]  }
0x2e: {  	[tilespmem:v39+s15+$0x0] =	vst.idx.msk $0xffff, v38;
	v38 =	vld [tilespmem:$0x1FFC0];
	_ =	sdelay $0x3  }
0x2f: {  	vm10 =	veq.s32 v34, $0x3  }
0x30: {  	v40 =	vnsel vm10, $0x0, v36  }
0x31: {  	[tilespmem:v41+s15+$0x0] =	vst.idx.msk $0xffff, v40  }
0x32: {  	[tilespmem:v63+s15+$0x0] =	vst.idx.msk $0xffff, v37  }
0x33: {  	[tilespmem:v38+s15+$0x0] =	vst.idx.msk $0xffff, v36  }
0x34: {  	v34 =	vld [tilespmem:$0x10];
	_ =	sdelay $0x4  }
0x35: {  	v39 =	vadd.s32 $0xFFFE7960, v34  }
0x36: {  	vm11 =	vgt.s32 v39, $0x0  }
0x37: {  	v35 =	vnsel vm11, $0x0, v39  }
0x38: {  	v35 =	vmin.u32 v35, $0xDBB9F  }
0x39: {  	v40 =	vshrl.u32 v35, $0x2  }
0x3a: {  	v41 =	vand.u32 $0x7FF, v35;
	v36 =	vand.u32 $0x3F800, v40  }
0x3b: {  	v36 =	vor.u32 v41, v36;
	v41 =	vld [tilespmem:$0x1FFD0];
	_ =	sdelay $0x2  }
0x3c: {  	vm12 =	vlt.s32 v34, $0x186A0  }
0x3d: {  	v63 =	vsel vm12, $0x3F800000, v33;
	v35 =	vshrl.u32 v35, $0xB  }
0x3e: {  	v34 =	vsel vm12, v34, v1;
	v37 =	vsub.f32 $1.000000000e+00, v63;
	v35 =	vand.u32 $0x3, v35  }
0x3f: {  	[tilespmem:$0x210] =	vst v34;
	vm13 =	veq.s32 v35, $0x0;
	v39 =	vsel vm12, v1, v36  }
0x40: {  	v40 =	vnsel vm13, $0x0, v37;
	[tilespmem:$0x410] =	vst v39  }
0x41: {  	[tilespmem:v41+s15+$0x0] =	vst.idx.msk $0xffff, v40;
	v41 =	vld [tilespmem:$0x1FFE0]  }
0x42: {  	v39 =	vld [tilespmem:$0x1FFF0];
	_ =	sdelay $0x4  }
0x43: {  	vm14 =	veq.s32 v35, $0x1  }
0x44: {  	vm15 =	veq.s32 v35, $0x2;
	v40 =	vnsel vm14, $0x0, v37  }
0x45: {  	vm4 =	veq.s32 v35, $0x3;
	v38 =	vnsel vm15, $0x0, v37;
	[tilespmem:v41+s15+$0x0] =	vst.idx.msk $0xffff, v40  }
0x46: {  	v40 =	vnsel vm4, $0x0, v37;
	[tilespmem:v39+s15+$0x0] =	vst.idx.msk $0xffff, v38  }
0x47: {  	[tilespmem:v42+s15+$0x0] =	vst.idx.msk $0xffff, v40  }
0x48: {  	[tilespmem:v43+s15+$0x0] =	vst.idx.msk $0xffff, v63  }
0x49: {  	[tilespmem:v44+s15+$0x0] =	vst.idx.msk $0xffff, v37  }
0x4a: {  	v34 =	vld [tilespmem:$0x20];
	_ =	sdelay $0x4  }
0x4b: {  	v41 =	vadd.s32 $0xFFFE7960, v34  }
0x4c: {  	vm5 =	vgt.s32 v41, $0x0  }
0x4d: {  	v35 =	vnsel vm5, $0x0, v41  }
0x4e: {  	vm6 =	vlt.s32 v34, $0x186A0;
	v35 =	vmin.u32 v35, $0xDBB9F  }
0x4f: {  	v34 =	vsel vm6, v34, v2;
	v63 =	vshrl.u32 v35, $0x2;
	v40 =	vand.u32 $0x7FF, v35  }
0x50: {  	v35 =	vshrl.u32 v35, $0xB;
	v36 =	vand.u32 $0x3F800, v63;
	v63 =	vsel vm6, $0x3F800000, v33  }
0x51: {  	v35 =	vand.u32 $0x3, v35;
	v36 =	vor.u32 v40, v36;
	v37 =	vsub.f32 $1.000000000e+00, v63  }
0x52: {  	[tilespmem:$0x220] =	vst v34;
	vm7 =	veq.s32 v35, $0x0;
	v41 =	vsel vm6, v2, v36  }
0x53: {  	vm8 =	veq.s32 v35, $0x1;
	[tilespmem:$0x420] =	vst v41;
	v36 =	vnsel vm7, $0x0, v37  }
0x54: {  	vm9 =	veq.s32 v35, $0x2;
	v38 =	vnsel vm8, $0x0, v37;
	[tilespmem:v45+s15+$0x0] =	vst.idx.msk $0xffff, v36  }
0x55: {  	vm10 =	veq.s32 v35, $0x3;
	v39 =	vnsel vm9, $0x0, v37;
	[tilespmem:v46+s15+$0x0] =	vst.idx.msk $0xffff, v38  }
0x56: {  	v40 =	vnsel vm10, $0x0, v37;
	[tilespmem:v47+s15+$0x0] =	vst.idx.msk $0xffff, v39  }
0x57: {  	[tilespmem:v48+s15+$0x0] =	vst.idx.msk $0xffff, v40  }
0x58: {  	[tilespmem:v49+s15+$0x0] =	vst.idx.msk $0xffff, v63  }
0x59: {  	[tilespmem:v50+s15+$0x0] =	vst.idx.msk $0xffff, v37  }
0x5a: {  	v34 =	vld [tilespmem:$0x30];
	_ =	sdelay $0x4  }
0x5b: {  	v41 =	vadd.s32 $0xFFFE7960, v34  }
0x5c: {  	vm11 =	vgt.s32 v41, $0x0  }
0x5d: {  	v35 =	vnsel vm11, $0x0, v41  }
0x5e: {  	vm12 =	vlt.s32 v34, $0x186A0;
	v35 =	vmin.u32 v35, $0xDBB9F  }
0x5f: {  	v34 =	vsel vm12, v34, v3;
	v63 =	vshrl.u32 v35, $0x2;
	v40 =	vand.u32 $0x7FF, v35  }
0x60: {  	v35 =	vshrl.u32 v35, $0xB;
	v36 =	vand.u32 $0x3F800, v63;
	v63 =	vsel vm12, $0x3F800000, v33  }
0x61: {  	v35 =	vand.u32 $0x3, v35;
	v36 =	vor.u32 v40, v36;
	v37 =	vsub.f32 $1.000000000e+00, v63  }
0x62: {  	[tilespmem:$0x230] =	vst v34;
	vm13 =	veq.s32 v35, $0x0;
	v41 =	vsel vm12, v3, v36  }
0x63: {  	vm14 =	veq.s32 v35, $0x1;
	[tilespmem:$0x430] =	vst v41;
	v36 =	vnsel vm13, $0x0, v37  }
0x64: {  	vm15 =	veq.s32 v35, $0x2;
	v38 =	vnsel vm14, $0x0, v37;
	[tilespmem:v51+s15+$0x0] =	vst.idx.msk $0xffff, v36  }
0x65: {  	vm4 =	veq.s32 v35, $0x3;
	v39 =	vnsel vm15, $0x0, v37;
	[tilespmem:v52+s15+$0x0] =	vst.idx.msk $0xffff, v38  }
0x66: {  	v40 =	vnsel vm4, $0x0, v37;
	[tilespmem:v53+s15+$0x0] =	vst.idx.msk $0xffff, v39  }
0x67: {  	[tilespmem:v54+s15+$0x0] =	vst.idx.msk $0xffff, v40  }
0x68: {  	[tilespmem:v55+s15+$0x0] =	vst.idx.msk $0xffff, v63  }
0x69: {  	[tilespmem:v56+s15+$0x0] =	vst.idx.msk $0xffff, v37  }
0x6a: {  	v34 =	vld [tilespmem:$0x40];
	_ =	sdelay $0x4  }
0x6b: {  	v41 =	vadd.s32 $0xFFFE7960, v34  }
0x6c: {  	vm5 =	vgt.s32 v41, $0x0  }
0x6d: {  	v35 =	vnsel vm5, $0x0, v41  }
0x6e: {  	vm6 =	vlt.s32 v34, $0x186A0;
	v35 =	vmin.u32 v35, $0xDBB9F  }
0x6f: {  	v34 =	vsel vm6, v34, v4;
	v63 =	vshrl.u32 v35, $0x2;
	v40 =	vand.u32 $0x7FF, v35  }
0x70: {  	v35 =	vshrl.u32 v35, $0xB;
	v36 =	vand.u32 $0x3F800, v63;
	v63 =	vsel vm6, $0x3F800000, v33  }
0x71: {  	v35 =	vand.u32 $0x3, v35;
	v36 =	vor.u32 v40, v36;
	v37 =	vsub.f32 $1.000000000e+00, v63  }
0x72: {  	[tilespmem:$0x240] =	vst v34;
	vm7 =	veq.s32 v35, $0x0;
	v41 =	vsel vm6, v4, v36  }
0x73: {  	vm8 =	veq.s32 v35, $0x1;
	[tilespmem:$0x440] =	vst v41;
	v36 =	vnsel vm7, $0x0, v37  }
0x74: {  	vm9 =	veq.s32 v35, $0x2;
	v38 =	vnsel vm8, $0x0, v37;
	[tilespmem:v57+s15+$0x0] =	vst.idx.msk $0xffff, v36  }
0x75: {  	vm10 =	veq.s32 v35, $0x3;
	v39 =	vnsel vm9, $0x0, v37;
	[tilespmem:v58+s15+$0x0] =	vst.idx.msk $0xffff, v38  }
0x76: {  	v40 =	vnsel vm10, $0x0, v37;
	[tilespmem:v59+s15+$0x0] =	vst.idx.msk $0xffff, v39  }
0x77: {  	[tilespmem:v60+s15+$0x0] =	vst.idx.msk $0xffff, v40  }
0x78: {  	[tilespmem:v61+s15+$0x0] =	vst.idx.msk $0xffff, v63  }
0x79: {  	[tilespmem:v62+s15+$0x0] =	vst.idx.msk $0xffff, v37  }
0x7a: {  	v34 =	vld [tilespmem:$0x50];
	_ =	sdelay $0x4  }
0x7b: {  	v41 =	vadd.s32 $0xFFFE7960, v34  }
0x7c: {  	vm11 =	vgt.s32 v41, $0x0  }
0x7d: {  	v38 =	vor.u32 $0x2801, v29;
	vm12 =	vlt.s32 v34, $0x186A0;
	v35 =	vnsel vm11, $0x0, v41  }
0x7e: {  	v37 =	vor.u32 $0x2800, v29;
	v34 =	vsel vm12, v34, v5;
	v35 =	vmin.u32 v35, $0xDBB9F  }
0x7f: {  	v63 =	vshrl.u32 v35, $0x2;
	v40 =	vand.u32 $0x7FF, v35;
	v35 =	vshrl.u32 v35, $0xB  }
0x80: {  	v36 =	vand.u32 $0x3F800, v63;
	v63 =	vsel vm12, $0x3F800000, v33;
	v35 =	vand.u32 $0x3, v35  }
0x81: {  	v36 =	vor.u32 v40, v36;
	v39 =	vsub.f32 $1.000000000e+00, v63;
	v40 =	vor.u32 $0x2802, v29  }
0x82: {  	[tilespmem:$0x250] =	vst v34;
	vm13 =	veq.s32 v35, $0x0;
	v41 =	vsel vm12, v5, v36;
	v36 =	vor.u32 $0x2803, v29  }
0x83: {  	vm14 =	veq.s32 v35, $0x1;
	[tilespmem:$0x450] =	vst v41;
	v34 =	vnsel vm13, $0x0, v39;
	v41 =	vor.u32 $0x2804, v29  }
0x84: {  	vm15 =	veq.s32 v35, $0x2;
	[tilespmem:v37+s15+$0x0] =	vst.idx.msk $0xffff, v34;
	v34 =	vnsel vm14, $0x0, v39;
	v37 =	vor.u32 $0x2805, v29  }
0x85: {  	vm4 =	veq.s32 v35, $0x3;
	[tilespmem:v38+s15+$0x0] =	vst.idx.msk $0xffff, v34;
	v38 =	vnsel vm15, $0x0, v39  }
0x86: {  	[tilespmem:v40+s15+$0x0] =	vst.idx.msk $0xffff, v38;
	v38 =	vnsel vm4, $0x0, v39  }
0x87: {  	[tilespmem:v36+s15+$0x0] =	vst.idx.msk $0xffff, v38  }
0x88: {  	[tilespmem:v41+s15+$0x0] =	vst.idx.msk $0xffff, v63  }
0x89: {  	[tilespmem:v37+s15+$0x0] =	vst.idx.msk $0xffff, v39  }
0x8a: {  	v34 =	vld [tilespmem:$0x60];
	_ =	sdelay $0x4  }
0x8b: {  	v39 =	vadd.s32 $0xFFFE7960, v34  }
0x8c: {  	vm5 =	vgt.s32 v39, $0x0  }
0x8d: {  	v37 =	vor.u32 $0x3000, v29;
	vm6 =	vlt.s32 v34, $0x186A0;
	v35 =	vnsel vm5, $0x0, v39  }
0x8e: {  	v34 =	vsel vm6, v34, v6;
	v38 =	vsel vm6, $0x3F800000, v33;
	v35 =	vmin.u32 v35, $0xDBB9F  }
0x8f: {  	v40 =	vshrl.u32 v35, $0x2;
	v41 =	vand.u32 $0x7FF, v35;
	v35 =	vshrl.u32 v35, $0xB  }
0x90: {  	v39 =	vor.u32 $0x3001, v29;
	v36 =	vand.u32 $0x3F800, v40;
	v35 =	vand.u32 $0x3, v35  }
0x91: {  	v40 =	vsub.f32 $1.000000000e+00, v38;
	v36 =	vor.u32 v41, v36;
	v41 =	vor.u32 $0x3002, v29  }
0x92: {  	[tilespmem:$0x260] =	vst v34;
	vm7 =	veq.s32 v35, $0x0;
	v63 =	vsel vm6, v6, v36;
	v36 =	vor.u32 $0x3003, v29  }
0x93: {  	vm8 =	veq.s32 v35, $0x1;
	v34 =	vnsel vm7, $0x0, v40;
	[tilespmem:$0x460] =	vst v63;
	v63 =	vor.u32 $0x3004, v29  }
0x94: {  	vm9 =	veq.s32 v35, $0x2;
	[tilespmem:v37+s15+$0x0] =	vst.idx.msk $0xffff, v34;
	v34 =	vnsel vm8, $0x0, v40;
	v37 =	vor.u32 $0x3005, v29  }
0x95: {  	vm10 =	veq.s32 v35, $0x3;
	[tilespmem:v39+s15+$0x0] =	vst.idx.msk $0xffff, v34;
	v39 =	vnsel vm9, $0x0, v40  }
0x96: {  	[tilespmem:v41+s15+$0x0] =	vst.idx.msk $0xffff, v39;
	v41 =	vnsel vm10, $0x0, v40  }
0x97: {  	[tilespmem:v36+s15+$0x0] =	vst.idx.msk $0xffff, v41  }
0x98: {  	[tilespmem:v63+s15+$0x0] =	vst.idx.msk $0xffff, v38  }
0x99: {  	[tilespmem:v37+s15+$0x0] =	vst.idx.msk $0xffff, v40  }
0x9a: {  	v34 =	vld [tilespmem:$0x70];
	_ =	sdelay $0x4  }
0x9b: {  	v39 =	vadd.s32 $0xFFFE7960, v34  }
0x9c: {  	vm11 =	vgt.s32 v39, $0x0  }
0x9d: {  	v37 =	vor.u32 $0x3800, v29;
	vm12 =	vlt.s32 v34, $0x186A0;
	v35 =	vnsel vm11, $0x0, v39  }
0x9e: {  	v34 =	vsel vm12, v34, v7;
	v38 =	vsel vm12, $0x3F800000, v33;
	v35 =	vmin.u32 v35, $0xDBB9F  }
0x9f: {  	v40 =	vshrl.u32 v35, $0x2;
	v41 =	vand.u32 $0x7FF, v35;
	v35 =	vshrl.u32 v35, $0xB  }
0xa0: {  	v39 =	vor.u32 $0x3801, v29;
	v36 =	vand.u32 $0x3F800, v40;
	v35 =	vand.u32 $0x3, v35  }
0xa1: {  	v40 =	vsub.f32 $1.000000000e+00, v38;
	v36 =	vor.u32 v41, v36;
	v41 =	vor.u32 $0x3802, v29  }
0xa2: {  	[tilespmem:$0x270] =	vst v34;
	vm13 =	veq.s32 v35, $0x0;
	v63 =	vsel vm12, v7, v36;
	v36 =	vor.u32 $0x3803, v29  }
0xa3: {  	vm14 =	veq.s32 v35, $0x1;
	v34 =	vnsel vm13, $0x0, v40;
	[tilespmem:$0x470] =	vst v63;
	v63 =	vor.u32 $0x3804, v29  }
0xa4: {  	vm15 =	veq.s32 v35, $0x2;
	[tilespmem:v37+s15+$0x0] =	vst.idx.msk $0xffff, v34;
	v34 =	vnsel vm14, $0x0, v40;
	v37 =	vor.u32 $0x3805, v29  }
0xa5: {  	vm4 =	veq.s32 v35, $0x3;
	[tilespmem:v39+s15+$0x0] =	vst.idx.msk $0xffff, v34;
	v39 =	vnsel vm15, $0x0, v40  }
0xa6: {  	[tilespmem:v41+s15+$0x0] =	vst.idx.msk $0xffff, v39;
	v41 =	vnsel vm4, $0x0, v40  }
0xa7: {  	[tilespmem:v36+s15+$0x0] =	vst.idx.msk $0xffff, v41  }
0xa8: {  	[tilespmem:v63+s15+$0x0] =	vst.idx.msk $0xffff, v38  }
0xa9: {  	[tilespmem:v37+s15+$0x0] =	vst.idx.msk $0xffff, v40  }
0xaa: {  	v34 =	vld [tilespmem:$0x80];
	_ =	sdelay $0x4  }
0xab: {  	v39 =	vadd.s32 $0xFFFE7960, v34  }
0xac: {  	vm5 =	vgt.s32 v39, $0x0  }
0xad: {  	v37 =	vor.u32 $0x4000, v29;
	vm6 =	vlt.s32 v34, $0x186A0;
	v35 =	vnsel vm5, $0x0, v39  }
0xae: {  	v34 =	vsel vm6, v34, v8;
	v38 =	vsel vm6, $0x3F800000, v33;
	v35 =	vmin.u32 v35, $0xDBB9F  }
0xaf: {  	v40 =	vshrl.u32 v35, $0x2;
	v41 =	vand.u32 $0x7FF, v35;
	v35 =	vshrl.u32 v35, $0xB  }
0xb0: {  	v39 =	vor.u32 $0x4001, v29;
	v36 =	vand.u32 $0x3F800, v40;
	v35 =	vand.u32 $0x3, v35  }
0xb1: {  	v40 =	vsub.f32 $1.000000000e+00, v38;
	v36 =	vor.u32 v41, v36;
	v41 =	vor.u32 $0x4002, v29  }
0xb2: {  	[tilespmem:$0x280] =	vst v34;
	vm7 =	veq.s32 v35, $0x0;
	v63 =	vsel vm6, v8, v36;
	v36 =	vor.u32 $0x4003, v29  }
0xb3: {  	vm8 =	veq.s32 v35, $0x1;
	v34 =	vnsel vm7, $0x0, v40;
	[tilespmem:$0x480] =	vst v63;
	v63 =	vor.u32 $0x4004, v29  }
0xb4: {  	vm9 =	veq.s32 v35, $0x2;
	[tilespmem:v37+s15+$0x0] =	vst.idx.msk $0xffff, v34;
	v34 =	vnsel vm8, $0x0, v40;
	v37 =	vor.u32 $0x4005, v29  }
0xb5: {  	vm10 =	veq.s32 v35, $0x3;
	[tilespmem:v39+s15+$0x0] =	vst.idx.msk $0xffff, v34;
	v39 =	vnsel vm9, $0x0, v40  }
0xb6: {  	[tilespmem:v41+s15+$0x0] =	vst.idx.msk $0xffff, v39;
	v41 =	vnsel vm10, $0x0, v40  }
0xb7: {  	[tilespmem:v36+s15+$0x0] =	vst.idx.msk $0xffff, v41  }
0xb8: {  	[tilespmem:v63+s15+$0x0] =	vst.idx.msk $0xffff, v38  }
0xb9: {  	[tilespmem:v37+s15+$0x0] =	vst.idx.msk $0xffff, v40  }
0xba: {  	v34 =	vld [tilespmem:$0x90];
	_ =	sdelay $0x4  }
0xbb: {  	v39 =	vadd.s32 $0xFFFE7960, v34  }
0xbc: {  	vm11 =	vgt.s32 v39, $0x0  }
0xbd: {  	v37 =	vor.u32 $0x4800, v29;
	vm12 =	vlt.s32 v34, $0x186A0;
	v35 =	vnsel vm11, $0x0, v39  }
0xbe: {  	v34 =	vsel vm12, v34, v9;
	v38 =	vsel vm12, $0x3F800000, v33;
	v35 =	vmin.u32 v35, $0xDBB9F  }
0xbf: {  	v40 =	vshrl.u32 v35, $0x2;
	v41 =	vand.u32 $0x7FF, v35;
	v35 =	vshrl.u32 v35, $0xB  }
0xc0: {  	v39 =	vor.u32 $0x4801, v29;
	v36 =	vand.u32 $0x3F800, v40;
	v35 =	vand.u32 $0x3, v35  }
0xc1: {  	v40 =	vsub.f32 $1.000000000e+00, v38;
	v36 =	vor.u32 v41, v36;
	v41 =	vor.u32 $0x4802, v29  }
0xc2: {  	[tilespmem:$0x290] =	vst v34;
	vm13 =	veq.s32 v35, $0x0;
	v63 =	vsel vm12, v9, v36;
	v36 =	vor.u32 $0x4803, v29  }
0xc3: {  	vm14 =	veq.s32 v35, $0x1;
	v34 =	vnsel vm13, $0x0, v40;
	[tilespmem:$0x490] =	vst v63;
	v63 =	vor.u32 $0x4804, v29  }
0xc4: {  	vm15 =	veq.s32 v35, $0x2;
	[tilespmem:v37+s15+$0x0] =	vst.idx.msk $0xffff, v34;
	v34 =	vnsel vm14, $0x0, v40;
	v37 =	vor.u32 $0x4805, v29  }
0xc5: {  	vm4 =	veq.s32 v35, $0x3;
	[tilespmem:v39+s15+$0x0] =	vst.idx.msk $0xffff, v34;
	v39 =	vnsel vm15, $0x0, v40  }
0xc6: {  	[tilespmem:v41+s15+$0x0] =	vst.idx.msk $0xffff, v39;
	v41 =	vnsel vm4, $0x0, v40  }
0xc7: {  	[tilespmem:v36+s15+$0x0] =	vst.idx.msk $0xffff, v41  }
0xc8: {  	[tilespmem:v63+s15+$0x0] =	vst.idx.msk $0xffff, v38  }
0xc9: {  	[tilespmem:v37+s15+$0x0] =	vst.idx.msk $0xffff, v40  }
0xca: {  	v34 =	vld [tilespmem:$0xA0];
	_ =	sdelay $0x4  }
0xcb: {  	v39 =	vadd.s32 $0xFFFE7960, v34  }
0xcc: {  	vm5 =	vgt.s32 v39, $0x0  }
0xcd: {  	v37 =	vor.u32 $0x5000, v29;
	vm6 =	vlt.s32 v34, $0x186A0;
	v35 =	vnsel vm5, $0x0, v39  }
0xce: {  	v34 =	vsel vm6, v34, v10;
	v38 =	vsel vm6, $0x3F800000, v33;
	v35 =	vmin.u32 v35, $0xDBB9F  }
0xcf: {  	v40 =	vshrl.u32 v35, $0x2;
	v41 =	vand.u32 $0x7FF, v35;
	v35 =	vshrl.u32 v35, $0xB  }
0xd0: {  	v39 =	vor.u32 $0x5001, v29;
	v36 =	vand.u32 $0x3F800, v40;
	v35 =	vand.u32 $0x3, v35  }
0xd1: {  	v40 =	vsub.f32 $1.000000000e+00, v38;
	v36 =	vor.u32 v41, v36;
	v41 =	vor.u32 $0x5002, v29  }
0xd2: {  	[tilespmem:$0x2A0] =	vst v34;
	vm7 =	veq.s32 v35, $0x0;
	v63 =	vsel vm6, v10, v36;
	v36 =	vor.u32 $0x5003, v29  }
0xd3: {  	vm8 =	veq.s32 v35, $0x1;
	v34 =	vnsel vm7, $0x0, v40;
	[tilespmem:$0x4A0] =	vst v63;
	v63 =	vor.u32 $0x5004, v29  }
0xd4: {  	vm9 =	veq.s32 v35, $0x2;
	[tilespmem:v37+s15+$0x0] =	vst.idx.msk $0xffff, v34;
	v34 =	vnsel vm8, $0x0, v40;
	v37 =	vor.u32 $0x5005, v29  }
0xd5: {  	vm10 =	veq.s32 v35, $0x3;
	[tilespmem:v39+s15+$0x0] =	vst.idx.msk $0xffff, v34;
	v39 =	vnsel vm9, $0x0, v40  }
0xd6: {  	[tilespmem:v41+s15+$0x0] =	vst.idx.msk $0xffff, v39;
	v41 =	vnsel vm10, $0x0, v40  }
0xd7: {  	[tilespmem:v36+s15+$0x0] =	vst.idx.msk $0xffff, v41  }
0xd8: {  	[tilespmem:v63+s15+$0x0] =	vst.idx.msk $0xffff, v38  }
0xd9: {  	[tilespmem:v37+s15+$0x0] =	vst.idx.msk $0xffff, v40  }
0xda: {  	v34 =	vld [tilespmem:$0xB0];
	_ =	sdelay $0x4  }
0xdb: {  	v39 =	vadd.s32 $0xFFFE7960, v34  }
0xdc: {  	vm11 =	vgt.s32 v39, $0x0  }
0xdd: {  	v37 =	vor.u32 $0x5800, v29;
	vm12 =	vlt.s32 v34, $0x186A0;
	v35 =	vnsel vm11, $0x0, v39  }
0xde: {  	v34 =	vsel vm12, v34, v11;
	v38 =	vsel vm12, $0x3F800000, v33;
	v35 =	vmin.u32 v35, $0xDBB9F  }
0xdf: {  	v40 =	vshrl.u32 v35, $0x2;
	v41 =	vand.u32 $0x7FF, v35;
	v35 =	vshrl.u32 v35, $0xB  }
0xe0: {  	v39 =	vor.u32 $0x5801, v29;
	v36 =	vand.u32 $0x3F800, v40;
	v35 =	vand.u32 $0x3, v35  }
0xe1: {  	v40 =	vsub.f32 $1.000000000e+00, v38;
	v36 =	vor.u32 v41, v36;
	v41 =	vor.u32 $0x5802, v29  }
0xe2: {  	[tilespmem:$0x2B0] =	vst v34;
	vm13 =	veq.s32 v35, $0x0;
	v63 =	vsel vm12, v11, v36;
	v36 =	vor.u32 $0x5803, v29  }
0xe3: {  	vm14 =	veq.s32 v35, $0x1;
	v34 =	vnsel vm13, $0x0, v40;
	[tilespmem:$0x4B0] =	vst v63;
	v63 =	vor.u32 $0x5804, v29  }
0xe4: {  	vm15 =	veq.s32 v35, $0x2;
	[tilespmem:v37+s15+$0x0] =	vst.idx.msk $0xffff, v34;
	v34 =	vnsel vm14, $0x0, v40;
	v37 =	vor.u32 $0x5805, v29  }
0xe5: {  	vm4 =	veq.s32 v35, $0x3;
	[tilespmem:v39+s15+$0x0] =	vst.idx.msk $0xffff, v34;
	v39 =	vnsel vm15, $0x0, v40  }
0xe6: {  	[tilespmem:v41+s15+$0x0] =	vst.idx.msk $0xffff, v39;
	v41 =	vnsel vm4, $0x0, v40  }
0xe7: {  	[tilespmem:v36+s15+$0x0] =	vst.idx.msk $0xffff, v41  }
0xe8: {  	[tilespmem:v63+s15+$0x0] =	vst.idx.msk $0xffff, v38  }
0xe9: {  	[tilespmem:v37+s15+$0x0] =	vst.idx.msk $0xffff, v40  }
0xea: {  	v34 =	vld [tilespmem:$0xC0];
	_ =	sdelay $0x4  }
0xeb: {  	v39 =	vadd.s32 $0xFFFE7960, v34  }
0xec: {  	vm5 =	vgt.s32 v39, $0x0  }
0xed: {  	v37 =	vor.u32 $0x6000, v29;
	vm6 =	vlt.s32 v34, $0x186A0;
	v35 =	vnsel vm5, $0x0, v39  }
0xee: {  	v34 =	vsel vm6, v34, v12;
	v38 =	vsel vm6, $0x3F800000, v33;
	v35 =	vmin.u32 v35, $0xDBB9F  }
0xef: {  	v40 =	vshrl.u32 v35, $0x2;
	v41 =	vand.u32 $0x7FF, v35;
	v35 =	vshrl.u32 v35, $0xB  }
0xf0: {  	v39 =	vor.u32 $0x6001, v29;
	v36 =	vand.u32 $0x3F800, v40;
	v35 =	vand.u32 $0x3, v35  }
0xf1: {  	v40 =	vsub.f32 $1.000000000e+00, v38;
	v36 =	vor.u32 v41, v36;
	v41 =	vor.u32 $0x6002, v29  }
0xf2: {  	[tilespmem:$0x2C0] =	vst v34;
	vm7 =	veq.s32 v35, $0x0;
	v63 =	vsel vm6, v12, v36;
	v36 =	vor.u32 $0x6003, v29  }
0xf3: {  	vm8 =	veq.s32 v35, $0x1;
	v34 =	vnsel vm7, $0x0, v40;
	[tilespmem:$0x4C0] =	vst v63;
	v63 =	vor.u32 $0x6004, v29  }
0xf4: {  	vm9 =	veq.s32 v35, $0x2;
	[tilespmem:v37+s15+$0x0] =	vst.idx.msk $0xffff, v34;
	v34 =	vnsel vm8, $0x0, v40;
	v37 =	vor.u32 $0x6005, v29  }
0xf5: {  	vm10 =	veq.s32 v35, $0x3;
	[tilespmem:v39+s15+$0x0] =	vst.idx.msk $0xffff, v34;
	v39 =	vnsel vm9, $0x0, v40  }
0xf6: {  	[tilespmem:v41+s15+$0x0] =	vst.idx.msk $0xffff, v39;
	v41 =	vnsel vm10, $0x0, v40  }
0xf7: {  	[tilespmem:v36+s15+$0x0] =	vst.idx.msk $0xffff, v41  }
0xf8: {  	[tilespmem:v63+s15+$0x0] =	vst.idx.msk $0xffff, v38  }
0xf9: {  	[tilespmem:v37+s15+$0x0] =	vst.idx.msk $0xffff, v40  }
0xfa: {  	v34 =	vld [tilespmem:$0xD0];
	_ =	sdelay $0x4  }
0xfb: {  	v39 =	vadd.s32 $0xFFFE7960, v34  }
0xfc: {  	vm11 =	vgt.s32 v39, $0x0  }
0xfd: {  	v37 =	vor.u32 $0x6800, v29;
	vm12 =	vlt.s32 v34, $0x186A0;
	v35 =	vnsel vm11, $0x0, v39  }
0xfe: {  	v34 =	vsel vm12, v34, v13;
	v38 =	vsel vm12, $0x3F800000, v33;
	v35 =	vmin.u32 v35, $0xDBB9F  }
0xff: {  	v40 =	vshrl.u32 v35, $0x2;
	v41 =	vand.u32 $0x7FF, v35;
	v35 =	vshrl.u32 v35, $0xB  }
0x100: {  	v39 =	vor.u32 $0x6801, v29;
	v36 =	vand.u32 $0x3F800, v40;
	v35 =	vand.u32 $0x3, v35  }
0x101: {  	v40 =	vsub.f32 $1.000000000e+00, v38;
	v36 =	vor.u32 v41, v36;
	v41 =	vor.u32 $0x6802, v29  }
0x102: {  	[tilespmem:$0x2D0] =	vst v34;
	vm13 =	veq.s32 v35, $0x0;
	v63 =	vsel vm12, v13, v36;
	v36 =	vor.u32 $0x6803, v29  }
0x103: {  	vm14 =	veq.s32 v35, $0x1;
	v34 =	vnsel vm13, $0x0, v40;
	[tilespmem:$0x4D0] =	vst v63;
	v63 =	vor.u32 $0x6804, v29  }
0x104: {  	vm15 =	veq.s32 v35, $0x2;
	[tilespmem:v37+s15+$0x0] =	vst.idx.msk $0xffff, v34;
	v34 =	vnsel vm14, $0x0, v40;
	v37 =	vor.u32 $0x6805, v29  }
0x105: {  	vm4 =	veq.s32 v35, $0x3;
	[tilespmem:v39+s15+$0x0] =	vst.idx.msk $0xffff, v34;
	v39 =	vnsel vm15, $0x0, v40  }
0x106: {  	[tilespmem:v41+s15+$0x0] =	vst.idx.msk $0xffff, v39;
	v41 =	vnsel vm4, $0x0, v40  }
0x107: {  	[tilespmem:v36+s15+$0x0] =	vst.idx.msk $0xffff, v41  }
0x108: {  	[tilespmem:v63+s15+$0x0] =	vst.idx.msk $0xffff, v38  }
0x109: {  	[tilespmem:v37+s15+$0x0] =	vst.idx.msk $0xffff, v40  }
0x10a: {  	v34 =	vld [tilespmem:$0xE0];
	_ =	sdelay $0x4  }
0x10b: {  	v39 =	vadd.s32 $0xFFFE7960, v34  }
0x10c: {  	vm5 =	vgt.s32 v39, $0x0  }
0x10d: {  	v37 =	vor.u32 $0x7000, v29;
	vm6 =	vlt.s32 v34, $0x186A0;
	v35 =	vnsel vm5, $0x0, v39  }
0x10e: {  	v34 =	vsel vm6, v34, v14;
	v38 =	vsel vm6, $0x3F800000, v33;
	v35 =	vmin.u32 v35, $0xDBB9F  }
0x10f: {  	v40 =	vshrl.u32 v35, $0x2;
	v41 =	vand.u32 $0x7FF, v35;
	v35 =	vshrl.u32 v35, $0xB  }
0x110: {  	v39 =	vor.u32 $0x7001, v29;
	v36 =	vand.u32 $0x3F800, v40;
	v35 =	vand.u32 $0x3, v35  }
0x111: {  	v40 =	vsub.f32 $1.000000000e+00, v38;
	v36 =	vor.u32 v41, v36;
	v41 =	vor.u32 $0x7002, v29  }
0x112: {  	[tilespmem:$0x2E0] =	vst v34;
	vm7 =	veq.s32 v35, $0x0;
	v63 =	vsel vm6, v14, v36;
	v36 =	vor.u32 $0x7003, v29  }
0x113: {  	vm8 =	veq.s32 v35, $0x1;
	v34 =	vnsel vm7, $0x0, v40;
	[tilespmem:$0x4E0] =	vst v63;
	v63 =	vor.u32 $0x7004, v29  }
0x114: {  	vm9 =	veq.s32 v35, $0x2;
	[tilespmem:v37+s15+$0x0] =	vst.idx.msk $0xffff, v34;
	v34 =	vnsel vm8, $0x0, v40;
	v37 =	vor.u32 $0x7005, v29  }
0x115: {  	vm10 =	veq.s32 v35, $0x3;
	[tilespmem:v39+s15+$0x0] =	vst.idx.msk $0xffff, v34;
	v39 =	vnsel vm9, $0x0, v40  }
0x116: {  	[tilespmem:v41+s15+$0x0] =	vst.idx.msk $0xffff, v39;
	v41 =	vnsel vm10, $0x0, v40  }
0x117: {  	[tilespmem:v36+s15+$0x0] =	vst.idx.msk $0xffff, v41  }
0x118: {  	[tilespmem:v63+s15+$0x0] =	vst.idx.msk $0xffff, v38  }
0x119: {  	[tilespmem:v37+s15+$0x0] =	vst.idx.msk $0xffff, v40  }
0x11a: {  	v34 =	vld [tilespmem:$0xF0];
	_ =	sdelay $0x4  }
0x11b: {  	v39 =	vadd.s32 $0xFFFE7960, v34  }
0x11c: {  	vm11 =	vgt.s32 v39, $0x0  }
0x11d: {  	v37 =	vor.u32 $0x7800, v29;
	vm12 =	vlt.s32 v34, $0x186A0;
	v35 =	vnsel vm11, $0x0, v39  }
0x11e: {  	v34 =	vsel vm12, v34, v15;
	v38 =	vsel vm12, $0x3F800000, v33;
	v35 =	vmin.u32 v35, $0xDBB9F  }
0x11f: {  	v40 =	vshrl.u32 v35, $0x2;
	v41 =	vand.u32 $0x7FF, v35;
	v35 =	vshrl.u32 v35, $0xB  }
0x120: {  	v39 =	vor.u32 $0x7801, v29;
	v36 =	vand.u32 $0x3F800, v40;
	v35 =	vand.u32 $0x3, v35  }
0x121: {  	v40 =	vsub.f32 $1.000000000e+00, v38;
	v36 =	vor.u32 v41, v36;
	v41 =	vor.u32 $0x7802, v29  }
0x122: {  	[tilespmem:$0x2F0] =	vst v34;
	vm13 =	veq.s32 v35, $0x0;
	v63 =	vsel vm12, v15, v36;
	v36 =	vor.u32 $0x7803, v29  }
0x123: {  	vm14 =	veq.s32 v35, $0x1;
	v34 =	vnsel vm13, $0x0, v40;
	[tilespmem:$0x4F0] =	vst v63;
	v63 =	vor.u32 $0x7804, v29  }
0x124: {  	vm15 =	veq.s32 v35, $0x2;
	[tilespmem:v37+s15+$0x0] =	vst.idx.msk $0xffff, v34;
	v34 =	vnsel vm14, $0x0, v40;
	v37 =	vor.u32 $0x7805, v29  }
0x125: {  	vm4 =	veq.s32 v35, $0x3;
	[tilespmem:v39+s15+$0x0] =	vst.idx.msk $0xffff, v34;
	v39 =	vnsel vm15, $0x0, v40  }
0x126: {  	[tilespmem:v41+s15+$0x0] =	vst.idx.msk $0xffff, v39;
	v41 =	vnsel vm4, $0x0, v40  }
0x127: {  	[tilespmem:v36+s15+$0x0] =	vst.idx.msk $0xffff, v41  }
0x128: {  	[tilespmem:v63+s15+$0x0] =	vst.idx.msk $0xffff, v38  }
0x129: {  	[tilespmem:v37+s15+$0x0] =	vst.idx.msk $0xffff, v40  }
0x12a: {  	v34 =	vld [tilespmem:$0x100];
	_ =	sdelay $0x4  }
0x12b: {  	v39 =	vadd.s32 $0xFFFE7960, v34  }
0x12c: {  	vm5 =	vgt.s32 v39, $0x0  }
0x12d: {  	v37 =	vor.u32 $0x8000, v29;
	vm6 =	vlt.s32 v34, $0x186A0;
	v35 =	vnsel vm5, $0x0, v39  }
0x12e: {  	v34 =	vsel vm6, v34, v16;
	v38 =	vsel vm6, $0x3F800000, v33;
	v35 =	vmin.u32 v35, $0xDBB9F  }
0x12f: {  	v40 =	vshrl.u32 v35, $0x2;
	v41 =	vand.u32 $0x7FF, v35;
	v35 =	vshrl.u32 v35, $0xB  }
0x130: {  	v39 =	vor.u32 $0x8001, v29;
	v36 =	vand.u32 $0x3F800, v40;
	v35 =	vand.u32 $0x3, v35  }
0x131: {  	v40 =	vsub.f32 $1.000000000e+00, v38;
	v36 =	vor.u32 v41, v36;
	v41 =	vor.u32 $0x8002, v29  }
0x132: {  	[tilespmem:$0x300] =	vst v34;
	vm7 =	veq.s32 v35, $0x0;
	v63 =	vsel vm6, v16, v36;
	v36 =	vor.u32 $0x8003, v29  }
0x133: {  	vm8 =	veq.s32 v35, $0x1;
	v34 =	vnsel vm7, $0x0, v40;
	[tilespmem:$0x500] =	vst v63;
	v63 =	vor.u32 $0x8004, v29  }
0x134: {  	vm9 =	veq.s32 v35, $0x2;
	[tilespmem:v37+s15+$0x0] =	vst.idx.msk $0xffff, v34;
	v34 =	vnsel vm8, $0x0, v40;
	v37 =	vor.u32 $0x8005, v29  }
0x135: {  	vm10 =	veq.s32 v35, $0x3;
	[tilespmem:v39+s15+$0x0] =	vst.idx.msk $0xffff, v34;
	v39 =	vnsel vm9, $0x0, v40  }
0x136: {  	[tilespmem:v41+s15+$0x0] =	vst.idx.msk $0xffff, v39;
	v41 =	vnsel vm10, $0x0, v40  }
0x137: {  	[tilespmem:v36+s15+$0x0] =	vst.idx.msk $0xffff, v41  }
0x138: {  	[tilespmem:v63+s15+$0x0] =	vst.idx.msk $0xffff, v38  }
0x139: {  	[tilespmem:v37+s15+$0x0] =	vst.idx.msk $0xffff, v40  }
0x13a: {  	v34 =	vld [tilespmem:$0x110];
	_ =	sdelay $0x4  }
0x13b: {  	v39 =	vadd.s32 $0xFFFE7960, v34  }
0x13c: {  	vm11 =	vgt.s32 v39, $0x0  }
0x13d: {  	v37 =	vor.u32 $0x8800, v29;
	vm12 =	vlt.s32 v34, $0x186A0;
	v35 =	vnsel vm11, $0x0, v39  }
0x13e: {  	v34 =	vsel vm12, v34, v17;
	v38 =	vsel vm12, $0x3F800000, v33;
	v35 =	vmin.u32 v35, $0xDBB9F  }
0x13f: {  	v40 =	vshrl.u32 v35, $0x2;
	v41 =	vand.u32 $0x7FF, v35;
	v35 =	vshrl.u32 v35, $0xB  }
0x140: {  	v39 =	vor.u32 $0x8801, v29;
	v36 =	vand.u32 $0x3F800, v40;
	v35 =	vand.u32 $0x3, v35  }
0x141: {  	v40 =	vsub.f32 $1.000000000e+00, v38;
	v36 =	vor.u32 v41, v36;
	v41 =	vor.u32 $0x8802, v29  }
0x142: {  	[tilespmem:$0x310] =	vst v34;
	vm13 =	veq.s32 v35, $0x0;
	v63 =	vsel vm12, v17, v36;
	v36 =	vor.u32 $0x8803, v29  }
0x143: {  	vm14 =	veq.s32 v35, $0x1;
	v34 =	vnsel vm13, $0x0, v40;
	[tilespmem:$0x510] =	vst v63;
	v63 =	vor.u32 $0x8804, v29  }
0x144: {  	vm15 =	veq.s32 v35, $0x2;
	[tilespmem:v37+s15+$0x0] =	vst.idx.msk $0xffff, v34;
	v34 =	vnsel vm14, $0x0, v40;
	v37 =	vor.u32 $0x8805, v29  }
0x145: {  	vm4 =	veq.s32 v35, $0x3;
	[tilespmem:v39+s15+$0x0] =	vst.idx.msk $0xffff, v34;
	v39 =	vnsel vm15, $0x0, v40  }
0x146: {  	[tilespmem:v41+s15+$0x0] =	vst.idx.msk $0xffff, v39;
	v41 =	vnsel vm4, $0x0, v40  }
0x147: {  	[tilespmem:v36+s15+$0x0] =	vst.idx.msk $0xffff, v41  }
0x148: {  	[tilespmem:v63+s15+$0x0] =	vst.idx.msk $0xffff, v38  }
0x149: {  	[tilespmem:v37+s15+$0x0] =	vst.idx.msk $0xffff, v40  }
0x14a: {  	v34 =	vld [tilespmem:$0x120];
	_ =	sdelay $0x4  }
0x14b: {  	v39 =	vadd.s32 $0xFFFE7960, v34  }
0x14c: {  	vm5 =	vgt.s32 v39, $0x0  }
0x14d: {  	v37 =	vor.u32 $0x9000, v29;
	vm6 =	vlt.s32 v34, $0x186A0;
	v35 =	vnsel vm5, $0x0, v39  }
0x14e: {  	v34 =	vsel vm6, v34, v18;
	v38 =	vsel vm6, $0x3F800000, v33;
	v35 =	vmin.u32 v35, $0xDBB9F  }
0x14f: {  	v40 =	vshrl.u32 v35, $0x2;
	v41 =	vand.u32 $0x7FF, v35;
	v35 =	vshrl.u32 v35, $0xB  }
0x150: {  	v39 =	vor.u32 $0x9001, v29;
	v36 =	vand.u32 $0x3F800, v40;
	v35 =	vand.u32 $0x3, v35  }
0x151: {  	v40 =	vsub.f32 $1.000000000e+00, v38;
	v36 =	vor.u32 v41, v36;
	v41 =	vor.u32 $0x9002, v29  }
0x152: {  	[tilespmem:$0x320] =	vst v34;
	vm7 =	veq.s32 v35, $0x0;
	v63 =	vsel vm6, v18, v36;
	v36 =	vor.u32 $0x9003, v29  }
0x153: {  	vm8 =	veq.s32 v35, $0x1;
	v34 =	vnsel vm7, $0x0, v40;
	[tilespmem:$0x520] =	vst v63;
	v63 =	vor.u32 $0x9004, v29  }
0x154: {  	vm9 =	veq.s32 v35, $0x2;
	[tilespmem:v37+s15+$0x0] =	vst.idx.msk $0xffff, v34;
	v34 =	vnsel vm8, $0x0, v40;
	v37 =	vor.u32 $0x9005, v29  }
0x155: {  	vm10 =	veq.s32 v35, $0x3;
	[tilespmem:v39+s15+$0x0] =	vst.idx.msk $0xffff, v34;
	v39 =	vnsel vm9, $0x0, v40  }
0x156: {  	[tilespmem:v41+s15+$0x0] =	vst.idx.msk $0xffff, v39;
	v41 =	vnsel vm10, $0x0, v40  }
0x157: {  	[tilespmem:v36+s15+$0x0] =	vst.idx.msk $0xffff, v41  }
0x158: {  	[tilespmem:v63+s15+$0x0] =	vst.idx.msk $0xffff, v38  }
0x159: {  	[tilespmem:v37+s15+$0x0] =	vst.idx.msk $0xffff, v40  }
0x15a: {  	v34 =	vld [tilespmem:$0x130];
	_ =	sdelay $0x4  }
0x15b: {  	v39 =	vadd.s32 $0xFFFE7960, v34  }
0x15c: {  	vm11 =	vgt.s32 v39, $0x0  }
0x15d: {  	v37 =	vor.u32 $0x9800, v29;
	vm12 =	vlt.s32 v34, $0x186A0;
	v35 =	vnsel vm11, $0x0, v39  }
0x15e: {  	v34 =	vsel vm12, v34, v19;
	v38 =	vsel vm12, $0x3F800000, v33;
	v35 =	vmin.u32 v35, $0xDBB9F  }
0x15f: {  	v40 =	vshrl.u32 v35, $0x2;
	v41 =	vand.u32 $0x7FF, v35;
	v35 =	vshrl.u32 v35, $0xB  }
0x160: {  	v39 =	vor.u32 $0x9801, v29;
	v36 =	vand.u32 $0x3F800, v40;
	v35 =	vand.u32 $0x3, v35  }
0x161: {  	v40 =	vsub.f32 $1.000000000e+00, v38;
	v36 =	vor.u32 v41, v36;
	v41 =	vor.u32 $0x9802, v29  }
0x162: {  	[tilespmem:$0x330] =	vst v34;
	vm13 =	veq.s32 v35, $0x0;
	v63 =	vsel vm12, v19, v36;
	v36 =	vor.u32 $0x9803, v29  }
0x163: {  	vm14 =	veq.s32 v35, $0x1;
	v34 =	vnsel vm13, $0x0, v40;
	[tilespmem:$0x530] =	vst v63;
	v63 =	vor.u32 $0x9804, v29  }
0x164: {  	vm15 =	veq.s32 v35, $0x2;
	[tilespmem:v37+s15+$0x0] =	vst.idx.msk $0xffff, v34;
	v34 =	vnsel vm14, $0x0, v40;
	v37 =	vor.u32 $0x9805, v29  }
0x165: {  	vm4 =	veq.s32 v35, $0x3;
	[tilespmem:v39+s15+$0x0] =	vst.idx.msk $0xffff, v34;
	v39 =	vnsel vm15, $0x0, v40  }
0x166: {  	[tilespmem:v41+s15+$0x0] =	vst.idx.msk $0xffff, v39;
	v41 =	vnsel vm4, $0x0, v40  }
0x167: {  	[tilespmem:v36+s15+$0x0] =	vst.idx.msk $0xffff, v41  }
0x168: {  	[tilespmem:v63+s15+$0x0] =	vst.idx.msk $0xffff, v38  }
0x169: {  	[tilespmem:v37+s15+$0x0] =	vst.idx.msk $0xffff, v40  }
0x16a: {  	v34 =	vld [tilespmem:$0x140];
	_ =	sdelay $0x4  }
0x16b: {  	v39 =	vadd.s32 $0xFFFE7960, v34  }
0x16c: {  	vm5 =	vgt.s32 v39, $0x0  }
0x16d: {  	v37 =	vor.u32 $0xA000, v29;
	vm6 =	vlt.s32 v34, $0x186A0;
	v35 =	vnsel vm5, $0x0, v39  }
0x16e: {  	v34 =	vsel vm6, v34, v20;
	v38 =	vsel vm6, $0x3F800000, v33;
	v35 =	vmin.u32 v35, $0xDBB9F  }
0x16f: {  	v40 =	vshrl.u32 v35, $0x2;
	v41 =	vand.u32 $0x7FF, v35;
	v35 =	vshrl.u32 v35, $0xB  }
0x170: {  	v39 =	vor.u32 $0xA001, v29;
	v36 =	vand.u32 $0x3F800, v40;
	v35 =	vand.u32 $0x3, v35  }
0x171: {  	v40 =	vsub.f32 $1.000000000e+00, v38;
	v36 =	vor.u32 v41, v36;
	v41 =	vor.u32 $0xA002, v29  }
0x172: {  	[tilespmem:$0x340] =	vst v34;
	vm7 =	veq.s32 v35, $0x0;
	v63 =	vsel vm6, v20, v36;
	v36 =	vor.u32 $0xA003, v29  }
0x173: {  	vm8 =	veq.s32 v35, $0x1;
	v34 =	vnsel vm7, $0x0, v40;
	[tilespmem:$0x540] =	vst v63;
	v63 =	vor.u32 $0xA004, v29  }
0x174: {  	vm9 =	veq.s32 v35, $0x2;
	[tilespmem:v37+s15+$0x0] =	vst.idx.msk $0xffff, v34;
	v34 =	vnsel vm8, $0x0, v40;
	v37 =	vor.u32 $0xA005, v29  }
0x175: {  	vm10 =	veq.s32 v35, $0x3;
	[tilespmem:v39+s15+$0x0] =	vst.idx.msk $0xffff, v34;
	v39 =	vnsel vm9, $0x0, v40  }
0x176: {  	[tilespmem:v41+s15+$0x0] =	vst.idx.msk $0xffff, v39;
	v41 =	vnsel vm10, $0x0, v40  }
0x177: {  	[tilespmem:v36+s15+$0x0] =	vst.idx.msk $0xffff, v41  }
0x178: {  	[tilespmem:v63+s15+$0x0] =	vst.idx.msk $0xffff, v38  }
0x179: {  	[tilespmem:v37+s15+$0x0] =	vst.idx.msk $0xffff, v40  }
0x17a: {  	v34 =	vld [tilespmem:$0x150];
	_ =	sdelay $0x4  }
0x17b: {  	v39 =	vadd.s32 $0xFFFE7960, v34  }
0x17c: {  	vm11 =	vgt.s32 v39, $0x0  }
0x17d: {  	v37 =	vor.u32 $0xA800, v29;
	vm12 =	vlt.s32 v34, $0x186A0;
	v35 =	vnsel vm11, $0x0, v39  }
0x17e: {  	v34 =	vsel vm12, v34, v21;
	v38 =	vsel vm12, $0x3F800000, v33;
	v35 =	vmin.u32 v35, $0xDBB9F  }
0x17f: {  	v40 =	vshrl.u32 v35, $0x2;
	v41 =	vand.u32 $0x7FF, v35;
	v35 =	vshrl.u32 v35, $0xB  }
0x180: {  	v39 =	vor.u32 $0xA801, v29;
	v36 =	vand.u32 $0x3F800, v40;
	v35 =	vand.u32 $0x3, v35  }
0x181: {  	v40 =	vsub.f32 $1.000000000e+00, v38;
	v36 =	vor.u32 v41, v36;
	v41 =	vor.u32 $0xA802, v29  }
0x182: {  	[tilespmem:$0x350] =	vst v34;
	vm13 =	veq.s32 v35, $0x0;
	v63 =	vsel vm12, v21, v36;
	v36 =	vor.u32 $0xA803, v29  }
0x183: {  	vm14 =	veq.s32 v35, $0x1;
	v34 =	vnsel vm13, $0x0, v40;
	[tilespmem:$0x550] =	vst v63;
	v63 =	vor.u32 $0xA804, v29  }
0x184: {  	vm15 =	veq.s32 v35, $0x2;
	[tilespmem:v37+s15+$0x0] =	vst.idx.msk $0xffff, v34;
	v34 =	vnsel vm14, $0x0, v40;
	v37 =	vor.u32 $0xA805, v29  }
0x185: {  	vm4 =	veq.s32 v35, $0x3;
	[tilespmem:v39+s15+$0x0] =	vst.idx.msk $0xffff, v34;
	v39 =	vnsel vm15, $0x0, v40  }
0x186: {  	[tilespmem:v41+s15+$0x0] =	vst.idx.msk $0xffff, v39;
	v41 =	vnsel vm4, $0x0, v40  }
0x187: {  	[tilespmem:v36+s15+$0x0] =	vst.idx.msk $0xffff, v41  }
0x188: {  	[tilespmem:v63+s15+$0x0] =	vst.idx.msk $0xffff, v38  }
0x189: {  	[tilespmem:v37+s15+$0x0] =	vst.idx.msk $0xffff, v40  }
0x18a: {  	v34 =	vld [tilespmem:$0x160];
	_ =	sdelay $0x4  }
0x18b: {  	v39 =	vadd.s32 $0xFFFE7960, v34  }
0x18c: {  	vm5 =	vgt.s32 v39, $0x0  }
0x18d: {  	v37 =	vor.u32 $0xB000, v29;
	vm6 =	vlt.s32 v34, $0x186A0;
	v35 =	vnsel vm5, $0x0, v39  }
0x18e: {  	v34 =	vsel vm6, v34, v22;
	v38 =	vsel vm6, $0x3F800000, v33;
	v35 =	vmin.u32 v35, $0xDBB9F  }
0x18f: {  	v40 =	vshrl.u32 v35, $0x2;
	v41 =	vand.u32 $0x7FF, v35;
	v35 =	vshrl.u32 v35, $0xB  }
0x190: {  	v39 =	vor.u32 $0xB001, v29;
	v36 =	vand.u32 $0x3F800, v40;
	v35 =	vand.u32 $0x3, v35  }
0x191: {  	v40 =	vsub.f32 $1.000000000e+00, v38;
	v36 =	vor.u32 v41, v36;
	v41 =	vor.u32 $0xB002, v29  }
0x192: {  	[tilespmem:$0x360] =	vst v34;
	vm7 =	veq.s32 v35, $0x0;
	v63 =	vsel vm6, v22, v36;
	v36 =	vor.u32 $0xB003, v29  }
0x193: {  	vm8 =	veq.s32 v35, $0x1;
	v34 =	vnsel vm7, $0x0, v40;
	[tilespmem:$0x560] =	vst v63;
	v63 =	vor.u32 $0xB004, v29  }
0x194: {  	vm9 =	veq.s32 v35, $0x2;
	[tilespmem:v37+s15+$0x0] =	vst.idx.msk $0xffff, v34;
	v34 =	vnsel vm8, $0x0, v40;
	v37 =	vor.u32 $0xB005, v29  }
0x195: {  	vm10 =	veq.s32 v35, $0x3;
	[tilespmem:v39+s15+$0x0] =	vst.idx.msk $0xffff, v34;
	v39 =	vnsel vm9, $0x0, v40  }
0x196: {  	[tilespmem:v41+s15+$0x0] =	vst.idx.msk $0xffff, v39;
	v41 =	vnsel vm10, $0x0, v40  }
0x197: {  	[tilespmem:v36+s15+$0x0] =	vst.idx.msk $0xffff, v41  }
0x198: {  	[tilespmem:v63+s15+$0x0] =	vst.idx.msk $0xffff, v38  }
0x199: {  	[tilespmem:v37+s15+$0x0] =	vst.idx.msk $0xffff, v40  }
0x19a: {  	v34 =	vld [tilespmem:$0x170];
	_ =	sdelay $0x4  }
0x19b: {  	v39 =	vadd.s32 $0xFFFE7960, v34  }
0x19c: {  	vm11 =	vgt.s32 v39, $0x0  }
0x19d: {  	v37 =	vor.u32 $0xB800, v29;
	vm12 =	vlt.s32 v34, $0x186A0;
	v35 =	vnsel vm11, $0x0, v39  }
0x19e: {  	v34 =	vsel vm12, v34, v23;
	v38 =	vsel vm12, $0x3F800000, v33;
	v35 =	vmin.u32 v35, $0xDBB9F  }
0x19f: {  	v40 =	vshrl.u32 v35, $0x2;
	v41 =	vand.u32 $0x7FF, v35;
	v35 =	vshrl.u32 v35, $0xB  }
0x1a0: {  	v39 =	vor.u32 $0xB801, v29;
	v36 =	vand.u32 $0x3F800, v40;
	v35 =	vand.u32 $0x3, v35  }
0x1a1: {  	v40 =	vsub.f32 $1.000000000e+00, v38;
	v36 =	vor.u32 v41, v36;
	v41 =	vor.u32 $0xB802, v29  }
0x1a2: {  	[tilespmem:$0x370] =	vst v34;
	vm13 =	veq.s32 v35, $0x0;
	v63 =	vsel vm12, v23, v36;
	v36 =	vor.u32 $0xB803, v29  }
0x1a3: {  	vm14 =	veq.s32 v35, $0x1;
	v34 =	vnsel vm13, $0x0, v40;
	[tilespmem:$0x570] =	vst v63;
	v63 =	vor.u32 $0xB804, v29  }
0x1a4: {  	vm15 =	veq.s32 v35, $0x2;
	[tilespmem:v37+s15+$0x0] =	vst.idx.msk $0xffff, v34;
	v34 =	vnsel vm14, $0x0, v40;
	v37 =	vor.u32 $0xB805, v29  }
0x1a5: {  	vm4 =	veq.s32 v35, $0x3;
	[tilespmem:v39+s15+$0x0] =	vst.idx.msk $0xffff, v34;
	v39 =	vnsel vm15, $0x0, v40  }
0x1a6: {  	[tilespmem:v41+s15+$0x0] =	vst.idx.msk $0xffff, v39;
	v41 =	vnsel vm4, $0x0, v40  }
0x1a7: {  	[tilespmem:v36+s15+$0x0] =	vst.idx.msk $0xffff, v41  }
0x1a8: {  	[tilespmem:v63+s15+$0x0] =	vst.idx.msk $0xffff, v38  }
0x1a9: {  	[tilespmem:v37+s15+$0x0] =	vst.idx.msk $0xffff, v40  }
0x1aa: {  	v34 =	vld [tilespmem:$0x180];
	_ =	sdelay $0x4  }
0x1ab: {  	v39 =	vadd.s32 $0xFFFE7960, v34  }
0x1ac: {  	vm5 =	vgt.s32 v39, $0x0  }
0x1ad: {  	v37 =	vor.u32 $0xC000, v29;
	vm6 =	vlt.s32 v34, $0x186A0;
	v35 =	vnsel vm5, $0x0, v39  }
0x1ae: {  	v34 =	vsel vm6, v34, v24;
	v38 =	vsel vm6, $0x3F800000, v33;
	v35 =	vmin.u32 v35, $0xDBB9F  }
0x1af: {  	v40 =	vshrl.u32 v35, $0x2;
	v41 =	vand.u32 $0x7FF, v35;
	v35 =	vshrl.u32 v35, $0xB  }
0x1b0: {  	v39 =	vor.u32 $0xC001, v29;
	v36 =	vand.u32 $0x3F800, v40;
	v35 =	vand.u32 $0x3, v35  }
0x1b1: {  	v40 =	vsub.f32 $1.000000000e+00, v38;
	v36 =	vor.u32 v41, v36;
	v41 =	vor.u32 $0xC002, v29  }
0x1b2: {  	[tilespmem:$0x380] =	vst v34;
	vm7 =	veq.s32 v35, $0x0;
	v63 =	vsel vm6, v24, v36;
	v36 =	vor.u32 $0xC003, v29  }
0x1b3: {  	vm8 =	veq.s32 v35, $0x1;
	v34 =	vnsel vm7, $0x0, v40;
	[tilespmem:$0x580] =	vst v63;
	v63 =	vor.u32 $0xC004, v29  }
0x1b4: {  	vm9 =	veq.s32 v35, $0x2;
	[tilespmem:v37+s15+$0x0] =	vst.idx.msk $0xffff, v34;
	v34 =	vnsel vm8, $0x0, v40;
	v37 =	vor.u32 $0xC005, v29  }
0x1b5: {  	vm10 =	veq.s32 v35, $0x3;
	[tilespmem:v39+s15+$0x0] =	vst.idx.msk $0xffff, v34;
	v39 =	vnsel vm9, $0x0, v40  }
0x1b6: {  	[tilespmem:v41+s15+$0x0] =	vst.idx.msk $0xffff, v39;
	v41 =	vnsel vm10, $0x0, v40  }
0x1b7: {  	[tilespmem:v36+s15+$0x0] =	vst.idx.msk $0xffff, v41  }
0x1b8: {  	[tilespmem:v63+s15+$0x0] =	vst.idx.msk $0xffff, v38  }
0x1b9: {  	[tilespmem:v37+s15+$0x0] =	vst.idx.msk $0xffff, v40  }
0x1ba: {  	v34 =	vld [tilespmem:$0x190];
	_ =	sdelay $0x4  }
0x1bb: {  	v39 =	vadd.s32 $0xFFFE7960, v34  }
0x1bc: {  	vm11 =	vgt.s32 v39, $0x0  }
0x1bd: {  	v37 =	vor.u32 $0xC800, v29;
	vm12 =	vlt.s32 v34, $0x186A0;
	v35 =	vnsel vm11, $0x0, v39  }
0x1be: {  	v34 =	vsel vm12, v34, v25;
	v38 =	vsel vm12, $0x3F800000, v33;
	v35 =	vmin.u32 v35, $0xDBB9F  }
0x1bf: {  	v40 =	vshrl.u32 v35, $0x2;
	v41 =	vand.u32 $0x7FF, v35;
	v35 =	vshrl.u32 v35, $0xB  }
0x1c0: {  	v39 =	vor.u32 $0xC801, v29;
	v36 =	vand.u32 $0x3F800, v40;
	v35 =	vand.u32 $0x3, v35  }
0x1c1: {  	v40 =	vsub.f32 $1.000000000e+00, v38;
	v36 =	vor.u32 v41, v36;
	v41 =	vor.u32 $0xC802, v29  }
0x1c2: {  	[tilespmem:$0x390] =	vst v34;
	vm13 =	veq.s32 v35, $0x0;
	v63 =	vsel vm12, v25, v36;
	v36 =	vor.u32 $0xC803, v29  }
0x1c3: {  	vm14 =	veq.s32 v35, $0x1;
	v34 =	vnsel vm13, $0x0, v40;
	[tilespmem:$0x590] =	vst v63;
	v63 =	vor.u32 $0xC804, v29  }
0x1c4: {  	vm15 =	veq.s32 v35, $0x2;
	[tilespmem:v37+s15+$0x0] =	vst.idx.msk $0xffff, v34;
	v34 =	vnsel vm14, $0x0, v40;
	v37 =	vor.u32 $0xC805, v29  }
0x1c5: {  	vm4 =	veq.s32 v35, $0x3;
	[tilespmem:v39+s15+$0x0] =	vst.idx.msk $0xffff, v34;
	v39 =	vnsel vm15, $0x0, v40  }
0x1c6: {  	[tilespmem:v41+s15+$0x0] =	vst.idx.msk $0xffff, v39;
	v41 =	vnsel vm4, $0x0, v40  }
0x1c7: {  	[tilespmem:v36+s15+$0x0] =	vst.idx.msk $0xffff, v41  }
0x1c8: {  	[tilespmem:v63+s15+$0x0] =	vst.idx.msk $0xffff, v38  }
0x1c9: {  	[tilespmem:v37+s15+$0x0] =	vst.idx.msk $0xffff, v40  }
0x1ca: {  	v34 =	vld [tilespmem:$0x1A0];
	_ =	sdelay $0x4  }
0x1cb: {  	v39 =	vadd.s32 $0xFFFE7960, v34  }
0x1cc: {  	vm5 =	vgt.s32 v39, $0x0  }
0x1cd: {  	v37 =	vor.u32 $0xD000, v29;
	vm6 =	vlt.s32 v34, $0x186A0;
	v35 =	vnsel vm5, $0x0, v39  }
0x1ce: {  	v34 =	vsel vm6, v34, v26;
	v38 =	vsel vm6, $0x3F800000, v33;
	v35 =	vmin.u32 v35, $0xDBB9F  }
0x1cf: {  	v40 =	vshrl.u32 v35, $0x2;
	v41 =	vand.u32 $0x7FF, v35;
	v35 =	vshrl.u32 v35, $0xB  }
0x1d0: {  	v39 =	vor.u32 $0xD001, v29;
	v36 =	vand.u32 $0x3F800, v40;
	v35 =	vand.u32 $0x3, v35  }
0x1d1: {  	v40 =	vsub.f32 $1.000000000e+00, v38;
	v36 =	vor.u32 v41, v36;
	v41 =	vor.u32 $0xD002, v29  }
0x1d2: {  	[tilespmem:$0x3A0] =	vst v34;
	vm7 =	veq.s32 v35, $0x0;
	v63 =	vsel vm6, v26, v36;
	v36 =	vor.u32 $0xD003, v29  }
0x1d3: {  	vm8 =	veq.s32 v35, $0x1;
	v34 =	vnsel vm7, $0x0, v40;
	[tilespmem:$0x5A0] =	vst v63;
	v63 =	vor.u32 $0xD004, v29  }
0x1d4: {  	vm9 =	veq.s32 v35, $0x2;
	[tilespmem:v37+s15+$0x0] =	vst.idx.msk $0xffff, v34;
	v34 =	vnsel vm8, $0x0, v40;
	v37 =	vor.u32 $0xD005, v29  }
0x1d5: {  	vm10 =	veq.s32 v35, $0x3;
	[tilespmem:v39+s15+$0x0] =	vst.idx.msk $0xffff, v34;
	v39 =	vnsel vm9, $0x0, v40  }
0x1d6: {  	[tilespmem:v41+s15+$0x0] =	vst.idx.msk $0xffff, v39;
	v41 =	vnsel vm10, $0x0, v40  }
0x1d7: {  	[tilespmem:v36+s15+$0x0] =	vst.idx.msk $0xffff, v41  }
0x1d8: {  	[tilespmem:v63+s15+$0x0] =	vst.idx.msk $0xffff, v38  }
0x1d9: {  	[tilespmem:v37+s15+$0x0] =	vst.idx.msk $0xffff, v40  }
0x1da: {  	v34 =	vld [tilespmem:$0x1B0];
	_ =	sdelay $0x4  }
0x1db: {  	v39 =	vadd.s32 $0xFFFE7960, v34  }
0x1dc: {  	vm11 =	vgt.s32 v39, $0x0  }
0x1dd: {  	v37 =	vor.u32 $0xD800, v29;
	vm12 =	vlt.s32 v34, $0x186A0;
	v35 =	vnsel vm11, $0x0, v39  }
0x1de: {  	v34 =	vsel vm12, v34, v27;
	v38 =	vsel vm12, $0x3F800000, v33;
	v35 =	vmin.u32 v35, $0xDBB9F  }
0x1df: {  	v40 =	vshrl.u32 v35, $0x2;
	v41 =	vand.u32 $0x7FF, v35;
	v35 =	vshrl.u32 v35, $0xB  }
0x1e0: {  	v39 =	vor.u32 $0xD801, v29;
	v36 =	vand.u32 $0x3F800, v40;
	v35 =	vand.u32 $0x3, v35  }
0x1e1: {  	v40 =	vsub.f32 $1.000000000e+00, v38;
	v36 =	vor.u32 v41, v36;
	v41 =	vor.u32 $0xD802, v29  }
0x1e2: {  	[tilespmem:$0x3B0] =	vst v34;
	vm13 =	veq.s32 v35, $0x0;
	v63 =	vsel vm12, v27, v36;
	v36 =	vor.u32 $0xD803, v29  }
0x1e3: {  	vm14 =	veq.s32 v35, $0x1;
	v34 =	vnsel vm13, $0x0, v40;
	[tilespmem:$0x5B0] =	vst v63;
	v63 =	vor.u32 $0xD804, v29  }
0x1e4: {  	vm15 =	veq.s32 v35, $0x2;
	[tilespmem:v37+s15+$0x0] =	vst.idx.msk $0xffff, v34;
	v34 =	vnsel vm14, $0x0, v40;
	v37 =	vor.u32 $0xD805, v29  }
0x1e5: {  	vm4 =	veq.s32 v35, $0x3;
	[tilespmem:v39+s15+$0x0] =	vst.idx.msk $0xffff, v34;
	v39 =	vnsel vm15, $0x0, v40  }
0x1e6: {  	[tilespmem:v41+s15+$0x0] =	vst.idx.msk $0xffff, v39;
	v41 =	vnsel vm4, $0x0, v40  }
0x1e7: {  	[tilespmem:v36+s15+$0x0] =	vst.idx.msk $0xffff, v41  }
0x1e8: {  	[tilespmem:v63+s15+$0x0] =	vst.idx.msk $0xffff, v38  }
0x1e9: {  	[tilespmem:v37+s15+$0x0] =	vst.idx.msk $0xffff, v40  }
0x1ea: {  	v34 =	vld [tilespmem:$0x1C0];
	_ =	sdelay $0x4  }
0x1eb: {  	v39 =	vadd.s32 $0xFFFE7960, v34  }
0x1ec: {  	vm5 =	vgt.s32 v39, $0x0  }
0x1ed: {  	v37 =	vor.u32 $0xE000, v29;
	vm6 =	vlt.s32 v34, $0x186A0;
	v35 =	vnsel vm5, $0x0, v39  }
0x1ee: {  	v34 =	vsel vm6, v34, v28;
	v38 =	vsel vm6, $0x3F800000, v33;
	v35 =	vmin.u32 v35, $0xDBB9F  }
0x1ef: {  	v40 =	vshrl.u32 v35, $0x2;
	v41 =	vand.u32 $0x7FF, v35;
	v35 =	vshrl.u32 v35, $0xB  }
0x1f0: {  	v39 =	vor.u32 $0xE001, v29;
	v36 =	vand.u32 $0x3F800, v40;
	v35 =	vand.u32 $0x3, v35  }
0x1f1: {  	v40 =	vsub.f32 $1.000000000e+00, v38;
	v36 =	vor.u32 v41, v36;
	v41 =	vor.u32 $0xE002, v29  }
0x1f2: {  	[tilespmem:$0x3C0] =	vst v34;
	vm7 =	veq.s32 v35, $0x0;
	v63 =	vsel vm6, v28, v36;
	v36 =	vor.u32 $0xE003, v29  }
0x1f3: {  	vm8 =	veq.s32 v35, $0x1;
	v34 =	vnsel vm7, $0x0, v40;
	[tilespmem:$0x5C0] =	vst v63;
	v63 =	vor.u32 $0xE004, v29  }
0x1f4: {  	vm9 =	veq.s32 v35, $0x2;
	[tilespmem:v37+s15+$0x0] =	vst.idx.msk $0xffff, v34;
	v34 =	vnsel vm8, $0x0, v40;
	v37 =	vor.u32 $0xE005, v29  }
0x1f5: {  	vm10 =	veq.s32 v35, $0x3;
	[tilespmem:v39+s15+$0x0] =	vst.idx.msk $0xffff, v34;
	v39 =	vnsel vm9, $0x0, v40  }
0x1f6: {  	[tilespmem:v41+s15+$0x0] =	vst.idx.msk $0xffff, v39;
	v41 =	vnsel vm10, $0x0, v40  }
0x1f7: {  	[tilespmem:v36+s15+$0x0] =	vst.idx.msk $0xffff, v41  }
0x1f8: {  	[tilespmem:v63+s15+$0x0] =	vst.idx.msk $0xffff, v38  }
0x1f9: {  	[tilespmem:v37+s15+$0x0] =	vst.idx.msk $0xffff, v40  }
0x1fa: {  	v34 =	vld [tilespmem:$0x1D0];
	_ =	sdelay $0x4  }
0x1fb: {  	v39 =	vadd.s32 $0xFFFE7960, v34  }
0x1fc: {  	vm11 =	vgt.s32 v39, $0x0  }
0x1fd: {  	v37 =	vor.u32 $0xE800, v29;
	vm12 =	vlt.s32 v34, $0x186A0;
	v35 =	vnsel vm11, $0x0, v39  }
0x1fe: {  	v34 =	vsel vm12, v34, v30;
	v38 =	vsel vm12, $0x3F800000, v33;
	v35 =	vmin.u32 v35, $0xDBB9F  }
0x1ff: {  	v40 =	vshrl.u32 v35, $0x2;
	v41 =	vand.u32 $0x7FF, v35;
	v35 =	vshrl.u32 v35, $0xB  }
0x200: {  	v39 =	vor.u32 $0xE801, v29;
	v36 =	vand.u32 $0x3F800, v40;
	v35 =	vand.u32 $0x3, v35  }
0x201: {  	v40 =	vsub.f32 $1.000000000e+00, v38;
	v36 =	vor.u32 v41, v36;
	v41 =	vor.u32 $0xE802, v29  }
0x202: {  	[tilespmem:$0x3D0] =	vst v34;
	vm13 =	veq.s32 v35, $0x0;
	v63 =	vsel vm12, v30, v36;
	v36 =	vor.u32 $0xE803, v29  }
0x203: {  	vm14 =	veq.s32 v35, $0x1;
	v34 =	vnsel vm13, $0x0, v40;
	[tilespmem:$0x5D0] =	vst v63;
	v63 =	vor.u32 $0xE804, v29  }
0x204: {  	vm15 =	veq.s32 v35, $0x2;
	[tilespmem:v37+s15+$0x0] =	vst.idx.msk $0xffff, v34;
	v34 =	vnsel vm14, $0x0, v40;
	v37 =	vor.u32 $0xE805, v29  }
0x205: {  	vm4 =	veq.s32 v35, $0x3;
	[tilespmem:v39+s15+$0x0] =	vst.idx.msk $0xffff, v34;
	v39 =	vnsel vm15, $0x0, v40  }
0x206: {  	[tilespmem:v41+s15+$0x0] =	vst.idx.msk $0xffff, v39;
	v41 =	vnsel vm4, $0x0, v40  }
0x207: {  	[tilespmem:v36+s15+$0x0] =	vst.idx.msk $0xffff, v41  }
0x208: {  	[tilespmem:v63+s15+$0x0] =	vst.idx.msk $0xffff, v38  }
0x209: {  	[tilespmem:v37+s15+$0x0] =	vst.idx.msk $0xffff, v40  }
0x20a: {  	v34 =	vld [tilespmem:$0x1E0];
	_ =	sdelay $0x4  }
0x20b: {  	v39 =	vadd.s32 $0xFFFE7960, v34  }
0x20c: {  	vm5 =	vgt.s32 v39, $0x0  }
0x20d: {  	v37 =	vor.u32 $0xF000, v29;
	vm6 =	vlt.s32 v34, $0x186A0;
	v35 =	vnsel vm5, $0x0, v39  }
0x20e: {  	v34 =	vsel vm6, v34, v31;
	v38 =	vsel vm6, $0x3F800000, v33;
	v35 =	vmin.u32 v35, $0xDBB9F  }
0x20f: {  	v40 =	vshrl.u32 v35, $0x2;
	v41 =	vand.u32 $0x7FF, v35;
	v35 =	vshrl.u32 v35, $0xB  }
0x210: {  	v39 =	vor.u32 $0xF001, v29;
	v36 =	vand.u32 $0x3F800, v40;
	v35 =	vand.u32 $0x3, v35  }
0x211: {  	v40 =	vsub.f32 $1.000000000e+00, v38;
	v36 =	vor.u32 v41, v36;
	v41 =	vor.u32 $0xF002, v29  }
0x212: {  	[tilespmem:$0x3E0] =	vst v34;
	vm7 =	veq.s32 v35, $0x0;
	v63 =	vsel vm6, v31, v36;
	v36 =	vor.u32 $0xF003, v29  }
0x213: {  	vm8 =	veq.s32 v35, $0x1;
	v34 =	vnsel vm7, $0x0, v40;
	[tilespmem:$0x5E0] =	vst v63;
	v63 =	vor.u32 $0xF004, v29  }
0x214: {  	vm9 =	veq.s32 v35, $0x2;
	[tilespmem:v37+s15+$0x0] =	vst.idx.msk $0xffff, v34;
	v34 =	vnsel vm8, $0x0, v40;
	v37 =	vor.u32 $0xF005, v29  }
0x215: {  	vm10 =	veq.s32 v35, $0x3;
	[tilespmem:v39+s15+$0x0] =	vst.idx.msk $0xffff, v34;
	v39 =	vnsel vm9, $0x0, v40  }
0x216: {  	[tilespmem:v41+s15+$0x0] =	vst.idx.msk $0xffff, v39;
	v41 =	vnsel vm10, $0x0, v40  }
0x217: {  	[tilespmem:v36+s15+$0x0] =	vst.idx.msk $0xffff, v41  }
0x218: {  	[tilespmem:v63+s15+$0x0] =	vst.idx.msk $0xffff, v38  }
0x219: {  	[tilespmem:v37+s15+$0x0] =	vst.idx.msk $0xffff, v40  }
0x21a: {  	v34 =	vld [tilespmem:$0x1F0];
	_ =	sdelay $0x4  }
0x21b: {  	v39 =	vadd.s32 $0xFFFE7960, v34  }
0x21c: {  	vm11 =	vgt.s32 v39, $0x0  }
0x21d: {  	v37 =	vor.u32 $0xF800, v29;
	vm12 =	vlt.s32 v34, $0x186A0;
	v35 =	vnsel vm11, $0x0, v39  }
0x21e: {  	v34 =	vsel vm12, v34, v32;
	v38 =	vsel vm12, $0x3F800000, v33;
	v35 =	vmin.u32 v35, $0xDBB9F  }
0x21f: {  	v40 =	vshrl.u32 v35, $0x2;
	v41 =	vand.u32 $0x7FF, v35;
	v35 =	vshrl.u32 v35, $0xB  }
0x220: {  	v39 =	vor.u32 $0xF801, v29;
	v36 =	vand.u32 $0x3F800, v40;
	v35 =	vand.u32 $0x3, v35  }
0x221: {  	v40 =	vsub.f32 $1.000000000e+00, v38;
	v36 =	vor.u32 v41, v36;
	v41 =	vor.u32 $0xF802, v29  }
0x222: {  	[tilespmem:$0x3F0] =	vst v34;
	vm13 =	veq.s32 v35, $0x0;
	v63 =	vsel vm12, v32, v36;
	v36 =	vor.u32 $0xF803, v29  }
0x223: {  	vm14 =	veq.s32 v35, $0x1;
	v34 =	vnsel vm13, $0x0, v40;
	[tilespmem:$0x5F0] =	vst v63;
	v63 =	vor.u32 $0xF804, v29  }
0x224: {  	vm15 =	veq.s32 v35, $0x2;
	[tilespmem:v37+s15+$0x0] =	vst.idx.msk $0xffff, v34;
	v34 =	vnsel vm14, $0x0, v40;
	v37 =	vor.u32 $0xF805, v29  }
0x225: {  	vm1 =	veq.s32 v35, $0x3;
	[tilespmem:v39+s15+$0x0] =	vst.idx.msk $0xffff, v34;
	v39 =	vnsel vm15, $0x0, v40  }
0x226: {  	[tilespmem:v41+s15+$0x0] =	vst.idx.msk $0xffff, v39;
	v41 =	vnsel vm1, $0x0, v40  }
0x227: {  	[tilespmem:v36+s15+$0x0] =	vst.idx.msk $0xffff, v41  }
0x228: {  	[tilespmem:v63+s15+$0x0] =	vst.idx.msk $0xffff, v38  }
0x229: {  	[tilespmem:v37+s15+$0x0] =	vst.idx.msk $0xffff, v40  }
0x22a: {  	[tilespmem:s18], [sflag:$0x2] =	stream.indirect.gather [hbm4b:s4+s16], $0x80, s17, s16, $0xb8;
	[tilespmem:$0x1C600] =	vst v63  }
0x22b: {  	_ = 	snop  }
0x22c: {  	[tilespmem:s20], [sflag:$0x1] =	stream.indirect.gather [hbm4b:s1+s16], $0x80, s19, s16, $0xb8;
	[tilespmem:$0x1C600] =	vst v63  }
0x22d: {  	_ = 	snop  }
0x22e: {  	[tilespmem:s22], [sflag:$0x1] =	stream.indirect.gather [hbm4b:s1+s16], $0x80, s21, s16, $0xb8;
	[tilespmem:$0x1C600] =	vst v63  }
0x22f: {  	_ =	swait.ge [sflag:s23], $0x4000  }
0x230: {  	[sflag:s23] =	ssyncset.done $0x0  }
0x231: {  	[sflag:s23] =	ssyncadd.s32 $0xFFFFC000  }
0x232: {  	[hbm4b:s6+s3] =	stream.linear.scatter [tilespmem:s18], [sflag:$0x3], $0x4000, $0x38;
	[tilespmem:$0x1C600] =	vst v63  }
0x233: {  	_ =	swait.ge [sflag:s14], $0x4000  }
0x234: {  	[sflag:s14] =	ssyncset.done $0x0  }
0x235: {  	[sflag:s14] =	ssyncadd.s32 $0xFFFFC000  }
0x236: {  	[tilespmem:s18], [sflag:$0x2] =	stream.indirect.gather [hbm4b:s4+s16], $0x80, s24, s16, $0xb8;
	[tilespmem:$0x1C600] =	vst v63  }
0x237: {  	_ =	swait.ge [sflag:s25], $0x4000  }
0x238: {  	[sflag:s25] =	ssyncset.done $0x0  }
0x239: {  	[sflag:s25] =	ssyncadd.s32 $0xFFFFC000  }
0x23a: {  	_ =	swait.ge [sflag:s25], $0x4000  }
0x23b: {  	[sflag:s25] =	ssyncset.done $0x0  }
0x23c: {  	[sflag:s25] =	ssyncadd.s32 $0xFFFFC000  }
0x23d: {  	[hbm4b:s7+s3] =	stream.linear.scatter [tilespmem:s20], [sflag:$0x3], $0x8000, $0x38;
	[tilespmem:$0x1C600] =	vst v63  }
0x23e: {  	_ =	swait.ge [sflag:s14], $0x8000  }
0x23f: {  	[sflag:s14] =	ssyncset.done $0x0  }
0x240: {  	[sflag:s14] =	ssyncadd.s32 $0xFFFF8000  }
0x241: {  	[tilespmem:s20], [sflag:$0x1] =	stream.indirect.gather [hbm4b:s1+s16], $0x80, s26, s16, $0xb8;
	[tilespmem:$0x1C600] =	vst v63  }
0x242: {  	_ = 	snop  }
0x243: {  	[tilespmem:s22], [sflag:$0x1] =	stream.indirect.gather [hbm4b:s1+s16], $0x80, s28, s16, $0xb8;
	[tilespmem:$0x1C600] =	vst v63  }
0x244: {  	_ =	swait.ge [sflag:s23], $0x4000  }
0x245: {  	[sflag:s23] =	ssyncset.done $0x0  }
0x246: {  	[sflag:s23] =	ssyncadd.s32 $0xFFFFC000  }
0x247: {  	[hbm4b:s8+s3] =	stream.linear.scatter [tilespmem:s18], [sflag:$0x3], $0x4000, $0x38;
	[tilespmem:$0x1C600] =	vst v63  }
0x248: {  	_ =	swait.ge [sflag:s14], $0x4000  }
0x249: {  	[sflag:s14] =	ssyncset.done $0x0  }
0x24a: {  	[sflag:s14] =	ssyncadd.s32 $0xFFFFC000  }
0x24b: {  	[tilespmem:s18], [sflag:$0x2] =	stream.indirect.gather [hbm4b:s4+s16], $0x80, s29, s16, $0xb8;
	[tilespmem:$0x1C600] =	vst v63  }
0x24c: {  	_ =	swait.ge [sflag:s23], $0x4000  }
0x24d: {  	[sflag:s23] =	ssyncset.done $0x0  }
0x24e: {  	[sflag:s23] =	ssyncadd.s32 $0xFFFFC000  }
0x24f: {  	[hbm4b:s9+s3] =	stream.linear.scatter [tilespmem:s18], [sflag:$0x3], $0x4000, $0x38;
	[tilespmem:$0x1C600] =	vst v63  }
0x250: {  	_ =	swait.ge [sflag:s14], $0x4000  }
0x251: {  	[sflag:s14] =	ssyncset.done $0x0  }
0x252: {  	[sflag:s14] =	ssyncadd.s32 $0xFFFFC000  }
0x253: {  	[tilespmem:s18], [sflag:$0x2] =	stream.indirect.gather [hbm4b:s4+s16], $0x80, s30, s16, $0xb8;
	[tilespmem:$0x1C600] =	vst v63  }
0x254: {  	_ =	swait.ge [sflag:s25], $0x4000  }
0x255: {  	[sflag:s25] =	ssyncset.done $0x0  }
0x256: {  	[sflag:s25] =	ssyncadd.s32 $0xFFFFC000  }
0x257: {  	_ =	swait.ge [sflag:s25], $0x4000  }
0x258: {  	[sflag:s25] =	ssyncset.done $0x0  }
0x259: {  	[sflag:s25] =	ssyncadd.s32 $0xFFFFC000  }
0x25a: {  	[hbm4b:s10+s3] =	stream.linear.scatter [tilespmem:s20], [sflag:$0x3], $0x8000, $0x38;
	[tilespmem:$0x1C600] =	vst v63  }
0x25b: {  	_ =	swait.ge [sflag:s14], $0x8000  }
0x25c: {  	[sflag:s14] =	ssyncset.done $0x0  }
0x25d: {  	[sflag:s14] =	ssyncadd.s32 $0xFFFF8000  }
0x25e: {  	_ =	swait.ge [sflag:s23], $0x4000  }
0x25f: {  	[sflag:s23] =	ssyncset.done $0x0  }
0x260: {  	[sflag:s23] =	ssyncadd.s32 $0xFFFFC000  }
0x261: {  	[hbm4b:s11+s3] =	stream.linear.scatter [tilespmem:s18], [sflag:$0x3], $0x4000, $0x38;
	[tilespmem:$0x1C600] =	vst v63  }
0x262: {  	_ =	swait.ge [sflag:s14], $0x4000  }
0x263: {  	p0 =	sne.s32 s13, $0x1;
	[sflag:s14] =	ssyncset.done $0x0  }
.Ltmp0:
0x264: {  	[sflag:s14] =	ssyncadd.s32 $0xFFFFC000;
	(pc) =	sbr.rel @p0 .LBB2_1-.Ltmp0, $4  }
0x265: {  	[hbm4b:s12+s3] =	stream.linear.scatter [tilespmem:s15], [sflag:$0x3], $0x10000, $0x38;
	[tilespmem:$0x1C600] =	vst v63  }
0x266: {  	_ =	swait.ge [sflag:s14], $0x10000  }
0x267: {  	[sflag:s14] =	ssyncset.done $0x0  }
0x268: {  	s13 =	sadd.s32 $0xFFFFFFFF, s13;
	[sflag:s14] =	ssyncadd.s32 $0xFFFF0000  }
0x269: {  	_ =	sfence.sel $0x180000  }
0x26a: {  	[bflag:$0x0] =	sbarrier.arrive $0xFFFF  }
0x26b: {  	p0 =	sne.s32 s2, $0x0;
	_ =	strace $0x90000047  }
0x26c: {  	s0 =	sadd.s32 @!p0 $0x100000, s0;
	[bflag:$0x2] =	sbarrier.arrive $0xFFFF  }
0x26d: {  	[sflag:s0] =	ssyncadd.tile.s32 @!p0 $0x1;
	_ =	shalt  }
.Lfunc_end2:
_tile_overlayer_lowered:
.L_overlay_start_2:
0x26e: {  	(tag) =	ssettag $0x2  }
0x26f: {  	s0 =	rddreg [dreg:$0x0];
	s2 =	stileid.u32  }
0x270: {  	s1 =	rddreg [dreg:$0x1];
	p0 =	sne.s32 s2, $0x0  }
0x271: {  	s3 =	rddreg [dreg:$0x2];
	[bflag:$0x3] =	sbarrier.arrive $0xFFFF;
	s2 =	simm.s32 @!p0 $0x1C03  }
0x272: {  	[timem:s3], [sflag:s2] =	dma.local @!p0 [hbm:s0], s1  }
0x273: {  	s0 =	simm.s32 @!p0 $0x3  }
0x274: {  	_ =	swait.ge @!p0 [sflag:s0], s1  }
0x275: {  	s1 =	ssub.s32 @!p0 $0x0, s1;
	[sflag:s0] =	ssyncset.done @!p0 $0x0  }
0x276: {  	[sflag:s0] =	ssyncadd.s32 @!p0 s1  }
0x277: {  	[bflag:$0x3] =	sbarrier.arrive $0xFFFF  }
0x278: {  	_ =	shalt  }

</sc_bundles>
